<compile_context>
chip_gen: v7x
topology: tpu7x:2x2x1
jax: 0.10.2.dev20260603
libtpu: 0.0.44.dev20260713+nightly
codegen_flags: <defaults>
</compile_context>

<pallas_src>
import functools

import jax
import jax.numpy as jnp
from jax import lax
from jax.experimental import pallas as pl
from jax.experimental.pallas import tpu as pltpu
from jax.experimental.pallas import tpu_sc as plsc

N = 10000
D = 128
E = 160000
NC, NS, L = 2, 16, 16
NW = NC * NS
EPAD = 163840
EW = EPAD // NW
C = 128
NCH = EW // C
NP = 10240
RPS = NP // NS
NEG_SLOPE = 0.01
ECLAMP = 50.0


_BX = 1000


def _prep_body(x_ref, w0_ref, b0_ref, w1_ref, b1_ref,
               a0s_ref, a0d_ref, a1s_ref, a1d_ref,
               wh0_ref, wh1_ref, s0s_ref, s0d_ref, s1s_ref, s1d_ref):
    xb = x_ref[...]
    wh0 = jnp.dot(xb, w0_ref[...], preferred_element_type=jnp.float32) + b0_ref[...]
    wh1 = jnp.dot(xb, w1_ref[...], preferred_element_type=jnp.float32) + b1_ref[...]
    wh0_ref[...] = wh0
    wh1_ref[...] = wh1
    s0s_ref[...] = jnp.dot(wh0, a0s_ref[...], preferred_element_type=jnp.float32)
    s0d_ref[...] = jnp.dot(wh0, a0d_ref[...], preferred_element_type=jnp.float32)
    s1s_ref[...] = jnp.dot(wh1, a1s_ref[...], preferred_element_type=jnp.float32)
    s1d_ref[...] = jnp.dot(wh1, a1d_ref[...], preferred_element_type=jnp.float32)


def _prep(x, W0, b0, W1, b1, a0s, a0d, a1s, a1d):
    grid = (N // _BX,)
    full = pl.BlockSpec((D, D), lambda i: (0, 0))
    vec = pl.BlockSpec((D, 1), lambda i: (0, 0))
    row = pl.BlockSpec((1, D), lambda i: (0, 0))
    blk = pl.BlockSpec((_BX, D), lambda i: (i, 0))
    sblk = pl.BlockSpec((_BX, 1), lambda i: (i, 0))
    out_shape = (
        jax.ShapeDtypeStruct((N, D), jnp.float32),
        jax.ShapeDtypeStruct((N, D), jnp.float32),
        jax.ShapeDtypeStruct((N, 1), jnp.float32),
        jax.ShapeDtypeStruct((N, 1), jnp.float32),
        jax.ShapeDtypeStruct((N, 1), jnp.float32),
        jax.ShapeDtypeStruct((N, 1), jnp.float32),
    )
    return pl.pallas_call(
        _prep_body,
        grid=grid,
        in_specs=[blk, full, row, full, row, vec, vec, vec, vec],
        out_specs=(blk, blk, sblk, sblk, sblk, sblk),
        out_shape=out_shape,
    )(x, W0, b0, W1, b1, a0s, a0d, a1s, a1d)



_sc_mesh = plsc.VectorSubcoreMesh(
    core_axis_name="c", subcore_axis_name="s", num_cores=NC, num_subcores=NS)


def _sc_body(wh0, wh1, s0s, s0d, s1s, s1d, src0, dst0, src1, dst1,
             hp_out, den_out,
             sidx, didx, svals, dvals, exb, rows, zb,
             stab_sh, dtab_sh, h_sh, den_sh, semg, sems, semh, semd):
    cid = lax.axis_index("c")
    sid = lax.axis_index("s")
    wid = sid * NC + cid

    whs = (wh0, wh1)
    stabs = (s0s, s1s)
    dtabs = (s0d, s1d)
    srcs = (src0, src1)
    dsts = (dst0, dst1)

    for et in range(2):
        def _zfill(k, _):
            for q in range(D // L):
                rows[0, k, pl.ds(q * L, L)] = jnp.zeros((L,), jnp.float32)
            return _
        lax.fori_loop(0, C, _zfill, None)

        def _zbfill(i, _):
            zb[pl.ds(i * L, L)] = jnp.zeros((L,), jnp.float32)
            return _
        lax.fori_loop(0, RPS // L, _zbfill, None)

        for m in range(RPS // C):
            pltpu.sync_copy(rows.at[0], h_sh.at[pl.ds(sid * RPS + m * C, C)])
        pltpu.sync_copy(zb, den_sh.at[pl.ds(sid * RPS, RPS)])
        pltpu.sync_copy(stabs[et].at[pl.ds(sid * RPS, RPS)],
                        stab_sh.at[pl.ds(sid * RPS, RPS)])
        pltpu.sync_copy(dtabs[et].at[pl.ds(sid * RPS, RPS)],
                        dtab_sh.at[pl.ds(sid * RPS, RPS)])
        pltpu.sync_copy(srcs[et].at[wid], sidx)
        pltpu.sync_copy(dsts[et].at[wid], didx)
        plsc.subcore_barrier()

        wh = whs[et]

        pltpu.async_copy(stab_sh.at[sidx.at[0]], svals.at[0], sems)
        pltpu.async_copy(dtab_sh.at[didx.at[0]], dvals.at[0], sems)
        pltpu.async_copy(wh.at[sidx.at[0]], rows.at[0], semg)

        def _chunk(j, _):
            b = j & 1
            bn = 1 - b
            pltpu.make_async_copy(stab_sh.at[sidx.at[j]], svals.at[b], sems).wait()
            pltpu.make_async_copy(dtab_sh.at[didx.at[j]], dvals.at[b], sems).wait()
            for g in range(C // L):
                t = svals[b, pl.ds(g * L, L)] + dvals[b, pl.ds(g * L, L)]
                e = jnp.minimum(jnp.maximum(t, NEG_SLOPE * t), ECLAMP)
                pos = wid * EW + j * C + g * L + jax.lax.iota(jnp.int32, L)
                exb[b, pl.ds(g * L, L)] = jnp.where(pos < E, jnp.exp(e), 0.0)

            @pl.when(j > 0)
            def _drain():
                jp = j - 1
                pltpu.make_async_copy(rows.at[bn], h_sh.at[didx.at[jp]], semh).wait()
                pltpu.make_async_copy(exb.at[bn], den_sh.at[didx.at[jp]], semd).wait()

            jn = jnp.minimum(j + 1, NCH - 1)
            pltpu.async_copy(stab_sh.at[sidx.at[jn]], svals.at[bn], sems)
            pltpu.async_copy(dtab_sh.at[didx.at[jn]], dvals.at[bn], sems)
            pltpu.async_copy(wh.at[sidx.at[jn]], rows.at[bn], semg)

            pltpu.make_async_copy(wh.at[sidx.at[j]], rows.at[b], semg).wait()

            jb = jnp.full((L,), b, jnp.int32)

            def _rowk(k4, _):
                for u in range(4):
                    k = k4 * 4 + u
                    sv = plsc.load_gather(exb, [jb, jnp.full((L,), k, jnp.int32)])
                    for q in range(D // L):
                        rows[b, k, pl.ds(q * L, L)] = rows[b, k, pl.ds(q * L, L)] * sv
                return _
            lax.fori_loop(0, C // 4, _rowk, None)

            pltpu.async_copy(exb.at[b], den_sh.at[didx.at[j]], semd, add=True)
            pltpu.async_copy(rows.at[b], h_sh.at[didx.at[j]], semh, add=True)
            return _

        lax.fori_loop(0, NCH, _chunk, None)

        jl = NCH - 1
        bl = jl & 1
        pltpu.make_async_copy(rows.at[bl], h_sh.at[didx.at[jl]], semh).wait()
        pltpu.make_async_copy(exb.at[bl], den_sh.at[didx.at[jl]], semd).wait()
        pltpu.make_async_copy(stab_sh.at[sidx.at[jl]], svals.at[1 - bl], sems).wait()
        pltpu.make_async_copy(dtab_sh.at[didx.at[jl]], dvals.at[1 - bl], sems).wait()
        pltpu.make_async_copy(wh.at[sidx.at[jl]], rows.at[1 - bl], semg).wait()
        plsc.subcore_barrier()

        base = (et * NC + cid) * NP
        pltpu.sync_copy(h_sh.at[pl.ds(sid * RPS, RPS)],
                        hp_out.at[pl.ds(base + sid * RPS, RPS)])
        pltpu.sync_copy(den_sh.at[pl.ds(sid * RPS, RPS)],
                        den_out.at[pl.ds(base + sid * RPS, RPS)])
        plsc.subcore_barrier()


_sc_main = functools.partial(
    pl.kernel,
    out_type=(
        jax.ShapeDtypeStruct((2 * NC * NP, D), jnp.float32),
        jax.ShapeDtypeStruct((2 * NC * NP,), jnp.float32),
    ),
    mesh=_sc_mesh,
    compiler_params=pltpu.CompilerParams(needs_layout_passes=False),
    scratch_types=[
        pltpu.VMEM((NCH, C), jnp.int32),
        pltpu.VMEM((NCH, C), jnp.int32),
        pltpu.VMEM((2, C), jnp.float32),
        pltpu.VMEM((2, C), jnp.float32),
        pltpu.VMEM((2, C), jnp.float32),
        pltpu.VMEM((2, C, D), jnp.float32),
        pltpu.VMEM((RPS,), jnp.float32),
        pltpu.VMEM_SHARED((NP,), jnp.float32),
        pltpu.VMEM_SHARED((NP,), jnp.float32),
        pltpu.VMEM_SHARED((NP, D), jnp.float32),
        pltpu.VMEM_SHARED((NP,), jnp.float32),
        pltpu.SemaphoreType.DMA,
        pltpu.SemaphoreType.DMA,
        pltpu.SemaphoreType.DMA,
        pltpu.SemaphoreType.DMA,
    ],
)(_sc_body)



_BR = 1024


def _combine_body(hp_ref, den_ref, out_ref):
    d0 = den_ref[0, :] + den_ref[1, :]
    d1 = den_ref[2, :] + den_ref[3, :]
    r0 = 1.0 / jnp.where(d0 == 0.0, 1.0, d0)
    r1 = 1.0 / jnp.where(d1 == 0.0, 1.0, d1)
    out_ref[...] = ((hp_ref[0] + hp_ref[1]) * r0[:, None]
                    + (hp_ref[2] + hp_ref[3]) * r1[:, None])


def _combine(hp4, den4):
    grid = (NP // _BR,)
    return pl.pallas_call(
        _combine_body,
        grid=grid,
        in_specs=[
            pl.BlockSpec((4, _BR, D), lambda i: (0, i, 0)),
            pl.BlockSpec((4, _BR), lambda i: (0, i)),
        ],
        out_specs=pl.BlockSpec((_BR, D), lambda i: (i, 0)),
        out_shape=jax.ShapeDtypeStruct((NP, D), jnp.float32),
    )(hp4, den4)



def kernel(x, edge_index_r0, edge_index_r1, W_r0, b_r0, W_r1, b_r1, a_r0, a_r1):
    wh0, wh1, s0s, s0d, s1s, s1d = _prep(
        x, W_r0, b_r0.reshape(1, D), W_r1, b_r1.reshape(1, D),
        a_r0[:D, None], a_r0[D:, None], a_r1[:D, None], a_r1[D:, None])

    def padtab(s):
        return jnp.pad(s.reshape(N), (0, NP - N))

    def padedge(row):
        return jnp.pad(row, (0, EPAD - E)).reshape(NW, NCH, C)

    hp, den = _sc_main(
        wh0, wh1, padtab(s0s), padtab(s0d), padtab(s1s), padtab(s1d),
        padedge(edge_index_r0[0]), padedge(edge_index_r0[1]),
        padedge(edge_index_r1[0]), padedge(edge_index_r1[1]))

    out = _combine(hp.reshape(4, NP, D), den.reshape(4, NP))
    return out[:N]

# --- scband reference (transcript-rebuilt; emitter-appended) ---
"""Pipeline reference for scband-hetero-rgcn-64501818851543 (READ-ONLY COPY).

The authoritative reference and input builder live on the scoring server;
editing this copy changes nothing except your own understanding.
"""

import jax, jax.numpy as jnp
import numpy as np

N_NODES = 10000
D_IN = 128
D_OUT = 128
E_PER_ETYPE = 160000


def setup_inputs(seed: int = 0) -> dict:
    key = jax.random.key(seed)
    ks = jax.random.split(key, 10)
    x = jax.random.normal(ks[0], (N_NODES, D_IN), dtype=jnp.float32)
    edge_index_r0 = jax.random.randint(ks[1], (2, E_PER_ETYPE), 0, N_NODES, dtype=jnp.int64 if jax.config.jax_enable_x64 else jnp.int32).astype(jnp.int32)
    edge_index_r1 = jax.random.randint(ks[2], (2, E_PER_ETYPE), 0, N_NODES, dtype=jnp.int64 if jax.config.jax_enable_x64 else jnp.int32).astype(jnp.int32)
    s = 1.0 / np.sqrt(D_IN)
    W_r0 = jax.random.uniform(ks[3], (D_IN, D_OUT), minval=-s, maxval=s, dtype=jnp.float32)
    b_r0 = jax.random.uniform(ks[4], (D_OUT,), minval=-s, maxval=s, dtype=jnp.float32)
    W_r1 = jax.random.uniform(ks[5], (D_IN, D_OUT), minval=-s, maxval=s, dtype=jnp.float32)
    b_r1 = jax.random.uniform(ks[6], (D_OUT,), minval=-s, maxval=s, dtype=jnp.float32)
    sa = 1.0 / np.sqrt(2 * D_OUT)
    a_r0 = jax.random.uniform(ks[7], (2 * D_OUT,), minval=-sa, maxval=sa, dtype=jnp.float32)
    a_r1 = jax.random.uniform(ks[8], (2 * D_OUT,), minval=-sa, maxval=sa, dtype=jnp.float32)
    return {"x": x, "edge_index_r0": edge_index_r0, "edge_index_r1": edge_index_r1,
            "W_r0": W_r0, "b_r0": b_r0, "W_r1": W_r1, "b_r1": b_r1,
            "a_r0": a_r0, "a_r1": a_r1}


def _etype_message_passing(x, W, b, a_vec, edge_index, num_nodes):
    # Wh = Linear(in_size, out_size)(feat)
    Wh = x @ W + b
    src = edge_index[0]
    dst = edge_index[1]
    # edge_attention: a = attn_fc(cat([Wh_src, Wh_dst])); e = leaky_relu(a)
    wh2 = jnp.concatenate([Wh[src], Wh[dst]], axis=1)
    e = jax.nn.leaky_relu(wh2 @ a_vec)  # [E], negative_slope=0.01 matches torch default
    # reduce_func: alpha = softmax(e over each dst node's mailbox); h = sum(alpha * m)
    emax = jax.ops.segment_max(e, dst, num_segments=num_nodes)
    emax = jnp.where(jnp.isfinite(emax), emax, 0.0)
    ex = jnp.exp(e - emax[dst])
    denom = jax.ops.segment_sum(ex, dst, num_segments=num_nodes)
    safe_denom = jnp.where(denom == 0.0, 1.0, denom)
    alpha = ex / safe_denom[dst]
    m = Wh[src] * alpha[:, None]
    h = jax.ops.segment_sum(m, dst, num_segments=num_nodes)
    return h


def reference(x, edge_index_r0, edge_index_r1, W_r0, b_r0, W_r1, b_r1, a_r0, a_r1):
    num_nodes = x.shape[0]
    h0 = _etype_message_passing(x, W_r0, b_r0, a_r0, edge_index_r0, num_nodes)
    h1 = _etype_message_passing(x, W_r1, b_r1, a_r1, edge_index_r1, num_nodes)
    # multi_update_all(..., 'sum'): cross-etype aggregation is elementwise sum
    return h0 + h1

if __name__ == "__main__":
    import jax
    _d = setup_inputs()
    print(jax.jit(kernel)(*tuple(_d.values())))

</pallas_src>

<mosaic_0001>
#map = affine_map<(d0, d1) -> (0, 0)>
#map1 = affine_map<(d0, d1) -> (0)>
#map2 = affine_map<(d0, d1) -> (0, 0, 0)>
module attributes {stable_mosaic.version = 14 : i64} {
  func.func @_sc_body(%arg0: i32, %arg1: i32, %arg2: memref<10000x128xf32, #tpu.memory_space<hbm>>, %arg3: memref<10000x128xf32, #tpu.memory_space<hbm>>, %arg4: memref<10240xf32, #tpu.memory_space<hbm>>, %arg5: memref<10240xf32, #tpu.memory_space<hbm>>, %arg6: memref<10240xf32, #tpu.memory_space<hbm>>, %arg7: memref<10240xf32, #tpu.memory_space<hbm>>, %arg8: memref<32x40x128xi32, #tpu.memory_space<hbm>>, %arg9: memref<32x40x128xi32, #tpu.memory_space<hbm>>, %arg10: memref<32x40x128xi32, #tpu.memory_space<hbm>>, %arg11: memref<32x40x128xi32, #tpu.memory_space<hbm>>, %arg12: memref<40960x128xf32, #tpu.memory_space<hbm>>, %arg13: memref<40960xf32, #tpu.memory_space<hbm>>, %arg14: memref<40x128xi32, #tpu.memory_space<vmem>>, %arg15: memref<40x128xi32, #tpu.memory_space<vmem>>, %arg16: memref<2x128xf32, #tpu.memory_space<vmem>>, %arg17: memref<2x128xf32, #tpu.memory_space<vmem>>, %arg18: memref<2x128xf32, #tpu.memory_space<vmem>>, %arg19: memref<2x128x128xf32, #tpu.memory_space<vmem>>, %arg20: memref<640xf32, #tpu.memory_space<vmem>>, %arg21: memref<10240xf32, #tpu.memory_space<vmem_shared>>, %arg22: memref<10240xf32, #tpu.memory_space<vmem_shared>>, %arg23: memref<10240x128xf32, #tpu.memory_space<vmem_shared>>, %arg24: memref<10240xf32, #tpu.memory_space<vmem_shared>>, %arg25: memref<!tpu.dma_semaphore, #tpu.memory_space<semaphore_mem>>, %arg26: memref<!tpu.dma_semaphore, #tpu.memory_space<semaphore_mem>>, %arg27: memref<!tpu.dma_semaphore, #tpu.memory_space<semaphore_mem>>, %arg28: memref<!tpu.dma_semaphore, #tpu.memory_space<semaphore_mem>>) attributes {dimension_semantics = [#tpu.dimension_semantics<core_parallel>, #tpu.dimension_semantics<subcore_parallel>], iteration_bounds = array<i64: 2, 16>, scalar_prefetch = 0 : i64, scratch_operands = 15 : i64, tpu.core_type = #tpu.core_type<sc_vector_subcore>, window_params = [{transform_indices = #map}, {transform_indices = #map}, {transform_indices = #map1}, {transform_indices = #map1}, {transform_indices = #map1}, {transform_indices = #map1}, {transform_indices = #map2}, {transform_indices = #map2}, {transform_indices = #map2}, {transform_indices = #map2}, {transform_indices = #map}, {transform_indices = #map1}]} {
    %mul3A = arith.constant 2 : i32
    %mul3A_0 = arith.muli %arg1, %mul3A : i32
    %add3A = arith.addi %mul3A_0, %arg0 : i32
    %scan3A = arith.constant 0 : i32
    %scan3A_1 = arith.constant 128 : i32
    %scan3A_2 = arith.addi %scan3A, %scan3A_1 : i32
    %scan3A_3 = arith.constant 1 : i32
    scf.for %scan3A_302 = %scan3A to %scan3A_2 step %scan3A_3  : i32 {
      %broadcast_in_dim3A = arith.constant 0.000000e+00 : f32
      %broadcast_in_dim3A_303 = vector.broadcast %broadcast_in_dim3A : f32 to vector<16xf32>
      %swap3A = arith.constant 0 : i32
      %swap3A_304 = arith.index_cast %swap3A : i32 to index
      %swap3A_305 = arith.index_cast %scan3A_302 : i32 to index
      %swap3A_306 = arith.constant 0 : index
      %swap3A_307 = tpu.vector_load %arg19[%swap3A_304, %swap3A_305, %swap3A_306] {strides = array<i32>} : memref<2x128x128xf32, #tpu.memory_space<vmem>>, vector<16xf32>,
      tpu.vector_store %arg19[%swap3A_304, %swap3A_305, %swap3A_306], %broadcast_in_dim3A_303 {strides = array<i32>} : memref<2x128x128xf32, #tpu.memory_space<vmem>>, vector<16xf32>,
      %broadcast_in_dim3A_308 = arith.constant 0.000000e+00 : f32
      %broadcast_in_dim3A_309 = vector.broadcast %broadcast_in_dim3A_308 : f32 to vector<16xf32>
      %swap3A_310 = arith.constant 0 : i32
      %swap3A_311 = arith.index_cast %swap3A_310 : i32 to index
      %swap3A_312 = arith.index_cast %scan3A_302 : i32 to index
      %swap3A_313 = arith.constant 16 : index
      %swap3A_314 = tpu.vector_load %arg19[%swap3A_311, %swap3A_312, %swap3A_313] {strides = array<i32>} : memref<2x128x128xf32, #tpu.memory_space<vmem>>, vector<16xf32>,
      tpu.vector_store %arg19[%swap3A_311, %swap3A_312, %swap3A_313], %broadcast_in_dim3A_309 {strides = array<i32>} : memref<2x128x128xf32, #tpu.memory_space<vmem>>, vector<16xf32>,
      %broadcast_in_dim3A_315 = arith.constant 0.000000e+00 : f32
      %broadcast_in_dim3A_316 = vector.broadcast %broadcast_in_dim3A_315 : f32 to vector<16xf32>
      %swap3A_317 = arith.constant 0 : i32
      %swap3A_318 = arith.index_cast %swap3A_317 : i32 to index
      %swap3A_319 = arith.index_cast %scan3A_302 : i32 to index
      %swap3A_320 = arith.constant 32 : index
      %swap3A_321 = tpu.vector_load %arg19[%swap3A_318, %swap3A_319, %swap3A_320] {strides = array<i32>} : memref<2x128x128xf32, #tpu.memory_space<vmem>>, vector<16xf32>,
      tpu.vector_store %arg19[%swap3A_318, %swap3A_319, %swap3A_320], %broadcast_in_dim3A_316 {strides = array<i32>} : memref<2x128x128xf32, #tpu.memory_space<vmem>>, vector<16xf32>,
      %broadcast_in_dim3A_322 = arith.constant 0.000000e+00 : f32
      %broadcast_in_dim3A_323 = vector.broadcast %broadcast_in_dim3A_322 : f32 to vector<16xf32>
      %swap3A_324 = arith.constant 0 : i32
      %swap3A_325 = arith.index_cast %swap3A_324 : i32 to index
      %swap3A_326 = arith.index_cast %scan3A_302 : i32 to index
      %swap3A_327 = arith.constant 48 : index
      %swap3A_328 = tpu.vector_load %arg19[%swap3A_325, %swap3A_326, %swap3A_327] {strides = array<i32>} : memref<2x128x128xf32, #tpu.memory_space<vmem>>, vector<16xf32>,
      tpu.vector_store %arg19[%swap3A_325, %swap3A_326, %swap3A_327], %broadcast_in_dim3A_323 {strides = array<i32>} : memref<2x128x128xf32, #tpu.memory_space<vmem>>, vector<16xf32>,
      %broadcast_in_dim3A_329 = arith.constant 0.000000e+00 : f32
      %broadcast_in_dim3A_330 = vector.broadcast %broadcast_in_dim3A_329 : f32 to vector<16xf32>
      %swap3A_331 = arith.constant 0 : i32
      %swap3A_332 = arith.index_cast %swap3A_331 : i32 to index
      %swap3A_333 = arith.index_cast %scan3A_302 : i32 to index
      %swap3A_334 = arith.constant 64 : index
      %swap3A_335 = tpu.vector_load %arg19[%swap3A_332, %swap3A_333, %swap3A_334] {strides = array<i32>} : memref<2x128x128xf32, #tpu.memory_space<vmem>>, vector<16xf32>,
      tpu.vector_store %arg19[%swap3A_332, %swap3A_333, %swap3A_334], %broadcast_in_dim3A_330 {strides = array<i32>} : memref<2x128x128xf32, #tpu.memory_space<vmem>>, vector<16xf32>,
      %broadcast_in_dim3A_336 = arith.constant 0.000000e+00 : f32
      %broadcast_in_dim3A_337 = vector.broadcast %broadcast_in_dim3A_336 : f32 to vector<16xf32>
      %swap3A_338 = arith.constant 0 : i32
      %swap3A_339 = arith.index_cast %swap3A_338 : i32 to index
      %swap3A_340 = arith.index_cast %scan3A_302 : i32 to index
      %swap3A_341 = arith.constant 80 : index
      %swap3A_342 = tpu.vector_load %arg19[%swap3A_339, %swap3A_340, %swap3A_341] {strides = array<i32>} : memref<2x128x128xf32, #tpu.memory_space<vmem>>, vector<16xf32>,
      tpu.vector_store %arg19[%swap3A_339, %swap3A_340, %swap3A_341], %broadcast_in_dim3A_337 {strides = array<i32>} : memref<2x128x128xf32, #tpu.memory_space<vmem>>, vector<16xf32>,
      %broadcast_in_dim3A_343 = arith.constant 0.000000e+00 : f32
      %broadcast_in_dim3A_344 = vector.broadcast %broadcast_in_dim3A_343 : f32 to vector<16xf32>
      %swap3A_345 = arith.constant 0 : i32
      %swap3A_346 = arith.index_cast %swap3A_345 : i32 to index
      %swap3A_347 = arith.index_cast %scan3A_302 : i32 to index
      %swap3A_348 = arith.constant 96 : index
      %swap3A_349 = tpu.vector_load %arg19[%swap3A_346, %swap3A_347, %swap3A_348] {strides = array<i32>} : memref<2x128x128xf32, #tpu.memory_space<vmem>>, vector<16xf32>,
      tpu.vector_store %arg19[%swap3A_346, %swap3A_347, %swap3A_348], %broadcast_in_dim3A_344 {strides = array<i32>} : memref<2x128x128xf32, #tpu.memory_space<vmem>>, vector<16xf32>,
      %broadcast_in_dim3A_350 = arith.constant 0.000000e+00 : f32
      %broadcast_in_dim3A_351 = vector.broadcast %broadcast_in_dim3A_350 : f32 to vector<16xf32>
      %swap3A_352 = arith.constant 0 : i32
      %swap3A_353 = arith.index_cast %swap3A_352 : i32 to index
      %swap3A_354 = arith.index_cast %scan3A_302 : i32 to index
      %swap3A_355 = arith.constant 112 : index
      %swap3A_356 = tpu.vector_load %arg19[%swap3A_353, %swap3A_354, %swap3A_355] {strides = array<i32>} : memref<2x128x128xf32, #tpu.memory_space<vmem>>, vector<16xf32>,
      tpu.vector_store %arg19[%swap3A_353, %swap3A_354, %swap3A_355], %broadcast_in_dim3A_351 {strides = array<i32>} : memref<2x128x128xf32, #tpu.memory_space<vmem>>, vector<16xf32>,
    }
    %scan3A_4 = arith.constant 128 : i32
    %scan3A_5 = arith.constant 0 : i32
    %scan3A_6 = arith.constant 40 : i32
    %scan3A_7 = arith.addi %scan3A_5, %scan3A_6 : i32
    %scan3A_8 = arith.constant 1 : i32
    scf.for %scan3A_302 = %scan3A_5 to %scan3A_7 step %scan3A_8  : i32 {
      %broadcast_in_dim3A = arith.constant 0.000000e+00 : f32
      %broadcast_in_dim3A_303 = vector.broadcast %broadcast_in_dim3A : f32 to vector<16xf32>
      %mul3A_304 = arith.constant 16 : i32
      %mul3A_305 = arith.muli %scan3A_302, %mul3A_304 : i32
      %swap3A = arith.index_cast %mul3A_305 : i32 to index
      %swap3A_306 = tpu.vector_load %arg20[%swap3A] {strides = array<i32>} : memref<640xf32, #tpu.memory_space<vmem>>, vector<16xf32>,
      tpu.vector_store %arg20[%swap3A], %broadcast_in_dim3A_303 {strides = array<i32>} : memref<640xf32, #tpu.memory_space<vmem>>, vector<16xf32>,
    }
    %scan3A_9 = arith.constant 40 : i32
    %mul3A_10 = arith.constant 640 : i32
    %mul3A_11 = arith.muli %arg1, %mul3A_10 : i32
    %add3A_12 = arith.constant 0 : i32
    %add3A_13 = arith.addi %mul3A_11, %add3A_12 : i32
    %run_scoped3A = arith.constant 0 : i32
    "tpu.region"() ({
      %run_scoped3A_302 = tpu.sem_alloc : memref<!tpu.dma_semaphore, #tpu.memory_space<semaphore_mem>>
      %dma_start3A_303 = arith.constant 0 : i32
      %dma_start3A_304 = arith.constant 0 : i32
      %dma_start3A_305 = tpu.memref_slice %arg19[%run_scoped3A, %dma_start3A_303, %dma_start3A_304] : memref<2x128x128xf32, #tpu.memory_space<vmem>> -> memref<1x128x128xf32, #tpu.memory_space<vmem>>
      %dma_start3A_306 = tpu.memref_squeeze %dma_start3A_305 : memref<1x128x128xf32, #tpu.memory_space<vmem>> -> memref<128x128xf32, #tpu.memory_space<vmem>>
      %dma_start3A_307 = arith.constant 0 : i32
      %dma_start3A_308 = tpu.memref_slice %arg23[%add3A_13, %dma_start3A_307] : memref<10240x128xf32, #tpu.memory_space<vmem_shared>> -> memref<128x128xf32, #tpu.memory_space<vmem_shared>>
      %dma_start3A_309 = arith.constant 0 : i32
      %dma_start3A_310 = tpu.memref_slice %arg23[%add3A_13, %dma_start3A_309] : memref<10240x128xf32, #tpu.memory_space<vmem_shared>> -> memref<128x128xf32, #tpu.memory_space<vmem_shared>>
      %dma_start3A_311 = arith.constant 0 : i32
      %dma_start3A_312 = arith.constant 0 : i32
      %dma_start3A_313 = tpu.memref_slice %arg19[%run_scoped3A, %dma_start3A_311, %dma_start3A_312] : memref<2x128x128xf32, #tpu.memory_space<vmem>> -> memref<1x128x128xf32, #tpu.memory_space<vmem>>
      %dma_start3A_314 = tpu.memref_squeeze %dma_start3A_313 : memref<1x128x128xf32, #tpu.memory_space<vmem>> -> memref<128x128xf32, #tpu.memory_space<vmem>>
      tpu.enqueue_dma source(%dma_start3A_314 : memref<128x128xf32, #tpu.memory_space<vmem>>) target(%dma_start3A_310 : memref<128x128xf32, #tpu.memory_space<vmem_shared>>) target_semaphore(%run_scoped3A_302 : memref<!tpu.dma_semaphore, #tpu.memory_space<semaphore_mem>>)
      %dma_wait3A_315 = arith.constant 0 : i32
      %dma_wait3A_316 = arith.constant 0 : i32
      %dma_wait3A_317 = tpu.memref_slice %arg19[%run_scoped3A, %dma_wait3A_315, %dma_wait3A_316] : memref<2x128x128xf32, #tpu.memory_space<vmem>> -> memref<1x128x128xf32, #tpu.memory_space<vmem>>
      %dma_wait3A_318 = tpu.memref_squeeze %dma_wait3A_317 : memref<1x128x128xf32, #tpu.memory_space<vmem>> -> memref<128x128xf32, #tpu.memory_space<vmem>>
      %dma_wait3A_319 = arith.constant 0 : i32
      %dma_wait3A_320 = tpu.memref_slice %arg23[%add3A_13, %dma_wait3A_319] : memref<10240x128xf32, #tpu.memory_space<vmem_shared>> -> memref<128x128xf32, #tpu.memory_space<vmem_shared>>
      %dma_wait3A_321 = arith.constant 0 : i32
      %dma_wait3A_322 = tpu.memref_slice %arg23[%add3A_13, %dma_wait3A_321] : memref<10240x128xf32, #tpu.memory_space<vmem_shared>> -> memref<128x128xf32, #tpu.memory_space<vmem_shared>>
      %dma_wait3A_323 = arith.constant 0 : i32
      %dma_wait3A_324 = arith.constant 0 : i32
      %dma_wait3A_325 = tpu.memref_slice %arg19[%run_scoped3A, %dma_wait3A_323, %dma_wait3A_324] : memref<2x128x128xf32, #tpu.memory_space<vmem>> -> memref<1x128x128xf32, #tpu.memory_space<vmem>>
      %dma_wait3A_326 = tpu.memref_squeeze %dma_wait3A_325 : memref<1x128x128xf32, #tpu.memory_space<vmem>> -> memref<128x128xf32, #tpu.memory_space<vmem>>
      tpu.wait_dma2 semaphore(%run_scoped3A_302 : memref<!tpu.dma_semaphore, #tpu.memory_space<semaphore_mem>>) src(%dma_wait3A_326 : memref<128x128xf32, #tpu.memory_space<vmem>>) dst(%dma_wait3A_322 : memref<128x128xf32, #tpu.memory_space<vmem_shared>>)
      tpu.yield
    }) : () -> ()
    %mul3A_14 = arith.constant 640 : i32
    %mul3A_15 = arith.muli %arg1, %mul3A_14 : i32
    %add3A_16 = arith.constant 128 : i32
    %add3A_17 = arith.addi %mul3A_15, %add3A_16 : i32
    %run_scoped3A_18 = arith.constant 0 : i32
    "tpu.region"() ({
      %run_scoped3A_302 = tpu.sem_alloc : memref<!tpu.dma_semaphore, #tpu.memory_space<semaphore_mem>>
      %dma_start3A_303 = arith.constant 0 : i32
      %dma_start3A_304 = arith.constant 0 : i32
      %dma_start3A_305 = tpu.memref_slice %arg19[%run_scoped3A_18, %dma_start3A_303, %dma_start3A_304] : memref<2x128x128xf32, #tpu.memory_space<vmem>> -> memref<1x128x128xf32, #tpu.memory_space<vmem>>
      %dma_start3A_306 = tpu.memref_squeeze %dma_start3A_305 : memref<1x128x128xf32, #tpu.memory_space<vmem>> -> memref<128x128xf32, #tpu.memory_space<vmem>>
      %dma_start3A_307 = arith.constant 0 : i32
      %dma_start3A_308 = tpu.memref_slice %arg23[%add3A_17, %dma_start3A_307] : memref<10240x128xf32, #tpu.memory_space<vmem_shared>> -> memref<128x128xf32, #tpu.memory_space<vmem_shared>>
      %dma_start3A_309 = arith.constant 0 : i32
      %dma_start3A_310 = tpu.memref_slice %arg23[%add3A_17, %dma_start3A_309] : memref<10240x128xf32, #tpu.memory_space<vmem_shared>> -> memref<128x128xf32, #tpu.memory_space<vmem_shared>>
      %dma_start3A_311 = arith.constant 0 : i32
      %dma_start3A_312 = arith.constant 0 : i32
      %dma_start3A_313 = tpu.memref_slice %arg19[%run_scoped3A_18, %dma_start3A_311, %dma_start3A_312] : memref<2x128x128xf32, #tpu.memory_space<vmem>> -> memref<1x128x128xf32, #tpu.memory_space<vmem>>
      %dma_start3A_314 = tpu.memref_squeeze %dma_start3A_313 : memref<1x128x128xf32, #tpu.memory_space<vmem>> -> memref<128x128xf32, #tpu.memory_space<vmem>>
      tpu.enqueue_dma source(%dma_start3A_314 : memref<128x128xf32, #tpu.memory_space<vmem>>) target(%dma_start3A_310 : memref<128x128xf32, #tpu.memory_space<vmem_shared>>) target_semaphore(%run_scoped3A_302 : memref<!tpu.dma_semaphore, #tpu.memory_space<semaphore_mem>>)
      %dma_wait3A_315 = arith.constant 0 : i32
      %dma_wait3A_316 = arith.constant 0 : i32
      %dma_wait3A_317 = tpu.memref_slice %arg19[%run_scoped3A_18, %dma_wait3A_315, %dma_wait3A_316] : memref<2x128x128xf32, #tpu.memory_space<vmem>> -> memref<1x128x128xf32, #tpu.memory_space<vmem>>
      %dma_wait3A_318 = tpu.memref_squeeze %dma_wait3A_317 : memref<1x128x128xf32, #tpu.memory_space<vmem>> -> memref<128x128xf32, #tpu.memory_space<vmem>>
      %dma_wait3A_319 = arith.constant 0 : i32
      %dma_wait3A_320 = tpu.memref_slice %arg23[%add3A_17, %dma_wait3A_319] : memref<10240x128xf32, #tpu.memory_space<vmem_shared>> -> memref<128x128xf32, #tpu.memory_space<vmem_shared>>
      %dma_wait3A_321 = arith.constant 0 : i32
      %dma_wait3A_322 = tpu.memref_slice %arg23[%add3A_17, %dma_wait3A_321] : memref<10240x128xf32, #tpu.memory_space<vmem_shared>> -> memref<128x128xf32, #tpu.memory_space<vmem_shared>>
      %dma_wait3A_323 = arith.constant 0 : i32
      %dma_wait3A_324 = arith.constant 0 : i32
      %dma_wait3A_325 = tpu.memref_slice %arg19[%run_scoped3A_18, %dma_wait3A_323, %dma_wait3A_324] : memref<2x128x128xf32, #tpu.memory_space<vmem>> -> memref<1x128x128xf32, #tpu.memory_space<vmem>>
      %dma_wait3A_326 = tpu.memref_squeeze %dma_wait3A_325 : memref<1x128x128xf32, #tpu.memory_space<vmem>> -> memref<128x128xf32, #tpu.memory_space<vmem>>
      tpu.wait_dma2 semaphore(%run_scoped3A_302 : memref<!tpu.dma_semaphore, #tpu.memory_space<semaphore_mem>>) src(%dma_wait3A_326 : memref<128x128xf32, #tpu.memory_space<vmem>>) dst(%dma_wait3A_322 : memref<128x128xf32, #tpu.memory_space<vmem_shared>>)
      tpu.yield
    }) : () -> ()
    %mul3A_19 = arith.constant 640 : i32
    %mul3A_20 = arith.muli %arg1, %mul3A_19 : i32
    %add3A_21 = arith.constant 256 : i32
    %add3A_22 = arith.addi %mul3A_20, %add3A_21 : i32
    %run_scoped3A_23 = arith.constant 0 : i32
    "tpu.region"() ({
      %run_scoped3A_302 = tpu.sem_alloc : memref<!tpu.dma_semaphore, #tpu.memory_space<semaphore_mem>>
      %dma_start3A_303 = arith.constant 0 : i32
      %dma_start3A_304 = arith.constant 0 : i32
      %dma_start3A_305 = tpu.memref_slice %arg19[%run_scoped3A_23, %dma_start3A_303, %dma_start3A_304] : memref<2x128x128xf32, #tpu.memory_space<vmem>> -> memref<1x128x128xf32, #tpu.memory_space<vmem>>
      %dma_start3A_306 = tpu.memref_squeeze %dma_start3A_305 : memref<1x128x128xf32, #tpu.memory_space<vmem>> -> memref<128x128xf32, #tpu.memory_space<vmem>>
      %dma_start3A_307 = arith.constant 0 : i32
      %dma_start3A_308 = tpu.memref_slice %arg23[%add3A_22, %dma_start3A_307] : memref<10240x128xf32, #tpu.memory_space<vmem_shared>> -> memref<128x128xf32, #tpu.memory_space<vmem_shared>>
      %dma_start3A_309 = arith.constant 0 : i32
      %dma_start3A_310 = tpu.memref_slice %arg23[%add3A_22, %dma_start3A_309] : memref<10240x128xf32, #tpu.memory_space<vmem_shared>> -> memref<128x128xf32, #tpu.memory_space<vmem_shared>>
      %dma_start3A_311 = arith.constant 0 : i32
      %dma_start3A_312 = arith.constant 0 : i32
      %dma_start3A_313 = tpu.memref_slice %arg19[%run_scoped3A_23, %dma_start3A_311, %dma_start3A_312] : memref<2x128x128xf32, #tpu.memory_space<vmem>> -> memref<1x128x128xf32, #tpu.memory_space<vmem>>
      %dma_start3A_314 = tpu.memref_squeeze %dma_start3A_313 : memref<1x128x128xf32, #tpu.memory_space<vmem>> -> memref<128x128xf32, #tpu.memory_space<vmem>>
      tpu.enqueue_dma source(%dma_start3A_314 : memref<128x128xf32, #tpu.memory_space<vmem>>) target(%dma_start3A_310 : memref<128x128xf32, #tpu.memory_space<vmem_shared>>) target_semaphore(%run_scoped3A_302 : memref<!tpu.dma_semaphore, #tpu.memory_space<semaphore_mem>>)
      %dma_wait3A_315 = arith.constant 0 : i32
      %dma_wait3A_316 = arith.constant 0 : i32
      %dma_wait3A_317 = tpu.memref_slice %arg19[%run_scoped3A_23, %dma_wait3A_315, %dma_wait3A_316] : memref<2x128x128xf32, #tpu.memory_space<vmem>> -> memref<1x128x128xf32, #tpu.memory_space<vmem>>
      %dma_wait3A_318 = tpu.memref_squeeze %dma_wait3A_317 : memref<1x128x128xf32, #tpu.memory_space<vmem>> -> memref<128x128xf32, #tpu.memory_space<vmem>>
      %dma_wait3A_319 = arith.constant 0 : i32
      %dma_wait3A_320 = tpu.memref_slice %arg23[%add3A_22, %dma_wait3A_319] : memref<10240x128xf32, #tpu.memory_space<vmem_shared>> -> memref<128x128xf32, #tpu.memory_space<vmem_shared>>
      %dma_wait3A_321 = arith.constant 0 : i32
      %dma_wait3A_322 = tpu.memref_slice %arg23[%add3A_22, %dma_wait3A_321] : memref<10240x128xf32, #tpu.memory_space<vmem_shared>> -> memref<128x128xf32, #tpu.memory_space<vmem_shared>>
      %dma_wait3A_323 = arith.constant 0 : i32
      %dma_wait3A_324 = arith.constant 0 : i32
      %dma_wait3A_325 = tpu.memref_slice %arg19[%run_scoped3A_23, %dma_wait3A_323, %dma_wait3A_324] : memref<2x128x128xf32, #tpu.memory_space<vmem>> -> memref<1x128x128xf32, #tpu.memory_space<vmem>>
      %dma_wait3A_326 = tpu.memref_squeeze %dma_wait3A_325 : memref<1x128x128xf32, #tpu.memory_space<vmem>> -> memref<128x128xf32, #tpu.memory_space<vmem>>
      tpu.wait_dma2 semaphore(%run_scoped3A_302 : memref<!tpu.dma_semaphore, #tpu.memory_space<semaphore_mem>>) src(%dma_wait3A_326 : memref<128x128xf32, #tpu.memory_space<vmem>>) dst(%dma_wait3A_322 : memref<128x128xf32, #tpu.memory_space<vmem_shared>>)
      tpu.yield
    }) : () -> ()
    %mul3A_24 = arith.constant 640 : i32
    %mul3A_25 = arith.muli %arg1, %mul3A_24 : i32
    %add3A_26 = arith.constant 384 : i32
    %add3A_27 = arith.addi %mul3A_25, %add3A_26 : i32
    %run_scoped3A_28 = arith.constant 0 : i32
    "tpu.region"() ({
      %run_scoped3A_302 = tpu.sem_alloc : memref<!tpu.dma_semaphore, #tpu.memory_space<semaphore_mem>>
      %dma_start3A_303 = arith.constant 0 : i32
      %dma_start3A_304 = arith.constant 0 : i32
      %dma_start3A_305 = tpu.memref_slice %arg19[%run_scoped3A_28, %dma_start3A_303, %dma_start3A_304] : memref<2x128x128xf32, #tpu.memory_space<vmem>> -> memref<1x128x128xf32, #tpu.memory_space<vmem>>
      %dma_start3A_306 = tpu.memref_squeeze %dma_start3A_305 : memref<1x128x128xf32, #tpu.memory_space<vmem>> -> memref<128x128xf32, #tpu.memory_space<vmem>>
      %dma_start3A_307 = arith.constant 0 : i32
      %dma_start3A_308 = tpu.memref_slice %arg23[%add3A_27, %dma_start3A_307] : memref<10240x128xf32, #tpu.memory_space<vmem_shared>> -> memref<128x128xf32, #tpu.memory_space<vmem_shared>>
      %dma_start3A_309 = arith.constant 0 : i32
      %dma_start3A_310 = tpu.memref_slice %arg23[%add3A_27, %dma_start3A_309] : memref<10240x128xf32, #tpu.memory_space<vmem_shared>> -> memref<128x128xf32, #tpu.memory_space<vmem_shared>>
      %dma_start3A_311 = arith.constant 0 : i32
      %dma_start3A_312 = arith.constant 0 : i32
      %dma_start3A_313 = tpu.memref_slice %arg19[%run_scoped3A_28, %dma_start3A_311, %dma_start3A_312] : memref<2x128x128xf32, #tpu.memory_space<vmem>> -> memref<1x128x128xf32, #tpu.memory_space<vmem>>
      %dma_start3A_314 = tpu.memref_squeeze %dma_start3A_313 : memref<1x128x128xf32, #tpu.memory_space<vmem>> -> memref<128x128xf32, #tpu.memory_space<vmem>>
      tpu.enqueue_dma source(%dma_start3A_314 : memref<128x128xf32, #tpu.memory_space<vmem>>) target(%dma_start3A_310 : memref<128x128xf32, #tpu.memory_space<vmem_shared>>) target_semaphore(%run_scoped3A_302 : memref<!tpu.dma_semaphore, #tpu.memory_space<semaphore_mem>>)
      %dma_wait3A_315 = arith.constant 0 : i32
      %dma_wait3A_316 = arith.constant 0 : i32
      %dma_wait3A_317 = tpu.memref_slice %arg19[%run_scoped3A_28, %dma_wait3A_315, %dma_wait3A_316] : memref<2x128x128xf32, #tpu.memory_space<vmem>> -> memref<1x128x128xf32, #tpu.memory_space<vmem>>
      %dma_wait3A_318 = tpu.memref_squeeze %dma_wait3A_317 : memref<1x128x128xf32, #tpu.memory_space<vmem>> -> memref<128x128xf32, #tpu.memory_space<vmem>>
      %dma_wait3A_319 = arith.constant 0 : i32
      %dma_wait3A_320 = tpu.memref_slice %arg23[%add3A_27, %dma_wait3A_319] : memref<10240x128xf32, #tpu.memory_space<vmem_shared>> -> memref<128x128xf32, #tpu.memory_space<vmem_shared>>
      %dma_wait3A_321 = arith.constant 0 : i32
      %dma_wait3A_322 = tpu.memref_slice %arg23[%add3A_27, %dma_wait3A_321] : memref<10240x128xf32, #tpu.memory_space<vmem_shared>> -> memref<128x128xf32, #tpu.memory_space<vmem_shared>>
      %dma_wait3A_323 = arith.constant 0 : i32
      %dma_wait3A_324 = arith.constant 0 : i32
      %dma_wait3A_325 = tpu.memref_slice %arg19[%run_scoped3A_28, %dma_wait3A_323, %dma_wait3A_324] : memref<2x128x128xf32, #tpu.memory_space<vmem>> -> memref<1x128x128xf32, #tpu.memory_space<vmem>>
      %dma_wait3A_326 = tpu.memref_squeeze %dma_wait3A_325 : memref<1x128x128xf32, #tpu.memory_space<vmem>> -> memref<128x128xf32, #tpu.memory_space<vmem>>
      tpu.wait_dma2 semaphore(%run_scoped3A_302 : memref<!tpu.dma_semaphore, #tpu.memory_space<semaphore_mem>>) src(%dma_wait3A_326 : memref<128x128xf32, #tpu.memory_space<vmem>>) dst(%dma_wait3A_322 : memref<128x128xf32, #tpu.memory_space<vmem_shared>>)
      tpu.yield
    }) : () -> ()
    %mul3A_29 = arith.constant 640 : i32
    %mul3A_30 = arith.muli %arg1, %mul3A_29 : i32
    %add3A_31 = arith.constant 512 : i32
    %add3A_32 = arith.addi %mul3A_30, %add3A_31 : i32
    %run_scoped3A_33 = arith.constant 0 : i32
    "tpu.region"() ({
      %run_scoped3A_302 = tpu.sem_alloc : memref<!tpu.dma_semaphore, #tpu.memory_space<semaphore_mem>>
      %dma_start3A_303 = arith.constant 0 : i32
      %dma_start3A_304 = arith.constant 0 : i32
      %dma_start3A_305 = tpu.memref_slice %arg19[%run_scoped3A_33, %dma_start3A_303, %dma_start3A_304] : memref<2x128x128xf32, #tpu.memory_space<vmem>> -> memref<1x128x128xf32, #tpu.memory_space<vmem>>
      %dma_start3A_306 = tpu.memref_squeeze %dma_start3A_305 : memref<1x128x128xf32, #tpu.memory_space<vmem>> -> memref<128x128xf32, #tpu.memory_space<vmem>>
      %dma_start3A_307 = arith.constant 0 : i32
      %dma_start3A_308 = tpu.memref_slice %arg23[%add3A_32, %dma_start3A_307] : memref<10240x128xf32, #tpu.memory_space<vmem_shared>> -> memref<128x128xf32, #tpu.memory_space<vmem_shared>>
      %dma_start3A_309 = arith.constant 0 : i32
      %dma_start3A_310 = tpu.memref_slice %arg23[%add3A_32, %dma_start3A_309] : memref<10240x128xf32, #tpu.memory_space<vmem_shared>> -> memref<128x128xf32, #tpu.memory_space<vmem_shared>>
      %dma_start3A_311 = arith.constant 0 : i32
      %dma_start3A_312 = arith.constant 0 : i32
      %dma_start3A_313 = tpu.memref_slice %arg19[%run_scoped3A_33, %dma_start3A_311, %dma_start3A_312] : memref<2x128x128xf32, #tpu.memory_space<vmem>> -> memref<1x128x128xf32, #tpu.memory_space<vmem>>
      %dma_start3A_314 = tpu.memref_squeeze %dma_start3A_313 : memref<1x128x128xf32, #tpu.memory_space<vmem>> -> memref<128x128xf32, #tpu.memory_space<vmem>>
      tpu.enqueue_dma source(%dma_start3A_314 : memref<128x128xf32, #tpu.memory_space<vmem>>) target(%dma_start3A_310 : memref<128x128xf32, #tpu.memory_space<vmem_shared>>) target_semaphore(%run_scoped3A_302 : memref<!tpu.dma_semaphore, #tpu.memory_space<semaphore_mem>>)
      %dma_wait3A_315 = arith.constant 0 : i32
      %dma_wait3A_316 = arith.constant 0 : i32
      %dma_wait3A_317 = tpu.memref_slice %arg19[%run_scoped3A_33, %dma_wait3A_315, %dma_wait3A_316] : memref<2x128x128xf32, #tpu.memory_space<vmem>> -> memref<1x128x128xf32, #tpu.memory_space<vmem>>
      %dma_wait3A_318 = tpu.memref_squeeze %dma_wait3A_317 : memref<1x128x128xf32, #tpu.memory_space<vmem>> -> memref<128x128xf32, #tpu.memory_space<vmem>>
      %dma_wait3A_319 = arith.constant 0 : i32
      %dma_wait3A_320 = tpu.memref_slice %arg23[%add3A_32, %dma_wait3A_319] : memref<10240x128xf32, #tpu.memory_space<vmem_shared>> -> memref<128x128xf32, #tpu.memory_space<vmem_shared>>
      %dma_wait3A_321 = arith.constant 0 : i32
      %dma_wait3A_322 = tpu.memref_slice %arg23[%add3A_32, %dma_wait3A_321] : memref<10240x128xf32, #tpu.memory_space<vmem_shared>> -> memref<128x128xf32, #tpu.memory_space<vmem_shared>>
      %dma_wait3A_323 = arith.constant 0 : i32
      %dma_wait3A_324 = arith.constant 0 : i32
      %dma_wait3A_325 = tpu.memref_slice %arg19[%run_scoped3A_33, %dma_wait3A_323, %dma_wait3A_324] : memref<2x128x128xf32, #tpu.memory_space<vmem>> -> memref<1x128x128xf32, #tpu.memory_space<vmem>>
      %dma_wait3A_326 = tpu.memref_squeeze %dma_wait3A_325 : memref<1x128x128xf32, #tpu.memory_space<vmem>> -> memref<128x128xf32, #tpu.memory_space<vmem>>
      tpu.wait_dma2 semaphore(%run_scoped3A_302 : memref<!tpu.dma_semaphore, #tpu.memory_space<semaphore_mem>>) src(%dma_wait3A_326 : memref<128x128xf32, #tpu.memory_space<vmem>>) dst(%dma_wait3A_322 : memref<128x128xf32, #tpu.memory_space<vmem_shared>>)
      tpu.yield
    }) : () -> ()
    %mul3A_34 = arith.constant 640 : i32
    %mul3A_35 = arith.muli %arg1, %mul3A_34 : i32
    "tpu.region"() ({
      %run_scoped3A_302 = tpu.sem_alloc : memref<!tpu.dma_semaphore, #tpu.memory_space<semaphore_mem>>
      %dma_start3A_303 = tpu.memref_slice %arg24[%mul3A_35] : memref<10240xf32, #tpu.memory_space<vmem_shared>> -> memref<640xf32, #tpu.memory_space<vmem_shared>>
      %dma_start3A_304 = tpu.memref_slice %arg24[%mul3A_35] : memref<10240xf32, #tpu.memory_space<vmem_shared>> -> memref<640xf32, #tpu.memory_space<vmem_shared>>
      tpu.enqueue_dma source(%arg20 : memref<640xf32, #tpu.memory_space<vmem>>) target(%dma_start3A_304 : memref<640xf32, #tpu.memory_space<vmem_shared>>) target_semaphore(%run_scoped3A_302 : memref<!tpu.dma_semaphore, #tpu.memory_space<semaphore_mem>>)
      %dma_wait3A_305 = tpu.memref_slice %arg24[%mul3A_35] : memref<10240xf32, #tpu.memory_space<vmem_shared>> -> memref<640xf32, #tpu.memory_space<vmem_shared>>
      %dma_wait3A_306 = tpu.memref_slice %arg24[%mul3A_35] : memref<10240xf32, #tpu.memory_space<vmem_shared>> -> memref<640xf32, #tpu.memory_space<vmem_shared>>
      tpu.wait_dma2 semaphore(%run_scoped3A_302 : memref<!tpu.dma_semaphore, #tpu.memory_space<semaphore_mem>>) src(%arg20 : memref<640xf32, #tpu.memory_space<vmem>>) dst(%dma_wait3A_306 : memref<640xf32, #tpu.memory_space<vmem_shared>>)
      tpu.yield
    }) : () -> ()
    %mul3A_36 = arith.constant 640 : i32
    %mul3A_37 = arith.muli %arg1, %mul3A_36 : i32
    %mul3A_38 = arith.constant 640 : i32
    %mul3A_39 = arith.muli %arg1, %mul3A_38 : i32
    "tpu.region"() ({
      %run_scoped3A_302 = tpu.sem_alloc : memref<!tpu.dma_semaphore, #tpu.memory_space<semaphore_mem>>
      %dma_start3A_303 = tpu.memref_slice %arg21[%mul3A_39] : memref<10240xf32, #tpu.memory_space<vmem_shared>> -> memref<640xf32, #tpu.memory_space<vmem_shared>>
      %dma_start3A_304 = tpu.memref_slice %arg4[%mul3A_37] : memref<10240xf32, #tpu.memory_space<hbm>> -> memref<640xf32, #tpu.memory_space<hbm>>
      tpu.enqueue_dma source(%dma_start3A_304 : memref<640xf32, #tpu.memory_space<hbm>>) target(%dma_start3A_303 : memref<640xf32, #tpu.memory_space<vmem_shared>>) target_semaphore(%run_scoped3A_302 : memref<!tpu.dma_semaphore, #tpu.memory_space<semaphore_mem>>)
      %dma_wait3A_305 = tpu.memref_slice %arg21[%mul3A_39] : memref<10240xf32, #tpu.memory_space<vmem_shared>> -> memref<640xf32, #tpu.memory_space<vmem_shared>>
      %dma_wait3A_306 = tpu.memref_slice %arg4[%mul3A_37] : memref<10240xf32, #tpu.memory_space<hbm>> -> memref<640xf32, #tpu.memory_space<hbm>>
      tpu.wait_dma2 semaphore(%run_scoped3A_302 : memref<!tpu.dma_semaphore, #tpu.memory_space<semaphore_mem>>) src(%dma_wait3A_306 : memref<640xf32, #tpu.memory_space<hbm>>) dst(%dma_wait3A_305 : memref<640xf32, #tpu.memory_space<vmem_shared>>)
      tpu.yield
    }) : () -> ()
    %mul3A_40 = arith.constant 640 : i32
    %mul3A_41 = arith.muli %arg1, %mul3A_40 : i32
    %mul3A_42 = arith.constant 640 : i32
    %mul3A_43 = arith.muli %arg1, %mul3A_42 : i32
    "tpu.region"() ({
      %run_scoped3A_302 = tpu.sem_alloc : memref<!tpu.dma_semaphore, #tpu.memory_space<semaphore_mem>>
      %dma_start3A_303 = tpu.memref_slice %arg22[%mul3A_43] : memref<10240xf32, #tpu.memory_space<vmem_shared>> -> memref<640xf32, #tpu.memory_space<vmem_shared>>
      %dma_start3A_304 = tpu.memref_slice %arg5[%mul3A_41] : memref<10240xf32, #tpu.memory_space<hbm>> -> memref<640xf32, #tpu.memory_space<hbm>>
      tpu.enqueue_dma source(%dma_start3A_304 : memref<640xf32, #tpu.memory_space<hbm>>) target(%dma_start3A_303 : memref<640xf32, #tpu.memory_space<vmem_shared>>) target_semaphore(%run_scoped3A_302 : memref<!tpu.dma_semaphore, #tpu.memory_space<semaphore_mem>>)
      %dma_wait3A_305 = tpu.memref_slice %arg22[%mul3A_43] : memref<10240xf32, #tpu.memory_space<vmem_shared>> -> memref<640xf32, #tpu.memory_space<vmem_shared>>
      %dma_wait3A_306 = tpu.memref_slice %arg5[%mul3A_41] : memref<10240xf32, #tpu.memory_space<hbm>> -> memref<640xf32, #tpu.memory_space<hbm>>
      tpu.wait_dma2 semaphore(%run_scoped3A_302 : memref<!tpu.dma_semaphore, #tpu.memory_space<semaphore_mem>>) src(%dma_wait3A_306 : memref<640xf32, #tpu.memory_space<hbm>>) dst(%dma_wait3A_305 : memref<640xf32, #tpu.memory_space<vmem_shared>>)
      tpu.yield
    }) : () -> ()
    "tpu.region"() ({
      %run_scoped3A_302 = tpu.sem_alloc : memref<!tpu.dma_semaphore, #tpu.memory_space<semaphore_mem>>
      %dma_start3A_303 = arith.constant 0 : i32
      %dma_start3A_304 = arith.constant 0 : i32
      %dma_start3A_305 = tpu.memref_slice %arg8[%add3A, %dma_start3A_303, %dma_start3A_304] : memref<32x40x128xi32, #tpu.memory_space<hbm>> -> memref<1x40x128xi32, #tpu.memory_space<hbm>>
      %dma_start3A_306 = tpu.memref_squeeze %dma_start3A_305 : memref<1x40x128xi32, #tpu.memory_space<hbm>> -> memref<40x128xi32, #tpu.memory_space<hbm>>
      %dma_start3A_307 = arith.constant 0 : i32
      %dma_start3A_308 = arith.constant 0 : i32
      %dma_start3A_309 = tpu.memref_slice %arg8[%add3A, %dma_start3A_307, %dma_start3A_308] : memref<32x40x128xi32, #tpu.memory_space<hbm>> -> memref<1x40x128xi32, #tpu.memory_space<hbm>>
      %dma_start3A_310 = tpu.memref_squeeze %dma_start3A_309 : memref<1x40x128xi32, #tpu.memory_space<hbm>> -> memref<40x128xi32, #tpu.memory_space<hbm>>
      tpu.enqueue_dma source(%dma_start3A_310 : memref<40x128xi32, #tpu.memory_space<hbm>>) target(%arg14 : memref<40x128xi32, #tpu.memory_space<vmem>>) target_semaphore(%run_scoped3A_302 : memref<!tpu.dma_semaphore, #tpu.memory_space<semaphore_mem>>)
      %dma_wait3A_311 = arith.constant 0 : i32
      %dma_wait3A_312 = arith.constant 0 : i32
      %dma_wait3A_313 = tpu.memref_slice %arg8[%add3A, %dma_wait3A_311, %dma_wait3A_312] : memref<32x40x128xi32, #tpu.memory_space<hbm>> -> memref<1x40x128xi32, #tpu.memory_space<hbm>>
      %dma_wait3A_314 = tpu.memref_squeeze %dma_wait3A_313 : memref<1x40x128xi32, #tpu.memory_space<hbm>> -> memref<40x128xi32, #tpu.memory_space<hbm>>
      %dma_wait3A_315 = arith.constant 0 : i32
      %dma_wait3A_316 = arith.constant 0 : i32
      %dma_wait3A_317 = tpu.memref_slice %arg8[%add3A, %dma_wait3A_315, %dma_wait3A_316] : memref<32x40x128xi32, #tpu.memory_space<hbm>> -> memref<1x40x128xi32, #tpu.memory_space<hbm>>
      %dma_wait3A_318 = tpu.memref_squeeze %dma_wait3A_317 : memref<1x40x128xi32, #tpu.memory_space<hbm>> -> memref<40x128xi32, #tpu.memory_space<hbm>>
      tpu.wait_dma2 semaphore(%run_scoped3A_302 : memref<!tpu.dma_semaphore, #tpu.memory_space<semaphore_mem>>) src(%dma_wait3A_318 : memref<40x128xi32, #tpu.memory_space<hbm>>) dst(%arg14 : memref<40x128xi32, #tpu.memory_space<vmem>>)
      tpu.yield
    }) : () -> ()
    "tpu.region"() ({
      %run_scoped3A_302 = tpu.sem_alloc : memref<!tpu.dma_semaphore, #tpu.memory_space<semaphore_mem>>
      %dma_start3A_303 = arith.constant 0 : i32
      %dma_start3A_304 = arith.constant 0 : i32
      %dma_start3A_305 = tpu.memref_slice %arg9[%add3A, %dma_start3A_303, %dma_start3A_304] : memref<32x40x128xi32, #tpu.memory_space<hbm>> -> memref<1x40x128xi32, #tpu.memory_space<hbm>>
      %dma_start3A_306 = tpu.memref_squeeze %dma_start3A_305 : memref<1x40x128xi32, #tpu.memory_space<hbm>> -> memref<40x128xi32, #tpu.memory_space<hbm>>
      %dma_start3A_307 = arith.constant 0 : i32
      %dma_start3A_308 = arith.constant 0 : i32
      %dma_start3A_309 = tpu.memref_slice %arg9[%add3A, %dma_start3A_307, %dma_start3A_308] : memref<32x40x128xi32, #tpu.memory_space<hbm>> -> memref<1x40x128xi32, #tpu.memory_space<hbm>>
      %dma_start3A_310 = tpu.memref_squeeze %dma_start3A_309 : memref<1x40x128xi32, #tpu.memory_space<hbm>> -> memref<40x128xi32, #tpu.memory_space<hbm>>
      tpu.enqueue_dma source(%dma_start3A_310 : memref<40x128xi32, #tpu.memory_space<hbm>>) target(%arg15 : memref<40x128xi32, #tpu.memory_space<vmem>>) target_semaphore(%run_scoped3A_302 : memref<!tpu.dma_semaphore, #tpu.memory_space<semaphore_mem>>)
      %dma_wait3A_311 = arith.constant 0 : i32
      %dma_wait3A_312 = arith.constant 0 : i32
      %dma_wait3A_313 = tpu.memref_slice %arg9[%add3A, %dma_wait3A_311, %dma_wait3A_312] : memref<32x40x128xi32, #tpu.memory_space<hbm>> -> memref<1x40x128xi32, #tpu.memory_space<hbm>>
      %dma_wait3A_314 = tpu.memref_squeeze %dma_wait3A_313 : memref<1x40x128xi32, #tpu.memory_space<hbm>> -> memref<40x128xi32, #tpu.memory_space<hbm>>
      %dma_wait3A_315 = arith.constant 0 : i32
      %dma_wait3A_316 = arith.constant 0 : i32
      %dma_wait3A_317 = tpu.memref_slice %arg9[%add3A, %dma_wait3A_315, %dma_wait3A_316] : memref<32x40x128xi32, #tpu.memory_space<hbm>> -> memref<1x40x128xi32, #tpu.memory_space<hbm>>
      %dma_wait3A_318 = tpu.memref_squeeze %dma_wait3A_317 : memref<1x40x128xi32, #tpu.memory_space<hbm>> -> memref<40x128xi32, #tpu.memory_space<hbm>>
      tpu.wait_dma2 semaphore(%run_scoped3A_302 : memref<!tpu.dma_semaphore, #tpu.memory_space<semaphore_mem>>) src(%dma_wait3A_318 : memref<40x128xi32, #tpu.memory_space<hbm>>) dst(%arg15 : memref<40x128xi32, #tpu.memory_space<vmem>>)
      tpu.yield
    }) : () -> ()
    %barrier3A = arith.constant 0 : index
    tpu.barrier barrier_id(%barrier3A)
    %dma_start3A = arith.constant 0 : i32
    %dma_start3A_44 = arith.constant 0 : i32
    %dma_start3A_45 = arith.constant 0 : i32
    %dma_start3A_46 = tpu.memref_slice %arg16[%dma_start3A_44, %dma_start3A_45] : memref<2x128xf32, #tpu.memory_space<vmem>> -> memref<1x128xf32, #tpu.memory_space<vmem>>
    %dma_start3A_47 = tpu.memref_squeeze %dma_start3A_46 : memref<1x128xf32, #tpu.memory_space<vmem>> -> memref<128xf32, #tpu.memory_space<vmem>>
    %dma_start3A_48 = arith.constant 0 : i32
    %dma_start3A_49 = tpu.memref_slice %arg14[%dma_start3A, %dma_start3A_48] : memref<40x128xi32, #tpu.memory_space<vmem>> -> memref<1x128xi32, #tpu.memory_space<vmem>>
    %dma_start3A_50 = tpu.memref_squeeze %dma_start3A_49 : memref<1x128xi32, #tpu.memory_space<vmem>> -> memref<128xi32, #tpu.memory_space<vmem>>
    %dma_start3A_51 = arith.constant 0 : i32
    %dma_start3A_52 = tpu.memref_slice %arg21[%dma_start3A_51] : memref<10240xf32, #tpu.memory_space<vmem_shared>> -> memref<10240xf32, #tpu.memory_space<vmem_shared>>
    tpu.enqueue_indirect_dma source(%dma_start3A_52 : memref<10240xf32, #tpu.memory_space<vmem_shared>>) target(%dma_start3A_47 : memref<128xf32, #tpu.memory_space<vmem>>) offsets(%dma_start3A_50 : memref<128xi32, #tpu.memory_space<vmem>>) semaphore(%arg26 : memref<!tpu.dma_semaphore, #tpu.memory_space<semaphore_mem>>)
    %dma_start3A_53 = arith.constant 0 : i32
    %dma_start3A_54 = arith.constant 0 : i32
    %dma_start3A_55 = arith.constant 0 : i32
    %dma_start3A_56 = tpu.memref_slice %arg17[%dma_start3A_54, %dma_start3A_55] : memref<2x128xf32, #tpu.memory_space<vmem>> -> memref<1x128xf32, #tpu.memory_space<vmem>>
    %dma_start3A_57 = tpu.memref_squeeze %dma_start3A_56 : memref<1x128xf32, #tpu.memory_space<vmem>> -> memref<128xf32, #tpu.memory_space<vmem>>
    %dma_start3A_58 = arith.constant 0 : i32
    %dma_start3A_59 = tpu.memref_slice %arg15[%dma_start3A_53, %dma_start3A_58] : memref<40x128xi32, #tpu.memory_space<vmem>> -> memref<1x128xi32, #tpu.memory_space<vmem>>
    %dma_start3A_60 = tpu.memref_squeeze %dma_start3A_59 : memref<1x128xi32, #tpu.memory_space<vmem>> -> memref<128xi32, #tpu.memory_space<vmem>>
    %dma_start3A_61 = arith.constant 0 : i32
    %dma_start3A_62 = tpu.memref_slice %arg22[%dma_start3A_61] : memref<10240xf32, #tpu.memory_space<vmem_shared>> -> memref<10240xf32, #tpu.memory_space<vmem_shared>>
    tpu.enqueue_indirect_dma source(%dma_start3A_62 : memref<10240xf32, #tpu.memory_space<vmem_shared>>) target(%dma_start3A_57 : memref<128xf32, #tpu.memory_space<vmem>>) offsets(%dma_start3A_60 : memref<128xi32, #tpu.memory_space<vmem>>) semaphore(%arg26 : memref<!tpu.dma_semaphore, #tpu.memory_space<semaphore_mem>>)
    %dma_start3A_63 = arith.constant 0 : i32
    %dma_start3A_64 = arith.constant 0 : i32
    %dma_start3A_65 = arith.constant 0 : i32
    %dma_start3A_66 = arith.constant 0 : i32
    %dma_start3A_67 = tpu.memref_slice %arg19[%dma_start3A_64, %dma_start3A_65, %dma_start3A_66] : memref<2x128x128xf32, #tpu.memory_space<vmem>> -> memref<1x128x128xf32, #tpu.memory_space<vmem>>
    %dma_start3A_68 = tpu.memref_squeeze %dma_start3A_67 : memref<1x128x128xf32, #tpu.memory_space<vmem>> -> memref<128x128xf32, #tpu.memory_space<vmem>>
    %dma_start3A_69 = arith.constant 0 : i32
    %dma_start3A_70 = tpu.memref_slice %arg14[%dma_start3A_63, %dma_start3A_69] : memref<40x128xi32, #tpu.memory_space<vmem>> -> memref<1x128xi32, #tpu.memory_space<vmem>>
    %dma_start3A_71 = tpu.memref_squeeze %dma_start3A_70 : memref<1x128xi32, #tpu.memory_space<vmem>> -> memref<128xi32, #tpu.memory_space<vmem>>
    %dma_start3A_72 = arith.constant 0 : i32
    %dma_start3A_73 = arith.constant 0 : i32
    %dma_start3A_74 = tpu.memref_slice %arg2[%dma_start3A_72, %dma_start3A_73] : memref<10000x128xf32, #tpu.memory_space<hbm>> -> memref<10000x128xf32, #tpu.memory_space<hbm>>
    tpu.enqueue_indirect_dma source(%dma_start3A_74 : memref<10000x128xf32, #tpu.memory_space<hbm>>) target(%dma_start3A_68 : memref<128x128xf32, #tpu.memory_space<vmem>>) offsets(%dma_start3A_71 : memref<128xi32, #tpu.memory_space<vmem>>) semaphore(%arg25 : memref<!tpu.dma_semaphore, #tpu.memory_space<semaphore_mem>>)
    %scan3A_75 = arith.constant 0 : i32
    %scan3A_76 = arith.constant 40 : i32
    %scan3A_77 = arith.addi %scan3A_75, %scan3A_76 : i32
    %scan3A_78 = arith.constant 1 : i32
    scf.for %scan3A_302 = %scan3A_75 to %scan3A_77 step %scan3A_78  : i32 {
      %and3A = arith.constant 1 : i32
      %and3A_303 = arith.andi %scan3A_302, %and3A : i32
      %sub3A = arith.constant 1 : i32
      %sub3A_304 = arith.subi %sub3A, %and3A_303 : i32
      %dma_wait3A_305 = arith.constant 0 : i32
      %dma_wait3A_306 = tpu.memref_slice %arg16[%and3A_303, %dma_wait3A_305] : memref<2x128xf32, #tpu.memory_space<vmem>> -> memref<1x128xf32, #tpu.memory_space<vmem>>
      %dma_wait3A_307 = tpu.memref_squeeze %dma_wait3A_306 : memref<1x128xf32, #tpu.memory_space<vmem>> -> memref<128xf32, #tpu.memory_space<vmem>>
      %dma_wait3A_308 = arith.constant 0 : i32
      %dma_wait3A_309 = tpu.memref_slice %arg14[%scan3A_302, %dma_wait3A_308] : memref<40x128xi32, #tpu.memory_space<vmem>> -> memref<1x128xi32, #tpu.memory_space<vmem>>
      %dma_wait3A_310 = tpu.memref_squeeze %dma_wait3A_309 : memref<1x128xi32, #tpu.memory_space<vmem>> -> memref<128xi32, #tpu.memory_space<vmem>>
      %dma_wait3A_311 = arith.constant 0 : i32
      %dma_wait3A_312 = tpu.memref_slice %arg21[%dma_wait3A_311] : memref<10240xf32, #tpu.memory_space<vmem_shared>> -> memref<10240xf32, #tpu.memory_space<vmem_shared>>
      tpu.wait_indirect_dma semaphore(%arg26 : memref<!tpu.dma_semaphore, #tpu.memory_space<semaphore_mem>>) src(%dma_wait3A_312 : memref<10240xf32, #tpu.memory_space<vmem_shared>>) dst(%dma_wait3A_307 : memref<128xf32, #tpu.memory_space<vmem>>)
      %dma_wait3A_313 = arith.constant 0 : i32
      %dma_wait3A_314 = tpu.memref_slice %arg17[%and3A_303, %dma_wait3A_313] : memref<2x128xf32, #tpu.memory_space<vmem>> -> memref<1x128xf32, #tpu.memory_space<vmem>>
      %dma_wait3A_315 = tpu.memref_squeeze %dma_wait3A_314 : memref<1x128xf32, #tpu.memory_space<vmem>> -> memref<128xf32, #tpu.memory_space<vmem>>
      %dma_wait3A_316 = arith.constant 0 : i32
      %dma_wait3A_317 = tpu.memref_slice %arg15[%scan3A_302, %dma_wait3A_316] : memref<40x128xi32, #tpu.memory_space<vmem>> -> memref<1x128xi32, #tpu.memory_space<vmem>>
      %dma_wait3A_318 = tpu.memref_squeeze %dma_wait3A_317 : memref<1x128xi32, #tpu.memory_space<vmem>> -> memref<128xi32, #tpu.memory_space<vmem>>
      %dma_wait3A_319 = arith.constant 0 : i32
      %dma_wait3A_320 = tpu.memref_slice %arg22[%dma_wait3A_319] : memref<10240xf32, #tpu.memory_space<vmem_shared>> -> memref<10240xf32, #tpu.memory_space<vmem_shared>>
      tpu.wait_indirect_dma semaphore(%arg26 : memref<!tpu.dma_semaphore, #tpu.memory_space<semaphore_mem>>) src(%dma_wait3A_320 : memref<10240xf32, #tpu.memory_space<vmem_shared>>) dst(%dma_wait3A_315 : memref<128xf32, #tpu.memory_space<vmem>>)
      %get3A = arith.index_cast %and3A_303 : i32 to index
      %get3A_321 = arith.constant 0 : index
      %get3A_322 = tpu.vector_load %arg16[%get3A, %get3A_321] {strides = array<i32>} : memref<2x128xf32, #tpu.memory_space<vmem>>, vector<16xf32>,
      %get3A_323 = arith.index_cast %and3A_303 : i32 to index
      %get3A_324 = arith.constant 0 : index
      %get3A_325 = tpu.vector_load %arg17[%get3A_323, %get3A_324] {strides = array<i32>} : memref<2x128xf32, #tpu.memory_space<vmem>>, vector<16xf32>,
      %add3A_326 = arith.addf %get3A_322, %get3A_325 : vector<16xf32>
      %mul3A_327 = arith.constant 0.00999999977 : f32
      %mul3A_328 = vector.broadcast %mul3A_327 : f32 to vector<16xf32>
      %mul3A_329 = arith.mulf %mul3A_328, %add3A_326 : vector<16xf32>
      %max3A = arith.maximumf %add3A_326, %mul3A_329 : vector<16xf32>
      %min3A = arith.constant 5.000000e+01 : f32
      %min3A_330 = vector.broadcast %min3A : f32 to vector<16xf32>
      %min3A_331 = arith.minimumf %max3A, %min3A_330 : vector<16xf32>
      %mul3A_332 = arith.constant 5120 : i32
      %mul3A_333 = arith.muli %add3A, %mul3A_332 : i32
      %mul3A_334 = arith.constant 128 : i32
      %mul3A_335 = arith.muli %scan3A_302, %mul3A_334 : i32
      %add3A_336 = arith.addi %mul3A_333, %mul3A_335 : i32
      %add3A_337 = arith.constant 0 : i32
      %add3A_338 = arith.addi %add3A_336, %add3A_337 : i32
      %iota3A = tpu.iota {dimensions = array<i32: 0>} : vector<16xi32>
      %add3A_339 = vector.broadcast %add3A_338 : i32 to vector<16xi32>
      %add3A_340 = arith.addi %add3A_339, %iota3A : vector<16xi32>
      %lt3A = arith.constant 160000 : i32
      %lt3A_341 = vector.broadcast %lt3A : i32 to vector<16xi32>
      %lt3A_342 = arith.cmpi slt, %add3A_340, %lt3A_341 : vector<16xi32>
      %exp3A = math.exp %min3A_331 : vector<16xf32>
      %jit3A = arith.constant 0.000000e+00 : f32
      %broadcast_in_dim3A = vector.broadcast %jit3A : f32 to vector<16xf32>
      %select_n3A = arith.select %lt3A_342, %exp3A, %broadcast_in_dim3A : vector<16xi1>, vector<16xf32>
      %swap3A = arith.index_cast %and3A_303 : i32 to index
      %swap3A_343 = arith.constant 0 : index
      %swap3A_344 = tpu.vector_load %arg18[%swap3A, %swap3A_343] {strides = array<i32>} : memref<2x128xf32, #tpu.memory_space<vmem>>, vector<16xf32>,
      tpu.vector_store %arg18[%swap3A, %swap3A_343], %select_n3A {strides = array<i32>} : memref<2x128xf32, #tpu.memory_space<vmem>>, vector<16xf32>,
      %get3A_345 = arith.index_cast %and3A_303 : i32 to index
      %get3A_346 = arith.constant 16 : index
      %get3A_347 = tpu.vector_load %arg16[%get3A_345, %get3A_346] {strides = array<i32>} : memref<2x128xf32, #tpu.memory_space<vmem>>, vector<16xf32>,
      %get3A_348 = arith.index_cast %and3A_303 : i32 to index
      %get3A_349 = arith.constant 16 : index
      %get3A_350 = tpu.vector_load %arg17[%get3A_348, %get3A_349] {strides = array<i32>} : memref<2x128xf32, #tpu.memory_space<vmem>>, vector<16xf32>,
      %add3A_351 = arith.addf %get3A_347, %get3A_350 : vector<16xf32>
      %mul3A_352 = arith.constant 0.00999999977 : f32
      %mul3A_353 = vector.broadcast %mul3A_352 : f32 to vector<16xf32>
      %mul3A_354 = arith.mulf %mul3A_353, %add3A_351 : vector<16xf32>
      %max3A_355 = arith.maximumf %add3A_351, %mul3A_354 : vector<16xf32>
      %min3A_356 = arith.constant 5.000000e+01 : f32
      %min3A_357 = vector.broadcast %min3A_356 : f32 to vector<16xf32>
      %min3A_358 = arith.minimumf %max3A_355, %min3A_357 : vector<16xf32>
      %mul3A_359 = arith.constant 5120 : i32
      %mul3A_360 = arith.muli %add3A, %mul3A_359 : i32
      %mul3A_361 = arith.constant 128 : i32
      %mul3A_362 = arith.muli %scan3A_302, %mul3A_361 : i32
      %add3A_363 = arith.addi %mul3A_360, %mul3A_362 : i32
      %add3A_364 = arith.constant 16 : i32
      %add3A_365 = arith.addi %add3A_363, %add3A_364 : i32
      %iota3A_366 = tpu.iota {dimensions = array<i32: 0>} : vector<16xi32>
      %add3A_367 = vector.broadcast %add3A_365 : i32 to vector<16xi32>
      %add3A_368 = arith.addi %add3A_367, %iota3A_366 : vector<16xi32>
      %lt3A_369 = arith.constant 160000 : i32
      %lt3A_370 = vector.broadcast %lt3A_369 : i32 to vector<16xi32>
      %lt3A_371 = arith.cmpi slt, %add3A_368, %lt3A_370 : vector<16xi32>
      %exp3A_372 = math.exp %min3A_358 : vector<16xf32>
      %jit3A_373 = arith.constant 0.000000e+00 : f32
      %broadcast_in_dim3A_374 = vector.broadcast %jit3A_373 : f32 to vector<16xf32>
      %select_n3A_375 = arith.select %lt3A_371, %exp3A_372, %broadcast_in_dim3A_374 : vector<16xi1>, vector<16xf32>
      %swap3A_376 = arith.index_cast %and3A_303 : i32 to index
      %swap3A_377 = arith.constant 16 : index
      %swap3A_378 = tpu.vector_load %arg18[%swap3A_376, %swap3A_377] {strides = array<i32>} : memref<2x128xf32, #tpu.memory_space<vmem>>, vector<16xf32>,
      tpu.vector_store %arg18[%swap3A_376, %swap3A_377], %select_n3A_375 {strides = array<i32>} : memref<2x128xf32, #tpu.memory_space<vmem>>, vector<16xf32>,
      %get3A_379 = arith.index_cast %and3A_303 : i32 to index
      %get3A_380 = arith.constant 32 : index
      %get3A_381 = tpu.vector_load %arg16[%get3A_379, %get3A_380] {strides = array<i32>} : memref<2x128xf32, #tpu.memory_space<vmem>>, vector<16xf32>,
      %get3A_382 = arith.index_cast %and3A_303 : i32 to index
      %get3A_383 = arith.constant 32 : index
      %get3A_384 = tpu.vector_load %arg17[%get3A_382, %get3A_383] {strides = array<i32>} : memref<2x128xf32, #tpu.memory_space<vmem>>, vector<16xf32>,
      %add3A_385 = arith.addf %get3A_381, %get3A_384 : vector<16xf32>
      %mul3A_386 = arith.constant 0.00999999977 : f32
      %mul3A_387 = vector.broadcast %mul3A_386 : f32 to vector<16xf32>
      %mul3A_388 = arith.mulf %mul3A_387, %add3A_385 : vector<16xf32>
      %max3A_389 = arith.maximumf %add3A_385, %mul3A_388 : vector<16xf32>
      %min3A_390 = arith.constant 5.000000e+01 : f32
      %min3A_391 = vector.broadcast %min3A_390 : f32 to vector<16xf32>
      %min3A_392 = arith.minimumf %max3A_389, %min3A_391 : vector<16xf32>
      %mul3A_393 = arith.constant 5120 : i32
      %mul3A_394 = arith.muli %add3A, %mul3A_393 : i32
      %mul3A_395 = arith.constant 128 : i32
      %mul3A_396 = arith.muli %scan3A_302, %mul3A_395 : i32
      %add3A_397 = arith.addi %mul3A_394, %mul3A_396 : i32
      %add3A_398 = arith.constant 32 : i32
      %add3A_399 = arith.addi %add3A_397, %add3A_398 : i32
      %iota3A_400 = tpu.iota {dimensions = array<i32: 0>} : vector<16xi32>
      %add3A_401 = vector.broadcast %add3A_399 : i32 to vector<16xi32>
      %add3A_402 = arith.addi %add3A_401, %iota3A_400 : vector<16xi32>
      %lt3A_403 = arith.constant 160000 : i32
      %lt3A_404 = vector.broadcast %lt3A_403 : i32 to vector<16xi32>
      %lt3A_405 = arith.cmpi slt, %add3A_402, %lt3A_404 : vector<16xi32>
      %exp3A_406 = math.exp %min3A_392 : vector<16xf32>
      %jit3A_407 = arith.constant 0.000000e+00 : f32
      %broadcast_in_dim3A_408 = vector.broadcast %jit3A_407 : f32 to vector<16xf32>
      %select_n3A_409 = arith.select %lt3A_405, %exp3A_406, %broadcast_in_dim3A_408 : vector<16xi1>, vector<16xf32>
      %swap3A_410 = arith.index_cast %and3A_303 : i32 to index
      %swap3A_411 = arith.constant 32 : index
      %swap3A_412 = tpu.vector_load %arg18[%swap3A_410, %swap3A_411] {strides = array<i32>} : memref<2x128xf32, #tpu.memory_space<vmem>>, vector<16xf32>,
      tpu.vector_store %arg18[%swap3A_410, %swap3A_411], %select_n3A_409 {strides = array<i32>} : memref<2x128xf32, #tpu.memory_space<vmem>>, vector<16xf32>,
      %get3A_413 = arith.index_cast %and3A_303 : i32 to index
      %get3A_414 = arith.constant 48 : index
      %get3A_415 = tpu.vector_load %arg16[%get3A_413, %get3A_414] {strides = array<i32>} : memref<2x128xf32, #tpu.memory_space<vmem>>, vector<16xf32>,
      %get3A_416 = arith.index_cast %and3A_303 : i32 to index
      %get3A_417 = arith.constant 48 : index
      %get3A_418 = tpu.vector_load %arg17[%get3A_416, %get3A_417] {strides = array<i32>} : memref<2x128xf32, #tpu.memory_space<vmem>>, vector<16xf32>,
      %add3A_419 = arith.addf %get3A_415, %get3A_418 : vector<16xf32>
      %mul3A_420 = arith.constant 0.00999999977 : f32
      %mul3A_421 = vector.broadcast %mul3A_420 : f32 to vector<16xf32>
      %mul3A_422 = arith.mulf %mul3A_421, %add3A_419 : vector<16xf32>
      %max3A_423 = arith.maximumf %add3A_419, %mul3A_422 : vector<16xf32>
      %min3A_424 = arith.constant 5.000000e+01 : f32
      %min3A_425 = vector.broadcast %min3A_424 : f32 to vector<16xf32>
      %min3A_426 = arith.minimumf %max3A_423, %min3A_425 : vector<16xf32>
      %mul3A_427 = arith.constant 5120 : i32
      %mul3A_428 = arith.muli %add3A, %mul3A_427 : i32
      %mul3A_429 = arith.constant 128 : i32
      %mul3A_430 = arith.muli %scan3A_302, %mul3A_429 : i32
      %add3A_431 = arith.addi %mul3A_428, %mul3A_430 : i32
      %add3A_432 = arith.constant 48 : i32
      %add3A_433 = arith.addi %add3A_431, %add3A_432 : i32
      %iota3A_434 = tpu.iota {dimensions = array<i32: 0>} : vector<16xi32>
      %add3A_435 = vector.broadcast %add3A_433 : i32 to vector<16xi32>
      %add3A_436 = arith.addi %add3A_435, %iota3A_434 : vector<16xi32>
      %lt3A_437 = arith.constant 160000 : i32
      %lt3A_438 = vector.broadcast %lt3A_437 : i32 to vector<16xi32>
      %lt3A_439 = arith.cmpi slt, %add3A_436, %lt3A_438 : vector<16xi32>
      %exp3A_440 = math.exp %min3A_426 : vector<16xf32>
      %jit3A_441 = arith.constant 0.000000e+00 : f32
      %broadcast_in_dim3A_442 = vector.broadcast %jit3A_441 : f32 to vector<16xf32>
      %select_n3A_443 = arith.select %lt3A_439, %exp3A_440, %broadcast_in_dim3A_442 : vector<16xi1>, vector<16xf32>
      %swap3A_444 = arith.index_cast %and3A_303 : i32 to index
      %swap3A_445 = arith.constant 48 : index
      %swap3A_446 = tpu.vector_load %arg18[%swap3A_444, %swap3A_445] {strides = array<i32>} : memref<2x128xf32, #tpu.memory_space<vmem>>, vector<16xf32>,
      tpu.vector_store %arg18[%swap3A_444, %swap3A_445], %select_n3A_443 {strides = array<i32>} : memref<2x128xf32, #tpu.memory_space<vmem>>, vector<16xf32>,
      %get3A_447 = arith.index_cast %and3A_303 : i32 to index
      %get3A_448 = arith.constant 64 : index
      %get3A_449 = tpu.vector_load %arg16[%get3A_447, %get3A_448] {strides = array<i32>} : memref<2x128xf32, #tpu.memory_space<vmem>>, vector<16xf32>,
      %get3A_450 = arith.index_cast %and3A_303 : i32 to index
      %get3A_451 = arith.constant 64 : index
      %get3A_452 = tpu.vector_load %arg17[%get3A_450, %get3A_451] {strides = array<i32>} : memref<2x128xf32, #tpu.memory_space<vmem>>, vector<16xf32>,
      %add3A_453 = arith.addf %get3A_449, %get3A_452 : vector<16xf32>
      %mul3A_454 = arith.constant 0.00999999977 : f32
      %mul3A_455 = vector.broadcast %mul3A_454 : f32 to vector<16xf32>
      %mul3A_456 = arith.mulf %mul3A_455, %add3A_453 : vector<16xf32>
      %max3A_457 = arith.maximumf %add3A_453, %mul3A_456 : vector<16xf32>
      %min3A_458 = arith.constant 5.000000e+01 : f32
      %min3A_459 = vector.broadcast %min3A_458 : f32 to vector<16xf32>
      %min3A_460 = arith.minimumf %max3A_457, %min3A_459 : vector<16xf32>
      %mul3A_461 = arith.constant 5120 : i32
      %mul3A_462 = arith.muli %add3A, %mul3A_461 : i32
      %mul3A_463 = arith.constant 128 : i32
      %mul3A_464 = arith.muli %scan3A_302, %mul3A_463 : i32
      %add3A_465 = arith.addi %mul3A_462, %mul3A_464 : i32
      %add3A_466 = arith.constant 64 : i32
      %add3A_467 = arith.addi %add3A_465, %add3A_466 : i32
      %iota3A_468 = tpu.iota {dimensions = array<i32: 0>} : vector<16xi32>
      %add3A_469 = vector.broadcast %add3A_467 : i32 to vector<16xi32>
      %add3A_470 = arith.addi %add3A_469, %iota3A_468 : vector<16xi32>
      %lt3A_471 = arith.constant 160000 : i32
      %lt3A_472 = vector.broadcast %lt3A_471 : i32 to vector<16xi32>
      %lt3A_473 = arith.cmpi slt, %add3A_470, %lt3A_472 : vector<16xi32>
      %exp3A_474 = math.exp %min3A_460 : vector<16xf32>
      %jit3A_475 = arith.constant 0.000000e+00 : f32
      %broadcast_in_dim3A_476 = vector.broadcast %jit3A_475 : f32 to vector<16xf32>
      %select_n3A_477 = arith.select %lt3A_473, %exp3A_474, %broadcast_in_dim3A_476 : vector<16xi1>, vector<16xf32>
      %swap3A_478 = arith.index_cast %and3A_303 : i32 to index
      %swap3A_479 = arith.constant 64 : index
      %swap3A_480 = tpu.vector_load %arg18[%swap3A_478, %swap3A_479] {strides = array<i32>} : memref<2x128xf32, #tpu.memory_space<vmem>>, vector<16xf32>,
      tpu.vector_store %arg18[%swap3A_478, %swap3A_479], %select_n3A_477 {strides = array<i32>} : memref<2x128xf32, #tpu.memory_space<vmem>>, vector<16xf32>,
      %get3A_481 = arith.index_cast %and3A_303 : i32 to index
      %get3A_482 = arith.constant 80 : index
      %get3A_483 = tpu.vector_load %arg16[%get3A_481, %get3A_482] {strides = array<i32>} : memref<2x128xf32, #tpu.memory_space<vmem>>, vector<16xf32>,
      %get3A_484 = arith.index_cast %and3A_303 : i32 to index
      %get3A_485 = arith.constant 80 : index
      %get3A_486 = tpu.vector_load %arg17[%get3A_484, %get3A_485] {strides = array<i32>} : memref<2x128xf32, #tpu.memory_space<vmem>>, vector<16xf32>,
      %add3A_487 = arith.addf %get3A_483, %get3A_486 : vector<16xf32>
      %mul3A_488 = arith.constant 0.00999999977 : f32
      %mul3A_489 = vector.broadcast %mul3A_488 : f32 to vector<16xf32>
      %mul3A_490 = arith.mulf %mul3A_489, %add3A_487 : vector<16xf32>
      %max3A_491 = arith.maximumf %add3A_487, %mul3A_490 : vector<16xf32>
      %min3A_492 = arith.constant 5.000000e+01 : f32
      %min3A_493 = vector.broadcast %min3A_492 : f32 to vector<16xf32>
      %min3A_494 = arith.minimumf %max3A_491, %min3A_493 : vector<16xf32>
      %mul3A_495 = arith.constant 5120 : i32
      %mul3A_496 = arith.muli %add3A, %mul3A_495 : i32
      %mul3A_497 = arith.constant 128 : i32
      %mul3A_498 = arith.muli %scan3A_302, %mul3A_497 : i32
      %add3A_499 = arith.addi %mul3A_496, %mul3A_498 : i32
      %add3A_500 = arith.constant 80 : i32
      %add3A_501 = arith.addi %add3A_499, %add3A_500 : i32
      %iota3A_502 = tpu.iota {dimensions = array<i32: 0>} : vector<16xi32>
      %add3A_503 = vector.broadcast %add3A_501 : i32 to vector<16xi32>
      %add3A_504 = arith.addi %add3A_503, %iota3A_502 : vector<16xi32>
      %lt3A_505 = arith.constant 160000 : i32
      %lt3A_506 = vector.broadcast %lt3A_505 : i32 to vector<16xi32>
      %lt3A_507 = arith.cmpi slt, %add3A_504, %lt3A_506 : vector<16xi32>
      %exp3A_508 = math.exp %min3A_494 : vector<16xf32>
      %jit3A_509 = arith.constant 0.000000e+00 : f32
      %broadcast_in_dim3A_510 = vector.broadcast %jit3A_509 : f32 to vector<16xf32>
      %select_n3A_511 = arith.select %lt3A_507, %exp3A_508, %broadcast_in_dim3A_510 : vector<16xi1>, vector<16xf32>
      %swap3A_512 = arith.index_cast %and3A_303 : i32 to index
      %swap3A_513 = arith.constant 80 : index
      %swap3A_514 = tpu.vector_load %arg18[%swap3A_512, %swap3A_513] {strides = array<i32>} : memref<2x128xf32, #tpu.memory_space<vmem>>, vector<16xf32>,
      tpu.vector_store %arg18[%swap3A_512, %swap3A_513], %select_n3A_511 {strides = array<i32>} : memref<2x128xf32, #tpu.memory_space<vmem>>, vector<16xf32>,
      %get3A_515 = arith.index_cast %and3A_303 : i32 to index
      %get3A_516 = arith.constant 96 : index
      %get3A_517 = tpu.vector_load %arg16[%get3A_515, %get3A_516] {strides = array<i32>} : memref<2x128xf32, #tpu.memory_space<vmem>>, vector<16xf32>,
      %get3A_518 = arith.index_cast %and3A_303 : i32 to index
      %get3A_519 = arith.constant 96 : index
      %get3A_520 = tpu.vector_load %arg17[%get3A_518, %get3A_519] {strides = array<i32>} : memref<2x128xf32, #tpu.memory_space<vmem>>, vector<16xf32>,
      %add3A_521 = arith.addf %get3A_517, %get3A_520 : vector<16xf32>
      %mul3A_522 = arith.constant 0.00999999977 : f32
      %mul3A_523 = vector.broadcast %mul3A_522 : f32 to vector<16xf32>
      %mul3A_524 = arith.mulf %mul3A_523, %add3A_521 : vector<16xf32>
      %max3A_525 = arith.maximumf %add3A_521, %mul3A_524 : vector<16xf32>
      %min3A_526 = arith.constant 5.000000e+01 : f32
      %min3A_527 = vector.broadcast %min3A_526 : f32 to vector<16xf32>
      %min3A_528 = arith.minimumf %max3A_525, %min3A_527 : vector<16xf32>
      %mul3A_529 = arith.constant 5120 : i32
      %mul3A_530 = arith.muli %add3A, %mul3A_529 : i32
      %mul3A_531 = arith.constant 128 : i32
      %mul3A_532 = arith.muli %scan3A_302, %mul3A_531 : i32
      %add3A_533 = arith.addi %mul3A_530, %mul3A_532 : i32
      %add3A_534 = arith.constant 96 : i32
      %add3A_535 = arith.addi %add3A_533, %add3A_534 : i32
      %iota3A_536 = tpu.iota {dimensions = array<i32: 0>} : vector<16xi32>
      %add3A_537 = vector.broadcast %add3A_535 : i32 to vector<16xi32>
      %add3A_538 = arith.addi %add3A_537, %iota3A_536 : vector<16xi32>
      %lt3A_539 = arith.constant 160000 : i32
      %lt3A_540 = vector.broadcast %lt3A_539 : i32 to vector<16xi32>
      %lt3A_541 = arith.cmpi slt, %add3A_538, %lt3A_540 : vector<16xi32>
      %exp3A_542 = math.exp %min3A_528 : vector<16xf32>
      %jit3A_543 = arith.constant 0.000000e+00 : f32
      %broadcast_in_dim3A_544 = vector.broadcast %jit3A_543 : f32 to vector<16xf32>
      %select_n3A_545 = arith.select %lt3A_541, %exp3A_542, %broadcast_in_dim3A_544 : vector<16xi1>, vector<16xf32>
      %swap3A_546 = arith.index_cast %and3A_303 : i32 to index
      %swap3A_547 = arith.constant 96 : index
      %swap3A_548 = tpu.vector_load %arg18[%swap3A_546, %swap3A_547] {strides = array<i32>} : memref<2x128xf32, #tpu.memory_space<vmem>>, vector<16xf32>,
      tpu.vector_store %arg18[%swap3A_546, %swap3A_547], %select_n3A_545 {strides = array<i32>} : memref<2x128xf32, #tpu.memory_space<vmem>>, vector<16xf32>,
      %get3A_549 = arith.index_cast %and3A_303 : i32 to index
      %get3A_550 = arith.constant 112 : index
      %get3A_551 = tpu.vector_load %arg16[%get3A_549, %get3A_550] {strides = array<i32>} : memref<2x128xf32, #tpu.memory_space<vmem>>, vector<16xf32>,
      %get3A_552 = arith.index_cast %and3A_303 : i32 to index
      %get3A_553 = arith.constant 112 : index
      %get3A_554 = tpu.vector_load %arg17[%get3A_552, %get3A_553] {strides = array<i32>} : memref<2x128xf32, #tpu.memory_space<vmem>>, vector<16xf32>,
      %add3A_555 = arith.addf %get3A_551, %get3A_554 : vector<16xf32>
      %mul3A_556 = arith.constant 0.00999999977 : f32
      %mul3A_557 = vector.broadcast %mul3A_556 : f32 to vector<16xf32>
      %mul3A_558 = arith.mulf %mul3A_557, %add3A_555 : vector<16xf32>
      %max3A_559 = arith.maximumf %add3A_555, %mul3A_558 : vector<16xf32>
      %min3A_560 = arith.constant 5.000000e+01 : f32
      %min3A_561 = vector.broadcast %min3A_560 : f32 to vector<16xf32>
      %min3A_562 = arith.minimumf %max3A_559, %min3A_561 : vector<16xf32>
      %mul3A_563 = arith.constant 5120 : i32
      %mul3A_564 = arith.muli %add3A, %mul3A_563 : i32
      %mul3A_565 = arith.constant 128 : i32
      %mul3A_566 = arith.muli %scan3A_302, %mul3A_565 : i32
      %add3A_567 = arith.addi %mul3A_564, %mul3A_566 : i32
      %add3A_568 = arith.constant 112 : i32
      %add3A_569 = arith.addi %add3A_567, %add3A_568 : i32
      %iota3A_570 = tpu.iota {dimensions = array<i32: 0>} : vector<16xi32>
      %add3A_571 = vector.broadcast %add3A_569 : i32 to vector<16xi32>
      %add3A_572 = arith.addi %add3A_571, %iota3A_570 : vector<16xi32>
      %lt3A_573 = arith.constant 160000 : i32
      %lt3A_574 = vector.broadcast %lt3A_573 : i32 to vector<16xi32>
      %lt3A_575 = arith.cmpi slt, %add3A_572, %lt3A_574 : vector<16xi32>
      %exp3A_576 = math.exp %min3A_562 : vector<16xf32>
      %jit3A_577 = arith.constant 0.000000e+00 : f32
      %broadcast_in_dim3A_578 = vector.broadcast %jit3A_577 : f32 to vector<16xf32>
      %select_n3A_579 = arith.select %lt3A_575, %exp3A_576, %broadcast_in_dim3A_578 : vector<16xi1>, vector<16xf32>
      %swap3A_580 = arith.index_cast %and3A_303 : i32 to index
      %swap3A_581 = arith.constant 112 : index
      %swap3A_582 = tpu.vector_load %arg18[%swap3A_580, %swap3A_581] {strides = array<i32>} : memref<2x128xf32, #tpu.memory_space<vmem>>, vector<16xf32>,
      tpu.vector_store %arg18[%swap3A_580, %swap3A_581], %select_n3A_579 {strides = array<i32>} : memref<2x128xf32, #tpu.memory_space<vmem>>, vector<16xf32>,
      %gt3A = arith.constant 0 : i32
      %gt3A_583 = arith.cmpi sgt, %scan3A_302, %gt3A : i32
      %convert_element_type3A = arith.extui %gt3A_583 : i1 to i32
      %cond3A = arith.constant 0 : i32
      %cond3A_584 = arith.cmpi ne, %convert_element_type3A, %cond3A : i32
      scf.if %cond3A_584 {
        %sub3A_649 = arith.constant 1 : i32
        %sub3A_650 = arith.subi %scan3A_302, %sub3A_649 : i32
        %dma_wait3A_651 = arith.constant 0 : i32
        %dma_wait3A_652 = arith.constant 0 : i32
        %dma_wait3A_653 = tpu.memref_slice %arg19[%sub3A_304, %dma_wait3A_651, %dma_wait3A_652] : memref<2x128x128xf32, #tpu.memory_space<vmem>> -> memref<1x128x128xf32, #tpu.memory_space<vmem>>
        %dma_wait3A_654 = tpu.memref_squeeze %dma_wait3A_653 : memref<1x128x128xf32, #tpu.memory_space<vmem>> -> memref<128x128xf32, #tpu.memory_space<vmem>>
        %dma_wait3A_655 = arith.constant 0 : i32
        %dma_wait3A_656 = tpu.memref_slice %arg15[%sub3A_650, %dma_wait3A_655] : memref<40x128xi32, #tpu.memory_space<vmem>> -> memref<1x128xi32, #tpu.memory_space<vmem>>
        %dma_wait3A_657 = tpu.memref_squeeze %dma_wait3A_656 : memref<1x128xi32, #tpu.memory_space<vmem>> -> memref<128xi32, #tpu.memory_space<vmem>>
        %dma_wait3A_658 = arith.constant 0 : i32
        %dma_wait3A_659 = arith.constant 0 : i32
        %dma_wait3A_660 = tpu.memref_slice %arg23[%dma_wait3A_658, %dma_wait3A_659] : memref<10240x128xf32, #tpu.memory_space<vmem_shared>> -> memref<10240x128xf32, #tpu.memory_space<vmem_shared>>
        tpu.wait_indirect_dma semaphore(%arg27 : memref<!tpu.dma_semaphore, #tpu.memory_space<semaphore_mem>>) src(%dma_wait3A_654 : memref<128x128xf32, #tpu.memory_space<vmem>>) dst(%dma_wait3A_660 : memref<10240x128xf32, #tpu.memory_space<vmem_shared>>)
        %dma_wait3A_661 = arith.constant 0 : i32
        %dma_wait3A_662 = tpu.memref_slice %arg18[%sub3A_304, %dma_wait3A_661] : memref<2x128xf32, #tpu.memory_space<vmem>> -> memref<1x128xf32, #tpu.memory_space<vmem>>
        %dma_wait3A_663 = tpu.memref_squeeze %dma_wait3A_662 : memref<1x128xf32, #tpu.memory_space<vmem>> -> memref<128xf32, #tpu.memory_space<vmem>>
        %dma_wait3A_664 = arith.constant 0 : i32
        %dma_wait3A_665 = tpu.memref_slice %arg15[%sub3A_650, %dma_wait3A_664] : memref<40x128xi32, #tpu.memory_space<vmem>> -> memref<1x128xi32, #tpu.memory_space<vmem>>
        %dma_wait3A_666 = tpu.memref_squeeze %dma_wait3A_665 : memref<1x128xi32, #tpu.memory_space<vmem>> -> memref<128xi32, #tpu.memory_space<vmem>>
        %dma_wait3A_667 = arith.constant 0 : i32
        %dma_wait3A_668 = tpu.memref_slice %arg24[%dma_wait3A_667] : memref<10240xf32, #tpu.memory_space<vmem_shared>> -> memref<10240xf32, #tpu.memory_space<vmem_shared>>
        tpu.wait_indirect_dma semaphore(%arg28 : memref<!tpu.dma_semaphore, #tpu.memory_space<semaphore_mem>>) src(%dma_wait3A_663 : memref<128xf32, #tpu.memory_space<vmem>>) dst(%dma_wait3A_668 : memref<10240xf32, #tpu.memory_space<vmem_shared>>)
      } else {
      }
      %add3A_585 = arith.constant 1 : i32
      %add3A_586 = arith.addi %scan3A_302, %add3A_585 : i32
      %min3A_587 = arith.constant 39 : i32
      %min3A_588 = arith.minsi %add3A_586, %min3A_587 : i32
      %dma_start3A_589 = arith.constant 0 : i32
      %dma_start3A_590 = tpu.memref_slice %arg16[%sub3A_304, %dma_start3A_589] : memref<2x128xf32, #tpu.memory_space<vmem>> -> memref<1x128xf32, #tpu.memory_space<vmem>>
      %dma_start3A_591 = tpu.memref_squeeze %dma_start3A_590 : memref<1x128xf32, #tpu.memory_space<vmem>> -> memref<128xf32, #tpu.memory_space<vmem>>
      %dma_start3A_592 = arith.constant 0 : i32
      %dma_start3A_593 = tpu.memref_slice %arg14[%min3A_588, %dma_start3A_592] : memref<40x128xi32, #tpu.memory_space<vmem>> -> memref<1x128xi32, #tpu.memory_space<vmem>>
      %dma_start3A_594 = tpu.memref_squeeze %dma_start3A_593 : memref<1x128xi32, #tpu.memory_space<vmem>> -> memref<128xi32, #tpu.memory_space<vmem>>
      %dma_start3A_595 = arith.constant 0 : i32
      %dma_start3A_596 = tpu.memref_slice %arg21[%dma_start3A_595] : memref<10240xf32, #tpu.memory_space<vmem_shared>> -> memref<10240xf32, #tpu.memory_space<vmem_shared>>
      tpu.enqueue_indirect_dma source(%dma_start3A_596 : memref<10240xf32, #tpu.memory_space<vmem_shared>>) target(%dma_start3A_591 : memref<128xf32, #tpu.memory_space<vmem>>) offsets(%dma_start3A_594 : memref<128xi32, #tpu.memory_space<vmem>>) semaphore(%arg26 : memref<!tpu.dma_semaphore, #tpu.memory_space<semaphore_mem>>)
      %dma_start3A_597 = arith.constant 0 : i32
      %dma_start3A_598 = tpu.memref_slice %arg17[%sub3A_304, %dma_start3A_597] : memref<2x128xf32, #tpu.memory_space<vmem>> -> memref<1x128xf32, #tpu.memory_space<vmem>>
      %dma_start3A_599 = tpu.memref_squeeze %dma_start3A_598 : memref<1x128xf32, #tpu.memory_space<vmem>> -> memref<128xf32, #tpu.memory_space<vmem>>
      %dma_start3A_600 = arith.constant 0 : i32
      %dma_start3A_601 = tpu.memref_slice %arg15[%min3A_588, %dma_start3A_600] : memref<40x128xi32, #tpu.memory_space<vmem>> -> memref<1x128xi32, #tpu.memory_space<vmem>>
      %dma_start3A_602 = tpu.memref_squeeze %dma_start3A_601 : memref<1x128xi32, #tpu.memory_space<vmem>> -> memref<128xi32, #tpu.memory_space<vmem>>
      %dma_start3A_603 = arith.constant 0 : i32
      %dma_start3A_604 = tpu.memref_slice %arg22[%dma_start3A_603] : memref<10240xf32, #tpu.memory_space<vmem_shared>> -> memref<10240xf32, #tpu.memory_space<vmem_shared>>
      tpu.enqueue_indirect_dma source(%dma_start3A_604 : memref<10240xf32, #tpu.memory_space<vmem_shared>>) target(%dma_start3A_599 : memref<128xf32, #tpu.memory_space<vmem>>) offsets(%dma_start3A_602 : memref<128xi32, #tpu.memory_space<vmem>>) semaphore(%arg26 : memref<!tpu.dma_semaphore, #tpu.memory_space<semaphore_mem>>)
      %dma_start3A_605 = arith.constant 0 : i32
      %dma_start3A_606 = arith.constant 0 : i32
      %dma_start3A_607 = tpu.memref_slice %arg19[%sub3A_304, %dma_start3A_605, %dma_start3A_606] : memref<2x128x128xf32, #tpu.memory_space<vmem>> -> memref<1x128x128xf32, #tpu.memory_space<vmem>>
      %dma_start3A_608 = tpu.memref_squeeze %dma_start3A_607 : memref<1x128x128xf32, #tpu.memory_space<vmem>> -> memref<128x128xf32, #tpu.memory_space<vmem>>
      %dma_start3A_609 = arith.constant 0 : i32
      %dma_start3A_610 = tpu.memref_slice %arg14[%min3A_588, %dma_start3A_609] : memref<40x128xi32, #tpu.memory_space<vmem>> -> memref<1x128xi32, #tpu.memory_space<vmem>>
      %dma_start3A_611 = tpu.memref_squeeze %dma_start3A_610 : memref<1x128xi32, #tpu.memory_space<vmem>> -> memref<128xi32, #tpu.memory_space<vmem>>
      %dma_start3A_612 = arith.constant 0 : i32
      %dma_start3A_613 = arith.constant 0 : i32
      %dma_start3A_614 = tpu.memref_slice %arg2[%dma_start3A_612, %dma_start3A_613] : memref<10000x128xf32, #tpu.memory_space<hbm>> -> memref<10000x128xf32, #tpu.memory_space<hbm>>
      tpu.enqueue_indirect_dma source(%dma_start3A_614 : memref<10000x128xf32, #tpu.memory_space<hbm>>) target(%dma_start3A_608 : memref<128x128xf32, #tpu.memory_space<vmem>>) offsets(%dma_start3A_611 : memref<128xi32, #tpu.memory_space<vmem>>) semaphore(%arg25 : memref<!tpu.dma_semaphore, #tpu.memory_space<semaphore_mem>>)
      %dma_wait3A_615 = arith.constant 0 : i32
      %dma_wait3A_616 = arith.constant 0 : i32
      %dma_wait3A_617 = tpu.memref_slice %arg19[%and3A_303, %dma_wait3A_615, %dma_wait3A_616] : memref<2x128x128xf32, #tpu.memory_space<vmem>> -> memref<1x128x128xf32, #tpu.memory_space<vmem>>
      %dma_wait3A_618 = tpu.memref_squeeze %dma_wait3A_617 : memref<1x128x128xf32, #tpu.memory_space<vmem>> -> memref<128x128xf32, #tpu.memory_space<vmem>>
      %dma_wait3A_619 = arith.constant 0 : i32
      %dma_wait3A_620 = tpu.memref_slice %arg14[%scan3A_302, %dma_wait3A_619] : memref<40x128xi32, #tpu.memory_space<vmem>> -> memref<1x128xi32, #tpu.memory_space<vmem>>
      %dma_wait3A_621 = tpu.memref_squeeze %dma_wait3A_620 : memref<1x128xi32, #tpu.memory_space<vmem>> -> memref<128xi32, #tpu.memory_space<vmem>>
      %dma_wait3A_622 = arith.constant 0 : i32
      %dma_wait3A_623 = arith.constant 0 : i32
      %dma_wait3A_624 = tpu.memref_slice %arg2[%dma_wait3A_622, %dma_wait3A_623] : memref<10000x128xf32, #tpu.memory_space<hbm>> -> memref<10000x128xf32, #tpu.memory_space<hbm>>
      tpu.wait_indirect_dma semaphore(%arg25 : memref<!tpu.dma_semaphore, #tpu.memory_space<semaphore_mem>>) src(%dma_wait3A_624 : memref<10000x128xf32, #tpu.memory_space<hbm>>) dst(%dma_wait3A_618 : memref<128x128xf32, #tpu.memory_space<vmem>>)
      %broadcast_in_dim3A_625 = vector.broadcast %and3A_303 : i32 to vector<16xi32>
      %scan3A_626 = arith.constant 0 : i32
      %scan3A_627 = arith.constant 32 : i32
      %scan3A_628 = arith.addi %scan3A_626, %scan3A_627 : i32
      %scan3A_629 = arith.constant 1 : i32
      scf.for %scan3A_649 = %scan3A_626 to %scan3A_628 step %scan3A_629  : i32 {
        %mul3A_650 = arith.constant 4 : i32
        %mul3A_651 = arith.muli %scan3A_649, %mul3A_650 : i32
        %add3A_652 = arith.constant 0 : i32
        %add3A_653 = arith.addi %mul3A_651, %add3A_652 : i32
        %broadcast_in_dim3A_654 = vector.broadcast %add3A_653 : i32 to vector<16xi32>
        %gather3A = tpu.vector_load_idx %arg18[%broadcast_in_dim3A_625, %broadcast_in_dim3A_654] : memref<2x128xf32, #tpu.memory_space<vmem>>[vector<16xi32>, vector<16xi32>], vector<16xf32>,
        %get3A_655 = arith.index_cast %and3A_303 : i32 to index
        %get3A_656 = arith.index_cast %add3A_653 : i32 to index
        %get3A_657 = arith.constant 0 : index
        %get3A_658 = tpu.vector_load %arg19[%get3A_655, %get3A_656, %get3A_657] {strides = array<i32>} : memref<2x128x128xf32, #tpu.memory_space<vmem>>, vector<16xf32>,
        %mul3A_659 = arith.mulf %get3A_658, %gather3A : vector<16xf32>
        %swap3A_660 = arith.index_cast %and3A_303 : i32 to index
        %swap3A_661 = arith.index_cast %add3A_653 : i32 to index
        %swap3A_662 = arith.constant 0 : index
        %swap3A_663 = tpu.vector_load %arg19[%swap3A_660, %swap3A_661, %swap3A_662] {strides = array<i32>} : memref<2x128x128xf32, #tpu.memory_space<vmem>>, vector<16xf32>,
        tpu.vector_store %arg19[%swap3A_660, %swap3A_661, %swap3A_662], %mul3A_659 {strides = array<i32>} : memref<2x128x128xf32, #tpu.memory_space<vmem>>, vector<16xf32>,
        %get3A_664 = arith.index_cast %and3A_303 : i32 to index
        %get3A_665 = arith.index_cast %add3A_653 : i32 to index
        %get3A_666 = arith.constant 16 : index
        %get3A_667 = tpu.vector_load %arg19[%get3A_664, %get3A_665, %get3A_666] {strides = array<i32>} : memref<2x128x128xf32, #tpu.memory_space<vmem>>, vector<16xf32>,
        %mul3A_668 = arith.mulf %get3A_667, %gather3A : vector<16xf32>
        %swap3A_669 = arith.index_cast %and3A_303 : i32 to index
        %swap3A_670 = arith.index_cast %add3A_653 : i32 to index
        %swap3A_671 = arith.constant 16 : index
        %swap3A_672 = tpu.vector_load %arg19[%swap3A_669, %swap3A_670, %swap3A_671] {strides = array<i32>} : memref<2x128x128xf32, #tpu.memory_space<vmem>>, vector<16xf32>,
        tpu.vector_store %arg19[%swap3A_669, %swap3A_670, %swap3A_671], %mul3A_668 {strides = array<i32>} : memref<2x128x128xf32, #tpu.memory_space<vmem>>, vector<16xf32>,
        %get3A_673 = arith.index_cast %and3A_303 : i32 to index
        %get3A_674 = arith.index_cast %add3A_653 : i32 to index
        %get3A_675 = arith.constant 32 : index
        %get3A_676 = tpu.vector_load %arg19[%get3A_673, %get3A_674, %get3A_675] {strides = array<i32>} : memref<2x128x128xf32, #tpu.memory_space<vmem>>, vector<16xf32>,
        %mul3A_677 = arith.mulf %get3A_676, %gather3A : vector<16xf32>
        %swap3A_678 = arith.index_cast %and3A_303 : i32 to index
        %swap3A_679 = arith.index_cast %add3A_653 : i32 to index
        %swap3A_680 = arith.constant 32 : index
        %swap3A_681 = tpu.vector_load %arg19[%swap3A_678, %swap3A_679, %swap3A_680] {strides = array<i32>} : memref<2x128x128xf32, #tpu.memory_space<vmem>>, vector<16xf32>,
        tpu.vector_store %arg19[%swap3A_678, %swap3A_679, %swap3A_680], %mul3A_677 {strides = array<i32>} : memref<2x128x128xf32, #tpu.memory_space<vmem>>, vector<16xf32>,
        %get3A_682 = arith.index_cast %and3A_303 : i32 to index
        %get3A_683 = arith.index_cast %add3A_653 : i32 to index
        %get3A_684 = arith.constant 48 : index
        %get3A_685 = tpu.vector_load %arg19[%get3A_682, %get3A_683, %get3A_684] {strides = array<i32>} : memref<2x128x128xf32, #tpu.memory_space<vmem>>, vector<16xf32>,
        %mul3A_686 = arith.mulf %get3A_685, %gather3A : vector<16xf32>
        %swap3A_687 = arith.index_cast %and3A_303 : i32 to index
        %swap3A_688 = arith.index_cast %add3A_653 : i32 to index
        %swap3A_689 = arith.constant 48 : index
        %swap3A_690 = tpu.vector_load %arg19[%swap3A_687, %swap3A_688, %swap3A_689] {strides = array<i32>} : memref<2x128x128xf32, #tpu.memory_space<vmem>>, vector<16xf32>,
        tpu.vector_store %arg19[%swap3A_687, %swap3A_688, %swap3A_689], %mul3A_686 {strides = array<i32>} : memref<2x128x128xf32, #tpu.memory_space<vmem>>, vector<16xf32>,
        %get3A_691 = arith.index_cast %and3A_303 : i32 to index
        %get3A_692 = arith.index_cast %add3A_653 : i32 to index
        %get3A_693 = arith.constant 64 : index
        %get3A_694 = tpu.vector_load %arg19[%get3A_691, %get3A_692, %get3A_693] {strides = array<i32>} : memref<2x128x128xf32, #tpu.memory_space<vmem>>, vector<16xf32>,
        %mul3A_695 = arith.mulf %get3A_694, %gather3A : vector<16xf32>
        %swap3A_696 = arith.index_cast %and3A_303 : i32 to index
        %swap3A_697 = arith.index_cast %add3A_653 : i32 to index
        %swap3A_698 = arith.constant 64 : index
        %swap3A_699 = tpu.vector_load %arg19[%swap3A_696, %swap3A_697, %swap3A_698] {strides = array<i32>} : memref<2x128x128xf32, #tpu.memory_space<vmem>>, vector<16xf32>,
        tpu.vector_store %arg19[%swap3A_696, %swap3A_697, %swap3A_698], %mul3A_695 {strides = array<i32>} : memref<2x128x128xf32, #tpu.memory_space<vmem>>, vector<16xf32>,
        %get3A_700 = arith.index_cast %and3A_303 : i32 to index
        %get3A_701 = arith.index_cast %add3A_653 : i32 to index
        %get3A_702 = arith.constant 80 : index
        %get3A_703 = tpu.vector_load %arg19[%get3A_700, %get3A_701, %get3A_702] {strides = array<i32>} : memref<2x128x128xf32, #tpu.memory_space<vmem>>, vector<16xf32>,
        %mul3A_704 = arith.mulf %get3A_703, %gather3A : vector<16xf32>
        %swap3A_705 = arith.index_cast %and3A_303 : i32 to index
        %swap3A_706 = arith.index_cast %add3A_653 : i32 to index
        %swap3A_707 = arith.constant 80 : index
        %swap3A_708 = tpu.vector_load %arg19[%swap3A_705, %swap3A_706, %swap3A_707] {strides = array<i32>} : memref<2x128x128xf32, #tpu.memory_space<vmem>>, vector<16xf32>,
        tpu.vector_store %arg19[%swap3A_705, %swap3A_706, %swap3A_707], %mul3A_704 {strides = array<i32>} : memref<2x128x128xf32, #tpu.memory_space<vmem>>, vector<16xf32>,
        %get3A_709 = arith.index_cast %and3A_303 : i32 to index
        %get3A_710 = arith.index_cast %add3A_653 : i32 to index
        %get3A_711 = arith.constant 96 : index
        %get3A_712 = tpu.vector_load %arg19[%get3A_709, %get3A_710, %get3A_711] {strides = array<i32>} : memref<2x128x128xf32, #tpu.memory_space<vmem>>, vector<16xf32>,
        %mul3A_713 = arith.mulf %get3A_712, %gather3A : vector<16xf32>
        %swap3A_714 = arith.index_cast %and3A_303 : i32 to index
        %swap3A_715 = arith.index_cast %add3A_653 : i32 to index
        %swap3A_716 = arith.constant 96 : index
        %swap3A_717 = tpu.vector_load %arg19[%swap3A_714, %swap3A_715, %swap3A_716] {strides = array<i32>} : memref<2x128x128xf32, #tpu.memory_space<vmem>>, vector<16xf32>,
        tpu.vector_store %arg19[%swap3A_714, %swap3A_715, %swap3A_716], %mul3A_713 {strides = array<i32>} : memref<2x128x128xf32, #tpu.memory_space<vmem>>, vector<16xf32>,
        %get3A_718 = arith.index_cast %and3A_303 : i32 to index
        %get3A_719 = arith.index_cast %add3A_653 : i32 to index
        %get3A_720 = arith.constant 112 : index
        %get3A_721 = tpu.vector_load %arg19[%get3A_718, %get3A_719, %get3A_720] {strides = array<i32>} : memref<2x128x128xf32, #tpu.memory_space<vmem>>, vector<16xf32>,
        %mul3A_722 = arith.mulf %get3A_721, %gather3A : vector<16xf32>
        %swap3A_723 = arith.index_cast %and3A_303 : i32 to index
        %swap3A_724 = arith.index_cast %add3A_653 : i32 to index
        %swap3A_725 = arith.constant 112 : index
        %swap3A_726 = tpu.vector_load %arg19[%swap3A_723, %swap3A_724, %swap3A_725] {strides = array<i32>} : memref<2x128x128xf32, #tpu.memory_space<vmem>>, vector<16xf32>,
        tpu.vector_store %arg19[%swap3A_723, %swap3A_724, %swap3A_725], %mul3A_722 {strides = array<i32>} : memref<2x128x128xf32, #tpu.memory_space<vmem>>, vector<16xf32>,
        %mul3A_727 = arith.constant 4 : i32
        %mul3A_728 = arith.muli %scan3A_649, %mul3A_727 : i32
        %add3A_729 = arith.constant 1 : i32
        %add3A_730 = arith.addi %mul3A_728, %add3A_729 : i32
        %broadcast_in_dim3A_731 = vector.broadcast %add3A_730 : i32 to vector<16xi32>
        %gather3A_732 = tpu.vector_load_idx %arg18[%broadcast_in_dim3A_625, %broadcast_in_dim3A_731] : memref<2x128xf32, #tpu.memory_space<vmem>>[vector<16xi32>, vector<16xi32>], vector<16xf32>,
        %get3A_733 = arith.index_cast %and3A_303 : i32 to index
        %get3A_734 = arith.index_cast %add3A_730 : i32 to index
        %get3A_735 = arith.constant 0 : index
        %get3A_736 = tpu.vector_load %arg19[%get3A_733, %get3A_734, %get3A_735] {strides = array<i32>} : memref<2x128x128xf32, #tpu.memory_space<vmem>>, vector<16xf32>,
        %mul3A_737 = arith.mulf %get3A_736, %gather3A_732 : vector<16xf32>
        %swap3A_738 = arith.index_cast %and3A_303 : i32 to index
        %swap3A_739 = arith.index_cast %add3A_730 : i32 to index
        %swap3A_740 = arith.constant 0 : index
        %swap3A_741 = tpu.vector_load %arg19[%swap3A_738, %swap3A_739, %swap3A_740] {strides = array<i32>} : memref<2x128x128xf32, #tpu.memory_space<vmem>>, vector<16xf32>,
        tpu.vector_store %arg19[%swap3A_738, %swap3A_739, %swap3A_740], %mul3A_737 {strides = array<i32>} : memref<2x128x128xf32, #tpu.memory_space<vmem>>, vector<16xf32>,
        %get3A_742 = arith.index_cast %and3A_303 : i32 to index
        %get3A_743 = arith.index_cast %add3A_730 : i32 to index
        %get3A_744 = arith.constant 16 : index
        %get3A_745 = tpu.vector_load %arg19[%get3A_742, %get3A_743, %get3A_744] {strides = array<i32>} : memref<2x128x128xf32, #tpu.memory_space<vmem>>, vector<16xf32>,
        %mul3A_746 = arith.mulf %get3A_745, %gather3A_732 : vector<16xf32>
        %swap3A_747 = arith.index_cast %and3A_303 : i32 to index
        %swap3A_748 = arith.index_cast %add3A_730 : i32 to index
        %swap3A_749 = arith.constant 16 : index
        %swap3A_750 = tpu.vector_load %arg19[%swap3A_747, %swap3A_748, %swap3A_749] {strides = array<i32>} : memref<2x128x128xf32, #tpu.memory_space<vmem>>, vector<16xf32>,
        tpu.vector_store %arg19[%swap3A_747, %swap3A_748, %swap3A_749], %mul3A_746 {strides = array<i32>} : memref<2x128x128xf32, #tpu.memory_space<vmem>>, vector<16xf32>,
        %get3A_751 = arith.index_cast %and3A_303 : i32 to index
        %get3A_752 = arith.index_cast %add3A_730 : i32 to index
        %get3A_753 = arith.constant 32 : index
        %get3A_754 = tpu.vector_load %arg19[%get3A_751, %get3A_752, %get3A_753] {strides = array<i32>} : memref<2x128x128xf32, #tpu.memory_space<vmem>>, vector<16xf32>,
        %mul3A_755 = arith.mulf %get3A_754, %gather3A_732 : vector<16xf32>
        %swap3A_756 = arith.index_cast %and3A_303 : i32 to index
        %swap3A_757 = arith.index_cast %add3A_730 : i32 to index
        %swap3A_758 = arith.constant 32 : index
        %swap3A_759 = tpu.vector_load %arg19[%swap3A_756, %swap3A_757, %swap3A_758] {strides = array<i32>} : memref<2x128x128xf32, #tpu.memory_space<vmem>>, vector<16xf32>,
        tpu.vector_store %arg19[%swap3A_756, %swap3A_757, %swap3A_758], %mul3A_755 {strides = array<i32>} : memref<2x128x128xf32, #tpu.memory_space<vmem>>, vector<16xf32>,
        %get3A_760 = arith.index_cast %and3A_303 : i32 to index
        %get3A_761 = arith.index_cast %add3A_730 : i32 to index
        %get3A_762 = arith.constant 48 : index
        %get3A_763 = tpu.vector_load %arg19[%get3A_760, %get3A_761, %get3A_762] {strides = array<i32>} : memref<2x128x128xf32, #tpu.memory_space<vmem>>, vector<16xf32>,
        %mul3A_764 = arith.mulf %get3A_763, %gather3A_732 : vector<16xf32>
        %swap3A_765 = arith.index_cast %and3A_303 : i32 to index
        %swap3A_766 = arith.index_cast %add3A_730 : i32 to index
        %swap3A_767 = arith.constant 48 : index
        %swap3A_768 = tpu.vector_load %arg19[%swap3A_765, %swap3A_766, %swap3A_767] {strides = array<i32>} : memref<2x128x128xf32, #tpu.memory_space<vmem>>, vector<16xf32>,
        tpu.vector_store %arg19[%swap3A_765, %swap3A_766, %swap3A_767], %mul3A_764 {strides = array<i32>} : memref<2x128x128xf32, #tpu.memory_space<vmem>>, vector<16xf32>,
        %get3A_769 = arith.index_cast %and3A_303 : i32 to index
        %get3A_770 = arith.index_cast %add3A_730 : i32 to index
        %get3A_771 = arith.constant 64 : index
        %get3A_772 = tpu.vector_load %arg19[%get3A_769, %get3A_770, %get3A_771] {strides = array<i32>} : memref<2x128x128xf32, #tpu.memory_space<vmem>>, vector<16xf32>,
        %mul3A_773 = arith.mulf %get3A_772, %gather3A_732 : vector<16xf32>
        %swap3A_774 = arith.index_cast %and3A_303 : i32 to index
        %swap3A_775 = arith.index_cast %add3A_730 : i32 to index
        %swap3A_776 = arith.constant 64 : index
        %swap3A_777 = tpu.vector_load %arg19[%swap3A_774, %swap3A_775, %swap3A_776] {strides = array<i32>} : memref<2x128x128xf32, #tpu.memory_space<vmem>>, vector<16xf32>,
        tpu.vector_store %arg19[%swap3A_774, %swap3A_775, %swap3A_776], %mul3A_773 {strides = array<i32>} : memref<2x128x128xf32, #tpu.memory_space<vmem>>, vector<16xf32>,
        %get3A_778 = arith.index_cast %and3A_303 : i32 to index
        %get3A_779 = arith.index_cast %add3A_730 : i32 to index
        %get3A_780 = arith.constant 80 : index
        %get3A_781 = tpu.vector_load %arg19[%get3A_778, %get3A_779, %get3A_780] {strides = array<i32>} : memref<2x128x128xf32, #tpu.memory_space<vmem>>, vector<16xf32>,
        %mul3A_782 = arith.mulf %get3A_781, %gather3A_732 : vector<16xf32>
        %swap3A_783 = arith.index_cast %and3A_303 : i32 to index
        %swap3A_784 = arith.index_cast %add3A_730 : i32 to index
        %swap3A_785 = arith.constant 80 : index
        %swap3A_786 = tpu.vector_load %arg19[%swap3A_783, %swap3A_784, %swap3A_785] {strides = array<i32>} : memref<2x128x128xf32, #tpu.memory_space<vmem>>, vector<16xf32>,
        tpu.vector_store %arg19[%swap3A_783, %swap3A_784, %swap3A_785], %mul3A_782 {strides = array<i32>} : memref<2x128x128xf32, #tpu.memory_space<vmem>>, vector<16xf32>,
        %get3A_787 = arith.index_cast %and3A_303 : i32 to index
        %get3A_788 = arith.index_cast %add3A_730 : i32 to index
        %get3A_789 = arith.constant 96 : index
        %get3A_790 = tpu.vector_load %arg19[%get3A_787, %get3A_788, %get3A_789] {strides = array<i32>} : memref<2x128x128xf32, #tpu.memory_space<vmem>>, vector<16xf32>,
        %mul3A_791 = arith.mulf %get3A_790, %gather3A_732 : vector<16xf32>
        %swap3A_792 = arith.index_cast %and3A_303 : i32 to index
        %swap3A_793 = arith.index_cast %add3A_730 : i32 to index
        %swap3A_794 = arith.constant 96 : index
        %swap3A_795 = tpu.vector_load %arg19[%swap3A_792, %swap3A_793, %swap3A_794] {strides = array<i32>} : memref<2x128x128xf32, #tpu.memory_space<vmem>>, vector<16xf32>,
        tpu.vector_store %arg19[%swap3A_792, %swap3A_793, %swap3A_794], %mul3A_791 {strides = array<i32>} : memref<2x128x128xf32, #tpu.memory_space<vmem>>, vector<16xf32>,
        %get3A_796 = arith.index_cast %and3A_303 : i32 to index
        %get3A_797 = arith.index_cast %add3A_730 : i32 to index
        %get3A_798 = arith.constant 112 : index
        %get3A_799 = tpu.vector_load %arg19[%get3A_796, %get3A_797, %get3A_798] {strides = array<i32>} : memref<2x128x128xf32, #tpu.memory_space<vmem>>, vector<16xf32>,
        %mul3A_800 = arith.mulf %get3A_799, %gather3A_732 : vector<16xf32>
        %swap3A_801 = arith.index_cast %and3A_303 : i32 to index
        %swap3A_802 = arith.index_cast %add3A_730 : i32 to index
        %swap3A_803 = arith.constant 112 : index
        %swap3A_804 = tpu.vector_load %arg19[%swap3A_801, %swap3A_802, %swap3A_803] {strides = array<i32>} : memref<2x128x128xf32, #tpu.memory_space<vmem>>, vector<16xf32>,
        tpu.vector_store %arg19[%swap3A_801, %swap3A_802, %swap3A_803], %mul3A_800 {strides = array<i32>} : memref<2x128x128xf32, #tpu.memory_space<vmem>>, vector<16xf32>,
        %mul3A_805 = arith.constant 4 : i32
        %mul3A_806 = arith.muli %scan3A_649, %mul3A_805 : i32
        %add3A_807 = arith.constant 2 : i32
        %add3A_808 = arith.addi %mul3A_806, %add3A_807 : i32
        %broadcast_in_dim3A_809 = vector.broadcast %add3A_808 : i32 to vector<16xi32>
        %gather3A_810 = tpu.vector_load_idx %arg18[%broadcast_in_dim3A_625, %broadcast_in_dim3A_809] : memref<2x128xf32, #tpu.memory_space<vmem>>[vector<16xi32>, vector<16xi32>], vector<16xf32>,
        %get3A_811 = arith.index_cast %and3A_303 : i32 to index
        %get3A_812 = arith.index_cast %add3A_808 : i32 to index
        %get3A_813 = arith.constant 0 : index
        %get3A_814 = tpu.vector_load %arg19[%get3A_811, %get3A_812, %get3A_813] {strides = array<i32>} : memref<2x128x128xf32, #tpu.memory_space<vmem>>, vector<16xf32>,
        %mul3A_815 = arith.mulf %get3A_814, %gather3A_810 : vector<16xf32>
        %swap3A_816 = arith.index_cast %and3A_303 : i32 to index
        %swap3A_817 = arith.index_cast %add3A_808 : i32 to index
        %swap3A_818 = arith.constant 0 : index
        %swap3A_819 = tpu.vector_load %arg19[%swap3A_816, %swap3A_817, %swap3A_818] {strides = array<i32>} : memref<2x128x128xf32, #tpu.memory_space<vmem>>, vector<16xf32>,
        tpu.vector_store %arg19[%swap3A_816, %swap3A_817, %swap3A_818], %mul3A_815 {strides = array<i32>} : memref<2x128x128xf32, #tpu.memory_space<vmem>>, vector<16xf32>,
        %get3A_820 = arith.index_cast %and3A_303 : i32 to index
        %get3A_821 = arith.index_cast %add3A_808 : i32 to index
        %get3A_822 = arith.constant 16 : index
        %get3A_823 = tpu.vector_load %arg19[%get3A_820, %get3A_821, %get3A_822] {strides = array<i32>} : memref<2x128x128xf32, #tpu.memory_space<vmem>>, vector<16xf32>,
        %mul3A_824 = arith.mulf %get3A_823, %gather3A_810 : vector<16xf32>
        %swap3A_825 = arith.index_cast %and3A_303 : i32 to index
        %swap3A_826 = arith.index_cast %add3A_808 : i32 to index
        %swap3A_827 = arith.constant 16 : index
        %swap3A_828 = tpu.vector_load %arg19[%swap3A_825, %swap3A_826, %swap3A_827] {strides = array<i32>} : memref<2x128x128xf32, #tpu.memory_space<vmem>>, vector<16xf32>,
        tpu.vector_store %arg19[%swap3A_825, %swap3A_826, %swap3A_827], %mul3A_824 {strides = array<i32>} : memref<2x128x128xf32, #tpu.memory_space<vmem>>, vector<16xf32>,
        %get3A_829 = arith.index_cast %and3A_303 : i32 to index
        %get3A_830 = arith.index_cast %add3A_808 : i32 to index
        %get3A_831 = arith.constant 32 : index
        %get3A_832 = tpu.vector_load %arg19[%get3A_829, %get3A_830, %get3A_831] {strides = array<i32>} : memref<2x128x128xf32, #tpu.memory_space<vmem>>, vector<16xf32>,
        %mul3A_833 = arith.mulf %get3A_832, %gather3A_810 : vector<16xf32>
        %swap3A_834 = arith.index_cast %and3A_303 : i32 to index
        %swap3A_835 = arith.index_cast %add3A_808 : i32 to index
        %swap3A_836 = arith.constant 32 : index
        %swap3A_837 = tpu.vector_load %arg19[%swap3A_834, %swap3A_835, %swap3A_836] {strides = array<i32>} : memref<2x128x128xf32, #tpu.memory_space<vmem>>, vector<16xf32>,
        tpu.vector_store %arg19[%swap3A_834, %swap3A_835, %swap3A_836], %mul3A_833 {strides = array<i32>} : memref<2x128x128xf32, #tpu.memory_space<vmem>>, vector<16xf32>,
        %get3A_838 = arith.index_cast %and3A_303 : i32 to index
        %get3A_839 = arith.index_cast %add3A_808 : i32 to index
        %get3A_840 = arith.constant 48 : index
        %get3A_841 = tpu.vector_load %arg19[%get3A_838, %get3A_839, %get3A_840] {strides = array<i32>} : memref<2x128x128xf32, #tpu.memory_space<vmem>>, vector<16xf32>,
        %mul3A_842 = arith.mulf %get3A_841, %gather3A_810 : vector<16xf32>
        %swap3A_843 = arith.index_cast %and3A_303 : i32 to index
        %swap3A_844 = arith.index_cast %add3A_808 : i32 to index
        %swap3A_845 = arith.constant 48 : index
        %swap3A_846 = tpu.vector_load %arg19[%swap3A_843, %swap3A_844, %swap3A_845] {strides = array<i32>} : memref<2x128x128xf32, #tpu.memory_space<vmem>>, vector<16xf32>,
        tpu.vector_store %arg19[%swap3A_843, %swap3A_844, %swap3A_845], %mul3A_842 {strides = array<i32>} : memref<2x128x128xf32, #tpu.memory_space<vmem>>, vector<16xf32>,
        %get3A_847 = arith.index_cast %and3A_303 : i32 to index
        %get3A_848 = arith.index_cast %add3A_808 : i32 to index
        %get3A_849 = arith.constant 64 : index
        %get3A_850 = tpu.vector_load %arg19[%get3A_847, %get3A_848, %get3A_849] {strides = array<i32>} : memref<2x128x128xf32, #tpu.memory_space<vmem>>, vector<16xf32>,
        %mul3A_851 = arith.mulf %get3A_850, %gather3A_810 : vector<16xf32>
        %swap3A_852 = arith.index_cast %and3A_303 : i32 to index
        %swap3A_853 = arith.index_cast %add3A_808 : i32 to index
        %swap3A_854 = arith.constant 64 : index
        %swap3A_855 = tpu.vector_load %arg19[%swap3A_852, %swap3A_853, %swap3A_854] {strides = array<i32>} : memref<2x128x128xf32, #tpu.memory_space<vmem>>, vector<16xf32>,
        tpu.vector_store %arg19[%swap3A_852, %swap3A_853, %swap3A_854], %mul3A_851 {strides = array<i32>} : memref<2x128x128xf32, #tpu.memory_space<vmem>>, vector<16xf32>,
        %get3A_856 = arith.index_cast %and3A_303 : i32 to index
        %get3A_857 = arith.index_cast %add3A_808 : i32 to index
        %get3A_858 = arith.constant 80 : index
        %get3A_859 = tpu.vector_load %arg19[%get3A_856, %get3A_857, %get3A_858] {strides = array<i32>} : memref<2x128x128xf32, #tpu.memory_space<vmem>>, vector<16xf32>,
        %mul3A_860 = arith.mulf %get3A_859, %gather3A_810 : vector<16xf32>
        %swap3A_861 = arith.index_cast %and3A_303 : i32 to index
        %swap3A_862 = arith.index_cast %add3A_808 : i32 to index
        %swap3A_863 = arith.constant 80 : index
        %swap3A_864 = tpu.vector_load %arg19[%swap3A_861, %swap3A_862, %swap3A_863] {strides = array<i32>} : memref<2x128x128xf32, #tpu.memory_space<vmem>>, vector<16xf32>,
        tpu.vector_store %arg19[%swap3A_861, %swap3A_862, %swap3A_863], %mul3A_860 {strides = array<i32>} : memref<2x128x128xf32, #tpu.memory_space<vmem>>, vector<16xf32>,
        %get3A_865 = arith.index_cast %and3A_303 : i32 to index
        %get3A_866 = arith.index_cast %add3A_808 : i32 to index
        %get3A_867 = arith.constant 96 : index
        %get3A_868 = tpu.vector_load %arg19[%get3A_865, %get3A_866, %get3A_867] {strides = array<i32>} : memref<2x128x128xf32, #tpu.memory_space<vmem>>, vector<16xf32>,
        %mul3A_869 = arith.mulf %get3A_868, %gather3A_810 : vector<16xf32>
        %swap3A_870 = arith.index_cast %and3A_303 : i32 to index
        %swap3A_871 = arith.index_cast %add3A_808 : i32 to index
        %swap3A_872 = arith.constant 96 : index
        %swap3A_873 = tpu.vector_load %arg19[%swap3A_870, %swap3A_871, %swap3A_872] {strides = array<i32>} : memref<2x128x128xf32, #tpu.memory_space<vmem>>, vector<16xf32>,
        tpu.vector_store %arg19[%swap3A_870, %swap3A_871, %swap3A_872], %mul3A_869 {strides = array<i32>} : memref<2x128x128xf32, #tpu.memory_space<vmem>>, vector<16xf32>,
        %get3A_874 = arith.index_cast %and3A_303 : i32 to index
        %get3A_875 = arith.index_cast %add3A_808 : i32 to index
        %get3A_876 = arith.constant 112 : index
        %get3A_877 = tpu.vector_load %arg19[%get3A_874, %get3A_875, %get3A_876] {strides = array<i32>} : memref<2x128x128xf32, #tpu.memory_space<vmem>>, vector<16xf32>,
        %mul3A_878 = arith.mulf %get3A_877, %gather3A_810 : vector<16xf32>
        %swap3A_879 = arith.index_cast %and3A_303 : i32 to index
        %swap3A_880 = arith.index_cast %add3A_808 : i32 to index
        %swap3A_881 = arith.constant 112 : index
        %swap3A_882 = tpu.vector_load %arg19[%swap3A_879, %swap3A_880, %swap3A_881] {strides = array<i32>} : memref<2x128x128xf32, #tpu.memory_space<vmem>>, vector<16xf32>,
        tpu.vector_store %arg19[%swap3A_879, %swap3A_880, %swap3A_881], %mul3A_878 {strides = array<i32>} : memref<2x128x128xf32, #tpu.memory_space<vmem>>, vector<16xf32>,
        %mul3A_883 = arith.constant 4 : i32
        %mul3A_884 = arith.muli %scan3A_649, %mul3A_883 : i32
        %add3A_885 = arith.constant 3 : i32
        %add3A_886 = arith.addi %mul3A_884, %add3A_885 : i32
        %broadcast_in_dim3A_887 = vector.broadcast %add3A_886 : i32 to vector<16xi32>
        %gather3A_888 = tpu.vector_load_idx %arg18[%broadcast_in_dim3A_625, %broadcast_in_dim3A_887] : memref<2x128xf32, #tpu.memory_space<vmem>>[vector<16xi32>, vector<16xi32>], vector<16xf32>,
        %get3A_889 = arith.index_cast %and3A_303 : i32 to index
        %get3A_890 = arith.index_cast %add3A_886 : i32 to index
        %get3A_891 = arith.constant 0 : index
        %get3A_892 = tpu.vector_load %arg19[%get3A_889, %get3A_890, %get3A_891] {strides = array<i32>} : memref<2x128x128xf32, #tpu.memory_space<vmem>>, vector<16xf32>,
        %mul3A_893 = arith.mulf %get3A_892, %gather3A_888 : vector<16xf32>
        %swap3A_894 = arith.index_cast %and3A_303 : i32 to index
        %swap3A_895 = arith.index_cast %add3A_886 : i32 to index
        %swap3A_896 = arith.constant 0 : index
        %swap3A_897 = tpu.vector_load %arg19[%swap3A_894, %swap3A_895, %swap3A_896] {strides = array<i32>} : memref<2x128x128xf32, #tpu.memory_space<vmem>>, vector<16xf32>,
        tpu.vector_store %arg19[%swap3A_894, %swap3A_895, %swap3A_896], %mul3A_893 {strides = array<i32>} : memref<2x128x128xf32, #tpu.memory_space<vmem>>, vector<16xf32>,
        %get3A_898 = arith.index_cast %and3A_303 : i32 to index
        %get3A_899 = arith.index_cast %add3A_886 : i32 to index
        %get3A_900 = arith.constant 16 : index
        %get3A_901 = tpu.vector_load %arg19[%get3A_898, %get3A_899, %get3A_900] {strides = array<i32>} : memref<2x128x128xf32, #tpu.memory_space<vmem>>, vector<16xf32>,
        %mul3A_902 = arith.mulf %get3A_901, %gather3A_888 : vector<16xf32>
        %swap3A_903 = arith.index_cast %and3A_303 : i32 to index
        %swap3A_904 = arith.index_cast %add3A_886 : i32 to index
        %swap3A_905 = arith.constant 16 : index
        %swap3A_906 = tpu.vector_load %arg19[%swap3A_903, %swap3A_904, %swap3A_905] {strides = array<i32>} : memref<2x128x128xf32, #tpu.memory_space<vmem>>, vector<16xf32>,
        tpu.vector_store %arg19[%swap3A_903, %swap3A_904, %swap3A_905], %mul3A_902 {strides = array<i32>} : memref<2x128x128xf32, #tpu.memory_space<vmem>>, vector<16xf32>,
        %get3A_907 = arith.index_cast %and3A_303 : i32 to index
        %get3A_908 = arith.index_cast %add3A_886 : i32 to index
        %get3A_909 = arith.constant 32 : index
        %get3A_910 = tpu.vector_load %arg19[%get3A_907, %get3A_908, %get3A_909] {strides = array<i32>} : memref<2x128x128xf32, #tpu.memory_space<vmem>>, vector<16xf32>,
        %mul3A_911 = arith.mulf %get3A_910, %gather3A_888 : vector<16xf32>
        %swap3A_912 = arith.index_cast %and3A_303 : i32 to index
        %swap3A_913 = arith.index_cast %add3A_886 : i32 to index
        %swap3A_914 = arith.constant 32 : index
        %swap3A_915 = tpu.vector_load %arg19[%swap3A_912, %swap3A_913, %swap3A_914] {strides = array<i32>} : memref<2x128x128xf32, #tpu.memory_space<vmem>>, vector<16xf32>,
        tpu.vector_store %arg19[%swap3A_912, %swap3A_913, %swap3A_914], %mul3A_911 {strides = array<i32>} : memref<2x128x128xf32, #tpu.memory_space<vmem>>, vector<16xf32>,
        %get3A_916 = arith.index_cast %and3A_303 : i32 to index
        %get3A_917 = arith.index_cast %add3A_886 : i32 to index
        %get3A_918 = arith.constant 48 : index
        %get3A_919 = tpu.vector_load %arg19[%get3A_916, %get3A_917, %get3A_918] {strides = array<i32>} : memref<2x128x128xf32, #tpu.memory_space<vmem>>, vector<16xf32>,
        %mul3A_920 = arith.mulf %get3A_919, %gather3A_888 : vector<16xf32>
        %swap3A_921 = arith.index_cast %and3A_303 : i32 to index
        %swap3A_922 = arith.index_cast %add3A_886 : i32 to index
        %swap3A_923 = arith.constant 48 : index
        %swap3A_924 = tpu.vector_load %arg19[%swap3A_921, %swap3A_922, %swap3A_923] {strides = array<i32>} : memref<2x128x128xf32, #tpu.memory_space<vmem>>, vector<16xf32>,
        tpu.vector_store %arg19[%swap3A_921, %swap3A_922, %swap3A_923], %mul3A_920 {strides = array<i32>} : memref<2x128x128xf32, #tpu.memory_space<vmem>>, vector<16xf32>,
        %get3A_925 = arith.index_cast %and3A_303 : i32 to index
        %get3A_926 = arith.index_cast %add3A_886 : i32 to index
        %get3A_927 = arith.constant 64 : index
        %get3A_928 = tpu.vector_load %arg19[%get3A_925, %get3A_926, %get3A_927] {strides = array<i32>} : memref<2x128x128xf32, #tpu.memory_space<vmem>>, vector<16xf32>,
        %mul3A_929 = arith.mulf %get3A_928, %gather3A_888 : vector<16xf32>
        %swap3A_930 = arith.index_cast %and3A_303 : i32 to index
        %swap3A_931 = arith.index_cast %add3A_886 : i32 to index
        %swap3A_932 = arith.constant 64 : index
        %swap3A_933 = tpu.vector_load %arg19[%swap3A_930, %swap3A_931, %swap3A_932] {strides = array<i32>} : memref<2x128x128xf32, #tpu.memory_space<vmem>>, vector<16xf32>,
        tpu.vector_store %arg19[%swap3A_930, %swap3A_931, %swap3A_932], %mul3A_929 {strides = array<i32>} : memref<2x128x128xf32, #tpu.memory_space<vmem>>, vector<16xf32>,
        %get3A_934 = arith.index_cast %and3A_303 : i32 to index
        %get3A_935 = arith.index_cast %add3A_886 : i32 to index
        %get3A_936 = arith.constant 80 : index
        %get3A_937 = tpu.vector_load %arg19[%get3A_934, %get3A_935, %get3A_936] {strides = array<i32>} : memref<2x128x128xf32, #tpu.memory_space<vmem>>, vector<16xf32>,
        %mul3A_938 = arith.mulf %get3A_937, %gather3A_888 : vector<16xf32>
        %swap3A_939 = arith.index_cast %and3A_303 : i32 to index
        %swap3A_940 = arith.index_cast %add3A_886 : i32 to index
        %swap3A_941 = arith.constant 80 : index
        %swap3A_942 = tpu.vector_load %arg19[%swap3A_939, %swap3A_940, %swap3A_941] {strides = array<i32>} : memref<2x128x128xf32, #tpu.memory_space<vmem>>, vector<16xf32>,
        tpu.vector_store %arg19[%swap3A_939, %swap3A_940, %swap3A_941], %mul3A_938 {strides = array<i32>} : memref<2x128x128xf32, #tpu.memory_space<vmem>>, vector<16xf32>,
        %get3A_943 = arith.index_cast %and3A_303 : i32 to index
        %get3A_944 = arith.index_cast %add3A_886 : i32 to index
        %get3A_945 = arith.constant 96 : index
        %get3A_946 = tpu.vector_load %arg19[%get3A_943, %get3A_944, %get3A_945] {strides = array<i32>} : memref<2x128x128xf32, #tpu.memory_space<vmem>>, vector<16xf32>,
        %mul3A_947 = arith.mulf %get3A_946, %gather3A_888 : vector<16xf32>
        %swap3A_948 = arith.index_cast %and3A_303 : i32 to index
        %swap3A_949 = arith.index_cast %add3A_886 : i32 to index
        %swap3A_950 = arith.constant 96 : index
        %swap3A_951 = tpu.vector_load %arg19[%swap3A_948, %swap3A_949, %swap3A_950] {strides = array<i32>} : memref<2x128x128xf32, #tpu.memory_space<vmem>>, vector<16xf32>,
        tpu.vector_store %arg19[%swap3A_948, %swap3A_949, %swap3A_950], %mul3A_947 {strides = array<i32>} : memref<2x128x128xf32, #tpu.memory_space<vmem>>, vector<16xf32>,
        %get3A_952 = arith.index_cast %and3A_303 : i32 to index
        %get3A_953 = arith.index_cast %add3A_886 : i32 to index
        %get3A_954 = arith.constant 112 : index
        %get3A_955 = tpu.vector_load %arg19[%get3A_952, %get3A_953, %get3A_954] {strides = array<i32>} : memref<2x128x128xf32, #tpu.memory_space<vmem>>, vector<16xf32>,
        %mul3A_956 = arith.mulf %get3A_955, %gather3A_888 : vector<16xf32>
        %swap3A_957 = arith.index_cast %and3A_303 : i32 to index
        %swap3A_958 = arith.index_cast %add3A_886 : i32 to index
        %swap3A_959 = arith.constant 112 : index
        %swap3A_960 = tpu.vector_load %arg19[%swap3A_957, %swap3A_958, %swap3A_959] {strides = array<i32>} : memref<2x128x128xf32, #tpu.memory_space<vmem>>, vector<16xf32>,
        tpu.vector_store %arg19[%swap3A_957, %swap3A_958, %swap3A_959], %mul3A_956 {strides = array<i32>} : memref<2x128x128xf32, #tpu.memory_space<vmem>>, vector<16xf32>,
      }
      %scan3A_630 = arith.constant 32 : i32
      %dma_start3A_631 = arith.constant 0 : i32
      %dma_start3A_632 = tpu.memref_slice %arg18[%and3A_303, %dma_start3A_631] : memref<2x128xf32, #tpu.memory_space<vmem>> -> memref<1x128xf32, #tpu.memory_space<vmem>>
      %dma_start3A_633 = tpu.memref_squeeze %dma_start3A_632 : memref<1x128xf32, #tpu.memory_space<vmem>> -> memref<128xf32, #tpu.memory_space<vmem>>
      %dma_start3A_634 = arith.constant 0 : i32
      %dma_start3A_635 = tpu.memref_slice %arg15[%scan3A_302, %dma_start3A_634] : memref<40x128xi32, #tpu.memory_space<vmem>> -> memref<1x128xi32, #tpu.memory_space<vmem>>
      %dma_start3A_636 = tpu.memref_squeeze %dma_start3A_635 : memref<1x128xi32, #tpu.memory_space<vmem>> -> memref<128xi32, #tpu.memory_space<vmem>>
      %dma_start3A_637 = arith.constant 0 : i32
      %dma_start3A_638 = tpu.memref_slice %arg24[%dma_start3A_637] : memref<10240xf32, #tpu.memory_space<vmem_shared>> -> memref<10240xf32, #tpu.memory_space<vmem_shared>>
      tpu.enqueue_indirect_dma source(%dma_start3A_633 : memref<128xf32, #tpu.memory_space<vmem>>) target(%dma_start3A_638 : memref<10240xf32, #tpu.memory_space<vmem_shared>>) offsets(%dma_start3A_636 : memref<128xi32, #tpu.memory_space<vmem>>) semaphore(%arg28 : memref<!tpu.dma_semaphore, #tpu.memory_space<semaphore_mem>>) {add = true}
      %dma_start3A_639 = arith.constant 0 : i32
      %dma_start3A_640 = arith.constant 0 : i32
      %dma_start3A_641 = tpu.memref_slice %arg19[%and3A_303, %dma_start3A_639, %dma_start3A_640] : memref<2x128x128xf32, #tpu.memory_space<vmem>> -> memref<1x128x128xf32, #tpu.memory_space<vmem>>
      %dma_start3A_642 = tpu.memref_squeeze %dma_start3A_641 : memref<1x128x128xf32, #tpu.memory_space<vmem>> -> memref<128x128xf32, #tpu.memory_space<vmem>>
      %dma_start3A_643 = arith.constant 0 : i32
      %dma_start3A_644 = tpu.memref_slice %arg15[%scan3A_302, %dma_start3A_643] : memref<40x128xi32, #tpu.memory_space<vmem>> -> memref<1x128xi32, #tpu.memory_space<vmem>>
      %dma_start3A_645 = tpu.memref_squeeze %dma_start3A_644 : memref<1x128xi32, #tpu.memory_space<vmem>> -> memref<128xi32, #tpu.memory_space<vmem>>
      %dma_start3A_646 = arith.constant 0 : i32
      %dma_start3A_647 = arith.constant 0 : i32
      %dma_start3A_648 = tpu.memref_slice %arg23[%dma_start3A_646, %dma_start3A_647] : memref<10240x128xf32, #tpu.memory_space<vmem_shared>> -> memref<10240x128xf32, #tpu.memory_space<vmem_shared>>
      tpu.enqueue_indirect_dma source(%dma_start3A_642 : memref<128x128xf32, #tpu.memory_space<vmem>>) target(%dma_start3A_648 : memref<10240x128xf32, #tpu.memory_space<vmem_shared>>) offsets(%dma_start3A_645 : memref<128xi32, #tpu.memory_space<vmem>>) semaphore(%arg27 : memref<!tpu.dma_semaphore, #tpu.memory_space<semaphore_mem>>) {add = true}
    }
    %scan3A_79 = arith.constant 40 : i32
    %dma_wait3A = arith.constant 1 : i32
    %dma_wait3A_80 = arith.constant 39 : i32
    %dma_wait3A_81 = arith.constant 0 : i32
    %dma_wait3A_82 = arith.constant 0 : i32
    %dma_wait3A_83 = tpu.memref_slice %arg19[%dma_wait3A, %dma_wait3A_81, %dma_wait3A_82] : memref<2x128x128xf32, #tpu.memory_space<vmem>> -> memref<1x128x128xf32, #tpu.memory_space<vmem>>
    %dma_wait3A_84 = tpu.memref_squeeze %dma_wait3A_83 : memref<1x128x128xf32, #tpu.memory_space<vmem>> -> memref<128x128xf32, #tpu.memory_space<vmem>>
    %dma_wait3A_85 = arith.constant 0 : i32
    %dma_wait3A_86 = tpu.memref_slice %arg15[%dma_wait3A_80, %dma_wait3A_85] : memref<40x128xi32, #tpu.memory_space<vmem>> -> memref<1x128xi32, #tpu.memory_space<vmem>>
    %dma_wait3A_87 = tpu.memref_squeeze %dma_wait3A_86 : memref<1x128xi32, #tpu.memory_space<vmem>> -> memref<128xi32, #tpu.memory_space<vmem>>
    %dma_wait3A_88 = arith.constant 0 : i32
    %dma_wait3A_89 = arith.constant 0 : i32
    %dma_wait3A_90 = tpu.memref_slice %arg23[%dma_wait3A_88, %dma_wait3A_89] : memref<10240x128xf32, #tpu.memory_space<vmem_shared>> -> memref<10240x128xf32, #tpu.memory_space<vmem_shared>>
    tpu.wait_indirect_dma semaphore(%arg27 : memref<!tpu.dma_semaphore, #tpu.memory_space<semaphore_mem>>) src(%dma_wait3A_84 : memref<128x128xf32, #tpu.memory_space<vmem>>) dst(%dma_wait3A_90 : memref<10240x128xf32, #tpu.memory_space<vmem_shared>>)
    %dma_wait3A_91 = arith.constant 1 : i32
    %dma_wait3A_92 = arith.constant 39 : i32
    %dma_wait3A_93 = arith.constant 0 : i32
    %dma_wait3A_94 = tpu.memref_slice %arg18[%dma_wait3A_91, %dma_wait3A_93] : memref<2x128xf32, #tpu.memory_space<vmem>> -> memref<1x128xf32, #tpu.memory_space<vmem>>
    %dma_wait3A_95 = tpu.memref_squeeze %dma_wait3A_94 : memref<1x128xf32, #tpu.memory_space<vmem>> -> memref<128xf32, #tpu.memory_space<vmem>>
    %dma_wait3A_96 = arith.constant 0 : i32
    %dma_wait3A_97 = tpu.memref_slice %arg15[%dma_wait3A_92, %dma_wait3A_96] : memref<40x128xi32, #tpu.memory_space<vmem>> -> memref<1x128xi32, #tpu.memory_space<vmem>>
    %dma_wait3A_98 = tpu.memref_squeeze %dma_wait3A_97 : memref<1x128xi32, #tpu.memory_space<vmem>> -> memref<128xi32, #tpu.memory_space<vmem>>
    %dma_wait3A_99 = arith.constant 0 : i32
    %dma_wait3A_100 = tpu.memref_slice %arg24[%dma_wait3A_99] : memref<10240xf32, #tpu.memory_space<vmem_shared>> -> memref<10240xf32, #tpu.memory_space<vmem_shared>>
    tpu.wait_indirect_dma semaphore(%arg28 : memref<!tpu.dma_semaphore, #tpu.memory_space<semaphore_mem>>) src(%dma_wait3A_95 : memref<128xf32, #tpu.memory_space<vmem>>) dst(%dma_wait3A_100 : memref<10240xf32, #tpu.memory_space<vmem_shared>>)
    %dma_wait3A_101 = arith.constant 39 : i32
    %dma_wait3A_102 = arith.constant 0 : i32
    %dma_wait3A_103 = arith.constant 0 : i32
    %dma_wait3A_104 = tpu.memref_slice %arg16[%dma_wait3A_102, %dma_wait3A_103] : memref<2x128xf32, #tpu.memory_space<vmem>> -> memref<1x128xf32, #tpu.memory_space<vmem>>
    %dma_wait3A_105 = tpu.memref_squeeze %dma_wait3A_104 : memref<1x128xf32, #tpu.memory_space<vmem>> -> memref<128xf32, #tpu.memory_space<vmem>>
    %dma_wait3A_106 = arith.constant 0 : i32
    %dma_wait3A_107 = tpu.memref_slice %arg14[%dma_wait3A_101, %dma_wait3A_106] : memref<40x128xi32, #tpu.memory_space<vmem>> -> memref<1x128xi32, #tpu.memory_space<vmem>>
    %dma_wait3A_108 = tpu.memref_squeeze %dma_wait3A_107 : memref<1x128xi32, #tpu.memory_space<vmem>> -> memref<128xi32, #tpu.memory_space<vmem>>
    %dma_wait3A_109 = arith.constant 0 : i32
    %dma_wait3A_110 = tpu.memref_slice %arg21[%dma_wait3A_109] : memref<10240xf32, #tpu.memory_space<vmem_shared>> -> memref<10240xf32, #tpu.memory_space<vmem_shared>>
    tpu.wait_indirect_dma semaphore(%arg26 : memref<!tpu.dma_semaphore, #tpu.memory_space<semaphore_mem>>) src(%dma_wait3A_110 : memref<10240xf32, #tpu.memory_space<vmem_shared>>) dst(%dma_wait3A_105 : memref<128xf32, #tpu.memory_space<vmem>>)
    %dma_wait3A_111 = arith.constant 39 : i32
    %dma_wait3A_112 = arith.constant 0 : i32
    %dma_wait3A_113 = arith.constant 0 : i32
    %dma_wait3A_114 = tpu.memref_slice %arg17[%dma_wait3A_112, %dma_wait3A_113] : memref<2x128xf32, #tpu.memory_space<vmem>> -> memref<1x128xf32, #tpu.memory_space<vmem>>
    %dma_wait3A_115 = tpu.memref_squeeze %dma_wait3A_114 : memref<1x128xf32, #tpu.memory_space<vmem>> -> memref<128xf32, #tpu.memory_space<vmem>>
    %dma_wait3A_116 = arith.constant 0 : i32
    %dma_wait3A_117 = tpu.memref_slice %arg15[%dma_wait3A_111, %dma_wait3A_116] : memref<40x128xi32, #tpu.memory_space<vmem>> -> memref<1x128xi32, #tpu.memory_space<vmem>>
    %dma_wait3A_118 = tpu.memref_squeeze %dma_wait3A_117 : memref<1x128xi32, #tpu.memory_space<vmem>> -> memref<128xi32, #tpu.memory_space<vmem>>
    %dma_wait3A_119 = arith.constant 0 : i32
    %dma_wait3A_120 = tpu.memref_slice %arg22[%dma_wait3A_119] : memref<10240xf32, #tpu.memory_space<vmem_shared>> -> memref<10240xf32, #tpu.memory_space<vmem_shared>>
    tpu.wait_indirect_dma semaphore(%arg26 : memref<!tpu.dma_semaphore, #tpu.memory_space<semaphore_mem>>) src(%dma_wait3A_120 : memref<10240xf32, #tpu.memory_space<vmem_shared>>) dst(%dma_wait3A_115 : memref<128xf32, #tpu.memory_space<vmem>>)
    %dma_wait3A_121 = arith.constant 39 : i32
    %dma_wait3A_122 = arith.constant 0 : i32
    %dma_wait3A_123 = arith.constant 0 : i32
    %dma_wait3A_124 = arith.constant 0 : i32
    %dma_wait3A_125 = tpu.memref_slice %arg19[%dma_wait3A_122, %dma_wait3A_123, %dma_wait3A_124] : memref<2x128x128xf32, #tpu.memory_space<vmem>> -> memref<1x128x128xf32, #tpu.memory_space<vmem>>
    %dma_wait3A_126 = tpu.memref_squeeze %dma_wait3A_125 : memref<1x128x128xf32, #tpu.memory_space<vmem>> -> memref<128x128xf32, #tpu.memory_space<vmem>>
    %dma_wait3A_127 = arith.constant 0 : i32
    %dma_wait3A_128 = tpu.memref_slice %arg14[%dma_wait3A_121, %dma_wait3A_127] : memref<40x128xi32, #tpu.memory_space<vmem>> -> memref<1x128xi32, #tpu.memory_space<vmem>>
    %dma_wait3A_129 = tpu.memref_squeeze %dma_wait3A_128 : memref<1x128xi32, #tpu.memory_space<vmem>> -> memref<128xi32, #tpu.memory_space<vmem>>
    %dma_wait3A_130 = arith.constant 0 : i32
    %dma_wait3A_131 = arith.constant 0 : i32
    %dma_wait3A_132 = tpu.memref_slice %arg2[%dma_wait3A_130, %dma_wait3A_131] : memref<10000x128xf32, #tpu.memory_space<hbm>> -> memref<10000x128xf32, #tpu.memory_space<hbm>>
    tpu.wait_indirect_dma semaphore(%arg25 : memref<!tpu.dma_semaphore, #tpu.memory_space<semaphore_mem>>) src(%dma_wait3A_132 : memref<10000x128xf32, #tpu.memory_space<hbm>>) dst(%dma_wait3A_126 : memref<128x128xf32, #tpu.memory_space<vmem>>)
    %barrier3A_133 = arith.constant 0 : index
    tpu.barrier barrier_id(%barrier3A_133)
    %add3A_134 = arith.constant 0 : i32
    %add3A_135 = arith.addi %add3A_134, %arg0 : i32
    %mul3A_136 = arith.constant 10240 : i32
    %mul3A_137 = arith.muli %add3A_135, %mul3A_136 : i32
    %mul3A_138 = arith.constant 640 : i32
    %mul3A_139 = arith.muli %arg1, %mul3A_138 : i32
    %mul3A_140 = arith.constant 640 : i32
    %mul3A_141 = arith.muli %arg1, %mul3A_140 : i32
    %add3A_142 = arith.addi %mul3A_137, %mul3A_141 : i32
    "tpu.region"() ({
      %run_scoped3A_302 = tpu.sem_alloc : memref<!tpu.dma_semaphore, #tpu.memory_space<semaphore_mem>>
      %dma_start3A_303 = arith.constant 0 : i32
      %dma_start3A_304 = tpu.memref_slice %arg12[%add3A_142, %dma_start3A_303] : memref<40960x128xf32, #tpu.memory_space<hbm>> -> memref<640x128xf32, #tpu.memory_space<hbm>>
      %dma_start3A_305 = arith.constant 0 : i32
      %dma_start3A_306 = tpu.memref_slice %arg23[%mul3A_139, %dma_start3A_305] : memref<10240x128xf32, #tpu.memory_space<vmem_shared>> -> memref<640x128xf32, #tpu.memory_space<vmem_shared>>
      tpu.enqueue_dma source(%dma_start3A_306 : memref<640x128xf32, #tpu.memory_space<vmem_shared>>) target(%dma_start3A_304 : memref<640x128xf32, #tpu.memory_space<hbm>>) target_semaphore(%run_scoped3A_302 : memref<!tpu.dma_semaphore, #tpu.memory_space<semaphore_mem>>)
      %dma_wait3A_307 = arith.constant 0 : i32
      %dma_wait3A_308 = tpu.memref_slice %arg12[%add3A_142, %dma_wait3A_307] : memref<40960x128xf32, #tpu.memory_space<hbm>> -> memref<640x128xf32, #tpu.memory_space<hbm>>
      %dma_wait3A_309 = arith.constant 0 : i32
      %dma_wait3A_310 = tpu.memref_slice %arg23[%mul3A_139, %dma_wait3A_309] : memref<10240x128xf32, #tpu.memory_space<vmem_shared>> -> memref<640x128xf32, #tpu.memory_space<vmem_shared>>
      tpu.wait_dma2 semaphore(%run_scoped3A_302 : memref<!tpu.dma_semaphore, #tpu.memory_space<semaphore_mem>>) src(%dma_wait3A_310 : memref<640x128xf32, #tpu.memory_space<vmem_shared>>) dst(%dma_wait3A_308 : memref<640x128xf32, #tpu.memory_space<hbm>>)
      tpu.yield
    }) : () -> ()
    %mul3A_143 = arith.constant 640 : i32
    %mul3A_144 = arith.muli %arg1, %mul3A_143 : i32
    %mul3A_145 = arith.constant 640 : i32
    %mul3A_146 = arith.muli %arg1, %mul3A_145 : i32
    %add3A_147 = arith.addi %mul3A_137, %mul3A_146 : i32
    "tpu.region"() ({
      %run_scoped3A_302 = tpu.sem_alloc : memref<!tpu.dma_semaphore, #tpu.memory_space<semaphore_mem>>
      %dma_start3A_303 = tpu.memref_slice %arg13[%add3A_147] : memref<40960xf32, #tpu.memory_space<hbm>> -> memref<640xf32, #tpu.memory_space<hbm>>
      %dma_start3A_304 = tpu.memref_slice %arg24[%mul3A_144] : memref<10240xf32, #tpu.memory_space<vmem_shared>> -> memref<640xf32, #tpu.memory_space<vmem_shared>>
      tpu.enqueue_dma source(%dma_start3A_304 : memref<640xf32, #tpu.memory_space<vmem_shared>>) target(%dma_start3A_303 : memref<640xf32, #tpu.memory_space<hbm>>) target_semaphore(%run_scoped3A_302 : memref<!tpu.dma_semaphore, #tpu.memory_space<semaphore_mem>>)
      %dma_wait3A_305 = tpu.memref_slice %arg13[%add3A_147] : memref<40960xf32, #tpu.memory_space<hbm>> -> memref<640xf32, #tpu.memory_space<hbm>>
      %dma_wait3A_306 = tpu.memref_slice %arg24[%mul3A_144] : memref<10240xf32, #tpu.memory_space<vmem_shared>> -> memref<640xf32, #tpu.memory_space<vmem_shared>>
      tpu.wait_dma2 semaphore(%run_scoped3A_302 : memref<!tpu.dma_semaphore, #tpu.memory_space<semaphore_mem>>) src(%dma_wait3A_306 : memref<640xf32, #tpu.memory_space<vmem_shared>>) dst(%dma_wait3A_305 : memref<640xf32, #tpu.memory_space<hbm>>)
      tpu.yield
    }) : () -> ()
    %barrier3A_148 = arith.constant 0 : index
    tpu.barrier barrier_id(%barrier3A_148)
    %scan3A_149 = arith.constant 0 : i32
    %scan3A_150 = arith.constant 128 : i32
    %scan3A_151 = arith.addi %scan3A_149, %scan3A_150 : i32
    %scan3A_152 = arith.constant 1 : i32
    scf.for %scan3A_302 = %scan3A_149 to %scan3A_151 step %scan3A_152  : i32 {
      %broadcast_in_dim3A = arith.constant 0.000000e+00 : f32
      %broadcast_in_dim3A_303 = vector.broadcast %broadcast_in_dim3A : f32 to vector<16xf32>
      %swap3A = arith.constant 0 : i32
      %swap3A_304 = arith.index_cast %swap3A : i32 to index
      %swap3A_305 = arith.index_cast %scan3A_302 : i32 to index
      %swap3A_306 = arith.constant 0 : index
      %swap3A_307 = tpu.vector_load %arg19[%swap3A_304, %swap3A_305, %swap3A_306] {strides = array<i32>} : memref<2x128x128xf32, #tpu.memory_space<vmem>>, vector<16xf32>,
      tpu.vector_store %arg19[%swap3A_304, %swap3A_305, %swap3A_306], %broadcast_in_dim3A_303 {strides = array<i32>} : memref<2x128x128xf32, #tpu.memory_space<vmem>>, vector<16xf32>,
      %broadcast_in_dim3A_308 = arith.constant 0.000000e+00 : f32
      %broadcast_in_dim3A_309 = vector.broadcast %broadcast_in_dim3A_308 : f32 to vector<16xf32>
      %swap3A_310 = arith.constant 0 : i32
      %swap3A_311 = arith.index_cast %swap3A_310 : i32 to index
      %swap3A_312 = arith.index_cast %scan3A_302 : i32 to index
      %swap3A_313 = arith.constant 16 : index
      %swap3A_314 = tpu.vector_load %arg19[%swap3A_311, %swap3A_312, %swap3A_313] {strides = array<i32>} : memref<2x128x128xf32, #tpu.memory_space<vmem>>, vector<16xf32>,
      tpu.vector_store %arg19[%swap3A_311, %swap3A_312, %swap3A_313], %broadcast_in_dim3A_309 {strides = array<i32>} : memref<2x128x128xf32, #tpu.memory_space<vmem>>, vector<16xf32>,
      %broadcast_in_dim3A_315 = arith.constant 0.000000e+00 : f32
      %broadcast_in_dim3A_316 = vector.broadcast %broadcast_in_dim3A_315 : f32 to vector<16xf32>
      %swap3A_317 = arith.constant 0 : i32
      %swap3A_318 = arith.index_cast %swap3A_317 : i32 to index
      %swap3A_319 = arith.index_cast %scan3A_302 : i32 to index
      %swap3A_320 = arith.constant 32 : index
      %swap3A_321 = tpu.vector_load %arg19[%swap3A_318, %swap3A_319, %swap3A_320] {strides = array<i32>} : memref<2x128x128xf32, #tpu.memory_space<vmem>>, vector<16xf32>,
      tpu.vector_store %arg19[%swap3A_318, %swap3A_319, %swap3A_320], %broadcast_in_dim3A_316 {strides = array<i32>} : memref<2x128x128xf32, #tpu.memory_space<vmem>>, vector<16xf32>,
      %broadcast_in_dim3A_322 = arith.constant 0.000000e+00 : f32
      %broadcast_in_dim3A_323 = vector.broadcast %broadcast_in_dim3A_322 : f32 to vector<16xf32>
      %swap3A_324 = arith.constant 0 : i32
      %swap3A_325 = arith.index_cast %swap3A_324 : i32 to index
      %swap3A_326 = arith.index_cast %scan3A_302 : i32 to index
      %swap3A_327 = arith.constant 48 : index
      %swap3A_328 = tpu.vector_load %arg19[%swap3A_325, %swap3A_326, %swap3A_327] {strides = array<i32>} : memref<2x128x128xf32, #tpu.memory_space<vmem>>, vector<16xf32>,
      tpu.vector_store %arg19[%swap3A_325, %swap3A_326, %swap3A_327], %broadcast_in_dim3A_323 {strides = array<i32>} : memref<2x128x128xf32, #tpu.memory_space<vmem>>, vector<16xf32>,
      %broadcast_in_dim3A_329 = arith.constant 0.000000e+00 : f32
      %broadcast_in_dim3A_330 = vector.broadcast %broadcast_in_dim3A_329 : f32 to vector<16xf32>
      %swap3A_331 = arith.constant 0 : i32
      %swap3A_332 = arith.index_cast %swap3A_331 : i32 to index
      %swap3A_333 = arith.index_cast %scan3A_302 : i32 to index
      %swap3A_334 = arith.constant 64 : index
      %swap3A_335 = tpu.vector_load %arg19[%swap3A_332, %swap3A_333, %swap3A_334] {strides = array<i32>} : memref<2x128x128xf32, #tpu.memory_space<vmem>>, vector<16xf32>,
      tpu.vector_store %arg19[%swap3A_332, %swap3A_333, %swap3A_334], %broadcast_in_dim3A_330 {strides = array<i32>} : memref<2x128x128xf32, #tpu.memory_space<vmem>>, vector<16xf32>,
      %broadcast_in_dim3A_336 = arith.constant 0.000000e+00 : f32
      %broadcast_in_dim3A_337 = vector.broadcast %broadcast_in_dim3A_336 : f32 to vector<16xf32>
      %swap3A_338 = arith.constant 0 : i32
      %swap3A_339 = arith.index_cast %swap3A_338 : i32 to index
      %swap3A_340 = arith.index_cast %scan3A_302 : i32 to index
      %swap3A_341 = arith.constant 80 : index
      %swap3A_342 = tpu.vector_load %arg19[%swap3A_339, %swap3A_340, %swap3A_341] {strides = array<i32>} : memref<2x128x128xf32, #tpu.memory_space<vmem>>, vector<16xf32>,
      tpu.vector_store %arg19[%swap3A_339, %swap3A_340, %swap3A_341], %broadcast_in_dim3A_337 {strides = array<i32>} : memref<2x128x128xf32, #tpu.memory_space<vmem>>, vector<16xf32>,
      %broadcast_in_dim3A_343 = arith.constant 0.000000e+00 : f32
      %broadcast_in_dim3A_344 = vector.broadcast %broadcast_in_dim3A_343 : f32 to vector<16xf32>
      %swap3A_345 = arith.constant 0 : i32
      %swap3A_346 = arith.index_cast %swap3A_345 : i32 to index
      %swap3A_347 = arith.index_cast %scan3A_302 : i32 to index
      %swap3A_348 = arith.constant 96 : index
      %swap3A_349 = tpu.vector_load %arg19[%swap3A_346, %swap3A_347, %swap3A_348] {strides = array<i32>} : memref<2x128x128xf32, #tpu.memory_space<vmem>>, vector<16xf32>,
      tpu.vector_store %arg19[%swap3A_346, %swap3A_347, %swap3A_348], %broadcast_in_dim3A_344 {strides = array<i32>} : memref<2x128x128xf32, #tpu.memory_space<vmem>>, vector<16xf32>,
      %broadcast_in_dim3A_350 = arith.constant 0.000000e+00 : f32
      %broadcast_in_dim3A_351 = vector.broadcast %broadcast_in_dim3A_350 : f32 to vector<16xf32>
      %swap3A_352 = arith.constant 0 : i32
      %swap3A_353 = arith.index_cast %swap3A_352 : i32 to index
      %swap3A_354 = arith.index_cast %scan3A_302 : i32 to index
      %swap3A_355 = arith.constant 112 : index
      %swap3A_356 = tpu.vector_load %arg19[%swap3A_353, %swap3A_354, %swap3A_355] {strides = array<i32>} : memref<2x128x128xf32, #tpu.memory_space<vmem>>, vector<16xf32>,
      tpu.vector_store %arg19[%swap3A_353, %swap3A_354, %swap3A_355], %broadcast_in_dim3A_351 {strides = array<i32>} : memref<2x128x128xf32, #tpu.memory_space<vmem>>, vector<16xf32>,
    }
    %scan3A_153 = arith.constant 128 : i32
    %scan3A_154 = arith.constant 0 : i32
    %scan3A_155 = arith.constant 40 : i32
    %scan3A_156 = arith.addi %scan3A_154, %scan3A_155 : i32
    %scan3A_157 = arith.constant 1 : i32
    scf.for %scan3A_302 = %scan3A_154 to %scan3A_156 step %scan3A_157  : i32 {
      %broadcast_in_dim3A = arith.constant 0.000000e+00 : f32
      %broadcast_in_dim3A_303 = vector.broadcast %broadcast_in_dim3A : f32 to vector<16xf32>
      %mul3A_304 = arith.constant 16 : i32
      %mul3A_305 = arith.muli %scan3A_302, %mul3A_304 : i32
      %swap3A = arith.index_cast %mul3A_305 : i32 to index
      %swap3A_306 = tpu.vector_load %arg20[%swap3A] {strides = array<i32>} : memref<640xf32, #tpu.memory_space<vmem>>, vector<16xf32>,
      tpu.vector_store %arg20[%swap3A], %broadcast_in_dim3A_303 {strides = array<i32>} : memref<640xf32, #tpu.memory_space<vmem>>, vector<16xf32>,
    }
    %scan3A_158 = arith.constant 40 : i32
    %mul3A_159 = arith.constant 640 : i32
    %mul3A_160 = arith.muli %arg1, %mul3A_159 : i32
    %add3A_161 = arith.constant 0 : i32
    %add3A_162 = arith.addi %mul3A_160, %add3A_161 : i32
    %run_scoped3A_163 = arith.constant 0 : i32
    "tpu.region"() ({
      %run_scoped3A_302 = tpu.sem_alloc : memref<!tpu.dma_semaphore, #tpu.memory_space<semaphore_mem>>
      %dma_start3A_303 = arith.constant 0 : i32
      %dma_start3A_304 = arith.constant 0 : i32
      %dma_start3A_305 = tpu.memref_slice %arg19[%run_scoped3A_163, %dma_start3A_303, %dma_start3A_304] : memref<2x128x128xf32, #tpu.memory_space<vmem>> -> memref<1x128x128xf32, #tpu.memory_space<vmem>>
      %dma_start3A_306 = tpu.memref_squeeze %dma_start3A_305 : memref<1x128x128xf32, #tpu.memory_space<vmem>> -> memref<128x128xf32, #tpu.memory_space<vmem>>
      %dma_start3A_307 = arith.constant 0 : i32
      %dma_start3A_308 = tpu.memref_slice %arg23[%add3A_162, %dma_start3A_307] : memref<10240x128xf32, #tpu.memory_space<vmem_shared>> -> memref<128x128xf32, #tpu.memory_space<vmem_shared>>
      %dma_start3A_309 = arith.constant 0 : i32
      %dma_start3A_310 = tpu.memref_slice %arg23[%add3A_162, %dma_start3A_309] : memref<10240x128xf32, #tpu.memory_space<vmem_shared>> -> memref<128x128xf32, #tpu.memory_space<vmem_shared>>
      %dma_start3A_311 = arith.constant 0 : i32
      %dma_start3A_312 = arith.constant 0 : i32
      %dma_start3A_313 = tpu.memref_slice %arg19[%run_scoped3A_163, %dma_start3A_311, %dma_start3A_312] : memref<2x128x128xf32, #tpu.memory_space<vmem>> -> memref<1x128x128xf32, #tpu.memory_space<vmem>>
      %dma_start3A_314 = tpu.memref_squeeze %dma_start3A_313 : memref<1x128x128xf32, #tpu.memory_space<vmem>> -> memref<128x128xf32, #tpu.memory_space<vmem>>
      tpu.enqueue_dma source(%dma_start3A_314 : memref<128x128xf32, #tpu.memory_space<vmem>>) target(%dma_start3A_310 : memref<128x128xf32, #tpu.memory_space<vmem_shared>>) target_semaphore(%run_scoped3A_302 : memref<!tpu.dma_semaphore, #tpu.memory_space<semaphore_mem>>)
      %dma_wait3A_315 = arith.constant 0 : i32
      %dma_wait3A_316 = arith.constant 0 : i32
      %dma_wait3A_317 = tpu.memref_slice %arg19[%run_scoped3A_163, %dma_wait3A_315, %dma_wait3A_316] : memref<2x128x128xf32, #tpu.memory_space<vmem>> -> memref<1x128x128xf32, #tpu.memory_space<vmem>>
      %dma_wait3A_318 = tpu.memref_squeeze %dma_wait3A_317 : memref<1x128x128xf32, #tpu.memory_space<vmem>> -> memref<128x128xf32, #tpu.memory_space<vmem>>
      %dma_wait3A_319 = arith.constant 0 : i32
      %dma_wait3A_320 = tpu.memref_slice %arg23[%add3A_162, %dma_wait3A_319] : memref<10240x128xf32, #tpu.memory_space<vmem_shared>> -> memref<128x128xf32, #tpu.memory_space<vmem_shared>>
      %dma_wait3A_321 = arith.constant 0 : i32
      %dma_wait3A_322 = tpu.memref_slice %arg23[%add3A_162, %dma_wait3A_321] : memref<10240x128xf32, #tpu.memory_space<vmem_shared>> -> memref<128x128xf32, #tpu.memory_space<vmem_shared>>
      %dma_wait3A_323 = arith.constant 0 : i32
      %dma_wait3A_324 = arith.constant 0 : i32
      %dma_wait3A_325 = tpu.memref_slice %arg19[%run_scoped3A_163, %dma_wait3A_323, %dma_wait3A_324] : memref<2x128x128xf32, #tpu.memory_space<vmem>> -> memref<1x128x128xf32, #tpu.memory_space<vmem>>
      %dma_wait3A_326 = tpu.memref_squeeze %dma_wait3A_325 : memref<1x128x128xf32, #tpu.memory_space<vmem>> -> memref<128x128xf32, #tpu.memory_space<vmem>>
      tpu.wait_dma2 semaphore(%run_scoped3A_302 : memref<!tpu.dma_semaphore, #tpu.memory_space<semaphore_mem>>) src(%dma_wait3A_326 : memref<128x128xf32, #tpu.memory_space<vmem>>) dst(%dma_wait3A_322 : memref<128x128xf32, #tpu.memory_space<vmem_shared>>)
      tpu.yield
    }) : () -> ()
    %mul3A_164 = arith.constant 640 : i32
    %mul3A_165 = arith.muli %arg1, %mul3A_164 : i32
    %add3A_166 = arith.constant 128 : i32
    %add3A_167 = arith.addi %mul3A_165, %add3A_166 : i32
    %run_scoped3A_168 = arith.constant 0 : i32
    "tpu.region"() ({
      %run_scoped3A_302 = tpu.sem_alloc : memref<!tpu.dma_semaphore, #tpu.memory_space<semaphore_mem>>
      %dma_start3A_303 = arith.constant 0 : i32
      %dma_start3A_304 = arith.constant 0 : i32
      %dma_start3A_305 = tpu.memref_slice %arg19[%run_scoped3A_168, %dma_start3A_303, %dma_start3A_304] : memref<2x128x128xf32, #tpu.memory_space<vmem>> -> memref<1x128x128xf32, #tpu.memory_space<vmem>>
      %dma_start3A_306 = tpu.memref_squeeze %dma_start3A_305 : memref<1x128x128xf32, #tpu.memory_space<vmem>> -> memref<128x128xf32, #tpu.memory_space<vmem>>
      %dma_start3A_307 = arith.constant 0 : i32
      %dma_start3A_308 = tpu.memref_slice %arg23[%add3A_167, %dma_start3A_307] : memref<10240x128xf32, #tpu.memory_space<vmem_shared>> -> memref<128x128xf32, #tpu.memory_space<vmem_shared>>
      %dma_start3A_309 = arith.constant 0 : i32
      %dma_start3A_310 = tpu.memref_slice %arg23[%add3A_167, %dma_start3A_309] : memref<10240x128xf32, #tpu.memory_space<vmem_shared>> -> memref<128x128xf32, #tpu.memory_space<vmem_shared>>
      %dma_start3A_311 = arith.constant 0 : i32
      %dma_start3A_312 = arith.constant 0 : i32
      %dma_start3A_313 = tpu.memref_slice %arg19[%run_scoped3A_168, %dma_start3A_311, %dma_start3A_312] : memref<2x128x128xf32, #tpu.memory_space<vmem>> -> memref<1x128x128xf32, #tpu.memory_space<vmem>>
      %dma_start3A_314 = tpu.memref_squeeze %dma_start3A_313 : memref<1x128x128xf32, #tpu.memory_space<vmem>> -> memref<128x128xf32, #tpu.memory_space<vmem>>
      tpu.enqueue_dma source(%dma_start3A_314 : memref<128x128xf32, #tpu.memory_space<vmem>>) target(%dma_start3A_310 : memref<128x128xf32, #tpu.memory_space<vmem_shared>>) target_semaphore(%run_scoped3A_302 : memref<!tpu.dma_semaphore, #tpu.memory_space<semaphore_mem>>)
      %dma_wait3A_315 = arith.constant 0 : i32
      %dma_wait3A_316 = arith.constant 0 : i32
      %dma_wait3A_317 = tpu.memref_slice %arg19[%run_scoped3A_168, %dma_wait3A_315, %dma_wait3A_316] : memref<2x128x128xf32, #tpu.memory_space<vmem>> -> memref<1x128x128xf32, #tpu.memory_space<vmem>>
      %dma_wait3A_318 = tpu.memref_squeeze %dma_wait3A_317 : memref<1x128x128xf32, #tpu.memory_space<vmem>> -> memref<128x128xf32, #tpu.memory_space<vmem>>
      %dma_wait3A_319 = arith.constant 0 : i32
      %dma_wait3A_320 = tpu.memref_slice %arg23[%add3A_167, %dma_wait3A_319] : memref<10240x128xf32, #tpu.memory_space<vmem_shared>> -> memref<128x128xf32, #tpu.memory_space<vmem_shared>>
      %dma_wait3A_321 = arith.constant 0 : i32
      %dma_wait3A_322 = tpu.memref_slice %arg23[%add3A_167, %dma_wait3A_321] : memref<10240x128xf32, #tpu.memory_space<vmem_shared>> -> memref<128x128xf32, #tpu.memory_space<vmem_shared>>
      %dma_wait3A_323 = arith.constant 0 : i32
      %dma_wait3A_324 = arith.constant 0 : i32
      %dma_wait3A_325 = tpu.memref_slice %arg19[%run_scoped3A_168, %dma_wait3A_323, %dma_wait3A_324] : memref<2x128x128xf32, #tpu.memory_space<vmem>> -> memref<1x128x128xf32, #tpu.memory_space<vmem>>
      %dma_wait3A_326 = tpu.memref_squeeze %dma_wait3A_325 : memref<1x128x128xf32, #tpu.memory_space<vmem>> -> memref<128x128xf32, #tpu.memory_space<vmem>>
      tpu.wait_dma2 semaphore(%run_scoped3A_302 : memref<!tpu.dma_semaphore, #tpu.memory_space<semaphore_mem>>) src(%dma_wait3A_326 : memref<128x128xf32, #tpu.memory_space<vmem>>) dst(%dma_wait3A_322 : memref<128x128xf32, #tpu.memory_space<vmem_shared>>)
      tpu.yield
    }) : () -> ()
    %mul3A_169 = arith.constant 640 : i32
    %mul3A_170 = arith.muli %arg1, %mul3A_169 : i32
    %add3A_171 = arith.constant 256 : i32
    %add3A_172 = arith.addi %mul3A_170, %add3A_171 : i32
    %run_scoped3A_173 = arith.constant 0 : i32
    "tpu.region"() ({
      %run_scoped3A_302 = tpu.sem_alloc : memref<!tpu.dma_semaphore, #tpu.memory_space<semaphore_mem>>
      %dma_start3A_303 = arith.constant 0 : i32
      %dma_start3A_304 = arith.constant 0 : i32
      %dma_start3A_305 = tpu.memref_slice %arg19[%run_scoped3A_173, %dma_start3A_303, %dma_start3A_304] : memref<2x128x128xf32, #tpu.memory_space<vmem>> -> memref<1x128x128xf32, #tpu.memory_space<vmem>>
      %dma_start3A_306 = tpu.memref_squeeze %dma_start3A_305 : memref<1x128x128xf32, #tpu.memory_space<vmem>> -> memref<128x128xf32, #tpu.memory_space<vmem>>
      %dma_start3A_307 = arith.constant 0 : i32
      %dma_start3A_308 = tpu.memref_slice %arg23[%add3A_172, %dma_start3A_307] : memref<10240x128xf32, #tpu.memory_space<vmem_shared>> -> memref<128x128xf32, #tpu.memory_space<vmem_shared>>
      %dma_start3A_309 = arith.constant 0 : i32
      %dma_start3A_310 = tpu.memref_slice %arg23[%add3A_172, %dma_start3A_309] : memref<10240x128xf32, #tpu.memory_space<vmem_shared>> -> memref<128x128xf32, #tpu.memory_space<vmem_shared>>
      %dma_start3A_311 = arith.constant 0 : i32
      %dma_start3A_312 = arith.constant 0 : i32
      %dma_start3A_313 = tpu.memref_slice %arg19[%run_scoped3A_173, %dma_start3A_311, %dma_start3A_312] : memref<2x128x128xf32, #tpu.memory_space<vmem>> -> memref<1x128x128xf32, #tpu.memory_space<vmem>>
      %dma_start3A_314 = tpu.memref_squeeze %dma_start3A_313 : memref<1x128x128xf32, #tpu.memory_space<vmem>> -> memref<128x128xf32, #tpu.memory_space<vmem>>
      tpu.enqueue_dma source(%dma_start3A_314 : memref<128x128xf32, #tpu.memory_space<vmem>>) target(%dma_start3A_310 : memref<128x128xf32, #tpu.memory_space<vmem_shared>>) target_semaphore(%run_scoped3A_302 : memref<!tpu.dma_semaphore, #tpu.memory_space<semaphore_mem>>)
      %dma_wait3A_315 = arith.constant 0 : i32
      %dma_wait3A_316 = arith.constant 0 : i32
      %dma_wait3A_317 = tpu.memref_slice %arg19[%run_scoped3A_173, %dma_wait3A_315, %dma_wait3A_316] : memref<2x128x128xf32, #tpu.memory_space<vmem>> -> memref<1x128x128xf32, #tpu.memory_space<vmem>>
      %dma_wait3A_318 = tpu.memref_squeeze %dma_wait3A_317 : memref<1x128x128xf32, #tpu.memory_space<vmem>> -> memref<128x128xf32, #tpu.memory_space<vmem>>
      %dma_wait3A_319 = arith.constant 0 : i32
      %dma_wait3A_320 = tpu.memref_slice %arg23[%add3A_172, %dma_wait3A_319] : memref<10240x128xf32, #tpu.memory_space<vmem_shared>> -> memref<128x128xf32, #tpu.memory_space<vmem_shared>>
      %dma_wait3A_321 = arith.constant 0 : i32
      %dma_wait3A_322 = tpu.memref_slice %arg23[%add3A_172, %dma_wait3A_321] : memref<10240x128xf32, #tpu.memory_space<vmem_shared>> -> memref<128x128xf32, #tpu.memory_space<vmem_shared>>
      %dma_wait3A_323 = arith.constant 0 : i32
      %dma_wait3A_324 = arith.constant 0 : i32
      %dma_wait3A_325 = tpu.memref_slice %arg19[%run_scoped3A_173, %dma_wait3A_323, %dma_wait3A_324] : memref<2x128x128xf32, #tpu.memory_space<vmem>> -> memref<1x128x128xf32, #tpu.memory_space<vmem>>
      %dma_wait3A_326 = tpu.memref_squeeze %dma_wait3A_325 : memref<1x128x128xf32, #tpu.memory_space<vmem>> -> memref<128x128xf32, #tpu.memory_space<vmem>>
      tpu.wait_dma2 semaphore(%run_scoped3A_302 : memref<!tpu.dma_semaphore, #tpu.memory_space<semaphore_mem>>) src(%dma_wait3A_326 : memref<128x128xf32, #tpu.memory_space<vmem>>) dst(%dma_wait3A_322 : memref<128x128xf32, #tpu.memory_space<vmem_shared>>)
      tpu.yield
    }) : () -> ()
    %mul3A_174 = arith.constant 640 : i32
    %mul3A_175 = arith.muli %arg1, %mul3A_174 : i32
    %add3A_176 = arith.constant 384 : i32
    %add3A_177 = arith.addi %mul3A_175, %add3A_176 : i32
    %run_scoped3A_178 = arith.constant 0 : i32
    "tpu.region"() ({
      %run_scoped3A_302 = tpu.sem_alloc : memref<!tpu.dma_semaphore, #tpu.memory_space<semaphore_mem>>
      %dma_start3A_303 = arith.constant 0 : i32
      %dma_start3A_304 = arith.constant 0 : i32
      %dma_start3A_305 = tpu.memref_slice %arg19[%run_scoped3A_178, %dma_start3A_303, %dma_start3A_304] : memref<2x128x128xf32, #tpu.memory_space<vmem>> -> memref<1x128x128xf32, #tpu.memory_space<vmem>>
      %dma_start3A_306 = tpu.memref_squeeze %dma_start3A_305 : memref<1x128x128xf32, #tpu.memory_space<vmem>> -> memref<128x128xf32, #tpu.memory_space<vmem>>
      %dma_start3A_307 = arith.constant 0 : i32
      %dma_start3A_308 = tpu.memref_slice %arg23[%add3A_177, %dma_start3A_307] : memref<10240x128xf32, #tpu.memory_space<vmem_shared>> -> memref<128x128xf32, #tpu.memory_space<vmem_shared>>
      %dma_start3A_309 = arith.constant 0 : i32
      %dma_start3A_310 = tpu.memref_slice %arg23[%add3A_177, %dma_start3A_309] : memref<10240x128xf32, #tpu.memory_space<vmem_shared>> -> memref<128x128xf32, #tpu.memory_space<vmem_shared>>
      %dma_start3A_311 = arith.constant 0 : i32
      %dma_start3A_312 = arith.constant 0 : i32
      %dma_start3A_313 = tpu.memref_slice %arg19[%run_scoped3A_178, %dma_start3A_311, %dma_start3A_312] : memref<2x128x128xf32, #tpu.memory_space<vmem>> -> memref<1x128x128xf32, #tpu.memory_space<vmem>>
      %dma_start3A_314 = tpu.memref_squeeze %dma_start3A_313 : memref<1x128x128xf32, #tpu.memory_space<vmem>> -> memref<128x128xf32, #tpu.memory_space<vmem>>
      tpu.enqueue_dma source(%dma_start3A_314 : memref<128x128xf32, #tpu.memory_space<vmem>>) target(%dma_start3A_310 : memref<128x128xf32, #tpu.memory_space<vmem_shared>>) target_semaphore(%run_scoped3A_302 : memref<!tpu.dma_semaphore, #tpu.memory_space<semaphore_mem>>)
      %dma_wait3A_315 = arith.constant 0 : i32
      %dma_wait3A_316 = arith.constant 0 : i32
      %dma_wait3A_317 = tpu.memref_slice %arg19[%run_scoped3A_178, %dma_wait3A_315, %dma_wait3A_316] : memref<2x128x128xf32, #tpu.memory_space<vmem>> -> memref<1x128x128xf32, #tpu.memory_space<vmem>>
      %dma_wait3A_318 = tpu.memref_squeeze %dma_wait3A_317 : memref<1x128x128xf32, #tpu.memory_space<vmem>> -> memref<128x128xf32, #tpu.memory_space<vmem>>
      %dma_wait3A_319 = arith.constant 0 : i32
      %dma_wait3A_320 = tpu.memref_slice %arg23[%add3A_177, %dma_wait3A_319] : memref<10240x128xf32, #tpu.memory_space<vmem_shared>> -> memref<128x128xf32, #tpu.memory_space<vmem_shared>>
      %dma_wait3A_321 = arith.constant 0 : i32
      %dma_wait3A_322 = tpu.memref_slice %arg23[%add3A_177, %dma_wait3A_321] : memref<10240x128xf32, #tpu.memory_space<vmem_shared>> -> memref<128x128xf32, #tpu.memory_space<vmem_shared>>
      %dma_wait3A_323 = arith.constant 0 : i32
      %dma_wait3A_324 = arith.constant 0 : i32
      %dma_wait3A_325 = tpu.memref_slice %arg19[%run_scoped3A_178, %dma_wait3A_323, %dma_wait3A_324] : memref<2x128x128xf32, #tpu.memory_space<vmem>> -> memref<1x128x128xf32, #tpu.memory_space<vmem>>
      %dma_wait3A_326 = tpu.memref_squeeze %dma_wait3A_325 : memref<1x128x128xf32, #tpu.memory_space<vmem>> -> memref<128x128xf32, #tpu.memory_space<vmem>>
      tpu.wait_dma2 semaphore(%run_scoped3A_302 : memref<!tpu.dma_semaphore, #tpu.memory_space<semaphore_mem>>) src(%dma_wait3A_326 : memref<128x128xf32, #tpu.memory_space<vmem>>) dst(%dma_wait3A_322 : memref<128x128xf32, #tpu.memory_space<vmem_shared>>)
      tpu.yield
    }) : () -> ()
    %mul3A_179 = arith.constant 640 : i32
    %mul3A_180 = arith.muli %arg1, %mul3A_179 : i32
    %add3A_181 = arith.constant 512 : i32
    %add3A_182 = arith.addi %mul3A_180, %add3A_181 : i32
    %run_scoped3A_183 = arith.constant 0 : i32
    "tpu.region"() ({
      %run_scoped3A_302 = tpu.sem_alloc : memref<!tpu.dma_semaphore, #tpu.memory_space<semaphore_mem>>
      %dma_start3A_303 = arith.constant 0 : i32
      %dma_start3A_304 = arith.constant 0 : i32
      %dma_start3A_305 = tpu.memref_slice %arg19[%run_scoped3A_183, %dma_start3A_303, %dma_start3A_304] : memref<2x128x128xf32, #tpu.memory_space<vmem>> -> memref<1x128x128xf32, #tpu.memory_space<vmem>>
      %dma_start3A_306 = tpu.memref_squeeze %dma_start3A_305 : memref<1x128x128xf32, #tpu.memory_space<vmem>> -> memref<128x128xf32, #tpu.memory_space<vmem>>
      %dma_start3A_307 = arith.constant 0 : i32
      %dma_start3A_308 = tpu.memref_slice %arg23[%add3A_182, %dma_start3A_307] : memref<10240x128xf32, #tpu.memory_space<vmem_shared>> -> memref<128x128xf32, #tpu.memory_space<vmem_shared>>
      %dma_start3A_309 = arith.constant 0 : i32
      %dma_start3A_310 = tpu.memref_slice %arg23[%add3A_182, %dma_start3A_309] : memref<10240x128xf32, #tpu.memory_space<vmem_shared>> -> memref<128x128xf32, #tpu.memory_space<vmem_shared>>
      %dma_start3A_311 = arith.constant 0 : i32
      %dma_start3A_312 = arith.constant 0 : i32
      %dma_start3A_313 = tpu.memref_slice %arg19[%run_scoped3A_183, %dma_start3A_311, %dma_start3A_312] : memref<2x128x128xf32, #tpu.memory_space<vmem>> -> memref<1x128x128xf32, #tpu.memory_space<vmem>>
      %dma_start3A_314 = tpu.memref_squeeze %dma_start3A_313 : memref<1x128x128xf32, #tpu.memory_space<vmem>> -> memref<128x128xf32, #tpu.memory_space<vmem>>
      tpu.enqueue_dma source(%dma_start3A_314 : memref<128x128xf32, #tpu.memory_space<vmem>>) target(%dma_start3A_310 : memref<128x128xf32, #tpu.memory_space<vmem_shared>>) target_semaphore(%run_scoped3A_302 : memref<!tpu.dma_semaphore, #tpu.memory_space<semaphore_mem>>)
      %dma_wait3A_315 = arith.constant 0 : i32
      %dma_wait3A_316 = arith.constant 0 : i32
      %dma_wait3A_317 = tpu.memref_slice %arg19[%run_scoped3A_183, %dma_wait3A_315, %dma_wait3A_316] : memref<2x128x128xf32, #tpu.memory_space<vmem>> -> memref<1x128x128xf32, #tpu.memory_space<vmem>>
      %dma_wait3A_318 = tpu.memref_squeeze %dma_wait3A_317 : memref<1x128x128xf32, #tpu.memory_space<vmem>> -> memref<128x128xf32, #tpu.memory_space<vmem>>
      %dma_wait3A_319 = arith.constant 0 : i32
      %dma_wait3A_320 = tpu.memref_slice %arg23[%add3A_182, %dma_wait3A_319] : memref<10240x128xf32, #tpu.memory_space<vmem_shared>> -> memref<128x128xf32, #tpu.memory_space<vmem_shared>>
      %dma_wait3A_321 = arith.constant 0 : i32
      %dma_wait3A_322 = tpu.memref_slice %arg23[%add3A_182, %dma_wait3A_321] : memref<10240x128xf32, #tpu.memory_space<vmem_shared>> -> memref<128x128xf32, #tpu.memory_space<vmem_shared>>
      %dma_wait3A_323 = arith.constant 0 : i32
      %dma_wait3A_324 = arith.constant 0 : i32
      %dma_wait3A_325 = tpu.memref_slice %arg19[%run_scoped3A_183, %dma_wait3A_323, %dma_wait3A_324] : memref<2x128x128xf32, #tpu.memory_space<vmem>> -> memref<1x128x128xf32, #tpu.memory_space<vmem>>
      %dma_wait3A_326 = tpu.memref_squeeze %dma_wait3A_325 : memref<1x128x128xf32, #tpu.memory_space<vmem>> -> memref<128x128xf32, #tpu.memory_space<vmem>>
      tpu.wait_dma2 semaphore(%run_scoped3A_302 : memref<!tpu.dma_semaphore, #tpu.memory_space<semaphore_mem>>) src(%dma_wait3A_326 : memref<128x128xf32, #tpu.memory_space<vmem>>) dst(%dma_wait3A_322 : memref<128x128xf32, #tpu.memory_space<vmem_shared>>)
      tpu.yield
    }) : () -> ()
    %mul3A_184 = arith.constant 640 : i32
    %mul3A_185 = arith.muli %arg1, %mul3A_184 : i32
    "tpu.region"() ({
      %run_scoped3A_302 = tpu.sem_alloc : memref<!tpu.dma_semaphore, #tpu.memory_space<semaphore_mem>>
      %dma_start3A_303 = tpu.memref_slice %arg24[%mul3A_185] : memref<10240xf32, #tpu.memory_space<vmem_shared>> -> memref<640xf32, #tpu.memory_space<vmem_shared>>
      %dma_start3A_304 = tpu.memref_slice %arg24[%mul3A_185] : memref<10240xf32, #tpu.memory_space<vmem_shared>> -> memref<640xf32, #tpu.memory_space<vmem_shared>>
      tpu.enqueue_dma source(%arg20 : memref<640xf32, #tpu.memory_space<vmem>>) target(%dma_start3A_304 : memref<640xf32, #tpu.memory_space<vmem_shared>>) target_semaphore(%run_scoped3A_302 : memref<!tpu.dma_semaphore, #tpu.memory_space<semaphore_mem>>)
      %dma_wait3A_305 = tpu.memref_slice %arg24[%mul3A_185] : memref<10240xf32, #tpu.memory_space<vmem_shared>> -> memref<640xf32, #tpu.memory_space<vmem_shared>>
      %dma_wait3A_306 = tpu.memref_slice %arg24[%mul3A_185] : memref<10240xf32, #tpu.memory_space<vmem_shared>> -> memref<640xf32, #tpu.memory_space<vmem_shared>>
      tpu.wait_dma2 semaphore(%run_scoped3A_302 : memref<!tpu.dma_semaphore, #tpu.memory_space<semaphore_mem>>) src(%arg20 : memref<640xf32, #tpu.memory_space<vmem>>) dst(%dma_wait3A_306 : memref<640xf32, #tpu.memory_space<vmem_shared>>)
      tpu.yield
    }) : () -> ()
    %mul3A_186 = arith.constant 640 : i32
    %mul3A_187 = arith.muli %arg1, %mul3A_186 : i32
    %mul3A_188 = arith.constant 640 : i32
    %mul3A_189 = arith.muli %arg1, %mul3A_188 : i32
    "tpu.region"() ({
      %run_scoped3A_302 = tpu.sem_alloc : memref<!tpu.dma_semaphore, #tpu.memory_space<semaphore_mem>>
      %dma_start3A_303 = tpu.memref_slice %arg21[%mul3A_189] : memref<10240xf32, #tpu.memory_space<vmem_shared>> -> memref<640xf32, #tpu.memory_space<vmem_shared>>
      %dma_start3A_304 = tpu.memref_slice %arg6[%mul3A_187] : memref<10240xf32, #tpu.memory_space<hbm>> -> memref<640xf32, #tpu.memory_space<hbm>>
      tpu.enqueue_dma source(%dma_start3A_304 : memref<640xf32, #tpu.memory_space<hbm>>) target(%dma_start3A_303 : memref<640xf32, #tpu.memory_space<vmem_shared>>) target_semaphore(%run_scoped3A_302 : memref<!tpu.dma_semaphore, #tpu.memory_space<semaphore_mem>>)
      %dma_wait3A_305 = tpu.memref_slice %arg21[%mul3A_189] : memref<10240xf32, #tpu.memory_space<vmem_shared>> -> memref<640xf32, #tpu.memory_space<vmem_shared>>
      %dma_wait3A_306 = tpu.memref_slice %arg6[%mul3A_187] : memref<10240xf32, #tpu.memory_space<hbm>> -> memref<640xf32, #tpu.memory_space<hbm>>
      tpu.wait_dma2 semaphore(%run_scoped3A_302 : memref<!tpu.dma_semaphore, #tpu.memory_space<semaphore_mem>>) src(%dma_wait3A_306 : memref<640xf32, #tpu.memory_space<hbm>>) dst(%dma_wait3A_305 : memref<640xf32, #tpu.memory_space<vmem_shared>>)
      tpu.yield
    }) : () -> ()
    %mul3A_190 = arith.constant 640 : i32
    %mul3A_191 = arith.muli %arg1, %mul3A_190 : i32
    %mul3A_192 = arith.constant 640 : i32
    %mul3A_193 = arith.muli %arg1, %mul3A_192 : i32
    "tpu.region"() ({
      %run_scoped3A_302 = tpu.sem_alloc : memref<!tpu.dma_semaphore, #tpu.memory_space<semaphore_mem>>
      %dma_start3A_303 = tpu.memref_slice %arg22[%mul3A_193] : memref<10240xf32, #tpu.memory_space<vmem_shared>> -> memref<640xf32, #tpu.memory_space<vmem_shared>>
      %dma_start3A_304 = tpu.memref_slice %arg7[%mul3A_191] : memref<10240xf32, #tpu.memory_space<hbm>> -> memref<640xf32, #tpu.memory_space<hbm>>
      tpu.enqueue_dma source(%dma_start3A_304 : memref<640xf32, #tpu.memory_space<hbm>>) target(%dma_start3A_303 : memref<640xf32, #tpu.memory_space<vmem_shared>>) target_semaphore(%run_scoped3A_302 : memref<!tpu.dma_semaphore, #tpu.memory_space<semaphore_mem>>)
      %dma_wait3A_305 = tpu.memref_slice %arg22[%mul3A_193] : memref<10240xf32, #tpu.memory_space<vmem_shared>> -> memref<640xf32, #tpu.memory_space<vmem_shared>>
      %dma_wait3A_306 = tpu.memref_slice %arg7[%mul3A_191] : memref<10240xf32, #tpu.memory_space<hbm>> -> memref<640xf32, #tpu.memory_space<hbm>>
      tpu.wait_dma2 semaphore(%run_scoped3A_302 : memref<!tpu.dma_semaphore, #tpu.memory_space<semaphore_mem>>) src(%dma_wait3A_306 : memref<640xf32, #tpu.memory_space<hbm>>) dst(%dma_wait3A_305 : memref<640xf32, #tpu.memory_space<vmem_shared>>)
      tpu.yield
    }) : () -> ()
    "tpu.region"() ({
      %run_scoped3A_302 = tpu.sem_alloc : memref<!tpu.dma_semaphore, #tpu.memory_space<semaphore_mem>>
      %dma_start3A_303 = arith.constant 0 : i32
      %dma_start3A_304 = arith.constant 0 : i32
      %dma_start3A_305 = tpu.memref_slice %arg10[%add3A, %dma_start3A_303, %dma_start3A_304] : memref<32x40x128xi32, #tpu.memory_space<hbm>> -> memref<1x40x128xi32, #tpu.memory_space<hbm>>
      %dma_start3A_306 = tpu.memref_squeeze %dma_start3A_305 : memref<1x40x128xi32, #tpu.memory_space<hbm>> -> memref<40x128xi32, #tpu.memory_space<hbm>>
      %dma_start3A_307 = arith.constant 0 : i32
      %dma_start3A_308 = arith.constant 0 : i32
      %dma_start3A_309 = tpu.memref_slice %arg10[%add3A, %dma_start3A_307, %dma_start3A_308] : memref<32x40x128xi32, #tpu.memory_space<hbm>> -> memref<1x40x128xi32, #tpu.memory_space<hbm>>
      %dma_start3A_310 = tpu.memref_squeeze %dma_start3A_309 : memref<1x40x128xi32, #tpu.memory_space<hbm>> -> memref<40x128xi32, #tpu.memory_space<hbm>>
      tpu.enqueue_dma source(%dma_start3A_310 : memref<40x128xi32, #tpu.memory_space<hbm>>) target(%arg14 : memref<40x128xi32, #tpu.memory_space<vmem>>) target_semaphore(%run_scoped3A_302 : memref<!tpu.dma_semaphore, #tpu.memory_space<semaphore_mem>>)
      %dma_wait3A_311 = arith.constant 0 : i32
      %dma_wait3A_312 = arith.constant 0 : i32
      %dma_wait3A_313 = tpu.memref_slice %arg10[%add3A, %dma_wait3A_311, %dma_wait3A_312] : memref<32x40x128xi32, #tpu.memory_space<hbm>> -> memref<1x40x128xi32, #tpu.memory_space<hbm>>
      %dma_wait3A_314 = tpu.memref_squeeze %dma_wait3A_313 : memref<1x40x128xi32, #tpu.memory_space<hbm>> -> memref<40x128xi32, #tpu.memory_space<hbm>>
      %dma_wait3A_315 = arith.constant 0 : i32
      %dma_wait3A_316 = arith.constant 0 : i32
      %dma_wait3A_317 = tpu.memref_slice %arg10[%add3A, %dma_wait3A_315, %dma_wait3A_316] : memref<32x40x128xi32, #tpu.memory_space<hbm>> -> memref<1x40x128xi32, #tpu.memory_space<hbm>>
      %dma_wait3A_318 = tpu.memref_squeeze %dma_wait3A_317 : memref<1x40x128xi32, #tpu.memory_space<hbm>> -> memref<40x128xi32, #tpu.memory_space<hbm>>
      tpu.wait_dma2 semaphore(%run_scoped3A_302 : memref<!tpu.dma_semaphore, #tpu.memory_space<semaphore_mem>>) src(%dma_wait3A_318 : memref<40x128xi32, #tpu.memory_space<hbm>>) dst(%arg14 : memref<40x128xi32, #tpu.memory_space<vmem>>)
      tpu.yield
    }) : () -> ()
    "tpu.region"() ({
      %run_scoped3A_302 = tpu.sem_alloc : memref<!tpu.dma_semaphore, #tpu.memory_space<semaphore_mem>>
      %dma_start3A_303 = arith.constant 0 : i32
      %dma_start3A_304 = arith.constant 0 : i32
      %dma_start3A_305 = tpu.memref_slice %arg11[%add3A, %dma_start3A_303, %dma_start3A_304] : memref<32x40x128xi32, #tpu.memory_space<hbm>> -> memref<1x40x128xi32, #tpu.memory_space<hbm>>
      %dma_start3A_306 = tpu.memref_squeeze %dma_start3A_305 : memref<1x40x128xi32, #tpu.memory_space<hbm>> -> memref<40x128xi32, #tpu.memory_space<hbm>>
      %dma_start3A_307 = arith.constant 0 : i32
      %dma_start3A_308 = arith.constant 0 : i32
      %dma_start3A_309 = tpu.memref_slice %arg11[%add3A, %dma_start3A_307, %dma_start3A_308] : memref<32x40x128xi32, #tpu.memory_space<hbm>> -> memref<1x40x128xi32, #tpu.memory_space<hbm>>
      %dma_start3A_310 = tpu.memref_squeeze %dma_start3A_309 : memref<1x40x128xi32, #tpu.memory_space<hbm>> -> memref<40x128xi32, #tpu.memory_space<hbm>>
      tpu.enqueue_dma source(%dma_start3A_310 : memref<40x128xi32, #tpu.memory_space<hbm>>) target(%arg15 : memref<40x128xi32, #tpu.memory_space<vmem>>) target_semaphore(%run_scoped3A_302 : memref<!tpu.dma_semaphore, #tpu.memory_space<semaphore_mem>>)
      %dma_wait3A_311 = arith.constant 0 : i32
      %dma_wait3A_312 = arith.constant 0 : i32
      %dma_wait3A_313 = tpu.memref_slice %arg11[%add3A, %dma_wait3A_311, %dma_wait3A_312] : memref<32x40x128xi32, #tpu.memory_space<hbm>> -> memref<1x40x128xi32, #tpu.memory_space<hbm>>
      %dma_wait3A_314 = tpu.memref_squeeze %dma_wait3A_313 : memref<1x40x128xi32, #tpu.memory_space<hbm>> -> memref<40x128xi32, #tpu.memory_space<hbm>>
      %dma_wait3A_315 = arith.constant 0 : i32
      %dma_wait3A_316 = arith.constant 0 : i32
      %dma_wait3A_317 = tpu.memref_slice %arg11[%add3A, %dma_wait3A_315, %dma_wait3A_316] : memref<32x40x128xi32, #tpu.memory_space<hbm>> -> memref<1x40x128xi32, #tpu.memory_space<hbm>>
      %dma_wait3A_318 = tpu.memref_squeeze %dma_wait3A_317 : memref<1x40x128xi32, #tpu.memory_space<hbm>> -> memref<40x128xi32, #tpu.memory_space<hbm>>
      tpu.wait_dma2 semaphore(%run_scoped3A_302 : memref<!tpu.dma_semaphore, #tpu.memory_space<semaphore_mem>>) src(%dma_wait3A_318 : memref<40x128xi32, #tpu.memory_space<hbm>>) dst(%arg15 : memref<40x128xi32, #tpu.memory_space<vmem>>)
      tpu.yield
    }) : () -> ()
    %barrier3A_194 = arith.constant 0 : index
    tpu.barrier barrier_id(%barrier3A_194)
    %dma_start3A_195 = arith.constant 0 : i32
    %dma_start3A_196 = arith.constant 0 : i32
    %dma_start3A_197 = arith.constant 0 : i32
    %dma_start3A_198 = tpu.memref_slice %arg16[%dma_start3A_196, %dma_start3A_197] : memref<2x128xf32, #tpu.memory_space<vmem>> -> memref<1x128xf32, #tpu.memory_space<vmem>>
    %dma_start3A_199 = tpu.memref_squeeze %dma_start3A_198 : memref<1x128xf32, #tpu.memory_space<vmem>> -> memref<128xf32, #tpu.memory_space<vmem>>
    %dma_start3A_200 = arith.constant 0 : i32
    %dma_start3A_201 = tpu.memref_slice %arg14[%dma_start3A_195, %dma_start3A_200] : memref<40x128xi32, #tpu.memory_space<vmem>> -> memref<1x128xi32, #tpu.memory_space<vmem>>
    %dma_start3A_202 = tpu.memref_squeeze %dma_start3A_201 : memref<1x128xi32, #tpu.memory_space<vmem>> -> memref<128xi32, #tpu.memory_space<vmem>>
    %dma_start3A_203 = arith.constant 0 : i32
    %dma_start3A_204 = tpu.memref_slice %arg21[%dma_start3A_203] : memref<10240xf32, #tpu.memory_space<vmem_shared>> -> memref<10240xf32, #tpu.memory_space<vmem_shared>>
    tpu.enqueue_indirect_dma source(%dma_start3A_204 : memref<10240xf32, #tpu.memory_space<vmem_shared>>) target(%dma_start3A_199 : memref<128xf32, #tpu.memory_space<vmem>>) offsets(%dma_start3A_202 : memref<128xi32, #tpu.memory_space<vmem>>) semaphore(%arg26 : memref<!tpu.dma_semaphore, #tpu.memory_space<semaphore_mem>>)
    %dma_start3A_205 = arith.constant 0 : i32
    %dma_start3A_206 = arith.constant 0 : i32
    %dma_start3A_207 = arith.constant 0 : i32
    %dma_start3A_208 = tpu.memref_slice %arg17[%dma_start3A_206, %dma_start3A_207] : memref<2x128xf32, #tpu.memory_space<vmem>> -> memref<1x128xf32, #tpu.memory_space<vmem>>
    %dma_start3A_209 = tpu.memref_squeeze %dma_start3A_208 : memref<1x128xf32, #tpu.memory_space<vmem>> -> memref<128xf32, #tpu.memory_space<vmem>>
    %dma_start3A_210 = arith.constant 0 : i32
    %dma_start3A_211 = tpu.memref_slice %arg15[%dma_start3A_205, %dma_start3A_210] : memref<40x128xi32, #tpu.memory_space<vmem>> -> memref<1x128xi32, #tpu.memory_space<vmem>>
    %dma_start3A_212 = tpu.memref_squeeze %dma_start3A_211 : memref<1x128xi32, #tpu.memory_space<vmem>> -> memref<128xi32, #tpu.memory_space<vmem>>
    %dma_start3A_213 = arith.constant 0 : i32
    %dma_start3A_214 = tpu.memref_slice %arg22[%dma_start3A_213] : memref<10240xf32, #tpu.memory_space<vmem_shared>> -> memref<10240xf32, #tpu.memory_space<vmem_shared>>
    tpu.enqueue_indirect_dma source(%dma_start3A_214 : memref<10240xf32, #tpu.memory_space<vmem_shared>>) target(%dma_start3A_209 : memref<128xf32, #tpu.memory_space<vmem>>) offsets(%dma_start3A_212 : memref<128xi32, #tpu.memory_space<vmem>>) semaphore(%arg26 : memref<!tpu.dma_semaphore, #tpu.memory_space<semaphore_mem>>)
    %dma_start3A_215 = arith.constant 0 : i32
    %dma_start3A_216 = arith.constant 0 : i32
    %dma_start3A_217 = arith.constant 0 : i32
    %dma_start3A_218 = arith.constant 0 : i32
    %dma_start3A_219 = tpu.memref_slice %arg19[%dma_start3A_216, %dma_start3A_217, %dma_start3A_218] : memref<2x128x128xf32, #tpu.memory_space<vmem>> -> memref<1x128x128xf32, #tpu.memory_space<vmem>>
    %dma_start3A_220 = tpu.memref_squeeze %dma_start3A_219 : memref<1x128x128xf32, #tpu.memory_space<vmem>> -> memref<128x128xf32, #tpu.memory_space<vmem>>
    %dma_start3A_221 = arith.constant 0 : i32
    %dma_start3A_222 = tpu.memref_slice %arg14[%dma_start3A_215, %dma_start3A_221] : memref<40x128xi32, #tpu.memory_space<vmem>> -> memref<1x128xi32, #tpu.memory_space<vmem>>
    %dma_start3A_223 = tpu.memref_squeeze %dma_start3A_222 : memref<1x128xi32, #tpu.memory_space<vmem>> -> memref<128xi32, #tpu.memory_space<vmem>>
    %dma_start3A_224 = arith.constant 0 : i32
    %dma_start3A_225 = arith.constant 0 : i32
    %dma_start3A_226 = tpu.memref_slice %arg3[%dma_start3A_224, %dma_start3A_225] : memref<10000x128xf32, #tpu.memory_space<hbm>> -> memref<10000x128xf32, #tpu.memory_space<hbm>>
    tpu.enqueue_indirect_dma source(%dma_start3A_226 : memref<10000x128xf32, #tpu.memory_space<hbm>>) target(%dma_start3A_220 : memref<128x128xf32, #tpu.memory_space<vmem>>) offsets(%dma_start3A_223 : memref<128xi32, #tpu.memory_space<vmem>>) semaphore(%arg25 : memref<!tpu.dma_semaphore, #tpu.memory_space<semaphore_mem>>)
    %scan3A_227 = arith.constant 0 : i32
    %scan3A_228 = arith.constant 40 : i32
    %scan3A_229 = arith.addi %scan3A_227, %scan3A_228 : i32
    %scan3A_230 = arith.constant 1 : i32
    scf.for %scan3A_302 = %scan3A_227 to %scan3A_229 step %scan3A_230  : i32 {
      %and3A = arith.constant 1 : i32
      %and3A_303 = arith.andi %scan3A_302, %and3A : i32
      %sub3A = arith.constant 1 : i32
      %sub3A_304 = arith.subi %sub3A, %and3A_303 : i32
      %dma_wait3A_305 = arith.constant 0 : i32
      %dma_wait3A_306 = tpu.memref_slice %arg16[%and3A_303, %dma_wait3A_305] : memref<2x128xf32, #tpu.memory_space<vmem>> -> memref<1x128xf32, #tpu.memory_space<vmem>>
      %dma_wait3A_307 = tpu.memref_squeeze %dma_wait3A_306 : memref<1x128xf32, #tpu.memory_space<vmem>> -> memref<128xf32, #tpu.memory_space<vmem>>
      %dma_wait3A_308 = arith.constant 0 : i32
      %dma_wait3A_309 = tpu.memref_slice %arg14[%scan3A_302, %dma_wait3A_308] : memref<40x128xi32, #tpu.memory_space<vmem>> -> memref<1x128xi32, #tpu.memory_space<vmem>>
      %dma_wait3A_310 = tpu.memref_squeeze %dma_wait3A_309 : memref<1x128xi32, #tpu.memory_space<vmem>> -> memref<128xi32, #tpu.memory_space<vmem>>
      %dma_wait3A_311 = arith.constant 0 : i32
      %dma_wait3A_312 = tpu.memref_slice %arg21[%dma_wait3A_311] : memref<10240xf32, #tpu.memory_space<vmem_shared>> -> memref<10240xf32, #tpu.memory_space<vmem_shared>>
      tpu.wait_indirect_dma semaphore(%arg26 : memref<!tpu.dma_semaphore, #tpu.memory_space<semaphore_mem>>) src(%dma_wait3A_312 : memref<10240xf32, #tpu.memory_space<vmem_shared>>) dst(%dma_wait3A_307 : memref<128xf32, #tpu.memory_space<vmem>>)
      %dma_wait3A_313 = arith.constant 0 : i32
      %dma_wait3A_314 = tpu.memref_slice %arg17[%and3A_303, %dma_wait3A_313] : memref<2x128xf32, #tpu.memory_space<vmem>> -> memref<1x128xf32, #tpu.memory_space<vmem>>
      %dma_wait3A_315 = tpu.memref_squeeze %dma_wait3A_314 : memref<1x128xf32, #tpu.memory_space<vmem>> -> memref<128xf32, #tpu.memory_space<vmem>>
      %dma_wait3A_316 = arith.constant 0 : i32
      %dma_wait3A_317 = tpu.memref_slice %arg15[%scan3A_302, %dma_wait3A_316] : memref<40x128xi32, #tpu.memory_space<vmem>> -> memref<1x128xi32, #tpu.memory_space<vmem>>
      %dma_wait3A_318 = tpu.memref_squeeze %dma_wait3A_317 : memref<1x128xi32, #tpu.memory_space<vmem>> -> memref<128xi32, #tpu.memory_space<vmem>>
      %dma_wait3A_319 = arith.constant 0 : i32
      %dma_wait3A_320 = tpu.memref_slice %arg22[%dma_wait3A_319] : memref<10240xf32, #tpu.memory_space<vmem_shared>> -> memref<10240xf32, #tpu.memory_space<vmem_shared>>
      tpu.wait_indirect_dma semaphore(%arg26 : memref<!tpu.dma_semaphore, #tpu.memory_space<semaphore_mem>>) src(%dma_wait3A_320 : memref<10240xf32, #tpu.memory_space<vmem_shared>>) dst(%dma_wait3A_315 : memref<128xf32, #tpu.memory_space<vmem>>)
      %get3A = arith.index_cast %and3A_303 : i32 to index
      %get3A_321 = arith.constant 0 : index
      %get3A_322 = tpu.vector_load %arg16[%get3A, %get3A_321] {strides = array<i32>} : memref<2x128xf32, #tpu.memory_space<vmem>>, vector<16xf32>,
      %get3A_323 = arith.index_cast %and3A_303 : i32 to index
      %get3A_324 = arith.constant 0 : index
      %get3A_325 = tpu.vector_load %arg17[%get3A_323, %get3A_324] {strides = array<i32>} : memref<2x128xf32, #tpu.memory_space<vmem>>, vector<16xf32>,
      %add3A_326 = arith.addf %get3A_322, %get3A_325 : vector<16xf32>
      %mul3A_327 = arith.constant 0.00999999977 : f32
      %mul3A_328 = vector.broadcast %mul3A_327 : f32 to vector<16xf32>
      %mul3A_329 = arith.mulf %mul3A_328, %add3A_326 : vector<16xf32>
      %max3A = arith.maximumf %add3A_326, %mul3A_329 : vector<16xf32>
      %min3A = arith.constant 5.000000e+01 : f32
      %min3A_330 = vector.broadcast %min3A : f32 to vector<16xf32>
      %min3A_331 = arith.minimumf %max3A, %min3A_330 : vector<16xf32>
      %mul3A_332 = arith.constant 5120 : i32
      %mul3A_333 = arith.muli %add3A, %mul3A_332 : i32
      %mul3A_334 = arith.constant 128 : i32
      %mul3A_335 = arith.muli %scan3A_302, %mul3A_334 : i32
      %add3A_336 = arith.addi %mul3A_333, %mul3A_335 : i32
      %add3A_337 = arith.constant 0 : i32
      %add3A_338 = arith.addi %add3A_336, %add3A_337 : i32
      %iota3A = tpu.iota {dimensions = array<i32: 0>} : vector<16xi32>
      %add3A_339 = vector.broadcast %add3A_338 : i32 to vector<16xi32>
      %add3A_340 = arith.addi %add3A_339, %iota3A : vector<16xi32>
      %lt3A = arith.constant 160000 : i32
      %lt3A_341 = vector.broadcast %lt3A : i32 to vector<16xi32>
      %lt3A_342 = arith.cmpi slt, %add3A_340, %lt3A_341 : vector<16xi32>
      %exp3A = math.exp %min3A_331 : vector<16xf32>
      %jit3A = arith.constant 0.000000e+00 : f32
      %broadcast_in_dim3A = vector.broadcast %jit3A : f32 to vector<16xf32>
      %select_n3A = arith.select %lt3A_342, %exp3A, %broadcast_in_dim3A : vector<16xi1>, vector<16xf32>
      %swap3A = arith.index_cast %and3A_303 : i32 to index
      %swap3A_343 = arith.constant 0 : index
      %swap3A_344 = tpu.vector_load %arg18[%swap3A, %swap3A_343] {strides = array<i32>} : memref<2x128xf32, #tpu.memory_space<vmem>>, vector<16xf32>,
      tpu.vector_store %arg18[%swap3A, %swap3A_343], %select_n3A {strides = array<i32>} : memref<2x128xf32, #tpu.memory_space<vmem>>, vector<16xf32>,
      %get3A_345 = arith.index_cast %and3A_303 : i32 to index
      %get3A_346 = arith.constant 16 : index
      %get3A_347 = tpu.vector_load %arg16[%get3A_345, %get3A_346] {strides = array<i32>} : memref<2x128xf32, #tpu.memory_space<vmem>>, vector<16xf32>,
      %get3A_348 = arith.index_cast %and3A_303 : i32 to index
      %get3A_349 = arith.constant 16 : index
      %get3A_350 = tpu.vector_load %arg17[%get3A_348, %get3A_349] {strides = array<i32>} : memref<2x128xf32, #tpu.memory_space<vmem>>, vector<16xf32>,
      %add3A_351 = arith.addf %get3A_347, %get3A_350 : vector<16xf32>
      %mul3A_352 = arith.constant 0.00999999977 : f32
      %mul3A_353 = vector.broadcast %mul3A_352 : f32 to vector<16xf32>
      %mul3A_354 = arith.mulf %mul3A_353, %add3A_351 : vector<16xf32>
      %max3A_355 = arith.maximumf %add3A_351, %mul3A_354 : vector<16xf32>
      %min3A_356 = arith.constant 5.000000e+01 : f32
      %min3A_357 = vector.broadcast %min3A_356 : f32 to vector<16xf32>
      %min3A_358 = arith.minimumf %max3A_355, %min3A_357 : vector<16xf32>
      %mul3A_359 = arith.constant 5120 : i32
      %mul3A_360 = arith.muli %add3A, %mul3A_359 : i32
      %mul3A_361 = arith.constant 128 : i32
      %mul3A_362 = arith.muli %scan3A_302, %mul3A_361 : i32
      %add3A_363 = arith.addi %mul3A_360, %mul3A_362 : i32
      %add3A_364 = arith.constant 16 : i32
      %add3A_365 = arith.addi %add3A_363, %add3A_364 : i32
      %iota3A_366 = tpu.iota {dimensions = array<i32: 0>} : vector<16xi32>
      %add3A_367 = vector.broadcast %add3A_365 : i32 to vector<16xi32>
      %add3A_368 = arith.addi %add3A_367, %iota3A_366 : vector<16xi32>
      %lt3A_369 = arith.constant 160000 : i32
      %lt3A_370 = vector.broadcast %lt3A_369 : i32 to vector<16xi32>
      %lt3A_371 = arith.cmpi slt, %add3A_368, %lt3A_370 : vector<16xi32>
      %exp3A_372 = math.exp %min3A_358 : vector<16xf32>
      %jit3A_373 = arith.constant 0.000000e+00 : f32
      %broadcast_in_dim3A_374 = vector.broadcast %jit3A_373 : f32 to vector<16xf32>
      %select_n3A_375 = arith.select %lt3A_371, %exp3A_372, %broadcast_in_dim3A_374 : vector<16xi1>, vector<16xf32>
      %swap3A_376 = arith.index_cast %and3A_303 : i32 to index
      %swap3A_377 = arith.constant 16 : index
      %swap3A_378 = tpu.vector_load %arg18[%swap3A_376, %swap3A_377] {strides = array<i32>} : memref<2x128xf32, #tpu.memory_space<vmem>>, vector<16xf32>,
      tpu.vector_store %arg18[%swap3A_376, %swap3A_377], %select_n3A_375 {strides = array<i32>} : memref<2x128xf32, #tpu.memory_space<vmem>>, vector<16xf32>,
      %get3A_379 = arith.index_cast %and3A_303 : i32 to index
      %get3A_380 = arith.constant 32 : index
      %get3A_381 = tpu.vector_load %arg16[%get3A_379, %get3A_380] {strides = array<i32>} : memref<2x128xf32, #tpu.memory_space<vmem>>, vector<16xf32>,
      %get3A_382 = arith.index_cast %and3A_303 : i32 to index
      %get3A_383 = arith.constant 32 : index
      %get3A_384 = tpu.vector_load %arg17[%get3A_382, %get3A_383] {strides = array<i32>} : memref<2x128xf32, #tpu.memory_space<vmem>>, vector<16xf32>,
      %add3A_385 = arith.addf %get3A_381, %get3A_384 : vector<16xf32>
      %mul3A_386 = arith.constant 0.00999999977 : f32
      %mul3A_387 = vector.broadcast %mul3A_386 : f32 to vector<16xf32>
      %mul3A_388 = arith.mulf %mul3A_387, %add3A_385 : vector<16xf32>
      %max3A_389 = arith.maximumf %add3A_385, %mul3A_388 : vector<16xf32>
      %min3A_390 = arith.constant 5.000000e+01 : f32
      %min3A_391 = vector.broadcast %min3A_390 : f32 to vector<16xf32>
      %min3A_392 = arith.minimumf %max3A_389, %min3A_391 : vector<16xf32>
      %mul3A_393 = arith.constant 5120 : i32
      %mul3A_394 = arith.muli %add3A, %mul3A_393 : i32
      %mul3A_395 = arith.constant 128 : i32
      %mul3A_396 = arith.muli %scan3A_302, %mul3A_395 : i32
      %add3A_397 = arith.addi %mul3A_394, %mul3A_396 : i32
      %add3A_398 = arith.constant 32 : i32
      %add3A_399 = arith.addi %add3A_397, %add3A_398 : i32
      %iota3A_400 = tpu.iota {dimensions = array<i32: 0>} : vector<16xi32>
      %add3A_401 = vector.broadcast %add3A_399 : i32 to vector<16xi32>
      %add3A_402 = arith.addi %add3A_401, %iota3A_400 : vector<16xi32>
      %lt3A_403 = arith.constant 160000 : i32
      %lt3A_404 = vector.broadcast %lt3A_403 : i32 to vector<16xi32>
      %lt3A_405 = arith.cmpi slt, %add3A_402, %lt3A_404 : vector<16xi32>
      %exp3A_406 = math.exp %min3A_392 : vector<16xf32>
      %jit3A_407 = arith.constant 0.000000e+00 : f32
      %broadcast_in_dim3A_408 = vector.broadcast %jit3A_407 : f32 to vector<16xf32>
      %select_n3A_409 = arith.select %lt3A_405, %exp3A_406, %broadcast_in_dim3A_408 : vector<16xi1>, vector<16xf32>
      %swap3A_410 = arith.index_cast %and3A_303 : i32 to index
      %swap3A_411 = arith.constant 32 : index
      %swap3A_412 = tpu.vector_load %arg18[%swap3A_410, %swap3A_411] {strides = array<i32>} : memref<2x128xf32, #tpu.memory_space<vmem>>, vector<16xf32>,
      tpu.vector_store %arg18[%swap3A_410, %swap3A_411], %select_n3A_409 {strides = array<i32>} : memref<2x128xf32, #tpu.memory_space<vmem>>, vector<16xf32>,
      %get3A_413 = arith.index_cast %and3A_303 : i32 to index
      %get3A_414 = arith.constant 48 : index
      %get3A_415 = tpu.vector_load %arg16[%get3A_413, %get3A_414] {strides = array<i32>} : memref<2x128xf32, #tpu.memory_space<vmem>>, vector<16xf32>,
      %get3A_416 = arith.index_cast %and3A_303 : i32 to index
      %get3A_417 = arith.constant 48 : index
      %get3A_418 = tpu.vector_load %arg17[%get3A_416, %get3A_417] {strides = array<i32>} : memref<2x128xf32, #tpu.memory_space<vmem>>, vector<16xf32>,
      %add3A_419 = arith.addf %get3A_415, %get3A_418 : vector<16xf32>
      %mul3A_420 = arith.constant 0.00999999977 : f32
      %mul3A_421 = vector.broadcast %mul3A_420 : f32 to vector<16xf32>
      %mul3A_422 = arith.mulf %mul3A_421, %add3A_419 : vector<16xf32>
      %max3A_423 = arith.maximumf %add3A_419, %mul3A_422 : vector<16xf32>
      %min3A_424 = arith.constant 5.000000e+01 : f32
      %min3A_425 = vector.broadcast %min3A_424 : f32 to vector<16xf32>
      %min3A_426 = arith.minimumf %max3A_423, %min3A_425 : vector<16xf32>
      %mul3A_427 = arith.constant 5120 : i32
      %mul3A_428 = arith.muli %add3A, %mul3A_427 : i32
      %mul3A_429 = arith.constant 128 : i32
      %mul3A_430 = arith.muli %scan3A_302, %mul3A_429 : i32
      %add3A_431 = arith.addi %mul3A_428, %mul3A_430 : i32
      %add3A_432 = arith.constant 48 : i32
      %add3A_433 = arith.addi %add3A_431, %add3A_432 : i32
      %iota3A_434 = tpu.iota {dimensions = array<i32: 0>} : vector<16xi32>
      %add3A_435 = vector.broadcast %add3A_433 : i32 to vector<16xi32>
      %add3A_436 = arith.addi %add3A_435, %iota3A_434 : vector<16xi32>
      %lt3A_437 = arith.constant 160000 : i32
      %lt3A_438 = vector.broadcast %lt3A_437 : i32 to vector<16xi32>
      %lt3A_439 = arith.cmpi slt, %add3A_436, %lt3A_438 : vector<16xi32>
      %exp3A_440 = math.exp %min3A_426 : vector<16xf32>
      %jit3A_441 = arith.constant 0.000000e+00 : f32
      %broadcast_in_dim3A_442 = vector.broadcast %jit3A_441 : f32 to vector<16xf32>
      %select_n3A_443 = arith.select %lt3A_439, %exp3A_440, %broadcast_in_dim3A_442 : vector<16xi1>, vector<16xf32>
      %swap3A_444 = arith.index_cast %and3A_303 : i32 to index
      %swap3A_445 = arith.constant 48 : index
      %swap3A_446 = tpu.vector_load %arg18[%swap3A_444, %swap3A_445] {strides = array<i32>} : memref<2x128xf32, #tpu.memory_space<vmem>>, vector<16xf32>,
      tpu.vector_store %arg18[%swap3A_444, %swap3A_445], %select_n3A_443 {strides = array<i32>} : memref<2x128xf32, #tpu.memory_space<vmem>>, vector<16xf32>,
      %get3A_447 = arith.index_cast %and3A_303 : i32 to index
      %get3A_448 = arith.constant 64 : index
      %get3A_449 = tpu.vector_load %arg16[%get3A_447, %get3A_448] {strides = array<i32>} : memref<2x128xf32, #tpu.memory_space<vmem>>, vector<16xf32>,
      %get3A_450 = arith.index_cast %and3A_303 : i32 to index
      %get3A_451 = arith.constant 64 : index
      %get3A_452 = tpu.vector_load %arg17[%get3A_450, %get3A_451] {strides = array<i32>} : memref<2x128xf32, #tpu.memory_space<vmem>>, vector<16xf32>,
      %add3A_453 = arith.addf %get3A_449, %get3A_452 : vector<16xf32>
      %mul3A_454 = arith.constant 0.00999999977 : f32
      %mul3A_455 = vector.broadcast %mul3A_454 : f32 to vector<16xf32>
      %mul3A_456 = arith.mulf %mul3A_455, %add3A_453 : vector<16xf32>
      %max3A_457 = arith.maximumf %add3A_453, %mul3A_456 : vector<16xf32>
      %min3A_458 = arith.constant 5.000000e+01 : f32
      %min3A_459 = vector.broadcast %min3A_458 : f32 to vector<16xf32>
      %min3A_460 = arith.minimumf %max3A_457, %min3A_459 : vector<16xf32>
      %mul3A_461 = arith.constant 5120 : i32
      %mul3A_462 = arith.muli %add3A, %mul3A_461 : i32
      %mul3A_463 = arith.constant 128 : i32
      %mul3A_464 = arith.muli %scan3A_302, %mul3A_463 : i32
      %add3A_465 = arith.addi %mul3A_462, %mul3A_464 : i32
      %add3A_466 = arith.constant 64 : i32
      %add3A_467 = arith.addi %add3A_465, %add3A_466 : i32
      %iota3A_468 = tpu.iota {dimensions = array<i32: 0>} : vector<16xi32>
      %add3A_469 = vector.broadcast %add3A_467 : i32 to vector<16xi32>
      %add3A_470 = arith.addi %add3A_469, %iota3A_468 : vector<16xi32>
      %lt3A_471 = arith.constant 160000 : i32
      %lt3A_472 = vector.broadcast %lt3A_471 : i32 to vector<16xi32>
      %lt3A_473 = arith.cmpi slt, %add3A_470, %lt3A_472 : vector<16xi32>
      %exp3A_474 = math.exp %min3A_460 : vector<16xf32>
      %jit3A_475 = arith.constant 0.000000e+00 : f32
      %broadcast_in_dim3A_476 = vector.broadcast %jit3A_475 : f32 to vector<16xf32>
      %select_n3A_477 = arith.select %lt3A_473, %exp3A_474, %broadcast_in_dim3A_476 : vector<16xi1>, vector<16xf32>
      %swap3A_478 = arith.index_cast %and3A_303 : i32 to index
      %swap3A_479 = arith.constant 64 : index
      %swap3A_480 = tpu.vector_load %arg18[%swap3A_478, %swap3A_479] {strides = array<i32>} : memref<2x128xf32, #tpu.memory_space<vmem>>, vector<16xf32>,
      tpu.vector_store %arg18[%swap3A_478, %swap3A_479], %select_n3A_477 {strides = array<i32>} : memref<2x128xf32, #tpu.memory_space<vmem>>, vector<16xf32>,
      %get3A_481 = arith.index_cast %and3A_303 : i32 to index
      %get3A_482 = arith.constant 80 : index
      %get3A_483 = tpu.vector_load %arg16[%get3A_481, %get3A_482] {strides = array<i32>} : memref<2x128xf32, #tpu.memory_space<vmem>>, vector<16xf32>,
      %get3A_484 = arith.index_cast %and3A_303 : i32 to index
      %get3A_485 = arith.constant 80 : index
      %get3A_486 = tpu.vector_load %arg17[%get3A_484, %get3A_485] {strides = array<i32>} : memref<2x128xf32, #tpu.memory_space<vmem>>, vector<16xf32>,
      %add3A_487 = arith.addf %get3A_483, %get3A_486 : vector<16xf32>
      %mul3A_488 = arith.constant 0.00999999977 : f32
      %mul3A_489 = vector.broadcast %mul3A_488 : f32 to vector<16xf32>
      %mul3A_490 = arith.mulf %mul3A_489, %add3A_487 : vector<16xf32>
      %max3A_491 = arith.maximumf %add3A_487, %mul3A_490 : vector<16xf32>
      %min3A_492 = arith.constant 5.000000e+01 : f32
      %min3A_493 = vector.broadcast %min3A_492 : f32 to vector<16xf32>
      %min3A_494 = arith.minimumf %max3A_491, %min3A_493 : vector<16xf32>
      %mul3A_495 = arith.constant 5120 : i32
      %mul3A_496 = arith.muli %add3A, %mul3A_495 : i32
      %mul3A_497 = arith.constant 128 : i32
      %mul3A_498 = arith.muli %scan3A_302, %mul3A_497 : i32
      %add3A_499 = arith.addi %mul3A_496, %mul3A_498 : i32
      %add3A_500 = arith.constant 80 : i32
      %add3A_501 = arith.addi %add3A_499, %add3A_500 : i32
      %iota3A_502 = tpu.iota {dimensions = array<i32: 0>} : vector<16xi32>
      %add3A_503 = vector.broadcast %add3A_501 : i32 to vector<16xi32>
      %add3A_504 = arith.addi %add3A_503, %iota3A_502 : vector<16xi32>
      %lt3A_505 = arith.constant 160000 : i32
      %lt3A_506 = vector.broadcast %lt3A_505 : i32 to vector<16xi32>
      %lt3A_507 = arith.cmpi slt, %add3A_504, %lt3A_506 : vector<16xi32>
      %exp3A_508 = math.exp %min3A_494 : vector<16xf32>
      %jit3A_509 = arith.constant 0.000000e+00 : f32
      %broadcast_in_dim3A_510 = vector.broadcast %jit3A_509 : f32 to vector<16xf32>
      %select_n3A_511 = arith.select %lt3A_507, %exp3A_508, %broadcast_in_dim3A_510 : vector<16xi1>, vector<16xf32>
      %swap3A_512 = arith.index_cast %and3A_303 : i32 to index
      %swap3A_513 = arith.constant 80 : index
      %swap3A_514 = tpu.vector_load %arg18[%swap3A_512, %swap3A_513] {strides = array<i32>} : memref<2x128xf32, #tpu.memory_space<vmem>>, vector<16xf32>,
      tpu.vector_store %arg18[%swap3A_512, %swap3A_513], %select_n3A_511 {strides = array<i32>} : memref<2x128xf32, #tpu.memory_space<vmem>>, vector<16xf32>,
      %get3A_515 = arith.index_cast %and3A_303 : i32 to index
      %get3A_516 = arith.constant 96 : index
      %get3A_517 = tpu.vector_load %arg16[%get3A_515, %get3A_516] {strides = array<i32>} : memref<2x128xf32, #tpu.memory_space<vmem>>, vector<16xf32>,
      %get3A_518 = arith.index_cast %and3A_303 : i32 to index
      %get3A_519 = arith.constant 96 : index
      %get3A_520 = tpu.vector_load %arg17[%get3A_518, %get3A_519] {strides = array<i32>} : memref<2x128xf32, #tpu.memory_space<vmem>>, vector<16xf32>,
      %add3A_521 = arith.addf %get3A_517, %get3A_520 : vector<16xf32>
      %mul3A_522 = arith.constant 0.00999999977 : f32
      %mul3A_523 = vector.broadcast %mul3A_522 : f32 to vector<16xf32>
      %mul3A_524 = arith.mulf %mul3A_523, %add3A_521 : vector<16xf32>
      %max3A_525 = arith.maximumf %add3A_521, %mul3A_524 : vector<16xf32>
      %min3A_526 = arith.constant 5.000000e+01 : f32
      %min3A_527 = vector.broadcast %min3A_526 : f32 to vector<16xf32>
      %min3A_528 = arith.minimumf %max3A_525, %min3A_527 : vector<16xf32>
      %mul3A_529 = arith.constant 5120 : i32
      %mul3A_530 = arith.muli %add3A, %mul3A_529 : i32
      %mul3A_531 = arith.constant 128 : i32
      %mul3A_532 = arith.muli %scan3A_302, %mul3A_531 : i32
      %add3A_533 = arith.addi %mul3A_530, %mul3A_532 : i32
      %add3A_534 = arith.constant 96 : i32
      %add3A_535 = arith.addi %add3A_533, %add3A_534 : i32
      %iota3A_536 = tpu.iota {dimensions = array<i32: 0>} : vector<16xi32>
      %add3A_537 = vector.broadcast %add3A_535 : i32 to vector<16xi32>
      %add3A_538 = arith.addi %add3A_537, %iota3A_536 : vector<16xi32>
      %lt3A_539 = arith.constant 160000 : i32
      %lt3A_540 = vector.broadcast %lt3A_539 : i32 to vector<16xi32>
      %lt3A_541 = arith.cmpi slt, %add3A_538, %lt3A_540 : vector<16xi32>
      %exp3A_542 = math.exp %min3A_528 : vector<16xf32>
      %jit3A_543 = arith.constant 0.000000e+00 : f32
      %broadcast_in_dim3A_544 = vector.broadcast %jit3A_543 : f32 to vector<16xf32>
      %select_n3A_545 = arith.select %lt3A_541, %exp3A_542, %broadcast_in_dim3A_544 : vector<16xi1>, vector<16xf32>
      %swap3A_546 = arith.index_cast %and3A_303 : i32 to index
      %swap3A_547 = arith.constant 96 : index
      %swap3A_548 = tpu.vector_load %arg18[%swap3A_546, %swap3A_547] {strides = array<i32>} : memref<2x128xf32, #tpu.memory_space<vmem>>, vector<16xf32>,
      tpu.vector_store %arg18[%swap3A_546, %swap3A_547], %select_n3A_545 {strides = array<i32>} : memref<2x128xf32, #tpu.memory_space<vmem>>, vector<16xf32>,
      %get3A_549 = arith.index_cast %and3A_303 : i32 to index
      %get3A_550 = arith.constant 112 : index
      %get3A_551 = tpu.vector_load %arg16[%get3A_549, %get3A_550] {strides = array<i32>} : memref<2x128xf32, #tpu.memory_space<vmem>>, vector<16xf32>,
      %get3A_552 = arith.index_cast %and3A_303 : i32 to index
      %get3A_553 = arith.constant 112 : index
      %get3A_554 = tpu.vector_load %arg17[%get3A_552, %get3A_553] {strides = array<i32>} : memref<2x128xf32, #tpu.memory_space<vmem>>, vector<16xf32>,
      %add3A_555 = arith.addf %get3A_551, %get3A_554 : vector<16xf32>
      %mul3A_556 = arith.constant 0.00999999977 : f32
      %mul3A_557 = vector.broadcast %mul3A_556 : f32 to vector<16xf32>
      %mul3A_558 = arith.mulf %mul3A_557, %add3A_555 : vector<16xf32>
      %max3A_559 = arith.maximumf %add3A_555, %mul3A_558 : vector<16xf32>
      %min3A_560 = arith.constant 5.000000e+01 : f32
      %min3A_561 = vector.broadcast %min3A_560 : f32 to vector<16xf32>
      %min3A_562 = arith.minimumf %max3A_559, %min3A_561 : vector<16xf32>
      %mul3A_563 = arith.constant 5120 : i32
      %mul3A_564 = arith.muli %add3A, %mul3A_563 : i32
      %mul3A_565 = arith.constant 128 : i32
      %mul3A_566 = arith.muli %scan3A_302, %mul3A_565 : i32
      %add3A_567 = arith.addi %mul3A_564, %mul3A_566 : i32
      %add3A_568 = arith.constant 112 : i32
      %add3A_569 = arith.addi %add3A_567, %add3A_568 : i32
      %iota3A_570 = tpu.iota {dimensions = array<i32: 0>} : vector<16xi32>
      %add3A_571 = vector.broadcast %add3A_569 : i32 to vector<16xi32>
      %add3A_572 = arith.addi %add3A_571, %iota3A_570 : vector<16xi32>
      %lt3A_573 = arith.constant 160000 : i32
      %lt3A_574 = vector.broadcast %lt3A_573 : i32 to vector<16xi32>
      %lt3A_575 = arith.cmpi slt, %add3A_572, %lt3A_574 : vector<16xi32>
      %exp3A_576 = math.exp %min3A_562 : vector<16xf32>
      %jit3A_577 = arith.constant 0.000000e+00 : f32
      %broadcast_in_dim3A_578 = vector.broadcast %jit3A_577 : f32 to vector<16xf32>
      %select_n3A_579 = arith.select %lt3A_575, %exp3A_576, %broadcast_in_dim3A_578 : vector<16xi1>, vector<16xf32>
      %swap3A_580 = arith.index_cast %and3A_303 : i32 to index
      %swap3A_581 = arith.constant 112 : index
      %swap3A_582 = tpu.vector_load %arg18[%swap3A_580, %swap3A_581] {strides = array<i32>} : memref<2x128xf32, #tpu.memory_space<vmem>>, vector<16xf32>,
      tpu.vector_store %arg18[%swap3A_580, %swap3A_581], %select_n3A_579 {strides = array<i32>} : memref<2x128xf32, #tpu.memory_space<vmem>>, vector<16xf32>,
      %gt3A = arith.constant 0 : i32
      %gt3A_583 = arith.cmpi sgt, %scan3A_302, %gt3A : i32
      %convert_element_type3A = arith.extui %gt3A_583 : i1 to i32
      %cond3A = arith.constant 0 : i32
      %cond3A_584 = arith.cmpi ne, %convert_element_type3A, %cond3A : i32
      scf.if %cond3A_584 {
        %sub3A_649 = arith.constant 1 : i32
        %sub3A_650 = arith.subi %scan3A_302, %sub3A_649 : i32
        %dma_wait3A_651 = arith.constant 0 : i32
        %dma_wait3A_652 = arith.constant 0 : i32
        %dma_wait3A_653 = tpu.memref_slice %arg19[%sub3A_304, %dma_wait3A_651, %dma_wait3A_652] : memref<2x128x128xf32, #tpu.memory_space<vmem>> -> memref<1x128x128xf32, #tpu.memory_space<vmem>>
        %dma_wait3A_654 = tpu.memref_squeeze %dma_wait3A_653 : memref<1x128x128xf32, #tpu.memory_space<vmem>> -> memref<128x128xf32, #tpu.memory_space<vmem>>
        %dma_wait3A_655 = arith.constant 0 : i32
        %dma_wait3A_656 = tpu.memref_slice %arg15[%sub3A_650, %dma_wait3A_655] : memref<40x128xi32, #tpu.memory_space<vmem>> -> memref<1x128xi32, #tpu.memory_space<vmem>>
        %dma_wait3A_657 = tpu.memref_squeeze %dma_wait3A_656 : memref<1x128xi32, #tpu.memory_space<vmem>> -> memref<128xi32, #tpu.memory_space<vmem>>
        %dma_wait3A_658 = arith.constant 0 : i32
        %dma_wait3A_659 = arith.constant 0 : i32
        %dma_wait3A_660 = tpu.memref_slice %arg23[%dma_wait3A_658, %dma_wait3A_659] : memref<10240x128xf32, #tpu.memory_space<vmem_shared>> -> memref<10240x128xf32, #tpu.memory_space<vmem_shared>>
        tpu.wait_indirect_dma semaphore(%arg27 : memref<!tpu.dma_semaphore, #tpu.memory_space<semaphore_mem>>) src(%dma_wait3A_654 : memref<128x128xf32, #tpu.memory_space<vmem>>) dst(%dma_wait3A_660 : memref<10240x128xf32, #tpu.memory_space<vmem_shared>>)
        %dma_wait3A_661 = arith.constant 0 : i32
        %dma_wait3A_662 = tpu.memref_slice %arg18[%sub3A_304, %dma_wait3A_661] : memref<2x128xf32, #tpu.memory_space<vmem>> -> memref<1x128xf32, #tpu.memory_space<vmem>>
        %dma_wait3A_663 = tpu.memref_squeeze %dma_wait3A_662 : memref<1x128xf32, #tpu.memory_space<vmem>> -> memref<128xf32, #tpu.memory_space<vmem>>
        %dma_wait3A_664 = arith.constant 0 : i32
        %dma_wait3A_665 = tpu.memref_slice %arg15[%sub3A_650, %dma_wait3A_664] : memref<40x128xi32, #tpu.memory_space<vmem>> -> memref<1x128xi32, #tpu.memory_space<vmem>>
        %dma_wait3A_666 = tpu.memref_squeeze %dma_wait3A_665 : memref<1x128xi32, #tpu.memory_space<vmem>> -> memref<128xi32, #tpu.memory_space<vmem>>
        %dma_wait3A_667 = arith.constant 0 : i32
        %dma_wait3A_668 = tpu.memref_slice %arg24[%dma_wait3A_667] : memref<10240xf32, #tpu.memory_space<vmem_shared>> -> memref<10240xf32, #tpu.memory_space<vmem_shared>>
        tpu.wait_indirect_dma semaphore(%arg28 : memref<!tpu.dma_semaphore, #tpu.memory_space<semaphore_mem>>) src(%dma_wait3A_663 : memref<128xf32, #tpu.memory_space<vmem>>) dst(%dma_wait3A_668 : memref<10240xf32, #tpu.memory_space<vmem_shared>>)
      } else {
      }
      %add3A_585 = arith.constant 1 : i32
      %add3A_586 = arith.addi %scan3A_302, %add3A_585 : i32
      %min3A_587 = arith.constant 39 : i32
      %min3A_588 = arith.minsi %add3A_586, %min3A_587 : i32
      %dma_start3A_589 = arith.constant 0 : i32
      %dma_start3A_590 = tpu.memref_slice %arg16[%sub3A_304, %dma_start3A_589] : memref<2x128xf32, #tpu.memory_space<vmem>> -> memref<1x128xf32, #tpu.memory_space<vmem>>
      %dma_start3A_591 = tpu.memref_squeeze %dma_start3A_590 : memref<1x128xf32, #tpu.memory_space<vmem>> -> memref<128xf32, #tpu.memory_space<vmem>>
      %dma_start3A_592 = arith.constant 0 : i32
      %dma_start3A_593 = tpu.memref_slice %arg14[%min3A_588, %dma_start3A_592] : memref<40x128xi32, #tpu.memory_space<vmem>> -> memref<1x128xi32, #tpu.memory_space<vmem>>
      %dma_start3A_594 = tpu.memref_squeeze %dma_start3A_593 : memref<1x128xi32, #tpu.memory_space<vmem>> -> memref<128xi32, #tpu.memory_space<vmem>>
      %dma_start3A_595 = arith.constant 0 : i32
      %dma_start3A_596 = tpu.memref_slice %arg21[%dma_start3A_595] : memref<10240xf32, #tpu.memory_space<vmem_shared>> -> memref<10240xf32, #tpu.memory_space<vmem_shared>>
      tpu.enqueue_indirect_dma source(%dma_start3A_596 : memref<10240xf32, #tpu.memory_space<vmem_shared>>) target(%dma_start3A_591 : memref<128xf32, #tpu.memory_space<vmem>>) offsets(%dma_start3A_594 : memref<128xi32, #tpu.memory_space<vmem>>) semaphore(%arg26 : memref<!tpu.dma_semaphore, #tpu.memory_space<semaphore_mem>>)
      %dma_start3A_597 = arith.constant 0 : i32
      %dma_start3A_598 = tpu.memref_slice %arg17[%sub3A_304, %dma_start3A_597] : memref<2x128xf32, #tpu.memory_space<vmem>> -> memref<1x128xf32, #tpu.memory_space<vmem>>
      %dma_start3A_599 = tpu.memref_squeeze %dma_start3A_598 : memref<1x128xf32, #tpu.memory_space<vmem>> -> memref<128xf32, #tpu.memory_space<vmem>>
      %dma_start3A_600 = arith.constant 0 : i32
      %dma_start3A_601 = tpu.memref_slice %arg15[%min3A_588, %dma_start3A_600] : memref<40x128xi32, #tpu.memory_space<vmem>> -> memref<1x128xi32, #tpu.memory_space<vmem>>
      %dma_start3A_602 = tpu.memref_squeeze %dma_start3A_601 : memref<1x128xi32, #tpu.memory_space<vmem>> -> memref<128xi32, #tpu.memory_space<vmem>>
      %dma_start3A_603 = arith.constant 0 : i32
      %dma_start3A_604 = tpu.memref_slice %arg22[%dma_start3A_603] : memref<10240xf32, #tpu.memory_space<vmem_shared>> -> memref<10240xf32, #tpu.memory_space<vmem_shared>>
      tpu.enqueue_indirect_dma source(%dma_start3A_604 : memref<10240xf32, #tpu.memory_space<vmem_shared>>) target(%dma_start3A_599 : memref<128xf32, #tpu.memory_space<vmem>>) offsets(%dma_start3A_602 : memref<128xi32, #tpu.memory_space<vmem>>) semaphore(%arg26 : memref<!tpu.dma_semaphore, #tpu.memory_space<semaphore_mem>>)
      %dma_start3A_605 = arith.constant 0 : i32
      %dma_start3A_606 = arith.constant 0 : i32
      %dma_start3A_607 = tpu.memref_slice %arg19[%sub3A_304, %dma_start3A_605, %dma_start3A_606] : memref<2x128x128xf32, #tpu.memory_space<vmem>> -> memref<1x128x128xf32, #tpu.memory_space<vmem>>
      %dma_start3A_608 = tpu.memref_squeeze %dma_start3A_607 : memref<1x128x128xf32, #tpu.memory_space<vmem>> -> memref<128x128xf32, #tpu.memory_space<vmem>>
      %dma_start3A_609 = arith.constant 0 : i32
      %dma_start3A_610 = tpu.memref_slice %arg14[%min3A_588, %dma_start3A_609] : memref<40x128xi32, #tpu.memory_space<vmem>> -> memref<1x128xi32, #tpu.memory_space<vmem>>
      %dma_start3A_611 = tpu.memref_squeeze %dma_start3A_610 : memref<1x128xi32, #tpu.memory_space<vmem>> -> memref<128xi32, #tpu.memory_space<vmem>>
      %dma_start3A_612 = arith.constant 0 : i32
      %dma_start3A_613 = arith.constant 0 : i32
      %dma_start3A_614 = tpu.memref_slice %arg3[%dma_start3A_612, %dma_start3A_613] : memref<10000x128xf32, #tpu.memory_space<hbm>> -> memref<10000x128xf32, #tpu.memory_space<hbm>>
      tpu.enqueue_indirect_dma source(%dma_start3A_614 : memref<10000x128xf32, #tpu.memory_space<hbm>>) target(%dma_start3A_608 : memref<128x128xf32, #tpu.memory_space<vmem>>) offsets(%dma_start3A_611 : memref<128xi32, #tpu.memory_space<vmem>>) semaphore(%arg25 : memref<!tpu.dma_semaphore, #tpu.memory_space<semaphore_mem>>)
      %dma_wait3A_615 = arith.constant 0 : i32
      %dma_wait3A_616 = arith.constant 0 : i32
      %dma_wait3A_617 = tpu.memref_slice %arg19[%and3A_303, %dma_wait3A_615, %dma_wait3A_616] : memref<2x128x128xf32, #tpu.memory_space<vmem>> -> memref<1x128x128xf32, #tpu.memory_space<vmem>>
      %dma_wait3A_618 = tpu.memref_squeeze %dma_wait3A_617 : memref<1x128x128xf32, #tpu.memory_space<vmem>> -> memref<128x128xf32, #tpu.memory_space<vmem>>
      %dma_wait3A_619 = arith.constant 0 : i32
      %dma_wait3A_620 = tpu.memref_slice %arg14[%scan3A_302, %dma_wait3A_619] : memref<40x128xi32, #tpu.memory_space<vmem>> -> memref<1x128xi32, #tpu.memory_space<vmem>>
      %dma_wait3A_621 = tpu.memref_squeeze %dma_wait3A_620 : memref<1x128xi32, #tpu.memory_space<vmem>> -> memref<128xi32, #tpu.memory_space<vmem>>
      %dma_wait3A_622 = arith.constant 0 : i32
      %dma_wait3A_623 = arith.constant 0 : i32
      %dma_wait3A_624 = tpu.memref_slice %arg3[%dma_wait3A_622, %dma_wait3A_623] : memref<10000x128xf32, #tpu.memory_space<hbm>> -> memref<10000x128xf32, #tpu.memory_space<hbm>>
      tpu.wait_indirect_dma semaphore(%arg25 : memref<!tpu.dma_semaphore, #tpu.memory_space<semaphore_mem>>) src(%dma_wait3A_624 : memref<10000x128xf32, #tpu.memory_space<hbm>>) dst(%dma_wait3A_618 : memref<128x128xf32, #tpu.memory_space<vmem>>)
      %broadcast_in_dim3A_625 = vector.broadcast %and3A_303 : i32 to vector<16xi32>
      %scan3A_626 = arith.constant 0 : i32
      %scan3A_627 = arith.constant 32 : i32
      %scan3A_628 = arith.addi %scan3A_626, %scan3A_627 : i32
      %scan3A_629 = arith.constant 1 : i32
      scf.for %scan3A_649 = %scan3A_626 to %scan3A_628 step %scan3A_629  : i32 {
        %mul3A_650 = arith.constant 4 : i32
        %mul3A_651 = arith.muli %scan3A_649, %mul3A_650 : i32
        %add3A_652 = arith.constant 0 : i32
        %add3A_653 = arith.addi %mul3A_651, %add3A_652 : i32
        %broadcast_in_dim3A_654 = vector.broadcast %add3A_653 : i32 to vector<16xi32>
        %gather3A = tpu.vector_load_idx %arg18[%broadcast_in_dim3A_625, %broadcast_in_dim3A_654] : memref<2x128xf32, #tpu.memory_space<vmem>>[vector<16xi32>, vector<16xi32>], vector<16xf32>,
        %get3A_655 = arith.index_cast %and3A_303 : i32 to index
        %get3A_656 = arith.index_cast %add3A_653 : i32 to index
        %get3A_657 = arith.constant 0 : index
        %get3A_658 = tpu.vector_load %arg19[%get3A_655, %get3A_656, %get3A_657] {strides = array<i32>} : memref<2x128x128xf32, #tpu.memory_space<vmem>>, vector<16xf32>,
        %mul3A_659 = arith.mulf %get3A_658, %gather3A : vector<16xf32>
        %swap3A_660 = arith.index_cast %and3A_303 : i32 to index
        %swap3A_661 = arith.index_cast %add3A_653 : i32 to index
        %swap3A_662 = arith.constant 0 : index
        %swap3A_663 = tpu.vector_load %arg19[%swap3A_660, %swap3A_661, %swap3A_662] {strides = array<i32>} : memref<2x128x128xf32, #tpu.memory_space<vmem>>, vector<16xf32>,
        tpu.vector_store %arg19[%swap3A_660, %swap3A_661, %swap3A_662], %mul3A_659 {strides = array<i32>} : memref<2x128x128xf32, #tpu.memory_space<vmem>>, vector<16xf32>,
        %get3A_664 = arith.index_cast %and3A_303 : i32 to index
        %get3A_665 = arith.index_cast %add3A_653 : i32 to index
        %get3A_666 = arith.constant 16 : index
        %get3A_667 = tpu.vector_load %arg19[%get3A_664, %get3A_665, %get3A_666] {strides = array<i32>} : memref<2x128x128xf32, #tpu.memory_space<vmem>>, vector<16xf32>,
        %mul3A_668 = arith.mulf %get3A_667, %gather3A : vector<16xf32>
        %swap3A_669 = arith.index_cast %and3A_303 : i32 to index
        %swap3A_670 = arith.index_cast %add3A_653 : i32 to index
        %swap3A_671 = arith.constant 16 : index
        %swap3A_672 = tpu.vector_load %arg19[%swap3A_669, %swap3A_670, %swap3A_671] {strides = array<i32>} : memref<2x128x128xf32, #tpu.memory_space<vmem>>, vector<16xf32>,
        tpu.vector_store %arg19[%swap3A_669, %swap3A_670, %swap3A_671], %mul3A_668 {strides = array<i32>} : memref<2x128x128xf32, #tpu.memory_space<vmem>>, vector<16xf32>,
        %get3A_673 = arith.index_cast %and3A_303 : i32 to index
        %get3A_674 = arith.index_cast %add3A_653 : i32 to index
        %get3A_675 = arith.constant 32 : index
        %get3A_676 = tpu.vector_load %arg19[%get3A_673, %get3A_674, %get3A_675] {strides = array<i32>} : memref<2x128x128xf32, #tpu.memory_space<vmem>>, vector<16xf32>,
        %mul3A_677 = arith.mulf %get3A_676, %gather3A : vector<16xf32>
        %swap3A_678 = arith.index_cast %and3A_303 : i32 to index
        %swap3A_679 = arith.index_cast %add3A_653 : i32 to index
        %swap3A_680 = arith.constant 32 : index
        %swap3A_681 = tpu.vector_load %arg19[%swap3A_678, %swap3A_679, %swap3A_680] {strides = array<i32>} : memref<2x128x128xf32, #tpu.memory_space<vmem>>, vector<16xf32>,
        tpu.vector_store %arg19[%swap3A_678, %swap3A_679, %swap3A_680], %mul3A_677 {strides = array<i32>} : memref<2x128x128xf32, #tpu.memory_space<vmem>>, vector<16xf32>,
        %get3A_682 = arith.index_cast %and3A_303 : i32 to index
        %get3A_683 = arith.index_cast %add3A_653 : i32 to index
        %get3A_684 = arith.constant 48 : index
        %get3A_685 = tpu.vector_load %arg19[%get3A_682, %get3A_683, %get3A_684] {strides = array<i32>} : memref<2x128x128xf32, #tpu.memory_space<vmem>>, vector<16xf32>,
        %mul3A_686 = arith.mulf %get3A_685, %gather3A : vector<16xf32>
        %swap3A_687 = arith.index_cast %and3A_303 : i32 to index
        %swap3A_688 = arith.index_cast %add3A_653 : i32 to index
        %swap3A_689 = arith.constant 48 : index
        %swap3A_690 = tpu.vector_load %arg19[%swap3A_687, %swap3A_688, %swap3A_689] {strides = array<i32>} : memref<2x128x128xf32, #tpu.memory_space<vmem>>, vector<16xf32>,
        tpu.vector_store %arg19[%swap3A_687, %swap3A_688, %swap3A_689], %mul3A_686 {strides = array<i32>} : memref<2x128x128xf32, #tpu.memory_space<vmem>>, vector<16xf32>,
        %get3A_691 = arith.index_cast %and3A_303 : i32 to index
        %get3A_692 = arith.index_cast %add3A_653 : i32 to index
        %get3A_693 = arith.constant 64 : index
        %get3A_694 = tpu.vector_load %arg19[%get3A_691, %get3A_692, %get3A_693] {strides = array<i32>} : memref<2x128x128xf32, #tpu.memory_space<vmem>>, vector<16xf32>,
        %mul3A_695 = arith.mulf %get3A_694, %gather3A : vector<16xf32>
        %swap3A_696 = arith.index_cast %and3A_303 : i32 to index
        %swap3A_697 = arith.index_cast %add3A_653 : i32 to index
        %swap3A_698 = arith.constant 64 : index
        %swap3A_699 = tpu.vector_load %arg19[%swap3A_696, %swap3A_697, %swap3A_698] {strides = array<i32>} : memref<2x128x128xf32, #tpu.memory_space<vmem>>, vector<16xf32>,
        tpu.vector_store %arg19[%swap3A_696, %swap3A_697, %swap3A_698], %mul3A_695 {strides = array<i32>} : memref<2x128x128xf32, #tpu.memory_space<vmem>>, vector<16xf32>,
        %get3A_700 = arith.index_cast %and3A_303 : i32 to index
        %get3A_701 = arith.index_cast %add3A_653 : i32 to index
        %get3A_702 = arith.constant 80 : index
        %get3A_703 = tpu.vector_load %arg19[%get3A_700, %get3A_701, %get3A_702] {strides = array<i32>} : memref<2x128x128xf32, #tpu.memory_space<vmem>>, vector<16xf32>,
        %mul3A_704 = arith.mulf %get3A_703, %gather3A : vector<16xf32>
        %swap3A_705 = arith.index_cast %and3A_303 : i32 to index
        %swap3A_706 = arith.index_cast %add3A_653 : i32 to index
        %swap3A_707 = arith.constant 80 : index
        %swap3A_708 = tpu.vector_load %arg19[%swap3A_705, %swap3A_706, %swap3A_707] {strides = array<i32>} : memref<2x128x128xf32, #tpu.memory_space<vmem>>, vector<16xf32>,
        tpu.vector_store %arg19[%swap3A_705, %swap3A_706, %swap3A_707], %mul3A_704 {strides = array<i32>} : memref<2x128x128xf32, #tpu.memory_space<vmem>>, vector<16xf32>,
        %get3A_709 = arith.index_cast %and3A_303 : i32 to index
        %get3A_710 = arith.index_cast %add3A_653 : i32 to index
        %get3A_711 = arith.constant 96 : index
        %get3A_712 = tpu.vector_load %arg19[%get3A_709, %get3A_710, %get3A_711] {strides = array<i32>} : memref<2x128x128xf32, #tpu.memory_space<vmem>>, vector<16xf32>,
        %mul3A_713 = arith.mulf %get3A_712, %gather3A : vector<16xf32>
        %swap3A_714 = arith.index_cast %and3A_303 : i32 to index
        %swap3A_715 = arith.index_cast %add3A_653 : i32 to index
        %swap3A_716 = arith.constant 96 : index
        %swap3A_717 = tpu.vector_load %arg19[%swap3A_714, %swap3A_715, %swap3A_716] {strides = array<i32>} : memref<2x128x128xf32, #tpu.memory_space<vmem>>, vector<16xf32>,
        tpu.vector_store %arg19[%swap3A_714, %swap3A_715, %swap3A_716], %mul3A_713 {strides = array<i32>} : memref<2x128x128xf32, #tpu.memory_space<vmem>>, vector<16xf32>,
        %get3A_718 = arith.index_cast %and3A_303 : i32 to index
        %get3A_719 = arith.index_cast %add3A_653 : i32 to index
        %get3A_720 = arith.constant 112 : index
        %get3A_721 = tpu.vector_load %arg19[%get3A_718, %get3A_719, %get3A_720] {strides = array<i32>} : memref<2x128x128xf32, #tpu.memory_space<vmem>>, vector<16xf32>,
        %mul3A_722 = arith.mulf %get3A_721, %gather3A : vector<16xf32>
        %swap3A_723 = arith.index_cast %and3A_303 : i32 to index
        %swap3A_724 = arith.index_cast %add3A_653 : i32 to index
        %swap3A_725 = arith.constant 112 : index
        %swap3A_726 = tpu.vector_load %arg19[%swap3A_723, %swap3A_724, %swap3A_725] {strides = array<i32>} : memref<2x128x128xf32, #tpu.memory_space<vmem>>, vector<16xf32>,
        tpu.vector_store %arg19[%swap3A_723, %swap3A_724, %swap3A_725], %mul3A_722 {strides = array<i32>} : memref<2x128x128xf32, #tpu.memory_space<vmem>>, vector<16xf32>,
        %mul3A_727 = arith.constant 4 : i32
        %mul3A_728 = arith.muli %scan3A_649, %mul3A_727 : i32
        %add3A_729 = arith.constant 1 : i32
        %add3A_730 = arith.addi %mul3A_728, %add3A_729 : i32
        %broadcast_in_dim3A_731 = vector.broadcast %add3A_730 : i32 to vector<16xi32>
        %gather3A_732 = tpu.vector_load_idx %arg18[%broadcast_in_dim3A_625, %broadcast_in_dim3A_731] : memref<2x128xf32, #tpu.memory_space<vmem>>[vector<16xi32>, vector<16xi32>], vector<16xf32>,
        %get3A_733 = arith.index_cast %and3A_303 : i32 to index
        %get3A_734 = arith.index_cast %add3A_730 : i32 to index
        %get3A_735 = arith.constant 0 : index
        %get3A_736 = tpu.vector_load %arg19[%get3A_733, %get3A_734, %get3A_735] {strides = array<i32>} : memref<2x128x128xf32, #tpu.memory_space<vmem>>, vector<16xf32>,
        %mul3A_737 = arith.mulf %get3A_736, %gather3A_732 : vector<16xf32>
        %swap3A_738 = arith.index_cast %and3A_303 : i32 to index
        %swap3A_739 = arith.index_cast %add3A_730 : i32 to index
        %swap3A_740 = arith.constant 0 : index
        %swap3A_741 = tpu.vector_load %arg19[%swap3A_738, %swap3A_739, %swap3A_740] {strides = array<i32>} : memref<2x128x128xf32, #tpu.memory_space<vmem>>, vector<16xf32>,
        tpu.vector_store %arg19[%swap3A_738, %swap3A_739, %swap3A_740], %mul3A_737 {strides = array<i32>} : memref<2x128x128xf32, #tpu.memory_space<vmem>>, vector<16xf32>,
        %get3A_742 = arith.index_cast %and3A_303 : i32 to index
        %get3A_743 = arith.index_cast %add3A_730 : i32 to index
        %get3A_744 = arith.constant 16 : index
        %get3A_745 = tpu.vector_load %arg19[%get3A_742, %get3A_743, %get3A_744] {strides = array<i32>} : memref<2x128x128xf32, #tpu.memory_space<vmem>>, vector<16xf32>,
        %mul3A_746 = arith.mulf %get3A_745, %gather3A_732 : vector<16xf32>
        %swap3A_747 = arith.index_cast %and3A_303 : i32 to index
        %swap3A_748 = arith.index_cast %add3A_730 : i32 to index
        %swap3A_749 = arith.constant 16 : index
        %swap3A_750 = tpu.vector_load %arg19[%swap3A_747, %swap3A_748, %swap3A_749] {strides = array<i32>} : memref<2x128x128xf32, #tpu.memory_space<vmem>>, vector<16xf32>,
        tpu.vector_store %arg19[%swap3A_747, %swap3A_748, %swap3A_749], %mul3A_746 {strides = array<i32>} : memref<2x128x128xf32, #tpu.memory_space<vmem>>, vector<16xf32>,
        %get3A_751 = arith.index_cast %and3A_303 : i32 to index
        %get3A_752 = arith.index_cast %add3A_730 : i32 to index
        %get3A_753 = arith.constant 32 : index
        %get3A_754 = tpu.vector_load %arg19[%get3A_751, %get3A_752, %get3A_753] {strides = array<i32>} : memref<2x128x128xf32, #tpu.memory_space<vmem>>, vector<16xf32>,
        %mul3A_755 = arith.mulf %get3A_754, %gather3A_732 : vector<16xf32>
        %swap3A_756 = arith.index_cast %and3A_303 : i32 to index
        %swap3A_757 = arith.index_cast %add3A_730 : i32 to index
        %swap3A_758 = arith.constant 32 : index
        %swap3A_759 = tpu.vector_load %arg19[%swap3A_756, %swap3A_757, %swap3A_758] {strides = array<i32>} : memref<2x128x128xf32, #tpu.memory_space<vmem>>, vector<16xf32>,
        tpu.vector_store %arg19[%swap3A_756, %swap3A_757, %swap3A_758], %mul3A_755 {strides = array<i32>} : memref<2x128x128xf32, #tpu.memory_space<vmem>>, vector<16xf32>,
        %get3A_760 = arith.index_cast %and3A_303 : i32 to index
        %get3A_761 = arith.index_cast %add3A_730 : i32 to index
        %get3A_762 = arith.constant 48 : index
        %get3A_763 = tpu.vector_load %arg19[%get3A_760, %get3A_761, %get3A_762] {strides = array<i32>} : memref<2x128x128xf32, #tpu.memory_space<vmem>>, vector<16xf32>,
        %mul3A_764 = arith.mulf %get3A_763, %gather3A_732 : vector<16xf32>
        %swap3A_765 = arith.index_cast %and3A_303 : i32 to index
        %swap3A_766 = arith.index_cast %add3A_730 : i32 to index
        %swap3A_767 = arith.constant 48 : index
        %swap3A_768 = tpu.vector_load %arg19[%swap3A_765, %swap3A_766, %swap3A_767] {strides = array<i32>} : memref<2x128x128xf32, #tpu.memory_space<vmem>>, vector<16xf32>,
        tpu.vector_store %arg19[%swap3A_765, %swap3A_766, %swap3A_767], %mul3A_764 {strides = array<i32>} : memref<2x128x128xf32, #tpu.memory_space<vmem>>, vector<16xf32>,
        %get3A_769 = arith.index_cast %and3A_303 : i32 to index
        %get3A_770 = arith.index_cast %add3A_730 : i32 to index
        %get3A_771 = arith.constant 64 : index
        %get3A_772 = tpu.vector_load %arg19[%get3A_769, %get3A_770, %get3A_771] {strides = array<i32>} : memref<2x128x128xf32, #tpu.memory_space<vmem>>, vector<16xf32>,
        %mul3A_773 = arith.mulf %get3A_772, %gather3A_732 : vector<16xf32>
        %swap3A_774 = arith.index_cast %and3A_303 : i32 to index
        %swap3A_775 = arith.index_cast %add3A_730 : i32 to index
        %swap3A_776 = arith.constant 64 : index
        %swap3A_777 = tpu.vector_load %arg19[%swap3A_774, %swap3A_775, %swap3A_776] {strides = array<i32>} : memref<2x128x128xf32, #tpu.memory_space<vmem>>, vector<16xf32>,
        tpu.vector_store %arg19[%swap3A_774, %swap3A_775, %swap3A_776], %mul3A_773 {strides = array<i32>} : memref<2x128x128xf32, #tpu.memory_space<vmem>>, vector<16xf32>,
        %get3A_778 = arith.index_cast %and3A_303 : i32 to index
        %get3A_779 = arith.index_cast %add3A_730 : i32 to index
        %get3A_780 = arith.constant 80 : index
        %get3A_781 = tpu.vector_load %arg19[%get3A_778, %get3A_779, %get3A_780] {strides = array<i32>} : memref<2x128x128xf32, #tpu.memory_space<vmem>>, vector<16xf32>,
        %mul3A_782 = arith.mulf %get3A_781, %gather3A_732 : vector<16xf32>
        %swap3A_783 = arith.index_cast %and3A_303 : i32 to index
        %swap3A_784 = arith.index_cast %add3A_730 : i32 to index
        %swap3A_785 = arith.constant 80 : index
        %swap3A_786 = tpu.vector_load %arg19[%swap3A_783, %swap3A_784, %swap3A_785] {strides = array<i32>} : memref<2x128x128xf32, #tpu.memory_space<vmem>>, vector<16xf32>,
        tpu.vector_store %arg19[%swap3A_783, %swap3A_784, %swap3A_785], %mul3A_782 {strides = array<i32>} : memref<2x128x128xf32, #tpu.memory_space<vmem>>, vector<16xf32>,
        %get3A_787 = arith.index_cast %and3A_303 : i32 to index
        %get3A_788 = arith.index_cast %add3A_730 : i32 to index
        %get3A_789 = arith.constant 96 : index
        %get3A_790 = tpu.vector_load %arg19[%get3A_787, %get3A_788, %get3A_789] {strides = array<i32>} : memref<2x128x128xf32, #tpu.memory_space<vmem>>, vector<16xf32>,
        %mul3A_791 = arith.mulf %get3A_790, %gather3A_732 : vector<16xf32>
        %swap3A_792 = arith.index_cast %and3A_303 : i32 to index
        %swap3A_793 = arith.index_cast %add3A_730 : i32 to index
        %swap3A_794 = arith.constant 96 : index
        %swap3A_795 = tpu.vector_load %arg19[%swap3A_792, %swap3A_793, %swap3A_794] {strides = array<i32>} : memref<2x128x128xf32, #tpu.memory_space<vmem>>, vector<16xf32>,
        tpu.vector_store %arg19[%swap3A_792, %swap3A_793, %swap3A_794], %mul3A_791 {strides = array<i32>} : memref<2x128x128xf32, #tpu.memory_space<vmem>>, vector<16xf32>,
        %get3A_796 = arith.index_cast %and3A_303 : i32 to index
        %get3A_797 = arith.index_cast %add3A_730 : i32 to index
        %get3A_798 = arith.constant 112 : index
        %get3A_799 = tpu.vector_load %arg19[%get3A_796, %get3A_797, %get3A_798] {strides = array<i32>} : memref<2x128x128xf32, #tpu.memory_space<vmem>>, vector<16xf32>,
        %mul3A_800 = arith.mulf %get3A_799, %gather3A_732 : vector<16xf32>
        %swap3A_801 = arith.index_cast %and3A_303 : i32 to index
        %swap3A_802 = arith.index_cast %add3A_730 : i32 to index
        %swap3A_803 = arith.constant 112 : index
        %swap3A_804 = tpu.vector_load %arg19[%swap3A_801, %swap3A_802, %swap3A_803] {strides = array<i32>} : memref<2x128x128xf32, #tpu.memory_space<vmem>>, vector<16xf32>,
        tpu.vector_store %arg19[%swap3A_801, %swap3A_802, %swap3A_803], %mul3A_800 {strides = array<i32>} : memref<2x128x128xf32, #tpu.memory_space<vmem>>, vector<16xf32>,
        %mul3A_805 = arith.constant 4 : i32
        %mul3A_806 = arith.muli %scan3A_649, %mul3A_805 : i32
        %add3A_807 = arith.constant 2 : i32
        %add3A_808 = arith.addi %mul3A_806, %add3A_807 : i32
        %broadcast_in_dim3A_809 = vector.broadcast %add3A_808 : i32 to vector<16xi32>
        %gather3A_810 = tpu.vector_load_idx %arg18[%broadcast_in_dim3A_625, %broadcast_in_dim3A_809] : memref<2x128xf32, #tpu.memory_space<vmem>>[vector<16xi32>, vector<16xi32>], vector<16xf32>,
        %get3A_811 = arith.index_cast %and3A_303 : i32 to index
        %get3A_812 = arith.index_cast %add3A_808 : i32 to index
        %get3A_813 = arith.constant 0 : index
        %get3A_814 = tpu.vector_load %arg19[%get3A_811, %get3A_812, %get3A_813] {strides = array<i32>} : memref<2x128x128xf32, #tpu.memory_space<vmem>>, vector<16xf32>,
        %mul3A_815 = arith.mulf %get3A_814, %gather3A_810 : vector<16xf32>
        %swap3A_816 = arith.index_cast %and3A_303 : i32 to index
        %swap3A_817 = arith.index_cast %add3A_808 : i32 to index
        %swap3A_818 = arith.constant 0 : index
        %swap3A_819 = tpu.vector_load %arg19[%swap3A_816, %swap3A_817, %swap3A_818] {strides = array<i32>} : memref<2x128x128xf32, #tpu.memory_space<vmem>>, vector<16xf32>,
        tpu.vector_store %arg19[%swap3A_816, %swap3A_817, %swap3A_818], %mul3A_815 {strides = array<i32>} : memref<2x128x128xf32, #tpu.memory_space<vmem>>, vector<16xf32>,
        %get3A_820 = arith.index_cast %and3A_303 : i32 to index
        %get3A_821 = arith.index_cast %add3A_808 : i32 to index
        %get3A_822 = arith.constant 16 : index
        %get3A_823 = tpu.vector_load %arg19[%get3A_820, %get3A_821, %get3A_822] {strides = array<i32>} : memref<2x128x128xf32, #tpu.memory_space<vmem>>, vector<16xf32>,
        %mul3A_824 = arith.mulf %get3A_823, %gather3A_810 : vector<16xf32>
        %swap3A_825 = arith.index_cast %and3A_303 : i32 to index
        %swap3A_826 = arith.index_cast %add3A_808 : i32 to index
        %swap3A_827 = arith.constant 16 : index
        %swap3A_828 = tpu.vector_load %arg19[%swap3A_825, %swap3A_826, %swap3A_827] {strides = array<i32>} : memref<2x128x128xf32, #tpu.memory_space<vmem>>, vector<16xf32>,
        tpu.vector_store %arg19[%swap3A_825, %swap3A_826, %swap3A_827], %mul3A_824 {strides = array<i32>} : memref<2x128x128xf32, #tpu.memory_space<vmem>>, vector<16xf32>,
        %get3A_829 = arith.index_cast %and3A_303 : i32 to index
        %get3A_830 = arith.index_cast %add3A_808 : i32 to index
        %get3A_831 = arith.constant 32 : index
        %get3A_832 = tpu.vector_load %arg19[%get3A_829, %get3A_830, %get3A_831] {strides = array<i32>} : memref<2x128x128xf32, #tpu.memory_space<vmem>>, vector<16xf32>,
        %mul3A_833 = arith.mulf %get3A_832, %gather3A_810 : vector<16xf32>
        %swap3A_834 = arith.index_cast %and3A_303 : i32 to index
        %swap3A_835 = arith.index_cast %add3A_808 : i32 to index
        %swap3A_836 = arith.constant 32 : index
        %swap3A_837 = tpu.vector_load %arg19[%swap3A_834, %swap3A_835, %swap3A_836] {strides = array<i32>} : memref<2x128x128xf32, #tpu.memory_space<vmem>>, vector<16xf32>,
        tpu.vector_store %arg19[%swap3A_834, %swap3A_835, %swap3A_836], %mul3A_833 {strides = array<i32>} : memref<2x128x128xf32, #tpu.memory_space<vmem>>, vector<16xf32>,
        %get3A_838 = arith.index_cast %and3A_303 : i32 to index
        %get3A_839 = arith.index_cast %add3A_808 : i32 to index
        %get3A_840 = arith.constant 48 : index
        %get3A_841 = tpu.vector_load %arg19[%get3A_838, %get3A_839, %get3A_840] {strides = array<i32>} : memref<2x128x128xf32, #tpu.memory_space<vmem>>, vector<16xf32>,
        %mul3A_842 = arith.mulf %get3A_841, %gather3A_810 : vector<16xf32>
        %swap3A_843 = arith.index_cast %and3A_303 : i32 to index
        %swap3A_844 = arith.index_cast %add3A_808 : i32 to index
        %swap3A_845 = arith.constant 48 : index
        %swap3A_846 = tpu.vector_load %arg19[%swap3A_843, %swap3A_844, %swap3A_845] {strides = array<i32>} : memref<2x128x128xf32, #tpu.memory_space<vmem>>, vector<16xf32>,
        tpu.vector_store %arg19[%swap3A_843, %swap3A_844, %swap3A_845], %mul3A_842 {strides = array<i32>} : memref<2x128x128xf32, #tpu.memory_space<vmem>>, vector<16xf32>,
        %get3A_847 = arith.index_cast %and3A_303 : i32 to index
        %get3A_848 = arith.index_cast %add3A_808 : i32 to index
        %get3A_849 = arith.constant 64 : index
        %get3A_850 = tpu.vector_load %arg19[%get3A_847, %get3A_848, %get3A_849] {strides = array<i32>} : memref<2x128x128xf32, #tpu.memory_space<vmem>>, vector<16xf32>,
        %mul3A_851 = arith.mulf %get3A_850, %gather3A_810 : vector<16xf32>
        %swap3A_852 = arith.index_cast %and3A_303 : i32 to index
        %swap3A_853 = arith.index_cast %add3A_808 : i32 to index
        %swap3A_854 = arith.constant 64 : index
        %swap3A_855 = tpu.vector_load %arg19[%swap3A_852, %swap3A_853, %swap3A_854] {strides = array<i32>} : memref<2x128x128xf32, #tpu.memory_space<vmem>>, vector<16xf32>,
        tpu.vector_store %arg19[%swap3A_852, %swap3A_853, %swap3A_854], %mul3A_851 {strides = array<i32>} : memref<2x128x128xf32, #tpu.memory_space<vmem>>, vector<16xf32>,
        %get3A_856 = arith.index_cast %and3A_303 : i32 to index
        %get3A_857 = arith.index_cast %add3A_808 : i32 to index
        %get3A_858 = arith.constant 80 : index
        %get3A_859 = tpu.vector_load %arg19[%get3A_856, %get3A_857, %get3A_858] {strides = array<i32>} : memref<2x128x128xf32, #tpu.memory_space<vmem>>, vector<16xf32>,
        %mul3A_860 = arith.mulf %get3A_859, %gather3A_810 : vector<16xf32>
        %swap3A_861 = arith.index_cast %and3A_303 : i32 to index
        %swap3A_862 = arith.index_cast %add3A_808 : i32 to index
        %swap3A_863 = arith.constant 80 : index
        %swap3A_864 = tpu.vector_load %arg19[%swap3A_861, %swap3A_862, %swap3A_863] {strides = array<i32>} : memref<2x128x128xf32, #tpu.memory_space<vmem>>, vector<16xf32>,
        tpu.vector_store %arg19[%swap3A_861, %swap3A_862, %swap3A_863], %mul3A_860 {strides = array<i32>} : memref<2x128x128xf32, #tpu.memory_space<vmem>>, vector<16xf32>,
        %get3A_865 = arith.index_cast %and3A_303 : i32 to index
        %get3A_866 = arith.index_cast %add3A_808 : i32 to index
        %get3A_867 = arith.constant 96 : index
        %get3A_868 = tpu.vector_load %arg19[%get3A_865, %get3A_866, %get3A_867] {strides = array<i32>} : memref<2x128x128xf32, #tpu.memory_space<vmem>>, vector<16xf32>,
        %mul3A_869 = arith.mulf %get3A_868, %gather3A_810 : vector<16xf32>
        %swap3A_870 = arith.index_cast %and3A_303 : i32 to index
        %swap3A_871 = arith.index_cast %add3A_808 : i32 to index
        %swap3A_872 = arith.constant 96 : index
        %swap3A_873 = tpu.vector_load %arg19[%swap3A_870, %swap3A_871, %swap3A_872] {strides = array<i32>} : memref<2x128x128xf32, #tpu.memory_space<vmem>>, vector<16xf32>,
        tpu.vector_store %arg19[%swap3A_870, %swap3A_871, %swap3A_872], %mul3A_869 {strides = array<i32>} : memref<2x128x128xf32, #tpu.memory_space<vmem>>, vector<16xf32>,
        %get3A_874 = arith.index_cast %and3A_303 : i32 to index
        %get3A_875 = arith.index_cast %add3A_808 : i32 to index
        %get3A_876 = arith.constant 112 : index
        %get3A_877 = tpu.vector_load %arg19[%get3A_874, %get3A_875, %get3A_876] {strides = array<i32>} : memref<2x128x128xf32, #tpu.memory_space<vmem>>, vector<16xf32>,
        %mul3A_878 = arith.mulf %get3A_877, %gather3A_810 : vector<16xf32>
        %swap3A_879 = arith.index_cast %and3A_303 : i32 to index
        %swap3A_880 = arith.index_cast %add3A_808 : i32 to index
        %swap3A_881 = arith.constant 112 : index
        %swap3A_882 = tpu.vector_load %arg19[%swap3A_879, %swap3A_880, %swap3A_881] {strides = array<i32>} : memref<2x128x128xf32, #tpu.memory_space<vmem>>, vector<16xf32>,
        tpu.vector_store %arg19[%swap3A_879, %swap3A_880, %swap3A_881], %mul3A_878 {strides = array<i32>} : memref<2x128x128xf32, #tpu.memory_space<vmem>>, vector<16xf32>,
        %mul3A_883 = arith.constant 4 : i32
        %mul3A_884 = arith.muli %scan3A_649, %mul3A_883 : i32
        %add3A_885 = arith.constant 3 : i32
        %add3A_886 = arith.addi %mul3A_884, %add3A_885 : i32
        %broadcast_in_dim3A_887 = vector.broadcast %add3A_886 : i32 to vector<16xi32>
        %gather3A_888 = tpu.vector_load_idx %arg18[%broadcast_in_dim3A_625, %broadcast_in_dim3A_887] : memref<2x128xf32, #tpu.memory_space<vmem>>[vector<16xi32>, vector<16xi32>], vector<16xf32>,
        %get3A_889 = arith.index_cast %and3A_303 : i32 to index
        %get3A_890 = arith.index_cast %add3A_886 : i32 to index
        %get3A_891 = arith.constant 0 : index
        %get3A_892 = tpu.vector_load %arg19[%get3A_889, %get3A_890, %get3A_891] {strides = array<i32>} : memref<2x128x128xf32, #tpu.memory_space<vmem>>, vector<16xf32>,
        %mul3A_893 = arith.mulf %get3A_892, %gather3A_888 : vector<16xf32>
        %swap3A_894 = arith.index_cast %and3A_303 : i32 to index
        %swap3A_895 = arith.index_cast %add3A_886 : i32 to index
        %swap3A_896 = arith.constant 0 : index
        %swap3A_897 = tpu.vector_load %arg19[%swap3A_894, %swap3A_895, %swap3A_896] {strides = array<i32>} : memref<2x128x128xf32, #tpu.memory_space<vmem>>, vector<16xf32>,
        tpu.vector_store %arg19[%swap3A_894, %swap3A_895, %swap3A_896], %mul3A_893 {strides = array<i32>} : memref<2x128x128xf32, #tpu.memory_space<vmem>>, vector<16xf32>,
        %get3A_898 = arith.index_cast %and3A_303 : i32 to index
        %get3A_899 = arith.index_cast %add3A_886 : i32 to index
        %get3A_900 = arith.constant 16 : index
        %get3A_901 = tpu.vector_load %arg19[%get3A_898, %get3A_899, %get3A_900] {strides = array<i32>} : memref<2x128x128xf32, #tpu.memory_space<vmem>>, vector<16xf32>,
        %mul3A_902 = arith.mulf %get3A_901, %gather3A_888 : vector<16xf32>
        %swap3A_903 = arith.index_cast %and3A_303 : i32 to index
        %swap3A_904 = arith.index_cast %add3A_886 : i32 to index
        %swap3A_905 = arith.constant 16 : index
        %swap3A_906 = tpu.vector_load %arg19[%swap3A_903, %swap3A_904, %swap3A_905] {strides = array<i32>} : memref<2x128x128xf32, #tpu.memory_space<vmem>>, vector<16xf32>,
        tpu.vector_store %arg19[%swap3A_903, %swap3A_904, %swap3A_905], %mul3A_902 {strides = array<i32>} : memref<2x128x128xf32, #tpu.memory_space<vmem>>, vector<16xf32>,
        %get3A_907 = arith.index_cast %and3A_303 : i32 to index
        %get3A_908 = arith.index_cast %add3A_886 : i32 to index
        %get3A_909 = arith.constant 32 : index
        %get3A_910 = tpu.vector_load %arg19[%get3A_907, %get3A_908, %get3A_909] {strides = array<i32>} : memref<2x128x128xf32, #tpu.memory_space<vmem>>, vector<16xf32>,
        %mul3A_911 = arith.mulf %get3A_910, %gather3A_888 : vector<16xf32>
        %swap3A_912 = arith.index_cast %and3A_303 : i32 to index
        %swap3A_913 = arith.index_cast %add3A_886 : i32 to index
        %swap3A_914 = arith.constant 32 : index
        %swap3A_915 = tpu.vector_load %arg19[%swap3A_912, %swap3A_913, %swap3A_914] {strides = array<i32>} : memref<2x128x128xf32, #tpu.memory_space<vmem>>, vector<16xf32>,
        tpu.vector_store %arg19[%swap3A_912, %swap3A_913, %swap3A_914], %mul3A_911 {strides = array<i32>} : memref<2x128x128xf32, #tpu.memory_space<vmem>>, vector<16xf32>,
        %get3A_916 = arith.index_cast %and3A_303 : i32 to index
        %get3A_917 = arith.index_cast %add3A_886 : i32 to index
        %get3A_918 = arith.constant 48 : index
        %get3A_919 = tpu.vector_load %arg19[%get3A_916, %get3A_917, %get3A_918] {strides = array<i32>} : memref<2x128x128xf32, #tpu.memory_space<vmem>>, vector<16xf32>,
        %mul3A_920 = arith.mulf %get3A_919, %gather3A_888 : vector<16xf32>
        %swap3A_921 = arith.index_cast %and3A_303 : i32 to index
        %swap3A_922 = arith.index_cast %add3A_886 : i32 to index
        %swap3A_923 = arith.constant 48 : index
        %swap3A_924 = tpu.vector_load %arg19[%swap3A_921, %swap3A_922, %swap3A_923] {strides = array<i32>} : memref<2x128x128xf32, #tpu.memory_space<vmem>>, vector<16xf32>,
        tpu.vector_store %arg19[%swap3A_921, %swap3A_922, %swap3A_923], %mul3A_920 {strides = array<i32>} : memref<2x128x128xf32, #tpu.memory_space<vmem>>, vector<16xf32>,
        %get3A_925 = arith.index_cast %and3A_303 : i32 to index
        %get3A_926 = arith.index_cast %add3A_886 : i32 to index
        %get3A_927 = arith.constant 64 : index
        %get3A_928 = tpu.vector_load %arg19[%get3A_925, %get3A_926, %get3A_927] {strides = array<i32>} : memref<2x128x128xf32, #tpu.memory_space<vmem>>, vector<16xf32>,
        %mul3A_929 = arith.mulf %get3A_928, %gather3A_888 : vector<16xf32>
        %swap3A_930 = arith.index_cast %and3A_303 : i32 to index
        %swap3A_931 = arith.index_cast %add3A_886 : i32 to index
        %swap3A_932 = arith.constant 64 : index
        %swap3A_933 = tpu.vector_load %arg19[%swap3A_930, %swap3A_931, %swap3A_932] {strides = array<i32>} : memref<2x128x128xf32, #tpu.memory_space<vmem>>, vector<16xf32>,
        tpu.vector_store %arg19[%swap3A_930, %swap3A_931, %swap3A_932], %mul3A_929 {strides = array<i32>} : memref<2x128x128xf32, #tpu.memory_space<vmem>>, vector<16xf32>,
        %get3A_934 = arith.index_cast %and3A_303 : i32 to index
        %get3A_935 = arith.index_cast %add3A_886 : i32 to index
        %get3A_936 = arith.constant 80 : index
        %get3A_937 = tpu.vector_load %arg19[%get3A_934, %get3A_935, %get3A_936] {strides = array<i32>} : memref<2x128x128xf32, #tpu.memory_space<vmem>>, vector<16xf32>,
        %mul3A_938 = arith.mulf %get3A_937, %gather3A_888 : vector<16xf32>
        %swap3A_939 = arith.index_cast %and3A_303 : i32 to index
        %swap3A_940 = arith.index_cast %add3A_886 : i32 to index
        %swap3A_941 = arith.constant 80 : index
        %swap3A_942 = tpu.vector_load %arg19[%swap3A_939, %swap3A_940, %swap3A_941] {strides = array<i32>} : memref<2x128x128xf32, #tpu.memory_space<vmem>>, vector<16xf32>,
        tpu.vector_store %arg19[%swap3A_939, %swap3A_940, %swap3A_941], %mul3A_938 {strides = array<i32>} : memref<2x128x128xf32, #tpu.memory_space<vmem>>, vector<16xf32>,
        %get3A_943 = arith.index_cast %and3A_303 : i32 to index
        %get3A_944 = arith.index_cast %add3A_886 : i32 to index
        %get3A_945 = arith.constant 96 : index
        %get3A_946 = tpu.vector_load %arg19[%get3A_943, %get3A_944, %get3A_945] {strides = array<i32>} : memref<2x128x128xf32, #tpu.memory_space<vmem>>, vector<16xf32>,
        %mul3A_947 = arith.mulf %get3A_946, %gather3A_888 : vector<16xf32>
        %swap3A_948 = arith.index_cast %and3A_303 : i32 to index
        %swap3A_949 = arith.index_cast %add3A_886 : i32 to index
        %swap3A_950 = arith.constant 96 : index
        %swap3A_951 = tpu.vector_load %arg19[%swap3A_948, %swap3A_949, %swap3A_950] {strides = array<i32>} : memref<2x128x128xf32, #tpu.memory_space<vmem>>, vector<16xf32>,
        tpu.vector_store %arg19[%swap3A_948, %swap3A_949, %swap3A_950], %mul3A_947 {strides = array<i32>} : memref<2x128x128xf32, #tpu.memory_space<vmem>>, vector<16xf32>,
        %get3A_952 = arith.index_cast %and3A_303 : i32 to index
        %get3A_953 = arith.index_cast %add3A_886 : i32 to index
        %get3A_954 = arith.constant 112 : index
        %get3A_955 = tpu.vector_load %arg19[%get3A_952, %get3A_953, %get3A_954] {strides = array<i32>} : memref<2x128x128xf32, #tpu.memory_space<vmem>>, vector<16xf32>,
        %mul3A_956 = arith.mulf %get3A_955, %gather3A_888 : vector<16xf32>
        %swap3A_957 = arith.index_cast %and3A_303 : i32 to index
        %swap3A_958 = arith.index_cast %add3A_886 : i32 to index
        %swap3A_959 = arith.constant 112 : index
        %swap3A_960 = tpu.vector_load %arg19[%swap3A_957, %swap3A_958, %swap3A_959] {strides = array<i32>} : memref<2x128x128xf32, #tpu.memory_space<vmem>>, vector<16xf32>,
        tpu.vector_store %arg19[%swap3A_957, %swap3A_958, %swap3A_959], %mul3A_956 {strides = array<i32>} : memref<2x128x128xf32, #tpu.memory_space<vmem>>, vector<16xf32>,
      }
      %scan3A_630 = arith.constant 32 : i32
      %dma_start3A_631 = arith.constant 0 : i32
      %dma_start3A_632 = tpu.memref_slice %arg18[%and3A_303, %dma_start3A_631] : memref<2x128xf32, #tpu.memory_space<vmem>> -> memref<1x128xf32, #tpu.memory_space<vmem>>
      %dma_start3A_633 = tpu.memref_squeeze %dma_start3A_632 : memref<1x128xf32, #tpu.memory_space<vmem>> -> memref<128xf32, #tpu.memory_space<vmem>>
      %dma_start3A_634 = arith.constant 0 : i32
      %dma_start3A_635 = tpu.memref_slice %arg15[%scan3A_302, %dma_start3A_634] : memref<40x128xi32, #tpu.memory_space<vmem>> -> memref<1x128xi32, #tpu.memory_space<vmem>>
      %dma_start3A_636 = tpu.memref_squeeze %dma_start3A_635 : memref<1x128xi32, #tpu.memory_space<vmem>> -> memref<128xi32, #tpu.memory_space<vmem>>
      %dma_start3A_637 = arith.constant 0 : i32
      %dma_start3A_638 = tpu.memref_slice %arg24[%dma_start3A_637] : memref<10240xf32, #tpu.memory_space<vmem_shared>> -> memref<10240xf32, #tpu.memory_space<vmem_shared>>
      tpu.enqueue_indirect_dma source(%dma_start3A_633 : memref<128xf32, #tpu.memory_space<vmem>>) target(%dma_start3A_638 : memref<10240xf32, #tpu.memory_space<vmem_shared>>) offsets(%dma_start3A_636 : memref<128xi32, #tpu.memory_space<vmem>>) semaphore(%arg28 : memref<!tpu.dma_semaphore, #tpu.memory_space<semaphore_mem>>) {add = true}
      %dma_start3A_639 = arith.constant 0 : i32
      %dma_start3A_640 = arith.constant 0 : i32
      %dma_start3A_641 = tpu.memref_slice %arg19[%and3A_303, %dma_start3A_639, %dma_start3A_640] : memref<2x128x128xf32, #tpu.memory_space<vmem>> -> memref<1x128x128xf32, #tpu.memory_space<vmem>>
      %dma_start3A_642 = tpu.memref_squeeze %dma_start3A_641 : memref<1x128x128xf32, #tpu.memory_space<vmem>> -> memref<128x128xf32, #tpu.memory_space<vmem>>
      %dma_start3A_643 = arith.constant 0 : i32
      %dma_start3A_644 = tpu.memref_slice %arg15[%scan3A_302, %dma_start3A_643] : memref<40x128xi32, #tpu.memory_space<vmem>> -> memref<1x128xi32, #tpu.memory_space<vmem>>
      %dma_start3A_645 = tpu.memref_squeeze %dma_start3A_644 : memref<1x128xi32, #tpu.memory_space<vmem>> -> memref<128xi32, #tpu.memory_space<vmem>>
      %dma_start3A_646 = arith.constant 0 : i32
      %dma_start3A_647 = arith.constant 0 : i32
      %dma_start3A_648 = tpu.memref_slice %arg23[%dma_start3A_646, %dma_start3A_647] : memref<10240x128xf32, #tpu.memory_space<vmem_shared>> -> memref<10240x128xf32, #tpu.memory_space<vmem_shared>>
      tpu.enqueue_indirect_dma source(%dma_start3A_642 : memref<128x128xf32, #tpu.memory_space<vmem>>) target(%dma_start3A_648 : memref<10240x128xf32, #tpu.memory_space<vmem_shared>>) offsets(%dma_start3A_645 : memref<128xi32, #tpu.memory_space<vmem>>) semaphore(%arg27 : memref<!tpu.dma_semaphore, #tpu.memory_space<semaphore_mem>>) {add = true}
    }
    %scan3A_231 = arith.constant 40 : i32
    %dma_wait3A_232 = arith.constant 1 : i32
    %dma_wait3A_233 = arith.constant 39 : i32
    %dma_wait3A_234 = arith.constant 0 : i32
    %dma_wait3A_235 = arith.constant 0 : i32
    %dma_wait3A_236 = tpu.memref_slice %arg19[%dma_wait3A_232, %dma_wait3A_234, %dma_wait3A_235] : memref<2x128x128xf32, #tpu.memory_space<vmem>> -> memref<1x128x128xf32, #tpu.memory_space<vmem>>
    %dma_wait3A_237 = tpu.memref_squeeze %dma_wait3A_236 : memref<1x128x128xf32, #tpu.memory_space<vmem>> -> memref<128x128xf32, #tpu.memory_space<vmem>>
    %dma_wait3A_238 = arith.constant 0 : i32
    %dma_wait3A_239 = tpu.memref_slice %arg15[%dma_wait3A_233, %dma_wait3A_238] : memref<40x128xi32, #tpu.memory_space<vmem>> -> memref<1x128xi32, #tpu.memory_space<vmem>>
    %dma_wait3A_240 = tpu.memref_squeeze %dma_wait3A_239 : memref<1x128xi32, #tpu.memory_space<vmem>> -> memref<128xi32, #tpu.memory_space<vmem>>
    %dma_wait3A_241 = arith.constant 0 : i32
    %dma_wait3A_242 = arith.constant 0 : i32
    %dma_wait3A_243 = tpu.memref_slice %arg23[%dma_wait3A_241, %dma_wait3A_242] : memref<10240x128xf32, #tpu.memory_space<vmem_shared>> -> memref<10240x128xf32, #tpu.memory_space<vmem_shared>>
    tpu.wait_indirect_dma semaphore(%arg27 : memref<!tpu.dma_semaphore, #tpu.memory_space<semaphore_mem>>) src(%dma_wait3A_237 : memref<128x128xf32, #tpu.memory_space<vmem>>) dst(%dma_wait3A_243 : memref<10240x128xf32, #tpu.memory_space<vmem_shared>>)
    %dma_wait3A_244 = arith.constant 1 : i32
    %dma_wait3A_245 = arith.constant 39 : i32
    %dma_wait3A_246 = arith.constant 0 : i32
    %dma_wait3A_247 = tpu.memref_slice %arg18[%dma_wait3A_244, %dma_wait3A_246] : memref<2x128xf32, #tpu.memory_space<vmem>> -> memref<1x128xf32, #tpu.memory_space<vmem>>
    %dma_wait3A_248 = tpu.memref_squeeze %dma_wait3A_247 : memref<1x128xf32, #tpu.memory_space<vmem>> -> memref<128xf32, #tpu.memory_space<vmem>>
    %dma_wait3A_249 = arith.constant 0 : i32
    %dma_wait3A_250 = tpu.memref_slice %arg15[%dma_wait3A_245, %dma_wait3A_249] : memref<40x128xi32, #tpu.memory_space<vmem>> -> memref<1x128xi32, #tpu.memory_space<vmem>>
    %dma_wait3A_251 = tpu.memref_squeeze %dma_wait3A_250 : memref<1x128xi32, #tpu.memory_space<vmem>> -> memref<128xi32, #tpu.memory_space<vmem>>
    %dma_wait3A_252 = arith.constant 0 : i32
    %dma_wait3A_253 = tpu.memref_slice %arg24[%dma_wait3A_252] : memref<10240xf32, #tpu.memory_space<vmem_shared>> -> memref<10240xf32, #tpu.memory_space<vmem_shared>>
    tpu.wait_indirect_dma semaphore(%arg28 : memref<!tpu.dma_semaphore, #tpu.memory_space<semaphore_mem>>) src(%dma_wait3A_248 : memref<128xf32, #tpu.memory_space<vmem>>) dst(%dma_wait3A_253 : memref<10240xf32, #tpu.memory_space<vmem_shared>>)
    %dma_wait3A_254 = arith.constant 39 : i32
    %dma_wait3A_255 = arith.constant 0 : i32
    %dma_wait3A_256 = arith.constant 0 : i32
    %dma_wait3A_257 = tpu.memref_slice %arg16[%dma_wait3A_255, %dma_wait3A_256] : memref<2x128xf32, #tpu.memory_space<vmem>> -> memref<1x128xf32, #tpu.memory_space<vmem>>
    %dma_wait3A_258 = tpu.memref_squeeze %dma_wait3A_257 : memref<1x128xf32, #tpu.memory_space<vmem>> -> memref<128xf32, #tpu.memory_space<vmem>>
    %dma_wait3A_259 = arith.constant 0 : i32
    %dma_wait3A_260 = tpu.memref_slice %arg14[%dma_wait3A_254, %dma_wait3A_259] : memref<40x128xi32, #tpu.memory_space<vmem>> -> memref<1x128xi32, #tpu.memory_space<vmem>>
    %dma_wait3A_261 = tpu.memref_squeeze %dma_wait3A_260 : memref<1x128xi32, #tpu.memory_space<vmem>> -> memref<128xi32, #tpu.memory_space<vmem>>
    %dma_wait3A_262 = arith.constant 0 : i32
    %dma_wait3A_263 = tpu.memref_slice %arg21[%dma_wait3A_262] : memref<10240xf32, #tpu.memory_space<vmem_shared>> -> memref<10240xf32, #tpu.memory_space<vmem_shared>>
    tpu.wait_indirect_dma semaphore(%arg26 : memref<!tpu.dma_semaphore, #tpu.memory_space<semaphore_mem>>) src(%dma_wait3A_263 : memref<10240xf32, #tpu.memory_space<vmem_shared>>) dst(%dma_wait3A_258 : memref<128xf32, #tpu.memory_space<vmem>>)
    %dma_wait3A_264 = arith.constant 39 : i32
    %dma_wait3A_265 = arith.constant 0 : i32
    %dma_wait3A_266 = arith.constant 0 : i32
    %dma_wait3A_267 = tpu.memref_slice %arg17[%dma_wait3A_265, %dma_wait3A_266] : memref<2x128xf32, #tpu.memory_space<vmem>> -> memref<1x128xf32, #tpu.memory_space<vmem>>
    %dma_wait3A_268 = tpu.memref_squeeze %dma_wait3A_267 : memref<1x128xf32, #tpu.memory_space<vmem>> -> memref<128xf32, #tpu.memory_space<vmem>>
    %dma_wait3A_269 = arith.constant 0 : i32
    %dma_wait3A_270 = tpu.memref_slice %arg15[%dma_wait3A_264, %dma_wait3A_269] : memref<40x128xi32, #tpu.memory_space<vmem>> -> memref<1x128xi32, #tpu.memory_space<vmem>>
    %dma_wait3A_271 = tpu.memref_squeeze %dma_wait3A_270 : memref<1x128xi32, #tpu.memory_space<vmem>> -> memref<128xi32, #tpu.memory_space<vmem>>
    %dma_wait3A_272 = arith.constant 0 : i32
    %dma_wait3A_273 = tpu.memref_slice %arg22[%dma_wait3A_272] : memref<10240xf32, #tpu.memory_space<vmem_shared>> -> memref<10240xf32, #tpu.memory_space<vmem_shared>>
    tpu.wait_indirect_dma semaphore(%arg26 : memref<!tpu.dma_semaphore, #tpu.memory_space<semaphore_mem>>) src(%dma_wait3A_273 : memref<10240xf32, #tpu.memory_space<vmem_shared>>) dst(%dma_wait3A_268 : memref<128xf32, #tpu.memory_space<vmem>>)
    %dma_wait3A_274 = arith.constant 39 : i32
    %dma_wait3A_275 = arith.constant 0 : i32
    %dma_wait3A_276 = arith.constant 0 : i32
    %dma_wait3A_277 = arith.constant 0 : i32
    %dma_wait3A_278 = tpu.memref_slice %arg19[%dma_wait3A_275, %dma_wait3A_276, %dma_wait3A_277] : memref<2x128x128xf32, #tpu.memory_space<vmem>> -> memref<1x128x128xf32, #tpu.memory_space<vmem>>
    %dma_wait3A_279 = tpu.memref_squeeze %dma_wait3A_278 : memref<1x128x128xf32, #tpu.memory_space<vmem>> -> memref<128x128xf32, #tpu.memory_space<vmem>>
    %dma_wait3A_280 = arith.constant 0 : i32
    %dma_wait3A_281 = tpu.memref_slice %arg14[%dma_wait3A_274, %dma_wait3A_280] : memref<40x128xi32, #tpu.memory_space<vmem>> -> memref<1x128xi32, #tpu.memory_space<vmem>>
    %dma_wait3A_282 = tpu.memref_squeeze %dma_wait3A_281 : memref<1x128xi32, #tpu.memory_space<vmem>> -> memref<128xi32, #tpu.memory_space<vmem>>
    %dma_wait3A_283 = arith.constant 0 : i32
    %dma_wait3A_284 = arith.constant 0 : i32
    %dma_wait3A_285 = tpu.memref_slice %arg3[%dma_wait3A_283, %dma_wait3A_284] : memref<10000x128xf32, #tpu.memory_space<hbm>> -> memref<10000x128xf32, #tpu.memory_space<hbm>>
    tpu.wait_indirect_dma semaphore(%arg25 : memref<!tpu.dma_semaphore, #tpu.memory_space<semaphore_mem>>) src(%dma_wait3A_285 : memref<10000x128xf32, #tpu.memory_space<hbm>>) dst(%dma_wait3A_279 : memref<128x128xf32, #tpu.memory_space<vmem>>)
    %barrier3A_286 = arith.constant 0 : index
    tpu.barrier barrier_id(%barrier3A_286)
    %add3A_287 = arith.constant 2 : i32
    %add3A_288 = arith.addi %add3A_287, %arg0 : i32
    %mul3A_289 = arith.constant 10240 : i32
    %mul3A_290 = arith.muli %add3A_288, %mul3A_289 : i32
    %mul3A_291 = arith.constant 640 : i32
    %mul3A_292 = arith.muli %arg1, %mul3A_291 : i32
    %mul3A_293 = arith.constant 640 : i32
    %mul3A_294 = arith.muli %arg1, %mul3A_293 : i32
    %add3A_295 = arith.addi %mul3A_290, %mul3A_294 : i32
    "tpu.region"() ({
      %run_scoped3A_302 = tpu.sem_alloc : memref<!tpu.dma_semaphore, #tpu.memory_space<semaphore_mem>>
      %dma_start3A_303 = arith.constant 0 : i32
      %dma_start3A_304 = tpu.memref_slice %arg12[%add3A_295, %dma_start3A_303] : memref<40960x128xf32, #tpu.memory_space<hbm>> -> memref<640x128xf32, #tpu.memory_space<hbm>>
      %dma_start3A_305 = arith.constant 0 : i32
      %dma_start3A_306 = tpu.memref_slice %arg23[%mul3A_292, %dma_start3A_305] : memref<10240x128xf32, #tpu.memory_space<vmem_shared>> -> memref<640x128xf32, #tpu.memory_space<vmem_shared>>
      tpu.enqueue_dma source(%dma_start3A_306 : memref<640x128xf32, #tpu.memory_space<vmem_shared>>) target(%dma_start3A_304 : memref<640x128xf32, #tpu.memory_space<hbm>>) target_semaphore(%run_scoped3A_302 : memref<!tpu.dma_semaphore, #tpu.memory_space<semaphore_mem>>)
      %dma_wait3A_307 = arith.constant 0 : i32
      %dma_wait3A_308 = tpu.memref_slice %arg12[%add3A_295, %dma_wait3A_307] : memref<40960x128xf32, #tpu.memory_space<hbm>> -> memref<640x128xf32, #tpu.memory_space<hbm>>
      %dma_wait3A_309 = arith.constant 0 : i32
      %dma_wait3A_310 = tpu.memref_slice %arg23[%mul3A_292, %dma_wait3A_309] : memref<10240x128xf32, #tpu.memory_space<vmem_shared>> -> memref<640x128xf32, #tpu.memory_space<vmem_shared>>
      tpu.wait_dma2 semaphore(%run_scoped3A_302 : memref<!tpu.dma_semaphore, #tpu.memory_space<semaphore_mem>>) src(%dma_wait3A_310 : memref<640x128xf32, #tpu.memory_space<vmem_shared>>) dst(%dma_wait3A_308 : memref<640x128xf32, #tpu.memory_space<hbm>>)
      tpu.yield
    }) : () -> ()
    %mul3A_296 = arith.constant 640 : i32
    %mul3A_297 = arith.muli %arg1, %mul3A_296 : i32
    %mul3A_298 = arith.constant 640 : i32
    %mul3A_299 = arith.muli %arg1, %mul3A_298 : i32
    %add3A_300 = arith.addi %mul3A_290, %mul3A_299 : i32
    "tpu.region"() ({
      %run_scoped3A_302 = tpu.sem_alloc : memref<!tpu.dma_semaphore, #tpu.memory_space<semaphore_mem>>
      %dma_start3A_303 = tpu.memref_slice %arg13[%add3A_300] : memref<40960xf32, #tpu.memory_space<hbm>> -> memref<640xf32, #tpu.memory_space<hbm>>
      %dma_start3A_304 = tpu.memref_slice %arg24[%mul3A_297] : memref<10240xf32, #tpu.memory_space<vmem_shared>> -> memref<640xf32, #tpu.memory_space<vmem_shared>>
      tpu.enqueue_dma source(%dma_start3A_304 : memref<640xf32, #tpu.memory_space<vmem_shared>>) target(%dma_start3A_303 : memref<640xf32, #tpu.memory_space<hbm>>) target_semaphore(%run_scoped3A_302 : memref<!tpu.dma_semaphore, #tpu.memory_space<semaphore_mem>>)
      %dma_wait3A_305 = tpu.memref_slice %arg13[%add3A_300] : memref<40960xf32, #tpu.memory_space<hbm>> -> memref<640xf32, #tpu.memory_space<hbm>>
      %dma_wait3A_306 = tpu.memref_slice %arg24[%mul3A_297] : memref<10240xf32, #tpu.memory_space<vmem_shared>> -> memref<640xf32, #tpu.memory_space<vmem_shared>>
      tpu.wait_dma2 semaphore(%run_scoped3A_302 : memref<!tpu.dma_semaphore, #tpu.memory_space<semaphore_mem>>) src(%dma_wait3A_306 : memref<640xf32, #tpu.memory_space<vmem_shared>>) dst(%dma_wait3A_305 : memref<640xf32, #tpu.memory_space<hbm>>)
      tpu.yield
    }) : () -> ()
    %barrier3A_301 = arith.constant 0 : index
    tpu.barrier barrier_id(%barrier3A_301)
    return
  }
}

module attributes {stable_mosaic.version = 14 : i64} {
  func.func @_prep_body(%arg0: i32, %arg1: memref<1000x128xf32, #tpu.memory_space<vmem>>, %arg2: memref<128x128xf32, #tpu.memory_space<vmem>>, %arg3: memref<1x128xf32, #tpu.memory_space<vmem>>, %arg4: memref<128x128xf32, #tpu.memory_space<vmem>>, %arg5: memref<1x128xf32, #tpu.memory_space<vmem>>, %arg6: memref<128x1xf32, #tpu.memory_space<vmem>>, %arg7: memref<128x1xf32, #tpu.memory_space<vmem>>, %arg8: memref<128x1xf32, #tpu.memory_space<vmem>>, %arg9: memref<128x1xf32, #tpu.memory_space<vmem>>, %arg10: memref<1000x128xf32, #tpu.memory_space<vmem>>, %arg11: memref<1000x128xf32, #tpu.memory_space<vmem>>, %arg12: memref<1000x1xf32, #tpu.memory_space<vmem>>, %arg13: memref<1000x1xf32, #tpu.memory_space<vmem>>, %arg14: memref<1000x1xf32, #tpu.memory_space<vmem>>, %arg15: memref<1000x1xf32, #tpu.memory_space<vmem>>) attributes {dimension_semantics = [#tpu.dimension_semantics<arbitrary>], iteration_bounds = array<i64: 10>, scalar_prefetch = 0 : i64, scratch_operands = 0 : i64, tpu.core_type = #tpu.core_type<tc>, window_params = [{transform_indices = @transform_0, window_bounds = array<i64: 1000, 128>}, {pipeline_mode = #tpu.pipeline_mode<synchronous>, transform_indices = @transform_1, window_bounds = array<i64: 128, 128>}, {pipeline_mode = #tpu.pipeline_mode<synchronous>, transform_indices = @transform_2, window_bounds = array<i64: 1, 128>}, {pipeline_mode = #tpu.pipeline_mode<synchronous>, transform_indices = @transform_3, window_bounds = array<i64: 128, 128>}, {pipeline_mode = #tpu.pipeline_mode<synchronous>, transform_indices = @transform_4, window_bounds = array<i64: 1, 128>}, {pipeline_mode = #tpu.pipeline_mode<synchronous>, transform_indices = @transform_5, window_bounds = array<i64: 128, 1>}, {pipeline_mode = #tpu.pipeline_mode<synchronous>, transform_indices = @transform_6, window_bounds = array<i64: 128, 1>}, {pipeline_mode = #tpu.pipeline_mode<synchronous>, transform_indices = @transform_7, window_bounds = array<i64: 128, 1>}, {pipeline_mode = #tpu.pipeline_mode<synchronous>, transform_indices = @transform_8, window_bounds = array<i64: 128, 1>}, {transform_indices = @transform_9, window_bounds = array<i64: 1000, 128>}, {transform_indices = @transform_10, window_bounds = array<i64: 1000, 128>}, {transform_indices = @transform_11, window_bounds = array<i64: 1000, 1>}, {transform_indices = @transform_12, window_bounds = array<i64: 1000, 1>}, {transform_indices = @transform_13, window_bounds = array<i64: 1000, 1>}, {transform_indices = @transform_14, window_bounds = array<i64: 1000, 1>}]} {
    %get3A = arith.constant 0 : index
    %get3A_0 = arith.constant 0 : index
    %get3A_1 = vector.load %arg1[%get3A, %get3A_0] : memref<1000x128xf32, #tpu.memory_space<vmem>>, vector<1000x128xf32>
    %get3A_2 = arith.constant 0 : index
    %get3A_3 = arith.constant 0 : index
    %get3A_4 = vector.load %arg2[%get3A_2, %get3A_3] : memref<128x128xf32, #tpu.memory_space<vmem>>, vector<128x128xf32>
    %dot_general3A = arith.constant dense<0.000000e+00> : vector<1000x128xf32>
    %dot_general3A_5 = tpu.matmul %get3A_1, %get3A_4, %dot_general3A {dimension_numbers = #tpu.dot_dimension_numbers<[1], [0], [0], [1], [0, 0, 1, 1], [], []>, transpose_lhs_hint = false} : vector<1000x128xf32>, vector<128x128xf32>, vector<1000x128xf32> -> vector<1000x128xf32>
    %get3A_6 = arith.constant 0 : index
    %get3A_7 = arith.constant 0 : index
    %get3A_8 = vector.load %arg3[%get3A_6, %get3A_7] : memref<1x128xf32, #tpu.memory_space<vmem>>, vector<1x128xf32>
    %add3A = vector.broadcast %get3A_8 : vector<1x128xf32> to vector<1000x128xf32>
    %add3A_9 = arith.addf %dot_general3A_5, %add3A : vector<1000x128xf32>
    %get3A_10 = arith.constant 0 : index
    %get3A_11 = arith.constant 0 : index
    %get3A_12 = vector.load %arg4[%get3A_10, %get3A_11] : memref<128x128xf32, #tpu.memory_space<vmem>>, vector<128x128xf32>
    %dot_general3A_13 = arith.constant dense<0.000000e+00> : vector<1000x128xf32>
    %dot_general3A_14 = tpu.matmul %get3A_1, %get3A_12, %dot_general3A_13 {dimension_numbers = #tpu.dot_dimension_numbers<[1], [0], [0], [1], [0, 0, 1, 1], [], []>, transpose_lhs_hint = false} : vector<1000x128xf32>, vector<128x128xf32>, vector<1000x128xf32> -> vector<1000x128xf32>
    %get3A_15 = arith.constant 0 : index
    %get3A_16 = arith.constant 0 : index
    %get3A_17 = vector.load %arg5[%get3A_15, %get3A_16] : memref<1x128xf32, #tpu.memory_space<vmem>>, vector<1x128xf32>
    %add3A_18 = vector.broadcast %get3A_17 : vector<1x128xf32> to vector<1000x128xf32>
    %add3A_19 = arith.addf %dot_general3A_14, %add3A_18 : vector<1000x128xf32>
    %swap3A = arith.constant 0 : index
    %swap3A_20 = arith.constant 0 : index
    %swap3A_21 = vector.load %arg10[%swap3A, %swap3A_20] : memref<1000x128xf32, #tpu.memory_space<vmem>>, vector<1000x128xf32>
    tpu.vector_store %arg10[%swap3A, %swap3A_20], %add3A_9 {strides = array<i32>} : memref<1000x128xf32, #tpu.memory_space<vmem>>, vector<1000x128xf32>,
    %swap3A_22 = arith.constant 0 : index
    %swap3A_23 = arith.constant 0 : index
    %swap3A_24 = vector.load %arg11[%swap3A_22, %swap3A_23] : memref<1000x128xf32, #tpu.memory_space<vmem>>, vector<1000x128xf32>
    tpu.vector_store %arg11[%swap3A_22, %swap3A_23], %add3A_19 {strides = array<i32>} : memref<1000x128xf32, #tpu.memory_space<vmem>>, vector<1000x128xf32>,
    %get3A_25 = arith.constant 0 : index
    %get3A_26 = arith.constant 0 : index
    %get3A_27 = vector.load %arg6[%get3A_25, %get3A_26] : memref<128x1xf32, #tpu.memory_space<vmem>>, vector<128x1xf32>
    %dot_general3A_28 = arith.constant dense<0.000000e+00> : vector<1000x1xf32>
    %dot_general3A_29 = tpu.matmul %add3A_9, %get3A_27, %dot_general3A_28 {dimension_numbers = #tpu.dot_dimension_numbers<[1], [0], [0], [1], [0, 0, 1, 1], [], []>, transpose_lhs_hint = false} : vector<1000x128xf32>, vector<128x1xf32>, vector<1000x1xf32> -> vector<1000x1xf32>
    %swap3A_30 = arith.constant 0 : index
    %swap3A_31 = arith.constant 0 : index
    %swap3A_32 = vector.load %arg12[%swap3A_30, %swap3A_31] : memref<1000x1xf32, #tpu.memory_space<vmem>>, vector<1000x1xf32>
    tpu.vector_store %arg12[%swap3A_30, %swap3A_31], %dot_general3A_29 {strides = array<i32>} : memref<1000x1xf32, #tpu.memory_space<vmem>>, vector<1000x1xf32>,
    %get3A_33 = arith.constant 0 : index
    %get3A_34 = arith.constant 0 : index
    %get3A_35 = vector.load %arg7[%get3A_33, %get3A_34] : memref<128x1xf32, #tpu.memory_space<vmem>>, vector<128x1xf32>
    %dot_general3A_36 = arith.constant dense<0.000000e+00> : vector<1000x1xf32>
    %dot_general3A_37 = tpu.matmul %add3A_9, %get3A_35, %dot_general3A_36 {dimension_numbers = #tpu.dot_dimension_numbers<[1], [0], [0], [1], [0, 0, 1, 1], [], []>, transpose_lhs_hint = false} : vector<1000x128xf32>, vector<128x1xf32>, vector<1000x1xf32> -> vector<1000x1xf32>
    %swap3A_38 = arith.constant 0 : index
    %swap3A_39 = arith.constant 0 : index
    %swap3A_40 = vector.load %arg13[%swap3A_38, %swap3A_39] : memref<1000x1xf32, #tpu.memory_space<vmem>>, vector<1000x1xf32>
    tpu.vector_store %arg13[%swap3A_38, %swap3A_39], %dot_general3A_37 {strides = array<i32>} : memref<1000x1xf32, #tpu.memory_space<vmem>>, vector<1000x1xf32>,
    %get3A_41 = arith.constant 0 : index
    %get3A_42 = arith.constant 0 : index
    %get3A_43 = vector.load %arg8[%get3A_41, %get3A_42] : memref<128x1xf32, #tpu.memory_space<vmem>>, vector<128x1xf32>
    %dot_general3A_44 = arith.constant dense<0.000000e+00> : vector<1000x1xf32>
    %dot_general3A_45 = tpu.matmul %add3A_19, %get3A_43, %dot_general3A_44 {dimension_numbers = #tpu.dot_dimension_numbers<[1], [0], [0], [1], [0, 0, 1, 1], [], []>, transpose_lhs_hint = false} : vector<1000x128xf32>, vector<128x1xf32>, vector<1000x1xf32> -> vector<1000x1xf32>
    %swap3A_46 = arith.constant 0 : index
    %swap3A_47 = arith.constant 0 : index
    %swap3A_48 = vector.load %arg14[%swap3A_46, %swap3A_47] : memref<1000x1xf32, #tpu.memory_space<vmem>>, vector<1000x1xf32>
    tpu.vector_store %arg14[%swap3A_46, %swap3A_47], %dot_general3A_45 {strides = array<i32>} : memref<1000x1xf32, #tpu.memory_space<vmem>>, vector<1000x1xf32>,
    %get3A_49 = arith.constant 0 : index
    %get3A_50 = arith.constant 0 : index
    %get3A_51 = vector.load %arg9[%get3A_49, %get3A_50] : memref<128x1xf32, #tpu.memory_space<vmem>>, vector<128x1xf32>
    %dot_general3A_52 = arith.constant dense<0.000000e+00> : vector<1000x1xf32>
    %dot_general3A_53 = tpu.matmul %add3A_19, %get3A_51, %dot_general3A_52 {dimension_numbers = #tpu.dot_dimension_numbers<[1], [0], [0], [1], [0, 0, 1, 1], [], []>, transpose_lhs_hint = false} : vector<1000x128xf32>, vector<128x1xf32>, vector<1000x1xf32> -> vector<1000x1xf32>
    %swap3A_54 = arith.constant 0 : index
    %swap3A_55 = arith.constant 0 : index
    %swap3A_56 = vector.load %arg15[%swap3A_54, %swap3A_55] : memref<1000x1xf32, #tpu.memory_space<vmem>>, vector<1000x1xf32>
    tpu.vector_store %arg15[%swap3A_54, %swap3A_55], %dot_general3A_53 {strides = array<i32>} : memref<1000x1xf32, #tpu.memory_space<vmem>>, vector<1000x1xf32>,
    return
  }
  func.func @transform_0(%arg0: i32) -> (i32, i32) {
    %c0_i32 = arith.constant 0 : i32
    %c0_i32_0 = arith.constant 0 : i32
    return %arg0, %c0_i32 : i32, i32
  }
  func.func @transform_1(%arg0: i32) -> (i32, i32) {
    %c0_i32 = arith.constant 0 : i32
    %c0_i32_0 = arith.constant 0 : i32
    %c0_i32_1 = arith.constant 0 : i32
    return %c0_i32, %c0_i32_0 : i32, i32
  }
  func.func @transform_2(%arg0: i32) -> (i32, i32) {
    %c0_i32 = arith.constant 0 : i32
    %c0_i32_0 = arith.constant 0 : i32
    %c0_i32_1 = arith.constant 0 : i32
    return %c0_i32, %c0_i32_0 : i32, i32
  }
  func.func @transform_3(%arg0: i32) -> (i32, i32) {
    %c0_i32 = arith.constant 0 : i32
    %c0_i32_0 = arith.constant 0 : i32
    %c0_i32_1 = arith.constant 0 : i32
    return %c0_i32, %c0_i32_0 : i32, i32
  }
  func.func @transform_4(%arg0: i32) -> (i32, i32) {
    %c0_i32 = arith.constant 0 : i32
    %c0_i32_0 = arith.constant 0 : i32
    %c0_i32_1 = arith.constant 0 : i32
    return %c0_i32, %c0_i32_0 : i32, i32
  }
  func.func @transform_5(%arg0: i32) -> (i32, i32) {
    %c0_i32 = arith.constant 0 : i32
    %c0_i32_0 = arith.constant 0 : i32
    %c0_i32_1 = arith.constant 0 : i32
    return %c0_i32, %c0_i32_0 : i32, i32
  }
  func.func @transform_6(%arg0: i32) -> (i32, i32) {
    %c0_i32 = arith.constant 0 : i32
    %c0_i32_0 = arith.constant 0 : i32
    %c0_i32_1 = arith.constant 0 : i32
    return %c0_i32, %c0_i32_0 : i32, i32
  }
  func.func @transform_7(%arg0: i32) -> (i32, i32) {
    %c0_i32 = arith.constant 0 : i32
    %c0_i32_0 = arith.constant 0 : i32
    %c0_i32_1 = arith.constant 0 : i32
    return %c0_i32, %c0_i32_0 : i32, i32
  }
  func.func @transform_8(%arg0: i32) -> (i32, i32) {
    %c0_i32 = arith.constant 0 : i32
    %c0_i32_0 = arith.constant 0 : i32
    %c0_i32_1 = arith.constant 0 : i32
    return %c0_i32, %c0_i32_0 : i32, i32
  }
  func.func @transform_9(%arg0: i32) -> (i32, i32) {
    %c0_i32 = arith.constant 0 : i32
    %c0_i32_0 = arith.constant 0 : i32
    return %arg0, %c0_i32 : i32, i32
  }
  func.func @transform_10(%arg0: i32) -> (i32, i32) {
    %c0_i32 = arith.constant 0 : i32
    %c0_i32_0 = arith.constant 0 : i32
    return %arg0, %c0_i32 : i32, i32
  }
  func.func @transform_11(%arg0: i32) -> (i32, i32) {
    %c0_i32 = arith.constant 0 : i32
    %c0_i32_0 = arith.constant 0 : i32
    return %arg0, %c0_i32 : i32, i32
  }
  func.func @transform_12(%arg0: i32) -> (i32, i32) {
    %c0_i32 = arith.constant 0 : i32
    %c0_i32_0 = arith.constant 0 : i32
    return %arg0, %c0_i32 : i32, i32
  }
  func.func @transform_13(%arg0: i32) -> (i32, i32) {
    %c0_i32 = arith.constant 0 : i32
    %c0_i32_0 = arith.constant 0 : i32
    return %arg0, %c0_i32 : i32, i32
  }
  func.func @transform_14(%arg0: i32) -> (i32, i32) {
    %c0_i32 = arith.constant 0 : i32
    %c0_i32_0 = arith.constant 0 : i32
    return %arg0, %c0_i32 : i32, i32
  }
}

module attributes {stable_mosaic.version = 14 : i64} {
  func.func @_combine_body(%arg0: i32, %arg1: memref<4x1024x128xf32, #tpu.memory_space<vmem>>, %arg2: memref<4x1024xf32, #tpu.memory_space<vmem>>, %arg3: memref<1024x128xf32, #tpu.memory_space<vmem>>) attributes {dimension_semantics = [#tpu.dimension_semantics<arbitrary>], iteration_bounds = array<i64: 10>, scalar_prefetch = 0 : i64, scratch_operands = 0 : i64, tpu.core_type = #tpu.core_type<tc>, window_params = [{transform_indices = @transform_0, window_bounds = array<i64: 4, 1024, 128>}, {transform_indices = @transform_1, window_bounds = array<i64: 4, 1024>}, {transform_indices = @transform_2, window_bounds = array<i64: 1024, 128>}]} {
    %get3A = arith.constant 0 : index
    %get3A_0 = arith.constant 0 : index
    %get3A_1 = vector.load %arg2[%get3A, %get3A_0] : memref<4x1024xf32, #tpu.memory_space<vmem>>, vector<1x1024xf32>
    %get3A_2 = vector.shape_cast %get3A_1 : vector<1x1024xf32> to vector<1024xf32>
    %get3A_3 = arith.constant 1 : index
    %get3A_4 = arith.constant 0 : index
    %get3A_5 = vector.load %arg2[%get3A_3, %get3A_4] : memref<4x1024xf32, #tpu.memory_space<vmem>>, vector<1x1024xf32>
    %get3A_6 = vector.shape_cast %get3A_5 : vector<1x1024xf32> to vector<1024xf32>
    %add3A = arith.addf %get3A_2, %get3A_6 : vector<1024xf32>
    %get3A_7 = arith.constant 2 : index
    %get3A_8 = arith.constant 0 : index
    %get3A_9 = vector.load %arg2[%get3A_7, %get3A_8] : memref<4x1024xf32, #tpu.memory_space<vmem>>, vector<1x1024xf32>
    %get3A_10 = vector.shape_cast %get3A_9 : vector<1x1024xf32> to vector<1024xf32>
    %get3A_11 = arith.constant 3 : index
    %get3A_12 = arith.constant 0 : index
    %get3A_13 = vector.load %arg2[%get3A_11, %get3A_12] : memref<4x1024xf32, #tpu.memory_space<vmem>>, vector<1x1024xf32>
    %get3A_14 = vector.shape_cast %get3A_13 : vector<1x1024xf32> to vector<1024xf32>
    %add3A_15 = arith.addf %get3A_10, %get3A_14 : vector<1024xf32>
    %eq3A = arith.constant 0.000000e+00 : f32
    %eq3A_16 = vector.broadcast %eq3A : f32 to vector<1024xf32>
    %eq3A_17 = arith.cmpf oeq, %add3A, %eq3A_16 : vector<1024xf32>
    %jit3A = arith.constant 1.000000e+00 : f32
    %broadcast_in_dim3A = vector.broadcast %jit3A : f32 to vector<1024xf32>
    %select_n3A = arith.select %eq3A_17, %broadcast_in_dim3A, %add3A : vector<1024xi1>, vector<1024xf32>
    %div3A = arith.constant 1.000000e+00 : f32
    %div3A_18 = vector.broadcast %div3A : f32 to vector<1024xf32>
    %div3A_19 = arith.divf %div3A_18, %select_n3A : vector<1024xf32>
    %eq3A_20 = arith.constant 0.000000e+00 : f32
    %eq3A_21 = vector.broadcast %eq3A_20 : f32 to vector<1024xf32>
    %eq3A_22 = arith.cmpf oeq, %add3A_15, %eq3A_21 : vector<1024xf32>
    %jit3A_23 = arith.constant 1.000000e+00 : f32
    %broadcast_in_dim3A_24 = vector.broadcast %jit3A_23 : f32 to vector<1024xf32>
    %select_n3A_25 = arith.select %eq3A_22, %broadcast_in_dim3A_24, %add3A_15 : vector<1024xi1>, vector<1024xf32>
    %div3A_26 = arith.constant 1.000000e+00 : f32
    %div3A_27 = vector.broadcast %div3A_26 : f32 to vector<1024xf32>
    %div3A_28 = arith.divf %div3A_27, %select_n3A_25 : vector<1024xf32>
    %get3A_29 = arith.constant 0 : index
    %get3A_30 = arith.constant 0 : index
    %get3A_31 = arith.constant 0 : index
    %get3A_32 = vector.load %arg1[%get3A_29, %get3A_30, %get3A_31] : memref<4x1024x128xf32, #tpu.memory_space<vmem>>, vector<1x1024x128xf32>
    %get3A_33 = vector.shape_cast %get3A_32 : vector<1x1024x128xf32> to vector<1024x128xf32>
    %get3A_34 = arith.constant 1 : index
    %get3A_35 = arith.constant 0 : index
    %get3A_36 = arith.constant 0 : index
    %get3A_37 = vector.load %arg1[%get3A_34, %get3A_35, %get3A_36] : memref<4x1024x128xf32, #tpu.memory_space<vmem>>, vector<1x1024x128xf32>
    %get3A_38 = vector.shape_cast %get3A_37 : vector<1x1024x128xf32> to vector<1024x128xf32>
    %add3A_39 = arith.addf %get3A_33, %get3A_38 : vector<1024x128xf32>
    %broadcast_in_dim3A_40 = vector.shape_cast %div3A_19 : vector<1024xf32> to vector<1024x1xf32>
    %mul3A = vector.broadcast %broadcast_in_dim3A_40 : vector<1024x1xf32> to vector<1024x128xf32>
    %mul3A_41 = arith.mulf %add3A_39, %mul3A : vector<1024x128xf32>
    %get3A_42 = arith.constant 2 : index
    %get3A_43 = arith.constant 0 : index
    %get3A_44 = arith.constant 0 : index
    %get3A_45 = vector.load %arg1[%get3A_42, %get3A_43, %get3A_44] : memref<4x1024x128xf32, #tpu.memory_space<vmem>>, vector<1x1024x128xf32>
    %get3A_46 = vector.shape_cast %get3A_45 : vector<1x1024x128xf32> to vector<1024x128xf32>
    %get3A_47 = arith.constant 3 : index
    %get3A_48 = arith.constant 0 : index
    %get3A_49 = arith.constant 0 : index
    %get3A_50 = vector.load %arg1[%get3A_47, %get3A_48, %get3A_49] : memref<4x1024x128xf32, #tpu.memory_space<vmem>>, vector<1x1024x128xf32>
    %get3A_51 = vector.shape_cast %get3A_50 : vector<1x1024x128xf32> to vector<1024x128xf32>
    %add3A_52 = arith.addf %get3A_46, %get3A_51 : vector<1024x128xf32>
    %broadcast_in_dim3A_53 = vector.shape_cast %div3A_28 : vector<1024xf32> to vector<1024x1xf32>
    %mul3A_54 = vector.broadcast %broadcast_in_dim3A_53 : vector<1024x1xf32> to vector<1024x128xf32>
    %mul3A_55 = arith.mulf %add3A_52, %mul3A_54 : vector<1024x128xf32>
    %add3A_56 = arith.addf %mul3A_41, %mul3A_55 : vector<1024x128xf32>
    %swap3A = arith.constant 0 : index
    %swap3A_57 = arith.constant 0 : index
    %swap3A_58 = vector.load %arg3[%swap3A, %swap3A_57] : memref<1024x128xf32, #tpu.memory_space<vmem>>, vector<1024x128xf32>
    tpu.vector_store %arg3[%swap3A, %swap3A_57], %add3A_56 {strides = array<i32>} : memref<1024x128xf32, #tpu.memory_space<vmem>>, vector<1024x128xf32>,
    return
  }
  func.func @transform_0(%arg0: i32) -> (i32, i32, i32) {
    %c0_i32 = arith.constant 0 : i32
    %c0_i32_0 = arith.constant 0 : i32
    %c0_i32_1 = arith.constant 0 : i32
    return %c0_i32, %arg0, %c0_i32_0 : i32, i32, i32
  }
  func.func @transform_1(%arg0: i32) -> (i32, i32) {
    %c0_i32 = arith.constant 0 : i32
    %c0_i32_0 = arith.constant 0 : i32
    return %c0_i32, %arg0 : i32, i32
  }
  func.func @transform_2(%arg0: i32) -> (i32, i32) {
    %c0_i32 = arith.constant 0 : i32
    %c0_i32_0 = arith.constant 0 : i32
    return %arg0, %c0_i32 : i32, i32
  }
}

</mosaic_0001>

<sc_bundles>
// kernel: kernel.5.cloned.1.call-start
scs
__scs_entry_jumppad:
0x0: {  	(pc) =	sbr.rel $0x88, $3  }
0x1: {  	(tag) =	ssettag $0x0;
	lr =	simm.s32 $0x1  }
0x2: {  	[smem:$0x3F98] =	sst lr;
	_ =	strace $0xD0000000  }
0x3: {  	_ = 	snop  }
0x4: {  	_ = 	snop  }
0x5: {  	_ = 	snop  }
0x6: {  	_ = 	snop  }
0x7: {  	_ = 	snop  }
__scs_overlays_trampoline_lowered:
0x8: {  	[smem:$0x3FA7] =	sst s0  }
0x9: {  	[smem:$0x3FA8] =	sst s1  }
0xa: {  	[smem:$0x3FA9] =	sst s2  }
0xb: {  	[smem:$0x3FAA] =	sst s3  }
0xc: {  	[smem:$0x3FAB] =	sst s4  }
0xd: {  	[smem:$0x3FAC] =	sst s5  }
0xe: {  	[smem:$0x3FAD] =	sst s6  }
0xf: {  	[smem:$0x3FAE] =	sst s7  }
0x10: {  	[smem:$0x3FAF] =	sst s8  }
0x11: {  	[smem:$0x3FB0] =	sst s9;
	s0 =	simm.s32 @!p0 $0x0  }
0x12: {  	s1 =	sld [smem:$0x3F96];
	s0 =	simm.s32 @p0 $0x1  }
0x13: {  	[smem:$0x3FB1] =	sst s0;
	s0 =	simm.s32 @!p1 $0x0  }
0x14: {  	s2 =	sld [smem:$0x3F95];
	s0 =	simm.s32 @p1 $0x1  }
0x15: {  	[smem:$0x3FB2] =	sst s0;
	s0 =	simm.s32 @!p2 $0x0  }
0x16: {  	s3 =	sld [smem:$0x3FDB];
	s0 =	simm.s32 @p2 $0x1  }
0x17: {  	s4 =	simm.s32 $0x1BF5;
	[smem:$0x3FB4] =	sst s0  }
0x18: {  	s0 =	sld [smem:$0x3F97];
	_ =	swait.ge [sflag:s4], $0x0  }
0x19: {  	s7 =	sld [smem:$0x3F98]  }
0x1a: {  	s8 =	sadd.s32 $0xFFFFE003, lr  }
0x1b: {  	s9 =	sadd.s32 $0xFFFFFEF7, lr;
	s5 =	simm.s32 $0xFFFFFFFF;
	p2 =	slt.u32 s8, $0xFFFFF086  }
0x1c: {  	p1 =	slt.u32 s9, $0xF7A;
	s5 =	simm.s32 @!p2 $0x0  }
0x1d: {  	s5 =	simm.s32 @p1 $0x1;
	p0 =	seq.s32 s7, s2  }
0x1e: {  	s7 =	smul.u32 @!p0 $0xF7A, s2;
	p2 =	seq.s32 @!p0 s5, $0x0  }
0x1f: {  	s9 =	smul.u32 $0xF7A, s1;
	s8 =	simm.s32 @!p0 $0x1BF5;
	p2 =	por !p2, p0  }
0x20: {  	[sflag:s8] =	ssyncset.s32 @!p0 $0xFFFFF086;
	s6 =	sadd.s32 @!p0 s3, s7;
	s7 =	simm.s32 @!p0 $0x108  }
0x21: {  	s3 =	sadd.s32 s3, s9;
	s6 =	sadd.s32 @!p0 $0x88, s6;
	s7 =	simm.s32 @p2 $0x1082  }
0x22: {  	[simem:s7], [sflag:s8] =	dma.local @!p0 [hbm:s6], $0xF7A  }
0x23: {  	s9 =	sor.u32 $0xD0000000, s2;
	s6 =	simm.s32 $0x108;
	_ =	swait.ge @!p0 [sflag:s8], $0x0  }
0x24: {  	s3 =	sadd.s32 $0x88, s3;
	s6 =	simm.s32 @!p1 $0x1082;
	[sflag:s4] =	ssyncset.s32 $0xFFFFF086  }
0x25: {  	[simem:s6], [sflag:s4] =	dma.local [hbm:s3], $0xF7A  }
0x26: {  	[smem:$0x3F98] =	sst s1;
	(tag) =	ssettag s2;
	_ =	strace s9  }
0x27: {  	s1 =	sld [smem:$0x3FA8]  }
0x28: {  	s2 =	sld [smem:$0x3FA9]  }
0x29: {  	s4 =	sld [smem:$0x3FAB]  }
0x2a: {  	p0 =	seq.s32 s5, $0x0;
	s5 =	sld [smem:$0x3FAC]  }
0x2b: {  	s6 =	sld [smem:$0x3FAD]  }
0x2c: {  	s7 =	sld [smem:$0x3FAE]  }
0x2d: {  	s3 =	simm.s32 $0x108;
	s8 =	sld [smem:$0x3FAF]  }
0x2e: {  	s3 =	simm.s32 @!p0 $0x1082;
	s9 =	sld [smem:$0x3FB0]  }
0x2f: {  	lr =	sadd.s32 s0, s3;
	s0 =	sld [smem:$0x3FA7]  }
0x30: {  	s3 =	sld [smem:$0x3FAA]  }
0x31: {  	[smem:$0x3FB3] =	sst s10  }
0x32: {  	s10 =	sld [smem:$0x3FB1];
	_ =	sdelay $0x3  }
0x33: {  	p0 =	seq.s32 s10, $0x1;
	s10 =	sld [smem:$0x3FB3];
	_ =	sdelay $0x3  }
0x34: {  	[smem:$0x3FB3] =	sst s10  }
0x35: {  	s10 =	sld [smem:$0x3FB2];
	_ =	sdelay $0x3  }
0x36: {  	p1 =	seq.s32 s10, $0x1;
	s10 =	sld [smem:$0x3FB3];
	_ =	sdelay $0x3  }
0x37: {  	[smem:$0x3FB3] =	sst s10  }
0x38: {  	s10 =	sld [smem:$0x3FB4]  }
0x39: {  	_ = 	snop;
	(pc) =	sbr.ind lr, $3  }
0x3a: {  	_ = 	snop  }
0x3b: {  	_ = 	snop  }
0x3c: {  	p2 =	seq.s32 s10, $0x1;
	s10 =	sld [smem:$0x3FB3]  }
0x3d: {  	_ =	shalt  }
0x3e: {  	_ =	shalt  }
0x3f: {  	_ =	shalt  }
0x40: {  	_ =	shalt  }
0x41: {  	_ =	shalt  }
0x42: {  	_ =	shalt  }
0x43: {  	_ =	shalt  }
0x44: {  	_ =	shalt  }
0x45: {  	_ =	shalt  }
0x46: {  	_ =	shalt  }
0x47: {  	_ =	shalt  }
0x48: {  	_ =	shalt  }
0x49: {  	_ =	shalt  }
0x4a: {  	_ =	shalt  }
0x4b: {  	_ =	shalt  }
0x4c: {  	_ =	shalt  }
0x4d: {  	_ =	shalt  }
0x4e: {  	_ =	shalt  }
0x4f: {  	_ =	shalt  }
0x50: {  	_ =	shalt  }
0x51: {  	_ =	shalt  }
0x52: {  	_ =	shalt  }
0x53: {  	_ =	shalt  }
0x54: {  	_ =	shalt  }
0x55: {  	_ =	shalt  }
0x56: {  	_ =	shalt  }
0x57: {  	_ =	shalt  }
0x58: {  	_ =	shalt  }
0x59: {  	_ =	shalt  }
0x5a: {  	_ =	shalt  }
0x5b: {  	_ =	shalt  }
0x5c: {  	_ =	shalt  }
0x5d: {  	_ =	shalt  }
0x5e: {  	_ =	shalt  }
0x5f: {  	_ =	shalt  }
0x60: {  	_ =	shalt  }
0x61: {  	_ =	shalt  }
0x62: {  	_ =	shalt  }
0x63: {  	_ =	shalt  }
0x64: {  	_ =	shalt  }
0x65: {  	_ =	shalt  }
0x66: {  	_ =	shalt  }
0x67: {  	_ =	shalt  }
0x68: {  	_ =	shalt  }
0x69: {  	_ =	shalt  }
0x6a: {  	_ =	shalt  }
0x6b: {  	_ =	shalt  }
0x6c: {  	_ =	shalt  }
0x6d: {  	_ =	shalt  }
0x6e: {  	_ =	shalt  }
0x6f: {  	_ =	shalt  }
0x70: {  	_ =	shalt  }
0x71: {  	_ =	shalt  }
0x72: {  	_ =	shalt  }
0x73: {  	_ =	shalt  }
0x74: {  	_ =	shalt  }
0x75: {  	_ =	shalt  }
0x76: {  	_ =	shalt  }
0x77: {  	_ =	shalt  }
0x78: {  	_ =	shalt  }
0x79: {  	_ =	shalt  }
0x7a: {  	_ =	shalt  }
0x7b: {  	_ =	shalt  }
0x7c: {  	_ =	shalt  }
0x7d: {  	_ =	shalt  }
0x7e: {  	_ =	shalt  }
0x7f: {  	_ =	shalt  }
0x80: {  	_ =	shalt  }
0x81: {  	_ =	shalt  }
0x82: {  	_ =	shalt  }
0x83: {  	_ =	shalt  }
0x84: {  	_ =	shalt  }
0x85: {  	_ =	shalt  }
0x86: {  	_ =	shalt  }
0x87: {  	_ =	shalt  }
.Lfunc_end0:
.L_simem_size_0:
called_computation_lowered:
.L_overlay_start_0:
0x88: {  	s2 =	sld [smem:$0x3FD9]  }
0x89: {  	s3 =	sld [smem:$0x3FFE];
	_ =	sdelay $0x1  }
0x8a: {  	s1 =	srdreg.scid  }
0x8b: {  	s0 =	sand.u32 $0x1, s1  }
0x8c: {  	s17 =	sshll.u32 s0, $0xA;
	s2 =	sadd.s32 s3, s2  }
0x8d: {  	s2 =	sadd.s32 s2, s17  }
0x8e: {  	[smem:$0x3FBF] =	sst s2  }
0x8f: {  	_ = 	snop  }
0x90: {  	s2 =	sld [smem:$0x3FD0];
	(tm) =	ssettm $0x1  }
0x91: {  	s18 =	sld [smem:$0x3FFB];
	_ =	sdelay $0x3  }
0x92: {  	_ =	strace s18  }
0x93: {  	s3 =	sld [smem:$0x3FFC];
	_ =	sdelay $0x3  }
0x94: {  	_ =	strace s3  }
0x95: {  	s3 =	sld [smem:$0x3FFD];
	_ =	sdelay $0x3  }
0x96: {  	_ =	strace s3  }
0x97: {  	_ =	strace $0x8FFFFFFF  }
0x98: {  	s19 =	sld [smem:$0x3FDB];
	_ =	sdelay $0x1  }
0x99: {  	s4 =	simm.s32 $_scs_section_size  }
0x9a: {  	s5 =	simm.s32 $_size__tile_overlayer_lowered;
	s6 =	simm.s32 $_tile_overlayer_lowered  }
0x9b: {  	s22 =	simm.s32 $0x1BFF;
	s21 =	sshll.u32 s6, $0x1;
	s3 =	sadd.s32 s4, s19  }
0x9c: {  	s7 =	simm.s32 $0x0;
	s20 =	sshll.u32 s5, $0x1;
	s5 =	sadd.s32 s21, s3  }
0x9d: {  	[timem:s7], [sflag:s22] =	dma.local [hbm:s5], s20  }
0x9e: {  	_ =	swait.ge [sflag:s22], s20  }
0x9f: {  	s4 =	ssub.s32 $0x0, s20;
	[sflag:s22] =	ssyncset.done $0x0  }
0xa0: {  	[sflag:s22] =	ssyncadd.s32 s4;
	_ =	sdelay $0x1  }
0xa1: {  	s23 =	simm.s32 $0x1B8B  }
0xa2: {  	_ =	swait.ge [sflag:s23], $0x1  }
0xa3: {  	[sflag:s23] =	ssyncset.done $0x0  }
0xa4: {  	s25 =	simm.s32 $0x1B8E;
	s24 =	sld [smem:$0x3FFE];
	[sflag:s23] =	ssyncadd.s32 $0xFFFFFFFF  }
0xa5: {  	s26 =	simm.s32 $execute0_lowered;
	[smem:$0x3FD2] =	sst s25  }
0xa6: {  	s5 =	sshll.u32 s26, $0x1;
	_ =	strace $0x80000046;
	[dreg:$0x1] =	wrdreg $0xFFFFFFFF  }
0xa7: {  	s28 =	simm.s32 $_size_execute0_lowered;
	s3 =	sadd.s32 s3, s5;
	[dreg:$0x0] =	wrdreg $0x0  }
0xa8: {  	s5 =	sshll.u32 s28, $0x1;
	[dreg:$0x2] =	wrdreg s3  }
0xa9: {  	[dreg:$0x3] =	wrdreg s5  }
0xaa: {  	[dreg:$0x4] =	wrdreg $0xC0  }
0xab: {  	_ =	task [dreg:s7], $0x5FFFF  }
0xac: {  	[dreg:$0x1] =	wrdreg $0xFFFFFFFF  }
0xad: {  	[dreg:$0x0] =	wrdreg $0x60  }
0xae: {  	[dreg:$0x2] =	wrdreg s24  }
0xaf: {  	[dreg:$0x3] =	wrdreg s2  }
0xb0: {  	[dreg:$0x4] =	wrdreg $0xB2800  }
0xb1: {  	[dreg:$0x5] =	wrdreg $0x1F2800  }
0xb2: {  	[dreg:$0x6] =	wrdreg $0xAD800  }
0xb3: {  	[dreg:$0x7] =	wrdreg $0xB0000  }
0xb4: {  	[dreg:$0x8] =	wrdreg $0x9  }
0xb5: {  	_ =	task.clear_ibuf [dreg:s7], $0x9FFFF;
	_ =	strace $0x90000046  }
0xb6: {  	s29 =	simm.s32 $0x9;
	_ =	strace $0x80000048  }
0xb7: {  	_ =	swait.ge [sflag:s29], $0x1  }
0xb8: {  	[sflag:s29] =	ssyncadd.s32 $0xFFFFFFFF  }
0xb9: {  	_ =	strace $0x90000048  }
0xba: {  	_ =	sfence  }
0xbb: {  	s30 =	sld [smem:$0x0];
	_ =	sdelay $0x2  }
0xbc: {  	s31 =	sshll.u32 s1, $0xD;
	s1 =	sshrl.u32 s1, $0x2  }
0xbd: {  	s3 =	sand.u32 $0x4000, s31;
	s1 =	sadd.s32 s1, s30  }
0xbe: {  	s0 =	sor.u32 s3, s0;
	s1 =	sshll.u32 s1, $0x11  }
0xbf: {  	s0 =	sor.u32 s1, s0  }
0xc0: {  	s0 =	sadd.s32 $0x8F2B, s0  }
0xc1: {  	[sflag:s0] =	ssyncadd.remote.s32 $0x1  }
0xc2: {  	_ =	sfence.sel $0xFFFF  }
0xc3: {  	[dreg:$0x0] =	wrdreg $0xFFFFFFFF;
	(pc) =	sbr.abs _section_cstart, $3  }
0xc4: {  	[dreg:$0x1] =	wrdreg $0xFFFFFFFF  }
0xc5: {  	_ =	task.clear_ibuf [dreg:s7], $0x2FFFF;
	_ =	strace $0x9FFFFFFF  }
0xc6: {  	(tm) =	ssettm $0x7FFFFFFF  }
0xc7: {  	_ =	shalt  }
tec
execute0_lowered:
.L_overlay_start_1:
0x0: {  	(tag) =	ssettag $0x1  }
0x1: {  	s0 =	rddreg [dreg:$0x0]  }
0x2: {  	s3 =	rddreg [dreg:$0x1]  }
0x3: {  	s1 =	rddreg [dreg:$0x2]  }
0x4: {  	s2 =	rddreg [dreg:$0x3]  }
0x5: {  	s4 =	rddreg [dreg:$0x4]  }
0x6: {  	s5 =	rddreg [dreg:$0x5]  }
0x7: {  	s6 =	simm.s32 $0x0;
	s17 =	stileid.u32;
	s8 =	srdreg.scid  }
0x8: {  	[smem:$0x7FF] =	sst s6;
	s10 =	smul.u32 $0x280, s17  }
0x9: {  	s7 =	sadd.s32 $0x3B200, s0;
	s11 =	sand.u32 $0x1, s8;
	s12 =	smul.u32 $0x50000, s17  }
0xa: {  	s8 =	sadd.s32 $0x62400, s0;
	s15 =	sadd.s32 $0x8A200, s0;
	s23 =	sshll.u32 s17, $0x1  }
0xb: {  	_ =	strace $0x80000047;
	s22 =	ssub.s32 $0x2, s11;
	s9 =	sshrl.u32 s10, $0x3  }
0xc: {  	s12 =	sshrl.u32 s12, $0x2;
	s25 =	sadd.s32 s10, s2;
	s26 =	sadd.s32 s10, s4  }
0xd: {  	s14 =	sadd.s32 s9, s0;
	s9 =	sadd.s32 s12, s1;
	[dreg:$0x9] =	wrdreg s25  }
0xe: {  	s13 =	sshrl.u32 s22, $0x1;
	[dreg:$0xa] =	wrdreg s26;
	s12 =	sadd.s32 $0x4000, s9  }
0xf: {  	s16 =	ssub.s32 s22, s13;
	s24 =	sadd.s32 $0x8000, s9;
	[dreg:$0x7] =	wrdreg s12  }
0x10: {  	s13 =	sor.u32 s11, s23;
	s28 =	sadd.s32 $0x89600, s14;
	[dreg:$0x8] =	wrdreg s24  }
0x11: {  	s11 =	smul.u32 $0x2800, s11;
	s21 =	sadd.s32 $0x89C00, s14;
	[dreg:$0xb] =	wrdreg s28  }
0x12: {  	s13 =	smul.u32 $0x1400, s13;
	s23 =	sadd.s32 $0x14600, s14;
	[dreg:$0x10] =	wrdreg s21  }
0x13: {  	s25 =	smax.u32 s16, $0x1;
	s26 =	sadd.s32 $0xC000, s9;
	[dreg:$0x13] =	wrdreg s23  }
0x14: {  	s16 =	simm.s32 $0x80;
	s11 =	sadd.s32 s10, s11;
	[dreg:$0x15] =	wrdreg s25  }
0x15: {  	s10 =	sadd.s32 s10, s5;
	s24 =	sadd.s32 $0x14000, s14;
	[dreg:$0x16] =	wrdreg s26  }
0x16: {  	s28 =	sadd.s32 $0x10000, s9;
	[dreg:$0xc] =	wrdreg s10;
	s29 =	sshrl.u32 s13, $0x3  }
0x17: {  	s30 =	sadd.s32 $0x5000, s11;
	s18 =	sshll.u32 s11, $0x4;
	[dreg:$0x14] =	wrdreg s24  }
0x18: {  	[dreg:$0x17] =	wrdreg s28;
	s31 =	sadd.s32 s0, s29;
	s0 =	sadd.s32 s15, s18  }
0x19: {  	s14 =	simm.s32 $0x1;
	s19 =	sshll.u32 s30, $0x4;
	[dreg:$0xe] =	wrdreg s0  }
0x1a: {  	s20 =	sshrl.u32 s11, $0x3;
	s10 =	sadd.s32 s15, s19;
	[dreg:$0xd] =	wrdreg s31  }
0x1b: {  	s21 =	simm.s32 $0x4;
	s0 =	sadd.s32 s3, s20;
	[dreg:$0xf] =	wrdreg s10  }
0x1c: {  	s22 =	sshrl.u32 s30, $0x3;
	s29 =	sadd.s32 $0x5000, s31;
	[dreg:$0x11] =	wrdreg s0  }
0x1d: {  	s18 =	simm.s32 $0x2;
	s30 =	sadd.s32 $0xF000, s31;
	[dreg:$0x18] =	wrdreg s29  }
0x1e: {  	s31 =	sadd.s32 $0xA000, s31;
	s19 =	simm.s32 $0x2A00;
	[dreg:$0x19] =	wrdreg s30  }
0x1f: {  	s20 =	simm.s32 $0x3;
	s0 =	sadd.s32 s3, s22;
	[dreg:$0x1a] =	wrdreg s31  }
0x20: {  	v0 =	vimm.f32 $0.0e+00;
	s3 =	simm.s32 $0x5;
	[dreg:$0x12] =	wrdreg s0;
	s0 =	simm.s32 $0x2B00  }
.LBB2_1:
0x21: {  	s10 =	simm.s32 $0x0;
	s11 =	simm.s32 $0x200  }
.LBB2_2:
0x22: {  	p0 =	sne.s32 s11, $0xFE00;
	[tilespmem:s10+$0x2B70] =	vst v0  }
0x23: {  	[tilespmem:s10+$0x2B00] =	vst v0  }
0x24: {  	[tilespmem:s10+$0x2B10] =	vst v0  }
.Ltmp0:
0x25: {  	[tilespmem:s10+$0x2B20] =	vst v0;
	(pc) =	sbr.rel @p0 .LBB2_2-.Ltmp0, $4  }
0x26: {  	[tilespmem:s10+$0x2B30] =	vst v0  }
0x27: {  	[tilespmem:s10+$0x2B40] =	vst v0  }
0x28: {  	[tilespmem:s10+$0x2B50] =	vst v0  }
0x29: {  	[tilespmem:s10+$0x2B60] =	vst v0;
	s10 =	sshra.s32 s11, $0x2;
	s11 =	sadd.s32 $0x200, s11  }
0x2a: {  	[tilespmem:s10+$0x2B70] =	vst v0  }
0x2b: {  	[tilespmem:s10+$0x2B00] =	vst v0  }
0x2c: {  	[tilespmem:s10+$0x2B10] =	vst v0  }
0x2d: {  	[tilespmem:s10+$0x2B20] =	vst v0  }
0x2e: {  	[tilespmem:s10+$0x2B30] =	vst v0  }
0x2f: {  	[tilespmem:s10+$0x2B40] =	vst v0  }
0x30: {  	[tilespmem:s10+$0x2B50] =	vst v0  }
0x31: {  	[tilespmem:s10+$0x2B60] =	vst v0  }
0x32: {  	[tilespmem:$0xAB00] =	vst v0  }
0x33: {  	[tilespmem:$0xAB10] =	vst v0  }
0x34: {  	[tilespmem:$0xAB20] =	vst v0  }
0x35: {  	[tilespmem:$0xAB30] =	vst v0  }
0x36: {  	[tilespmem:$0xAB40] =	vst v0  }
0x37: {  	[tilespmem:$0xAB50] =	vst v0  }
0x38: {  	[tilespmem:$0xAB60] =	vst v0  }
0x39: {  	[tilespmem:$0xAB70] =	vst v0  }
0x3a: {  	[tilespmem:$0xAB80] =	vst v0  }
0x3b: {  	[tilespmem:$0xAB90] =	vst v0  }
0x3c: {  	[tilespmem:$0xABA0] =	vst v0  }
0x3d: {  	[tilespmem:$0xABB0] =	vst v0  }
0x3e: {  	[tilespmem:$0xABC0] =	vst v0  }
0x3f: {  	[tilespmem:$0xABD0] =	vst v0  }
0x40: {  	[tilespmem:$0xABE0] =	vst v0  }
0x41: {  	[tilespmem:$0xABF0] =	vst v0  }
0x42: {  	[tilespmem:$0xAC00] =	vst v0  }
0x43: {  	[tilespmem:$0xAC10] =	vst v0  }
0x44: {  	[tilespmem:$0xAC20] =	vst v0  }
0x45: {  	[tilespmem:$0xAC30] =	vst v0  }
0x46: {  	[tilespmem:$0xAC40] =	vst v0  }
0x47: {  	[tilespmem:$0xAC50] =	vst v0  }
0x48: {  	[tilespmem:$0xAC60] =	vst v0  }
0x49: {  	[tilespmem:$0xAC70] =	vst v0  }
0x4a: {  	[tilespmem:$0xAC80] =	vst v0  }
0x4b: {  	[tilespmem:$0xAC90] =	vst v0  }
0x4c: {  	[tilespmem:$0xACA0] =	vst v0  }
0x4d: {  	[tilespmem:$0xACB0] =	vst v0  }
0x4e: {  	[tilespmem:$0xACC0] =	vst v0  }
0x4f: {  	[tilespmem:$0xACD0] =	vst v0  }
0x50: {  	[tilespmem:$0xACE0] =	vst v0  }
0x51: {  	[tilespmem:$0xACF0] =	vst v0  }
0x52: {  	[tilespmem:$0xAD00] =	vst v0  }
0x53: {  	[tilespmem:$0xAD10] =	vst v0  }
0x54: {  	[tilespmem:$0xAD20] =	vst v0  }
0x55: {  	[tilespmem:$0xAD30] =	vst v0  }
0x56: {  	[tilespmem:$0xAD40] =	vst v0  }
0x57: {  	[tilespmem:$0xAD50] =	vst v0  }
0x58: {  	[tilespmem:$0xAD60] =	vst v0  }
0x59: {  	[tilespmem:$0xAD70] =	vst v0  }
0x5a: {  	[spmem:s9] =	stream.linear.scatter [tilespmem:s0], [sflag:$0x5], $0x4000, $0x38;
	[tilespmem:$0x1F500] =	vst v63  }
0x5b: {  	_ =	swait.ge [sflag:s3], $0x4000  }
0x5c: {  	[sflag:s3] =	ssyncset.done $0x0  }
0x5d: {  	s23 =	rddreg [dreg:$0x7];
	[sflag:s3] =	ssyncadd.s32 $0xFFFFC000  }
0x5e: {  	[spmem:s23] =	stream.linear.scatter [tilespmem:s0], [sflag:$0x5], $0x4000, $0x38;
	[tilespmem:$0x1F500] =	vst v63  }
0x5f: {  	_ =	swait.ge [sflag:s3], $0x4000  }
0x60: {  	[sflag:s3] =	ssyncset.done $0x0  }
0x61: {  	s24 =	rddreg [dreg:$0x8];
	[sflag:s3] =	ssyncadd.s32 $0xFFFFC000  }
0x62: {  	[spmem:s24] =	stream.linear.scatter [tilespmem:s0], [sflag:$0x5], $0x4000, $0x38;
	[tilespmem:$0x1F500] =	vst v63  }
0x63: {  	_ =	swait.ge [sflag:s3], $0x4000  }
0x64: {  	[sflag:s3] =	ssyncset.done $0x0  }
0x65: {  	s25 =	rddreg [dreg:$0x16];
	[sflag:s3] =	ssyncadd.s32 $0xFFFFC000  }
0x66: {  	[spmem:s25] =	stream.linear.scatter [tilespmem:s0], [sflag:$0x5], $0x4000, $0x38;
	[tilespmem:$0x1F500] =	vst v63  }
0x67: {  	_ =	swait.ge [sflag:s3], $0x4000  }
0x68: {  	[sflag:s3] =	ssyncset.done $0x0  }
0x69: {  	s26 =	rddreg [dreg:$0x17];
	[sflag:s3] =	ssyncadd.s32 $0xFFFFC000  }
0x6a: {  	[spmem:s26] =	stream.linear.scatter [tilespmem:s0], [sflag:$0x5], $0x4000, $0x38;
	[tilespmem:$0x1F500] =	vst v63  }
0x6b: {  	_ =	swait.ge [sflag:s3], $0x4000  }
0x6c: {  	s11 =	simm.s32 $0xAB00;
	[sflag:s3] =	ssyncset.done $0x0  }
0x6d: {  	s30 =	stileid.u32;
	s28 =	rddreg [dreg:$0x9];
	[sflag:s3] =	ssyncadd.s32 $0xFFFFC000  }
0x6e: {  	[spmem:s28] =	stream.linear.scatter [tilespmem:s11], [sflag:$0x5], $0x280, $0x38;
	[tilespmem:$0x1F500] =	vst v63  }
0x6f: {  	s10 =	sshll.u32 s30, $0x6;
	_ =	swait.ge [sflag:s3], $0x280  }
0x70: {  	s22 =	sor.u32 $0x1C05, s10;
	[sflag:s3] =	ssyncset.done $0x0;
	s31 =	rddreg [dreg:$0xa]  }
0x71: {  	s11 =	rddreg [dreg:$0xb];
	[sflag:s3] =	ssyncadd.s32 $0xFFFFFD80;
	s23 =	sshrl.u32 s31, $0x3  }
0x72: {  	[spmem:s23], [sflag:s22] =	dma.local [hbm:s11], $0x50  }
0x73: {  	_ =	swait.ge [sflag:s3], $0x50  }
0x74: {  	[sflag:s3] =	ssyncset.done $0x0;
	s12 =	rddreg [dreg:$0xc]  }
0x75: {  	s15 =	rddreg [dreg:$0x10];
	[sflag:s3] =	ssyncadd.s32 $0xFFFFFFB0;
	s24 =	sshrl.u32 s12, $0x3  }
0x76: {  	[spmem:s24], [sflag:s22] =	dma.local [hbm:s15], $0x50  }
0x77: {  	_ =	swait.ge [sflag:s3], $0x50  }
0x78: {  	[sflag:s3] =	ssyncset.done $0x0  }
0x79: {  	s25 =	simm.s32 $0x0;
	s17 =	rddreg [dreg:$0x18];
	[sflag:s3] =	ssyncadd.s32 $0xFFFFFFB0  }
0x7a: {  	[tilespmem:s25], [sflag:$0x5] =	stream.linear.gather [hbm4b:s17+s25], $0x1400, $0x38;
	[tilespmem:$0x1F500] =	vst v63  }
0x7b: {  	_ =	swait.ge [sflag:s3], $0x1400  }
0x7c: {  	[sflag:s3] =	ssyncset.done $0x0  }
0x7d: {  	s28 =	simm.s32 $0x1400;
	s26 =	rddreg [dreg:$0xd];
	[sflag:s3] =	ssyncadd.s32 $0xFFFFEC00  }
0x7e: {  	[tilespmem:s28], [sflag:$0x5] =	stream.linear.gather [hbm4b:s26+s25], $0x1400, $0x38;
	[tilespmem:$0x1F500] =	vst v63  }
0x7f: {  	_ =	swait.ge [sflag:s3], $0x1400  }
0x80: {  	[sflag:s3] =	ssyncset.done $0x0  }
0x81: {  	[sflag:s3] =	ssyncadd.s32 $0xFFFFEC00  }
0x82: {  	s30 =	simm.s32 $0x2800;
	[bflag:$0x0] =	sbarrier.arrive $0xFFFF  }
0x83: {  	[tilespmem:s30], [sflag:$0x2] =	stream.indirect.gather [spmem:s4], $0x1, s25, s16, $0xb8;
	[tilespmem:$0x1F500] =	vst v63  }
0x84: {  	s31 =	simm.s32 $0x2900  }
0x85: {  	[tilespmem:s31], [sflag:$0x2] =	stream.indirect.gather [spmem:s5], $0x1, s28, s16, $0xb8;
	[tilespmem:$0x1F500] =	vst v63  }
0x86: {  	p0 =	por $0x0, $0x0;
	s29 =	simm.s32 $0x0  }
0x87: {  	[tilespmem:s0], [sflag:$0x1] =	stream.indirect.gather [hbm4b:s7+s16], $0x80, s25, s16, $0xb8;
	[tilespmem:$0x1F500] =	vst v63  }
.LBB2_4:
0x88: {  	_ =	swait.ge [sflag:s18], $0x80  }
0x89: {  	[sflag:s18] =	ssyncset.done $0x0  }
0x8a: {  	[sflag:s18] =	ssyncadd.s32 $0xFFFFFF80  }
0x8b: {  	_ =	swait.ge [sflag:s18], $0x80  }
0x8c: {  	s10 =	sand.u32 $0x1, s29;
	[sflag:s18] =	ssyncset.done $0x0  }
0x8d: {  	s17 =	sshll.u32 s10, $0x7;
	[sflag:s18] =	ssyncadd.s32 $0xFFFFFF80  }
0x8e: {  	v1 =	vld [tilespmem:s17+$0x2800]  }
0x8f: {  	v2 =	vld [tilespmem:s17+$0x2900]  }
0x90: {  	v3 =	vld [tilespmem:s17+$0x2810]  }
0x91: {  	v4 =	vld [tilespmem:s17+$0x2910]  }
0x92: {  	v5 =	vld [tilespmem:s17+$0x2820]  }
0x93: {  	v6 =	vld [tilespmem:s17+$0x2920]  }
0x94: {  	v7 =	vld [tilespmem:s17+$0x2830]  }
0x95: {  	v9 =	vld [tilespmem:s17+$0x2940];
	v1 =	vadd.f32 v2, v1  }
0x96: {  	v2 =	vld [tilespmem:s17+$0x2930];
	v3 =	vadd.f32 v4, v3  }
0x97: {  	v11 =	vld [tilespmem:s17+$0x2850];
	v8 =	vmul.f32 $9.999999770e-03, v1  }
0x98: {  	v12 =	vld [tilespmem:s17+$0x2870];
	v10 =	vmul.f32 $9.999999770e-03, v3  }
0x99: {  	v4 =	vld [tilespmem:s17+$0x2840];
	v1 =	vmax.f32 v1, v8  }
0x9a: {  	v5 =	vadd.f32 v6, v5;
	v6 =	vld [tilespmem:s17+$0x2860];
	v3 =	vmax.f32 v3, v10;
	v1 =	vmin.f32 v1, $5.000000000e+01  }
0x9b: {  	v8 =	vld [tilespmem:s17+$0x2950];
	v3 =	vmin.f32 v3, $5.000000000e+01;
	v2 =	vadd.f32 v2, v7;
	v1 =	vmul.f32 $1.442695020e+00, v1  }
0x9c: {  	v10 =	vmul.f32 $9.999999770e-03, v5;
	v7 =	vld [tilespmem:s17+$0x2960];
	v3 =	vmul.f32 $1.442695020e+00, v3  }
0x9d: {  	v13 =	vld [tilespmem:s17+$0x2970];
	(erf) = vpow2.f32 v1;
	v1 =	vmul.f32 $9.999999770e-03, v2  }
0x9e: {  	(erf) = vpow2.f32 v3;
	v3 =	vmax.f32 v5, v10  }
0x9f: {  	v3 =	vmin.f32 v3, $5.000000000e+01;
	v1 =	vmax.f32 v2, v1;
	v2 =	vadd.f32 v9, v4  }
0xa0: {  	v4 =	vadd.f32 v8, v11;
	v3 =	vmul.f32 $1.442695020e+00, v3;
	v1 =	vmin.f32 v1, $5.000000000e+01  }
0xa1: {  	v6 =	vadd.f32 v7, v6;
	v1 =	vmul.f32 $1.442695020e+00, v1;
	v5 =	vmul.f32 $9.999999770e-03, v2  }
0xa2: {  	v7 =	vadd.f32 v13, v12;
	(erf) = vpow2.f32 v3;
	v3 =	vmul.f32 $9.999999770e-03, v4  }
0xa3: {  	(erf) = vpow2.f32 v1;
	v1 =	vmax.f32 v2, v5;
	v2 =	vmul.f32 $9.999999770e-03, v6  }
0xa4: {  	v1 =	vmin.f32 v1, $5.000000000e+01;
	v3 =	vmax.f32 v4, v3;
	v4 =	vmul.f32 $9.999999770e-03, v7  }
0xa5: {  	v1 =	vmul.f32 $1.442695020e+00, v1;
	v3 =	vmin.f32 v3, $5.000000000e+01;
	v2 =	vmax.f32 v6, v2  }
0xa6: {  	v3 =	vmul.f32 $1.442695020e+00, v3;
	v2 =	vmin.f32 v2, $5.000000000e+01;
	v4 =	vmax.f32 v7, v4  }
0xa7: {  	(erf) = vpow2.f32 v1;
	v1 =	vmul.f32 $1.442695020e+00, v2;
	v2 =	vmin.f32 v4, $5.000000000e+01  }
0xa8: {  	(erf) = vpow2.f32 v3;
	v2 =	vmul.f32 $1.442695020e+00, v2  }
0xa9: {  	(erf) = vpow2.f32 v1  }
0xaa: {  	s30 =	sshll.u32 s29, $0x7;
	(erf) = vpow2.f32 v2  }
0xab: {  	s11 =	sadd.s32 s13, s30  }
0xac: {  	p1 =	slt.u32 s11, $0x27100;
	s15 =	sor.u32 $0x10, s11;
	v1 =	vpop (erf)  }
0xad: {  	s12 =	sor.u32 $0x20, s11;
	p5 =	slt.u32 s15, $0x27100;
	v2 =	vpop (erf);
	v1 =	vpsel !p1, $0x0, v1  }
0xae: {  	s26 =	sor.u32 $0x30, s11;
	p6 =	slt.u32 s12, $0x27100;
	v3 =	vpop (erf);
	[tilespmem:s17+$0x2A00] =	vst v1;
	v1 =	vpsel !p5, $0x0, v2  }
0xaf: {  	s28 =	sor.u32 $0x40, s11;
	p2 =	slt.u32 s26, $0x27100;
	v2 =	vpop (erf);
	[tilespmem:s17+$0x2A10] =	vst v1;
	v1 =	vpsel !p6, $0x0, v3  }
0xb0: {  	p3 =	slt.u32 s28, $0x27100;
	s12 =	sor.u32 $0x50, s11;
	[tilespmem:s17+$0x2A20] =	vst v1;
	v1 =	vpsel !p2, $0x0, v2;
	v3 =	vpop (erf)  }
0xb1: {  	s26 =	sor.u32 $0x60, s11;
	p4 =	slt.u32 s12, $0x27100;
	[tilespmem:s17+$0x2A30] =	vst v1;
	v2 =	vpop (erf);
	v1 =	vpsel !p3, $0x0, v3  }
0xb2: {  	s11 =	sor.u32 $0x70, s11;
	p5 =	slt.u32 s26, $0x27100;
	v3 =	vpop (erf);
	[tilespmem:s17+$0x2A40] =	vst v1;
	v1 =	vpsel !p4, $0x0, v2  }
0xb3: {  	p6 =	slt.u32 s11, $0x27100;
	[tilespmem:s17+$0x2A50] =	vst v1;
	v1 =	vpsel !p5, $0x0, v3;
	v2 =	vpop (erf)  }
0xb4: {  	p1 =	seq.s32 s29, $0x0;
	[tilespmem:s17+$0x2A60] =	vst v1;
	v1 =	vpsel !p6, $0x0, v2  }
0xb5: {  	s11 =	simm.s32 @!p1 $0x3;
	[tilespmem:s17+$0x2A70] =	vst v1  }
0xb6: {  	_ =	swait.ge @!p1 [sflag:s11], $0x4000  }
0xb7: {  	[sflag:s11] =	ssyncset.done @!p1 $0x0  }
0xb8: {  	[sflag:s11] =	ssyncadd.s32 @!p1 $0xFFFFC000;
	s11 =	simm.s32 @!p1 $0x4  }
0xb9: {  	s15 =	sxor.u32 $0x1, s10;
	s29 =	sadd.s32 $0x1, s29;
	_ =	swait.ge @!p1 [sflag:s11], $0x80  }
0xba: {  	s31 =	sshll.u32 s15, $0x7;
	s26 =	smin.u32 s29, $0x27;
	[sflag:s11] =	ssyncset.done @!p1 $0x0  }
0xbb: {  	s28 =	sor.u32 $0x2800, s31;
	s26 =	sshll.u32 s26, $0x7;
	[sflag:s11] =	ssyncadd.s32 @!p1 $0xFFFFFF80  }
0xbc: {  	v2 =	vmov s25;
	[tilespmem:s28], [sflag:$0x2] =	stream.indirect.gather [spmem:s4], $0x1, s26, s16, $0xb8;
	[tilespmem:$0x1F500] =	vst v63  }
0xbd: {  	s12 =	sor.u32 $0x2900, s31;
	s31 =	sadd.s32 $0x1400, s26;
	v1 =	vmov s17;
	v2 =	vand.u32 $0x7C, v2;
	s28 =	sshll.u32 s15, $0xE  }
0xbe: {  	v2 =	vor.u32 v1, v2;
	[tilespmem:s12], [sflag:$0x2] =	stream.indirect.gather [spmem:s5], $0x1, s31, s16, $0xb8;
	[tilespmem:$0x1F500] =	vst v63  }
0xbf: {  	v2 =	vbroadcast v2, $0x0;
	s15 =	simm.s32 $0x1;
	s11 =	sor.u32 $0x2B00, s28  }
0xc0: {  	[tilespmem:s11], [sflag:$0x1] =	stream.indirect.gather [hbm4b:s7+s16], $0x80, s26, s16, $0xb8;
	[tilespmem:$0x1F500] =	vst v63  }
0xc1: {  	s15 =	simm.s32 @!p0 $0x0;
	_ =	swait.ge [sflag:s14], $0x4000  }
0xc2: {  	s12 =	sshll.u32 s15, $0xE;
	[sflag:s14] =	ssyncset.done $0x0  }
0xc3: {  	s26 =	sor.u32 $0x2C00, s12;
	[sflag:s14] =	ssyncadd.s32 $0xFFFFC000  }
0xc4: {  	v4 =	vld [tilespmem:s26+$0xFFFFFF70]  }
0xc5: {  	v2 =	vld.idx.msk [tilespmem:v2+s19+$0x0], $0xffff  }
0xc6: {  	v5 =	vld [tilespmem:s26+$0xFFFFFF00]  }
0xc7: {  	v6 =	vld [tilespmem:s26+$0xFFFFFF20]  }
0xc8: {  	v7 =	vld [tilespmem:s26+$0xFFFFFF30]  }
0xc9: {  	v3 =	vld [tilespmem:s26+$0xFFFFFF50]  }
0xca: {  	s15 =	simm.s32 $0x1;
	v9 =	vld [tilespmem:s26+$0xFFFFFF10];
	v4 =	vmul.f32 v4, v2  }
0xcb: {  	v11 =	vmov s15;
	v8 =	vld [tilespmem:s26+$0xFFFFFF60];
	v5 =	vmul.f32 v5, v2  }
0xcc: {  	v10 =	vld [tilespmem:s26+$0xFFFFFF40];
	v6 =	vmul.f32 v6, v2;
	[tilespmem:s26+$0xFFFFFF70] =	vst v4;
	v4 =	vand.u32 $0x7D, v11  }
0xcd: {  	v7 =	vmul.f32 v7, v2;
	[tilespmem:s26+$0xFFFFFF00] =	vst v5;
	v4 =	vor.u32 v1, v4  }
0xce: {  	v3 =	vmul.f32 v3, v2;
	[tilespmem:s26+$0xFFFFFF20] =	vst v6;
	v4 =	vbroadcast v4, $0x0  }
0xcf: {  	v5 =	vmul.f32 v9, v2;
	[tilespmem:s26+$0xFFFFFF30] =	vst v7  }
0xd0: {  	v6 =	vmul.f32 v8, v2;
	[tilespmem:s26+$0xFFFFFF50] =	vst v3  }
0xd1: {  	v2 =	vmul.f32 v10, v2;
	[tilespmem:s26+$0xFFFFFF10] =	vst v5  }
0xd2: {  	[tilespmem:s26+$0xFFFFFF60] =	vst v6  }
0xd3: {  	[tilespmem:s26+$0xFFFFFF40] =	vst v2;
	v2 =	vld [tilespmem:s26+$0xFFFFFF80]  }
0xd4: {  	v4 =	vld.idx.msk [tilespmem:v4+s19+$0x0], $0xffff  }
0xd5: {  	v3 =	vld [tilespmem:s26+$0xFFFFFFA0]  }
0xd6: {  	v5 =	vld [tilespmem:s26+$0xFFFFFFF0]  }
0xd7: {  	v6 =	vld [tilespmem:s26+$0xFFFFFFC0]  }
0xd8: {  	v7 =	vld [tilespmem:s26+$0xFFFFFF90]  }
0xd9: {  	s28 =	simm.s32 $0x2;
	v8 =	vld [tilespmem:s26+$0xFFFFFFD0];
	v2 =	vmul.f32 v2, v4  }
0xda: {  	v9 =	vld [tilespmem:s26+$0xFFFFFFB0];
	v10 =	vmov s28;
	v3 =	vmul.f32 v3, v4  }
0xdb: {  	v11 =	vld [tilespmem:s26+$0xFFFFFFE0];
	v5 =	vmul.f32 v5, v4;
	[tilespmem:s26+$0xFFFFFF80] =	vst v2;
	v2 =	vand.u32 $0x7E, v10  }
0xdc: {  	v6 =	vmul.f32 v6, v4;
	[tilespmem:s26+$0xFFFFFFA0] =	vst v3;
	v2 =	vor.u32 v1, v2  }
0xdd: {  	v3 =	vmul.f32 v7, v4;
	[tilespmem:s26+$0xFFFFFFF0] =	vst v5;
	v5 =	vbroadcast v2, $0x0  }
0xde: {  	v7 =	vmul.f32 v8, v4;
	[tilespmem:s26+$0xFFFFFFC0] =	vst v6;
	v8 =	vld [tilespmem:s26+$0x30]  }
0xdf: {  	v6 =	vmul.f32 v9, v4;
	v2 =	vld [tilespmem:s26+$0x60];
	[tilespmem:s26+$0xFFFFFF90] =	vst v3  }
0xe0: {  	v4 =	vmul.f32 v11, v4;
	v3 =	vld [tilespmem:s26+$0x70];
	[tilespmem:s26+$0xFFFFFFD0] =	vst v7  }
0xe1: {  	[tilespmem:s26+$0xFFFFFFB0] =	vst v6;
	v6 =	vld [tilespmem:s26+$0x20]  }
0xe2: {  	s10 =	sshll.u32 s10, $0xE;
	[tilespmem:s26+$0xFFFFFFE0] =	vst v4;
	v7 =	vld [tilespmem:s26+$0x0]  }
0xe3: {  	s10 =	sor.u32 $0x2B00, s10;
	s17 =	sor.u32 $0x2A00, s17;
	v4 =	vld.idx.msk [tilespmem:v5+s19+$0x0], $0xffff  }
0xe4: {  	s15 =	simm.s32 $0x4;
	s11 =	simm.s32 $0x0;
	s31 =	smov.u32 s26;
	v5 =	vld [tilespmem:s26+$0x10]  }
.LBB2_5:
0xe5: {  	p1 =	sne.s32 s15, $0x7C  }
0xe6: {  	v9 =	vld [tilespmem:s26+$0x50];
	s31 =	sadd.s32 $0x200, s31;
	s28 =	smov.u32 s15;
	s15 =	sadd.s32 $0x4, s15  }
0xe7: {  	v10 =	vld [tilespmem:s26+$0x40];
	_ =	sdelay $0x1  }
0xe8: {  	s12 =	sadd.s32 $0x3, s11;
	s11 =	smov.u32 s28;
	v8 =	vmul.f32 v8, v4;
	v7 =	vmul.f32 v7, v4  }
0xe9: {  	v11 =	vmov s12;
	v6 =	vmul.f32 v6, v4;
	v5 =	vmul.f32 v5, v4  }
0xea: {  	v2 =	vmul.f32 v2, v4;
	v3 =	vmul.f32 v3, v4;
	[tilespmem:s26+$0x30] =	vst v8;
	v8 =	vand.u32 $0x7F, v11  }
0xeb: {  	[tilespmem:s26+$0x20] =	vst v6;
	v6 =	vmul.f32 v10, v4;
	v4 =	vmul.f32 v9, v4;
	v8 =	vor.u32 v1, v8  }
0xec: {  	[tilespmem:s26+$0x70] =	vst v3;
	v8 =	vbroadcast v8, $0x0;
	v9 =	vld [tilespmem:s26+$0x80]  }
0xed: {  	[tilespmem:s26+$0x60] =	vst v2;
	v10 =	vld [tilespmem:s26+$0xF0]  }
0xee: {  	v2 =	vld [tilespmem:s31+$0x60];
	[tilespmem:s26+$0x50] =	vst v4  }
0xef: {  	v3 =	vld [tilespmem:s31+$0x70];
	[tilespmem:s26+$0x40] =	vst v6  }
0xf0: {  	[tilespmem:s26+$0x0] =	vst v7;
	v4 =	vld [tilespmem:s26+$0xD0]  }
0xf1: {  	[tilespmem:s26+$0x10] =	vst v5;
	v5 =	vld [tilespmem:s26+$0xB0]  }
0xf2: {  	v6 =	vld.idx.msk [tilespmem:v8+s19+$0x0], $0xffff  }
0xf3: {  	v7 =	vld [tilespmem:s26+$0x90]  }
0xf4: {  	v8 =	vld [tilespmem:s26+$0xA0]  }
0xf5: {  	v11 =	vld [tilespmem:s26+$0xC0]  }
0xf6: {  	v12 =	vld [tilespmem:s26+$0xE0];
	_ =	sdelay $0x1  }
0xf7: {  	v9 =	vmul.f32 v9, v6;
	v7 =	vmul.f32 v7, v6  }
0xf8: {  	v13 =	vmov s11;
	v5 =	vmul.f32 v5, v6;
	v8 =	vmul.f32 v8, v6  }
0xf9: {  	v13 =	vand.u32 $0x7C, v13;
	v4 =	vmul.f32 v4, v6;
	[tilespmem:s26+$0x80] =	vst v9;
	v9 =	vmul.f32 v11, v6  }
0xfa: {  	v11 =	vor.u32 v1, v13;
	[tilespmem:s26+$0xB0] =	vst v5;
	v5 =	vmul.f32 v12, v6;
	v6 =	vmul.f32 v10, v6  }
0xfb: {  	v10 =	vbroadcast v11, $0x0;
	[tilespmem:s26+$0xA0] =	vst v8  }
0xfc: {  	[tilespmem:s26+$0xD0] =	vst v4  }
0xfd: {  	v4 =	vld [tilespmem:s31+$0xFFFFFF50];
	[tilespmem:s26+$0xF0] =	vst v6  }
0xfe: {  	v6 =	vld [tilespmem:s31+$0xFFFFFF30];
	[tilespmem:s26+$0x90] =	vst v7  }
0xff: {  	v7 =	vld [tilespmem:s31+$0xFFFFFF60];
	[tilespmem:s26+$0xC0] =	vst v9  }
0x100: {  	v8 =	vld [tilespmem:s31+$0xFFFFFF70];
	[tilespmem:s26+$0xE0] =	vst v5;
	s26 =	smov.u32 s31  }
0x101: {  	v5 =	vld.idx.msk [tilespmem:v10+s19+$0x0], $0xffff  }
0x102: {  	v9 =	vld [tilespmem:s31+$0xFFFFFF00]  }
0x103: {  	v10 =	vld [tilespmem:s31+$0xFFFFFF20]  }
0x104: {  	v11 =	vld [tilespmem:s31+$0xFFFFFF10]  }
0x105: {  	v12 =	vld [tilespmem:s31+$0xFFFFFF40];
	_ =	sdelay $0x1  }
0x106: {  	s12 =	sadd.s32 $0x1, s11;
	v8 =	vmul.f32 v8, v5;
	v9 =	vmul.f32 v9, v5  }
0x107: {  	v13 =	vmov s12;
	v7 =	vmul.f32 v7, v5;
	v10 =	vmul.f32 v10, v5  }
0x108: {  	v6 =	vmul.f32 v6, v5;
	v11 =	vmul.f32 v11, v5;
	[tilespmem:s31+$0xFFFFFF70] =	vst v8;
	v8 =	vand.u32 $0x7D, v13  }
0x109: {  	v4 =	vmul.f32 v4, v5;
	[tilespmem:s31+$0xFFFFFF00] =	vst v9;
	v9 =	vmul.f32 v12, v5;
	v5 =	vor.u32 v1, v8  }
0x10a: {  	[tilespmem:s31+$0xFFFFFF20] =	vst v10;
	v5 =	vbroadcast v5, $0x0  }
0x10b: {  	[tilespmem:s31+$0xFFFFFF30] =	vst v6  }
0x10c: {  	[tilespmem:s31+$0xFFFFFF50] =	vst v4;
	v4 =	vld [tilespmem:s31+$0xFFFFFFD0]  }
0x10d: {  	[tilespmem:s31+$0xFFFFFF10] =	vst v11;
	v6 =	vld [tilespmem:s31+$0xFFFFFFE0]  }
0x10e: {  	[tilespmem:s31+$0xFFFFFF60] =	vst v7;
	v7 =	vld [tilespmem:s31+$0xFFFFFFB0]  }
0x10f: {  	[tilespmem:s31+$0xFFFFFF40] =	vst v9;
	v8 =	vld [tilespmem:s31+$0xFFFFFFF0]  }
0x110: {  	v5 =	vld.idx.msk [tilespmem:v5+s19+$0x0], $0xffff  }
0x111: {  	v9 =	vld [tilespmem:s31+$0xFFFFFF80]  }
0x112: {  	v10 =	vld [tilespmem:s31+$0xFFFFFFA0]  }
0x113: {  	v11 =	vld [tilespmem:s31+$0xFFFFFFC0]  }
0x114: {  	v12 =	vld [tilespmem:s31+$0xFFFFFF90];
	_ =	sdelay $0x1  }
0x115: {  	s12 =	sadd.s32 $0x2, s11;
	v8 =	vmul.f32 v8, v5;
	v9 =	vmul.f32 v9, v5  }
0x116: {  	v13 =	vmov s12;
	v7 =	vmul.f32 v7, v5;
	v10 =	vmul.f32 v10, v5  }
0x117: {  	v6 =	vmul.f32 v6, v5;
	[tilespmem:s31+$0xFFFFFF80] =	vst v9;
	v9 =	vmul.f32 v11, v5;
	v11 =	vand.u32 $0x7E, v13  }
0x118: {  	v4 =	vmul.f32 v4, v5;
	v12 =	vmul.f32 v12, v5;
	[tilespmem:s31+$0xFFFFFFA0] =	vst v10;
	v5 =	vor.u32 v1, v11  }
0x119: {  	[tilespmem:s31+$0xFFFFFFF0] =	vst v8;
	v5 =	vbroadcast v5, $0x0  }
0x11a: {  	[tilespmem:s31+$0xFFFFFFC0] =	vst v9  }
0x11b: {  	[tilespmem:s31+$0xFFFFFF90] =	vst v12  }
0x11c: {  	[tilespmem:s31+$0xFFFFFFD0] =	vst v4  }
.Ltmp1:
0x11d: {  	[tilespmem:s31+$0xFFFFFFB0] =	vst v7;
	v8 =	vld [tilespmem:s31+$0x30];
	(pc) =	sbr.rel @p1 .LBB2_5-.Ltmp1, $4  }
0x11e: {  	[tilespmem:s31+$0xFFFFFFE0] =	vst v6;
	v6 =	vld [tilespmem:s31+$0x20]  }
0x11f: {  	v4 =	vld.idx.msk [tilespmem:v5+s19+$0x0], $0xffff  }
0x120: {  	v7 =	vld [tilespmem:s31+$0x0]  }
0x121: {  	v5 =	vld [tilespmem:s31+$0x10]  }
0x122: {  	_ =	sdelay $0x1  }
0x123: {  	v9 =	vld [tilespmem:s26+$0x50];
	s11 =	sadd.s32 $0x3, s11;
	v8 =	vmul.f32 v8, v4  }
0x124: {  	v10 =	vld [tilespmem:s26+$0x40];
	v11 =	vmov s11;
	v3 =	vmul.f32 v3, v4  }
0x125: {  	v55 =	vand.u32 $0x7F, v11;
	v2 =	vmul.f32 v2, v4;
	[tilespmem:s26+$0x30] =	vst v8  }
0x126: {  	v6 =	vmul.f32 v6, v4;
	v1 =	vor.u32 v1, v55;
	[tilespmem:s26+$0x70] =	vst v3  }
0x127: {  	v1 =	vbroadcast v1, $0x0;
	[tilespmem:s26+$0x60] =	vst v2;
	v2 =	vmul.f32 v7, v4  }
0x128: {  	[tilespmem:s26+$0x20] =	vst v6;
	v3 =	vmul.f32 v9, v4  }
0x129: {  	v57 =	vmul.f32 v10, v4;
	[tilespmem:s26+$0x0] =	vst v2  }
0x12a: {  	[tilespmem:s26+$0x50] =	vst v3;
	v3 =	vmul.f32 v5, v4  }
0x12b: {  	[tilespmem:s26+$0x40] =	vst v57  }
0x12c: {  	v56 =	vld [tilespmem:s26+$0x80];
	[tilespmem:s26+$0x10] =	vst v3  }
0x12d: {  	v1 =	vld.idx.msk [tilespmem:v1+s19+$0x0], $0xffff  }
0x12e: {  	v2 =	vld [tilespmem:s26+$0xB0]  }
0x12f: {  	v3 =	vld [tilespmem:s26+$0xA0]  }
0x130: {  	v58 =	vld [tilespmem:s26+$0xD0]  }
0x131: {  	v61 =	vld [tilespmem:s26+$0xC0]  }
0x132: {  	v59 =	vld [tilespmem:s26+$0xF0];
	v6 =	vmul.f32 v56, v1  }
0x133: {  	v60 =	vld [tilespmem:s26+$0x90];
	v2 =	vmul.f32 v2, v1  }
0x134: {  	v62 =	vld [tilespmem:s26+$0xE0];
	v3 =	vmul.f32 v3, v1;
	[tilespmem:s26+$0x80] =	vst v6  }
0x135: {  	v4 =	vmul.f32 v58, v1;
	[tilespmem:s26+$0xB0] =	vst v2  }
0x136: {  	v63 =	vmul.f32 v61, v1;
	[tilespmem:s26+$0xA0] =	vst v3  }
0x137: {  	v2 =	vmul.f32 v59, v1;
	[tilespmem:s26+$0xD0] =	vst v4  }
0x138: {  	v3 =	vmul.f32 v60, v1;
	[tilespmem:s26+$0xC0] =	vst v63  }
0x139: {  	p1 =	sne.s32 s29, $0x28;
	v1 =	vmul.f32 v62, v1;
	[tilespmem:s26+$0xF0] =	vst v2  }
.Ltmp2:
0x13a: {  	[tilespmem:s26+$0x90] =	vst v3;
	(pc) =	sbr.rel @p1 .LBB2_4-.Ltmp2, $4  }
0x13b: {  	s31 =	sadd.s32 $0x1400, s30;
	[tilespmem:s26+$0xE0] =	vst v1  }
0x13c: {  	[spmem:s2] =	stream.indirect.scatter.add.f32 [tilespmem:s17], [sflag:$0x4], $0x1, s31, s16, $0xb8;
	[tilespmem:$0x1F500] =	vst v63  }
0x13d: {  	p0 =	por !p0, !p0  }
0x13e: {  	[spmem:s1] =	stream.indirect.scatter.add.f32 [tilespmem:s10], [sflag:$0x3], $0x80, s31, s16, $0xb8;
	[tilespmem:$0x1F500] =	vst v63  }
0x13f: {  	_ =	swait.ge [sflag:s20], $0x4000  }
0x140: {  	[sflag:s20] =	ssyncset.done $0x0  }
0x141: {  	[sflag:s20] =	ssyncadd.s32 $0xFFFFC000  }
0x142: {  	_ =	swait.ge [sflag:s21], $0x80  }
0x143: {  	[sflag:s21] =	ssyncset.done $0x0  }
0x144: {  	[sflag:s21] =	ssyncadd.s32 $0xFFFFFF80  }
0x145: {  	_ =	swait.ge [sflag:s18], $0x80  }
0x146: {  	[sflag:s18] =	ssyncset.done $0x0  }
0x147: {  	[sflag:s18] =	ssyncadd.s32 $0xFFFFFF80  }
0x148: {  	_ =	swait.ge [sflag:s18], $0x80  }
0x149: {  	[sflag:s18] =	ssyncset.done $0x0  }
0x14a: {  	[sflag:s18] =	ssyncadd.s32 $0xFFFFFF80  }
0x14b: {  	_ =	swait.ge [sflag:s14], $0x4000  }
0x14c: {  	[sflag:s14] =	ssyncset.done $0x0  }
0x14d: {  	[sflag:s14] =	ssyncadd.s32 $0xFFFFC000  }
0x14e: {  	[bflag:$0x0] =	sbarrier.arrive $0xFFFF  }
0x14f: {  	s25 =	sshrl.u32 s9, $0x3;
	s10 =	rddreg [dreg:$0xe]  }
0x150: {  	[hbm:s10], [sflag:s22] =	dma.local [spmem:s25], $0x2800  }
0x151: {  	_ =	swait.ge [sflag:s3], $0x2800  }
0x152: {  	[sflag:s3] =	ssyncset.done $0x0;
	s30 =	rddreg [dreg:$0x9]  }
0x153: {  	s31 =	rddreg [dreg:$0x11];
	[sflag:s3] =	ssyncadd.s32 $0xFFFFD800;
	s29 =	sshrl.u32 s30, $0x3  }
0x154: {  	[hbm:s31], [sflag:s22] =	dma.local [spmem:s29], $0x50  }
0x155: {  	_ =	swait.ge [sflag:s3], $0x50  }
0x156: {  	[sflag:s3] =	ssyncset.done $0x0  }
0x157: {  	[sflag:s3] =	ssyncadd.s32 $0xFFFFFFB0  }
0x158: {  	s11 =	simm.s32 $0x200;
	s10 =	simm.s32 $0x0;
	[bflag:$0x0] =	sbarrier.arrive $0xFFFF  }
.LBB2_8:
0x159: {  	p0 =	sne.s32 s11, $0xFE00;
	[tilespmem:s10+$0x2B70] =	vst v0  }
0x15a: {  	[tilespmem:s10+$0x2B00] =	vst v0  }
0x15b: {  	[tilespmem:s10+$0x2B10] =	vst v0  }
.Ltmp3:
0x15c: {  	[tilespmem:s10+$0x2B20] =	vst v0;
	(pc) =	sbr.rel @p0 .LBB2_8-.Ltmp3, $4  }
0x15d: {  	[tilespmem:s10+$0x2B30] =	vst v0  }
0x15e: {  	[tilespmem:s10+$0x2B40] =	vst v0  }
0x15f: {  	[tilespmem:s10+$0x2B50] =	vst v0  }
0x160: {  	[tilespmem:s10+$0x2B60] =	vst v0;
	s10 =	sshra.s32 s11, $0x2;
	s11 =	sadd.s32 $0x200, s11  }
0x161: {  	[tilespmem:s10+$0x2B70] =	vst v0  }
0x162: {  	[tilespmem:s10+$0x2B00] =	vst v0  }
0x163: {  	[tilespmem:s10+$0x2B10] =	vst v0  }
0x164: {  	[tilespmem:s10+$0x2B20] =	vst v0  }
0x165: {  	[tilespmem:s10+$0x2B30] =	vst v0  }
0x166: {  	[tilespmem:s10+$0x2B40] =	vst v0  }
0x167: {  	[tilespmem:s10+$0x2B50] =	vst v0  }
0x168: {  	[tilespmem:s10+$0x2B60] =	vst v0  }
0x169: {  	[tilespmem:$0xAB00] =	vst v0  }
0x16a: {  	[tilespmem:$0xAB10] =	vst v0  }
0x16b: {  	[tilespmem:$0xAB20] =	vst v0  }
0x16c: {  	[tilespmem:$0xAB30] =	vst v0  }
0x16d: {  	[tilespmem:$0xAB40] =	vst v0  }
0x16e: {  	[tilespmem:$0xAB50] =	vst v0  }
0x16f: {  	[tilespmem:$0xAB60] =	vst v0  }
0x170: {  	[tilespmem:$0xAB70] =	vst v0  }
0x171: {  	[tilespmem:$0xAB80] =	vst v0  }
0x172: {  	[tilespmem:$0xAB90] =	vst v0  }
0x173: {  	[tilespmem:$0xABA0] =	vst v0  }
0x174: {  	[tilespmem:$0xABB0] =	vst v0  }
0x175: {  	[tilespmem:$0xABC0] =	vst v0  }
0x176: {  	[tilespmem:$0xABD0] =	vst v0  }
0x177: {  	[tilespmem:$0xABE0] =	vst v0  }
0x178: {  	[tilespmem:$0xABF0] =	vst v0  }
0x179: {  	[tilespmem:$0xAC00] =	vst v0  }
0x17a: {  	[tilespmem:$0xAC10] =	vst v0  }
0x17b: {  	[tilespmem:$0xAC20] =	vst v0  }
0x17c: {  	[tilespmem:$0xAC30] =	vst v0  }
0x17d: {  	[tilespmem:$0xAC40] =	vst v0  }
0x17e: {  	[tilespmem:$0xAC50] =	vst v0  }
0x17f: {  	[tilespmem:$0xAC60] =	vst v0  }
0x180: {  	[tilespmem:$0xAC70] =	vst v0  }
0x181: {  	[tilespmem:$0xAC80] =	vst v0  }
0x182: {  	[tilespmem:$0xAC90] =	vst v0  }
0x183: {  	[tilespmem:$0xACA0] =	vst v0  }
0x184: {  	[tilespmem:$0xACB0] =	vst v0  }
0x185: {  	[tilespmem:$0xACC0] =	vst v0  }
0x186: {  	[tilespmem:$0xACD0] =	vst v0  }
0x187: {  	[tilespmem:$0xACE0] =	vst v0  }
0x188: {  	[tilespmem:$0xACF0] =	vst v0  }
0x189: {  	[tilespmem:$0xAD00] =	vst v0  }
0x18a: {  	[tilespmem:$0xAD10] =	vst v0  }
0x18b: {  	[tilespmem:$0xAD20] =	vst v0  }
0x18c: {  	[tilespmem:$0xAD30] =	vst v0  }
0x18d: {  	[tilespmem:$0xAD40] =	vst v0  }
0x18e: {  	[tilespmem:$0xAD50] =	vst v0  }
0x18f: {  	[tilespmem:$0xAD60] =	vst v0  }
0x190: {  	[tilespmem:$0xAD70] =	vst v0  }
0x191: {  	[spmem:s9] =	stream.linear.scatter [tilespmem:s0], [sflag:$0x5], $0x4000, $0x38;
	[tilespmem:$0x1F500] =	vst v63  }
0x192: {  	_ =	swait.ge [sflag:s3], $0x4000  }
0x193: {  	[sflag:s3] =	ssyncset.done $0x0  }
0x194: {  	s30 =	rddreg [dreg:$0x7];
	[sflag:s3] =	ssyncadd.s32 $0xFFFFC000  }
0x195: {  	[spmem:s30] =	stream.linear.scatter [tilespmem:s0], [sflag:$0x5], $0x4000, $0x38;
	[tilespmem:$0x1F500] =	vst v63  }
0x196: {  	_ =	swait.ge [sflag:s3], $0x4000  }
0x197: {  	[sflag:s3] =	ssyncset.done $0x0  }
0x198: {  	s31 =	rddreg [dreg:$0x8];
	[sflag:s3] =	ssyncadd.s32 $0xFFFFC000  }
0x199: {  	[spmem:s31] =	stream.linear.scatter [tilespmem:s0], [sflag:$0x5], $0x4000, $0x38;
	[tilespmem:$0x1F500] =	vst v63  }
0x19a: {  	_ =	swait.ge [sflag:s3], $0x4000  }
0x19b: {  	[sflag:s3] =	ssyncset.done $0x0  }
0x19c: {  	s11 =	rddreg [dreg:$0x16];
	[sflag:s3] =	ssyncadd.s32 $0xFFFFC000  }
0x19d: {  	[spmem:s11] =	stream.linear.scatter [tilespmem:s0], [sflag:$0x5], $0x4000, $0x38;
	[tilespmem:$0x1F500] =	vst v63  }
0x19e: {  	_ =	swait.ge [sflag:s3], $0x4000  }
0x19f: {  	[sflag:s3] =	ssyncset.done $0x0  }
0x1a0: {  	s12 =	rddreg [dreg:$0x17];
	[sflag:s3] =	ssyncadd.s32 $0xFFFFC000  }
0x1a1: {  	[spmem:s12] =	stream.linear.scatter [tilespmem:s0], [sflag:$0x5], $0x4000, $0x38;
	[tilespmem:$0x1F500] =	vst v63  }
0x1a2: {  	_ =	swait.ge [sflag:s3], $0x4000  }
0x1a3: {  	[sflag:s3] =	ssyncset.done $0x0  }
0x1a4: {  	s11 =	simm.s32 $0xAB00;
	s15 =	rddreg [dreg:$0x9];
	[sflag:s3] =	ssyncadd.s32 $0xFFFFC000  }
0x1a5: {  	[spmem:s15] =	stream.linear.scatter [tilespmem:s11], [sflag:$0x5], $0x280, $0x38;
	[tilespmem:$0x1F500] =	vst v63  }
0x1a6: {  	_ =	swait.ge [sflag:s3], $0x280  }
0x1a7: {  	[sflag:s3] =	ssyncset.done $0x0  }
0x1a8: {  	s17 =	rddreg [dreg:$0x13];
	[sflag:s3] =	ssyncadd.s32 $0xFFFFFD80  }
0x1a9: {  	[spmem:s23], [sflag:s22] =	dma.local [hbm:s17], $0x50  }
0x1aa: {  	_ =	swait.ge [sflag:s3], $0x50  }
0x1ab: {  	[sflag:s3] =	ssyncset.done $0x0  }
0x1ac: {  	s23 =	rddreg [dreg:$0x14];
	[sflag:s3] =	ssyncadd.s32 $0xFFFFFFB0  }
0x1ad: {  	[spmem:s24], [sflag:s22] =	dma.local [hbm:s23], $0x50  }
0x1ae: {  	_ =	swait.ge [sflag:s3], $0x50  }
0x1af: {  	[sflag:s3] =	ssyncset.done $0x0  }
0x1b0: {  	s23 =	simm.s32 $0x0;
	s24 =	rddreg [dreg:$0x19];
	[sflag:s3] =	ssyncadd.s32 $0xFFFFFFB0  }
0x1b1: {  	[tilespmem:s23], [sflag:$0x5] =	stream.linear.gather [hbm4b:s24+s23], $0x1400, $0x38;
	[tilespmem:$0x1F500] =	vst v63  }
0x1b2: {  	_ =	swait.ge [sflag:s3], $0x1400  }
0x1b3: {  	[sflag:s3] =	ssyncset.done $0x0  }
0x1b4: {  	s28 =	simm.s32 $0x1400;
	s26 =	rddreg [dreg:$0x1a];
	[sflag:s3] =	ssyncadd.s32 $0xFFFFEC00  }
0x1b5: {  	[tilespmem:s28], [sflag:$0x5] =	stream.linear.gather [hbm4b:s26+s23], $0x1400, $0x38;
	[tilespmem:$0x1F500] =	vst v63  }
0x1b6: {  	_ =	swait.ge [sflag:s3], $0x1400  }
0x1b7: {  	[sflag:s3] =	ssyncset.done $0x0  }
0x1b8: {  	[sflag:s3] =	ssyncadd.s32 $0xFFFFEC00  }
0x1b9: {  	s30 =	simm.s32 $0x2800;
	[bflag:$0x0] =	sbarrier.arrive $0xFFFF  }
0x1ba: {  	[tilespmem:s30], [sflag:$0x2] =	stream.indirect.gather [spmem:s4], $0x1, s23, s16, $0xb8;
	[tilespmem:$0x1F500] =	vst v63  }
0x1bb: {  	s31 =	simm.s32 $0x2900  }
0x1bc: {  	[tilespmem:s31], [sflag:$0x2] =	stream.indirect.gather [spmem:s5], $0x1, s28, s16, $0xb8;
	[tilespmem:$0x1F500] =	vst v63  }
0x1bd: {  	p0 =	por $0x0, $0x0;
	s24 =	simm.s32 $0x0  }
0x1be: {  	[tilespmem:s0], [sflag:$0x1] =	stream.indirect.gather [hbm4b:s8+s16], $0x80, s23, s16, $0xb8;
	[tilespmem:$0x1F500] =	vst v63  }
.LBB2_10:
0x1bf: {  	_ =	swait.ge [sflag:s18], $0x80  }
0x1c0: {  	[sflag:s18] =	ssyncset.done $0x0  }
0x1c1: {  	[sflag:s18] =	ssyncadd.s32 $0xFFFFFF80  }
0x1c2: {  	_ =	swait.ge [sflag:s18], $0x80  }
0x1c3: {  	s10 =	sand.u32 $0x1, s24;
	[sflag:s18] =	ssyncset.done $0x0  }
0x1c4: {  	s17 =	sshll.u32 s10, $0x7;
	[sflag:s18] =	ssyncadd.s32 $0xFFFFFF80  }
0x1c5: {  	v1 =	vld [tilespmem:s17+$0x2800]  }
0x1c6: {  	v2 =	vld [tilespmem:s17+$0x2900]  }
0x1c7: {  	v3 =	vld [tilespmem:s17+$0x2810]  }
0x1c8: {  	v4 =	vld [tilespmem:s17+$0x2910]  }
0x1c9: {  	v5 =	vld [tilespmem:s17+$0x2820]  }
0x1ca: {  	v6 =	vld [tilespmem:s17+$0x2920]  }
0x1cb: {  	v7 =	vld [tilespmem:s17+$0x2830]  }
0x1cc: {  	v9 =	vld [tilespmem:s17+$0x2940];
	v1 =	vadd.f32 v2, v1  }
0x1cd: {  	v2 =	vld [tilespmem:s17+$0x2930];
	v3 =	vadd.f32 v4, v3  }
0x1ce: {  	v11 =	vld [tilespmem:s17+$0x2850];
	v8 =	vmul.f32 $9.999999770e-03, v1  }
0x1cf: {  	v12 =	vld [tilespmem:s17+$0x2870];
	v10 =	vmul.f32 $9.999999770e-03, v3  }
0x1d0: {  	v4 =	vld [tilespmem:s17+$0x2840];
	v1 =	vmax.f32 v1, v8  }
0x1d1: {  	v5 =	vadd.f32 v6, v5;
	v6 =	vld [tilespmem:s17+$0x2860];
	v3 =	vmax.f32 v3, v10;
	v1 =	vmin.f32 v1, $5.000000000e+01  }
0x1d2: {  	v8 =	vld [tilespmem:s17+$0x2950];
	v3 =	vmin.f32 v3, $5.000000000e+01;
	v2 =	vadd.f32 v2, v7;
	v1 =	vmul.f32 $1.442695020e+00, v1  }
0x1d3: {  	v10 =	vmul.f32 $9.999999770e-03, v5;
	v7 =	vld [tilespmem:s17+$0x2960];
	v3 =	vmul.f32 $1.442695020e+00, v3  }
0x1d4: {  	v13 =	vld [tilespmem:s17+$0x2970];
	(erf) = vpow2.f32 v1;
	v1 =	vmul.f32 $9.999999770e-03, v2  }
0x1d5: {  	(erf) = vpow2.f32 v3;
	v3 =	vmax.f32 v5, v10  }
0x1d6: {  	v3 =	vmin.f32 v3, $5.000000000e+01;
	v1 =	vmax.f32 v2, v1;
	v2 =	vadd.f32 v9, v4  }
0x1d7: {  	v4 =	vadd.f32 v8, v11;
	v3 =	vmul.f32 $1.442695020e+00, v3;
	v1 =	vmin.f32 v1, $5.000000000e+01  }
0x1d8: {  	v6 =	vadd.f32 v7, v6;
	v1 =	vmul.f32 $1.442695020e+00, v1;
	v5 =	vmul.f32 $9.999999770e-03, v2  }
0x1d9: {  	v7 =	vadd.f32 v13, v12;
	(erf) = vpow2.f32 v3;
	v3 =	vmul.f32 $9.999999770e-03, v4  }
0x1da: {  	(erf) = vpow2.f32 v1;
	v1 =	vmax.f32 v2, v5;
	v2 =	vmul.f32 $9.999999770e-03, v6  }
0x1db: {  	v1 =	vmin.f32 v1, $5.000000000e+01;
	v3 =	vmax.f32 v4, v3;
	v4 =	vmul.f32 $9.999999770e-03, v7  }
0x1dc: {  	v1 =	vmul.f32 $1.442695020e+00, v1;
	v3 =	vmin.f32 v3, $5.000000000e+01;
	v2 =	vmax.f32 v6, v2  }
0x1dd: {  	v3 =	vmul.f32 $1.442695020e+00, v3;
	v2 =	vmin.f32 v2, $5.000000000e+01;
	v4 =	vmax.f32 v7, v4  }
0x1de: {  	(erf) = vpow2.f32 v1;
	v1 =	vmul.f32 $1.442695020e+00, v2;
	v2 =	vmin.f32 v4, $5.000000000e+01  }
0x1df: {  	(erf) = vpow2.f32 v3;
	v2 =	vmul.f32 $1.442695020e+00, v2  }
0x1e0: {  	(erf) = vpow2.f32 v1  }
0x1e1: {  	s30 =	sshll.u32 s24, $0x7;
	(erf) = vpow2.f32 v2  }
0x1e2: {  	s11 =	sadd.s32 s13, s30  }
0x1e3: {  	p1 =	slt.u32 s11, $0x27100;
	s12 =	sor.u32 $0x10, s11;
	v1 =	vpop (erf)  }
0x1e4: {  	s15 =	sor.u32 $0x20, s11;
	p5 =	slt.u32 s12, $0x27100;
	v2 =	vpop (erf);
	v1 =	vpsel !p1, $0x0, v1  }
0x1e5: {  	s26 =	sor.u32 $0x30, s11;
	p6 =	slt.u32 s15, $0x27100;
	v3 =	vpop (erf);
	[tilespmem:s17+$0x2A00] =	vst v1;
	v1 =	vpsel !p5, $0x0, v2  }
0x1e6: {  	s28 =	sor.u32 $0x40, s11;
	p2 =	slt.u32 s26, $0x27100;
	v2 =	vpop (erf);
	[tilespmem:s17+$0x2A10] =	vst v1;
	v1 =	vpsel !p6, $0x0, v3  }
0x1e7: {  	p3 =	slt.u32 s28, $0x27100;
	s15 =	sor.u32 $0x50, s11;
	[tilespmem:s17+$0x2A20] =	vst v1;
	v1 =	vpsel !p2, $0x0, v2;
	v3 =	vpop (erf)  }
0x1e8: {  	s26 =	sor.u32 $0x60, s11;
	p4 =	slt.u32 s15, $0x27100;
	[tilespmem:s17+$0x2A30] =	vst v1;
	v2 =	vpop (erf);
	v1 =	vpsel !p3, $0x0, v3  }
0x1e9: {  	s11 =	sor.u32 $0x70, s11;
	p5 =	slt.u32 s26, $0x27100;
	v3 =	vpop (erf);
	[tilespmem:s17+$0x2A40] =	vst v1;
	v1 =	vpsel !p4, $0x0, v2  }
0x1ea: {  	p6 =	slt.u32 s11, $0x27100;
	[tilespmem:s17+$0x2A50] =	vst v1;
	v1 =	vpsel !p5, $0x0, v3;
	v2 =	vpop (erf)  }
0x1eb: {  	p1 =	seq.s32 s24, $0x0;
	[tilespmem:s17+$0x2A60] =	vst v1;
	v1 =	vpsel !p6, $0x0, v2  }
0x1ec: {  	s11 =	simm.s32 @!p1 $0x3;
	[tilespmem:s17+$0x2A70] =	vst v1  }
0x1ed: {  	_ =	swait.ge @!p1 [sflag:s11], $0x4000  }
0x1ee: {  	[sflag:s11] =	ssyncset.done @!p1 $0x0  }
0x1ef: {  	[sflag:s11] =	ssyncadd.s32 @!p1 $0xFFFFC000;
	s11 =	simm.s32 @!p1 $0x4  }
0x1f0: {  	s12 =	sxor.u32 $0x1, s10;
	s24 =	sadd.s32 $0x1, s24;
	_ =	swait.ge @!p1 [sflag:s11], $0x80  }
0x1f1: {  	s15 =	smin.u32 s24, $0x27;
	s26 =	sshll.u32 s12, $0x7;
	[sflag:s11] =	ssyncset.done @!p1 $0x0  }
0x1f2: {  	s28 =	sor.u32 $0x2800, s26;
	s15 =	sshll.u32 s15, $0x7;
	[sflag:s11] =	ssyncadd.s32 @!p1 $0xFFFFFF80  }
0x1f3: {  	[tilespmem:s28], [sflag:$0x2] =	stream.indirect.gather [spmem:s4], $0x1, s15, s16, $0xb8;
	[tilespmem:$0x1F500] =	vst v63  }
0x1f4: {  	s26 =	sor.u32 $0x2900, s26;
	v2 =	vmov s23;
	s28 =	sadd.s32 $0x1400, s15  }
0x1f5: {  	v1 =	vmov s17;
	v2 =	vand.u32 $0x7C, v2;
	[tilespmem:s26], [sflag:$0x2] =	stream.indirect.gather [spmem:s5], $0x1, s28, s16, $0xb8;
	[tilespmem:$0x1F500] =	vst v63  }
0x1f6: {  	v2 =	vor.u32 v1, v2;
	s28 =	sshll.u32 s12, $0xE  }
0x1f7: {  	v2 =	vbroadcast v2, $0x0;
	s12 =	simm.s32 $0x1;
	s11 =	sor.u32 $0x2B00, s28  }
0x1f8: {  	[tilespmem:s11], [sflag:$0x1] =	stream.indirect.gather [hbm4b:s8+s16], $0x80, s15, s16, $0xb8;
	[tilespmem:$0x1F500] =	vst v63  }
0x1f9: {  	s12 =	simm.s32 @!p0 $0x0;
	_ =	swait.ge [sflag:s14], $0x4000  }
0x1fa: {  	s15 =	sshll.u32 s12, $0xE;
	[sflag:s14] =	ssyncset.done $0x0  }
0x1fb: {  	s31 =	sor.u32 $0x2C00, s15;
	[sflag:s14] =	ssyncadd.s32 $0xFFFFC000  }
0x1fc: {  	v4 =	vld [tilespmem:s31+$0xFFFFFF70]  }
0x1fd: {  	v2 =	vld.idx.msk [tilespmem:v2+s19+$0x0], $0xffff  }
0x1fe: {  	v5 =	vld [tilespmem:s31+$0xFFFFFF00]  }
0x1ff: {  	v6 =	vld [tilespmem:s31+$0xFFFFFF20]  }
0x200: {  	v7 =	vld [tilespmem:s31+$0xFFFFFF30]  }
0x201: {  	v3 =	vld [tilespmem:s31+$0xFFFFFF50]  }
0x202: {  	s26 =	simm.s32 $0x1;
	v9 =	vld [tilespmem:s31+$0xFFFFFF10];
	v4 =	vmul.f32 v4, v2  }
0x203: {  	v11 =	vmov s26;
	v8 =	vld [tilespmem:s31+$0xFFFFFF60];
	v5 =	vmul.f32 v5, v2  }
0x204: {  	v10 =	vld [tilespmem:s31+$0xFFFFFF40];
	v6 =	vmul.f32 v6, v2;
	[tilespmem:s31+$0xFFFFFF70] =	vst v4;
	v4 =	vand.u32 $0x7D, v11  }
0x205: {  	v7 =	vmul.f32 v7, v2;
	[tilespmem:s31+$0xFFFFFF00] =	vst v5;
	v4 =	vor.u32 v1, v4  }
0x206: {  	v3 =	vmul.f32 v3, v2;
	[tilespmem:s31+$0xFFFFFF20] =	vst v6;
	v4 =	vbroadcast v4, $0x0  }
0x207: {  	v5 =	vmul.f32 v9, v2;
	[tilespmem:s31+$0xFFFFFF30] =	vst v7  }
0x208: {  	v6 =	vmul.f32 v8, v2;
	[tilespmem:s31+$0xFFFFFF50] =	vst v3  }
0x209: {  	v2 =	vmul.f32 v10, v2;
	[tilespmem:s31+$0xFFFFFF10] =	vst v5  }
0x20a: {  	[tilespmem:s31+$0xFFFFFF60] =	vst v6  }
0x20b: {  	[tilespmem:s31+$0xFFFFFF40] =	vst v2;
	v2 =	vld [tilespmem:s31+$0xFFFFFF80]  }
0x20c: {  	v4 =	vld.idx.msk [tilespmem:v4+s19+$0x0], $0xffff  }
0x20d: {  	v3 =	vld [tilespmem:s31+$0xFFFFFFA0]  }
0x20e: {  	v5 =	vld [tilespmem:s31+$0xFFFFFFF0]  }
0x20f: {  	v6 =	vld [tilespmem:s31+$0xFFFFFFC0]  }
0x210: {  	v7 =	vld [tilespmem:s31+$0xFFFFFF90]  }
0x211: {  	s28 =	simm.s32 $0x2;
	v8 =	vld [tilespmem:s31+$0xFFFFFFD0];
	v2 =	vmul.f32 v2, v4  }
0x212: {  	v9 =	vld [tilespmem:s31+$0xFFFFFFB0];
	v10 =	vmov s28;
	v3 =	vmul.f32 v3, v4  }
0x213: {  	v11 =	vld [tilespmem:s31+$0xFFFFFFE0];
	v5 =	vmul.f32 v5, v4;
	[tilespmem:s31+$0xFFFFFF80] =	vst v2;
	v2 =	vand.u32 $0x7E, v10  }
0x214: {  	v6 =	vmul.f32 v6, v4;
	[tilespmem:s31+$0xFFFFFFA0] =	vst v3;
	v2 =	vor.u32 v1, v2  }
0x215: {  	v3 =	vmul.f32 v7, v4;
	[tilespmem:s31+$0xFFFFFFF0] =	vst v5;
	v5 =	vbroadcast v2, $0x0  }
0x216: {  	v7 =	vmul.f32 v8, v4;
	[tilespmem:s31+$0xFFFFFFC0] =	vst v6;
	v8 =	vld [tilespmem:s31+$0x30]  }
0x217: {  	v6 =	vmul.f32 v9, v4;
	v2 =	vld [tilespmem:s31+$0x60];
	[tilespmem:s31+$0xFFFFFF90] =	vst v3  }
0x218: {  	v4 =	vmul.f32 v11, v4;
	v3 =	vld [tilespmem:s31+$0x70];
	[tilespmem:s31+$0xFFFFFFD0] =	vst v7  }
0x219: {  	[tilespmem:s31+$0xFFFFFFB0] =	vst v6;
	v6 =	vld [tilespmem:s31+$0x20]  }
0x21a: {  	s10 =	sshll.u32 s10, $0xE;
	[tilespmem:s31+$0xFFFFFFE0] =	vst v4;
	v7 =	vld [tilespmem:s31+$0x0]  }
0x21b: {  	s10 =	sor.u32 $0x2B00, s10;
	s17 =	sor.u32 $0x2A00, s17;
	v4 =	vld.idx.msk [tilespmem:v5+s19+$0x0], $0xffff  }
0x21c: {  	s11 =	simm.s32 $0x0;
	s15 =	simm.s32 $0x4;
	s26 =	smov.u32 s31;
	v5 =	vld [tilespmem:s31+$0x10]  }
.LBB2_11:
0x21d: {  	p1 =	sne.s32 s15, $0x7C  }
0x21e: {  	v9 =	vld [tilespmem:s31+$0x50];
	s26 =	sadd.s32 $0x200, s26;
	s12 =	smov.u32 s15;
	s15 =	sadd.s32 $0x4, s15  }
0x21f: {  	v10 =	vld [tilespmem:s31+$0x40];
	_ =	sdelay $0x1  }
0x220: {  	s28 =	sadd.s32 $0x3, s11;
	s11 =	smov.u32 s12;
	v8 =	vmul.f32 v8, v4;
	v7 =	vmul.f32 v7, v4  }
0x221: {  	v11 =	vmov s28;
	v6 =	vmul.f32 v6, v4;
	v5 =	vmul.f32 v5, v4  }
0x222: {  	v2 =	vmul.f32 v2, v4;
	v3 =	vmul.f32 v3, v4;
	[tilespmem:s31+$0x30] =	vst v8;
	v8 =	vand.u32 $0x7F, v11  }
0x223: {  	[tilespmem:s31+$0x20] =	vst v6;
	v6 =	vmul.f32 v10, v4;
	v4 =	vmul.f32 v9, v4;
	v8 =	vor.u32 v1, v8  }
0x224: {  	[tilespmem:s31+$0x70] =	vst v3;
	v8 =	vbroadcast v8, $0x0;
	v9 =	vld [tilespmem:s31+$0x80]  }
0x225: {  	[tilespmem:s31+$0x60] =	vst v2;
	v10 =	vld [tilespmem:s31+$0xF0]  }
0x226: {  	v2 =	vld [tilespmem:s26+$0x60];
	[tilespmem:s31+$0x50] =	vst v4  }
0x227: {  	v3 =	vld [tilespmem:s26+$0x70];
	[tilespmem:s31+$0x40] =	vst v6  }
0x228: {  	[tilespmem:s31+$0x0] =	vst v7;
	v4 =	vld [tilespmem:s31+$0xD0]  }
0x229: {  	[tilespmem:s31+$0x10] =	vst v5;
	v5 =	vld [tilespmem:s31+$0xB0]  }
0x22a: {  	v6 =	vld.idx.msk [tilespmem:v8+s19+$0x0], $0xffff  }
0x22b: {  	v7 =	vld [tilespmem:s31+$0x90]  }
0x22c: {  	v8 =	vld [tilespmem:s31+$0xA0]  }
0x22d: {  	v11 =	vld [tilespmem:s31+$0xC0]  }
0x22e: {  	v12 =	vld [tilespmem:s31+$0xE0];
	_ =	sdelay $0x1  }
0x22f: {  	v9 =	vmul.f32 v9, v6;
	v7 =	vmul.f32 v7, v6  }
0x230: {  	v13 =	vmov s11;
	v5 =	vmul.f32 v5, v6;
	v8 =	vmul.f32 v8, v6  }
0x231: {  	v13 =	vand.u32 $0x7C, v13;
	v4 =	vmul.f32 v4, v6;
	[tilespmem:s31+$0x80] =	vst v9;
	v9 =	vmul.f32 v11, v6  }
0x232: {  	v11 =	vor.u32 v1, v13;
	[tilespmem:s31+$0xB0] =	vst v5;
	v5 =	vmul.f32 v12, v6;
	v6 =	vmul.f32 v10, v6  }
0x233: {  	v10 =	vbroadcast v11, $0x0;
	[tilespmem:s31+$0xA0] =	vst v8  }
0x234: {  	[tilespmem:s31+$0xD0] =	vst v4  }
0x235: {  	v4 =	vld [tilespmem:s26+$0xFFFFFF50];
	[tilespmem:s31+$0xF0] =	vst v6  }
0x236: {  	v6 =	vld [tilespmem:s26+$0xFFFFFF30];
	[tilespmem:s31+$0x90] =	vst v7  }
0x237: {  	v7 =	vld [tilespmem:s26+$0xFFFFFF60];
	[tilespmem:s31+$0xC0] =	vst v9  }
0x238: {  	v8 =	vld [tilespmem:s26+$0xFFFFFF70];
	[tilespmem:s31+$0xE0] =	vst v5;
	s31 =	smov.u32 s26  }
0x239: {  	v5 =	vld.idx.msk [tilespmem:v10+s19+$0x0], $0xffff  }
0x23a: {  	v9 =	vld [tilespmem:s26+$0xFFFFFF00]  }
0x23b: {  	v10 =	vld [tilespmem:s26+$0xFFFFFF20]  }
0x23c: {  	v11 =	vld [tilespmem:s26+$0xFFFFFF10]  }
0x23d: {  	v12 =	vld [tilespmem:s26+$0xFFFFFF40];
	_ =	sdelay $0x1  }
0x23e: {  	s12 =	sadd.s32 $0x1, s11;
	v8 =	vmul.f32 v8, v5;
	v9 =	vmul.f32 v9, v5  }
0x23f: {  	v13 =	vmov s12;
	v7 =	vmul.f32 v7, v5;
	v10 =	vmul.f32 v10, v5  }
0x240: {  	v6 =	vmul.f32 v6, v5;
	v11 =	vmul.f32 v11, v5;
	[tilespmem:s26+$0xFFFFFF70] =	vst v8;
	v8 =	vand.u32 $0x7D, v13  }
0x241: {  	v4 =	vmul.f32 v4, v5;
	[tilespmem:s26+$0xFFFFFF00] =	vst v9;
	v9 =	vmul.f32 v12, v5;
	v5 =	vor.u32 v1, v8  }
0x242: {  	[tilespmem:s26+$0xFFFFFF20] =	vst v10;
	v5 =	vbroadcast v5, $0x0  }
0x243: {  	[tilespmem:s26+$0xFFFFFF30] =	vst v6  }
0x244: {  	[tilespmem:s26+$0xFFFFFF50] =	vst v4;
	v4 =	vld [tilespmem:s26+$0xFFFFFFD0]  }
0x245: {  	[tilespmem:s26+$0xFFFFFF10] =	vst v11;
	v6 =	vld [tilespmem:s26+$0xFFFFFFE0]  }
0x246: {  	[tilespmem:s26+$0xFFFFFF60] =	vst v7;
	v7 =	vld [tilespmem:s26+$0xFFFFFFB0]  }
0x247: {  	[tilespmem:s26+$0xFFFFFF40] =	vst v9;
	v8 =	vld [tilespmem:s26+$0xFFFFFFF0]  }
0x248: {  	v5 =	vld.idx.msk [tilespmem:v5+s19+$0x0], $0xffff  }
0x249: {  	v9 =	vld [tilespmem:s26+$0xFFFFFF80]  }
0x24a: {  	v10 =	vld [tilespmem:s26+$0xFFFFFFA0]  }
0x24b: {  	v11 =	vld [tilespmem:s26+$0xFFFFFFC0]  }
0x24c: {  	v12 =	vld [tilespmem:s26+$0xFFFFFF90];
	_ =	sdelay $0x1  }
0x24d: {  	s12 =	sadd.s32 $0x2, s11;
	v8 =	vmul.f32 v8, v5;
	v9 =	vmul.f32 v9, v5  }
0x24e: {  	v13 =	vmov s12;
	v7 =	vmul.f32 v7, v5;
	v10 =	vmul.f32 v10, v5  }
0x24f: {  	v6 =	vmul.f32 v6, v5;
	[tilespmem:s26+$0xFFFFFF80] =	vst v9;
	v9 =	vmul.f32 v11, v5;
	v11 =	vand.u32 $0x7E, v13  }
0x250: {  	v4 =	vmul.f32 v4, v5;
	v12 =	vmul.f32 v12, v5;
	[tilespmem:s26+$0xFFFFFFA0] =	vst v10;
	v5 =	vor.u32 v1, v11  }
0x251: {  	[tilespmem:s26+$0xFFFFFFF0] =	vst v8;
	v5 =	vbroadcast v5, $0x0  }
0x252: {  	[tilespmem:s26+$0xFFFFFFC0] =	vst v9  }
0x253: {  	[tilespmem:s26+$0xFFFFFF90] =	vst v12  }
0x254: {  	[tilespmem:s26+$0xFFFFFFD0] =	vst v4  }
.Ltmp4:
0x255: {  	[tilespmem:s26+$0xFFFFFFB0] =	vst v7;
	v8 =	vld [tilespmem:s26+$0x30];
	(pc) =	sbr.rel @p1 .LBB2_11-.Ltmp4, $4  }
0x256: {  	[tilespmem:s26+$0xFFFFFFE0] =	vst v6;
	v6 =	vld [tilespmem:s26+$0x20]  }
0x257: {  	v4 =	vld.idx.msk [tilespmem:v5+s19+$0x0], $0xffff  }
0x258: {  	v7 =	vld [tilespmem:s26+$0x0]  }
0x259: {  	v5 =	vld [tilespmem:s26+$0x10]  }
0x25a: {  	_ =	sdelay $0x1  }
0x25b: {  	v9 =	vld [tilespmem:s31+$0x50];
	s11 =	sadd.s32 $0x3, s11;
	v8 =	vmul.f32 v8, v4  }
0x25c: {  	v10 =	vld [tilespmem:s31+$0x40];
	v11 =	vmov s11;
	v3 =	vmul.f32 v3, v4  }
0x25d: {  	v55 =	vand.u32 $0x7F, v11;
	v2 =	vmul.f32 v2, v4;
	[tilespmem:s31+$0x30] =	vst v8  }
0x25e: {  	v6 =	vmul.f32 v6, v4;
	v1 =	vor.u32 v1, v55;
	[tilespmem:s31+$0x70] =	vst v3  }
0x25f: {  	v1 =	vbroadcast v1, $0x0;
	[tilespmem:s31+$0x60] =	vst v2;
	v2 =	vmul.f32 v7, v4  }
0x260: {  	[tilespmem:s31+$0x20] =	vst v6;
	v3 =	vmul.f32 v9, v4  }
0x261: {  	v57 =	vmul.f32 v10, v4;
	[tilespmem:s31+$0x0] =	vst v2  }
0x262: {  	[tilespmem:s31+$0x50] =	vst v3;
	v3 =	vmul.f32 v5, v4  }
0x263: {  	[tilespmem:s31+$0x40] =	vst v57  }
0x264: {  	v56 =	vld [tilespmem:s31+$0x80];
	[tilespmem:s31+$0x10] =	vst v3  }
0x265: {  	v1 =	vld.idx.msk [tilespmem:v1+s19+$0x0], $0xffff  }
0x266: {  	v2 =	vld [tilespmem:s31+$0xB0]  }
0x267: {  	v3 =	vld [tilespmem:s31+$0xA0]  }
0x268: {  	v58 =	vld [tilespmem:s31+$0xD0]  }
0x269: {  	v61 =	vld [tilespmem:s31+$0xC0]  }
0x26a: {  	v59 =	vld [tilespmem:s31+$0xF0];
	v6 =	vmul.f32 v56, v1  }
0x26b: {  	v60 =	vld [tilespmem:s31+$0x90];
	v2 =	vmul.f32 v2, v1  }
0x26c: {  	v62 =	vld [tilespmem:s31+$0xE0];
	v3 =	vmul.f32 v3, v1;
	[tilespmem:s31+$0x80] =	vst v6  }
0x26d: {  	v4 =	vmul.f32 v58, v1;
	[tilespmem:s31+$0xB0] =	vst v2  }
0x26e: {  	v63 =	vmul.f32 v61, v1;
	[tilespmem:s31+$0xA0] =	vst v3  }
0x26f: {  	v2 =	vmul.f32 v59, v1;
	[tilespmem:s31+$0xD0] =	vst v4  }
0x270: {  	v3 =	vmul.f32 v60, v1;
	[tilespmem:s31+$0xC0] =	vst v63  }
0x271: {  	p1 =	sne.s32 s24, $0x28;
	v1 =	vmul.f32 v62, v1;
	[tilespmem:s31+$0xF0] =	vst v2  }
.Ltmp5:
0x272: {  	[tilespmem:s31+$0x90] =	vst v3;
	(pc) =	sbr.rel @p1 .LBB2_10-.Ltmp5, $4  }
0x273: {  	[tilespmem:s31+$0xE0] =	vst v1;
	s31 =	sadd.s32 $0x1400, s30  }
0x274: {  	[spmem:s2] =	stream.indirect.scatter.add.f32 [tilespmem:s17], [sflag:$0x4], $0x1, s31, s16, $0xb8;
	[tilespmem:$0x1F500] =	vst v63  }
0x275: {  	p0 =	por !p0, !p0  }
0x276: {  	[spmem:s1] =	stream.indirect.scatter.add.f32 [tilespmem:s10], [sflag:$0x3], $0x80, s31, s16, $0xb8;
	[tilespmem:$0x1F500] =	vst v63  }
0x277: {  	_ =	swait.ge [sflag:s20], $0x4000  }
0x278: {  	[sflag:s20] =	ssyncset.done $0x0  }
0x279: {  	[sflag:s20] =	ssyncadd.s32 $0xFFFFC000  }
0x27a: {  	_ =	swait.ge [sflag:s21], $0x80  }
0x27b: {  	[sflag:s21] =	ssyncset.done $0x0  }
0x27c: {  	[sflag:s21] =	ssyncadd.s32 $0xFFFFFF80  }
0x27d: {  	_ =	swait.ge [sflag:s18], $0x80  }
0x27e: {  	[sflag:s18] =	ssyncset.done $0x0  }
0x27f: {  	[sflag:s18] =	ssyncadd.s32 $0xFFFFFF80  }
0x280: {  	_ =	swait.ge [sflag:s18], $0x80  }
0x281: {  	[sflag:s18] =	ssyncset.done $0x0  }
0x282: {  	[sflag:s18] =	ssyncadd.s32 $0xFFFFFF80  }
0x283: {  	_ =	swait.ge [sflag:s14], $0x4000  }
0x284: {  	[sflag:s14] =	ssyncset.done $0x0  }
0x285: {  	[sflag:s14] =	ssyncadd.s32 $0xFFFFC000  }
0x286: {  	[bflag:$0x0] =	sbarrier.arrive $0xFFFF  }
0x287: {  	s10 =	rddreg [dreg:$0xf]  }
0x288: {  	[hbm:s10], [sflag:s22] =	dma.local [spmem:s25], $0x2800  }
0x289: {  	_ =	swait.ge [sflag:s3], $0x2800  }
0x28a: {  	[sflag:s3] =	ssyncset.done $0x0  }
0x28b: {  	s30 =	rddreg [dreg:$0x12];
	[sflag:s3] =	ssyncadd.s32 $0xFFFFD800  }
0x28c: {  	[hbm:s30], [sflag:s22] =	dma.local [spmem:s29], $0x50  }
0x28d: {  	_ =	swait.ge [sflag:s3], $0x50  }
0x28e: {  	s6 =	sadd.s32 $0x1, s6;
	s31 =	rddreg [dreg:$0x15]  }
0x28f: {  	p0 =	sne.s32 s6, s31  }
.Ltmp6:
0x290: {  	_ = 	snop;
	(pc) =	sbr.rel @p0 .LBB2_1-.Ltmp6, $3  }
0x291: {  	[sflag:s3] =	ssyncset.done $0x0  }
0x292: {  	[sflag:s3] =	ssyncadd.s32 $0xFFFFFFB0  }
0x293: {  	[bflag:$0x0] =	sbarrier.arrive $0xFFFF;
	_ =	sdelay $0x1  }
0x294: {  	_ =	sfence.sel $0x180000  }
0x295: {  	[bflag:$0x0] =	sbarrier.arrive $0xFFFF  }
0x296: {  	_ =	strace $0x90000047  }
0x297: {  	s0 =	stileid.u32;
	[bflag:$0x2] =	sbarrier.arrive $0xFFFF  }
0x298: {  	p0 =	sne.s32 s0, $0x0;
	s0 =	rddreg [dreg:$0x6]  }
0x299: {  	s0 =	sadd.s32 @!p0 $0x100000, s0  }
0x29a: {  	[sflag:s0] =	ssyncadd.tile.s32 @!p0 $0x1;
	_ =	shalt  }
.Lfunc_end2:
_tile_overlayer_lowered:
.L_overlay_start_2:
0x29b: {  	(tag) =	ssettag $0x2  }
0x29c: {  	s0 =	rddreg [dreg:$0x0];
	s2 =	stileid.u32  }
0x29d: {  	s1 =	rddreg [dreg:$0x1];
	p0 =	sne.s32 s2, $0x0  }
0x29e: {  	s3 =	rddreg [dreg:$0x2];
	[bflag:$0x3] =	sbarrier.arrive $0xFFFF;
	s2 =	simm.s32 @!p0 $0x1C05  }
0x29f: {  	[timem:s3], [sflag:s2] =	dma.local @!p0 [hbm:s0], s1  }
0x2a0: {  	s0 =	simm.s32 @!p0 $0x5  }
0x2a1: {  	_ =	swait.ge @!p0 [sflag:s0], s1  }
0x2a2: {  	s1 =	ssub.s32 @!p0 $0x0, s1;
	[sflag:s0] =	ssyncset.done @!p0 $0x0  }
0x2a3: {  	[sflag:s0] =	ssyncadd.s32 @!p0 s1  }
0x2a4: {  	[bflag:$0x3] =	sbarrier.arrive $0xFFFF  }
0x2a5: {  	_ =	shalt  }

</sc_bundles>
